<compile_context>
chip_gen: v7x
topology: tpu7x:2x2x1
jax: 0.10.2.dev20260603
libtpu: 0.0.44.dev20260713+nightly
codegen_flags: <defaults>
</compile_context>

<pallas_src>
import jax
import jax.numpy as jnp
import numpy as np
from jax import lax
from jax.experimental import pallas as pl
from jax.experimental.pallas import tpu as pltpu
from jax.experimental.pallas import tpu_sc as plsc

_B = 16
_Q = 300
_H = 8
_D = 32
_PTS = 12
_N = _B * _Q
_SEQ = 8400
_HID = 256
_T = 4 * _H * _PTS
_ROWS_BLK = 600
_GRID = _N // _ROWS_BLK

_SPATIAL = ((80, 80), (40, 40), (20, 20))
_NUM_PTS = (4, 4, 4)

_lvl_of_p = np.repeat(np.arange(3), _NUM_PTS)
_W12 = np.array([_SPATIAL[l][1] for l in _lvl_of_p], np.int32)
_H12 = np.array([_SPATIAL[l][0] for l in _lvl_of_p], np.int32)
_BASE12 = np.array(
    [int(np.cumsum([0] + [h * w for h, w in _SPATIAL])[l]) for l in _lvl_of_p],
    np.int32)
_WLI = np.tile(_W12, _H)[None]
_WLF = _WLI.astype(np.float32)
_HLI = np.tile(_H12, _H)[None]
_HLF = _HLI.astype(np.float32)
_BASEI = np.tile(_BASE12, _H)[None]
_HLANE = (np.arange(_H * _PTS)[None] // _PTS).astype(np.int32)


def _prep_body(x_ref, rp_ref, wx_ref, wy_ref, wa_ref, bx_ref, by_ref, ba_ref,
               nps_ref, wlf_ref, hlf_ref, wli_ref, base_ref, hlane_ref,
               aw_ref, w_ref, idx_ref):
    x = x_ref[...]
    sx = jnp.dot(x, wx_ref[...], preferred_element_type=jnp.float32) + bx_ref[...]
    sy = jnp.dot(x, wy_ref[...], preferred_element_type=jnp.float32) + by_ref[...]
    sa = jnp.dot(x, wa_ref[...], preferred_element_type=jnp.float32) + ba_ref[...]

    parts = []
    for h in range(_H):
        sl = sa[:, h * _PTS:(h + 1) * _PTS]
        m = jnp.max(sl, axis=1, keepdims=True)
        e = jnp.exp(sl - m)
        parts.append(e / jnp.sum(e, axis=1, keepdims=True))
    aw = jnp.concatenate(parts, axis=1)
    aw_ref[...] = aw

    rp = rp_ref[...]
    cx = rp[:, 0:1]
    cy = rp[:, 1:2]
    rw = rp[:, 2:3]
    rh = rp[:, 3:4]
    scale = nps_ref[...] * 0.5
    wlf = wlf_ref[...]
    hlf = hlf_ref[...]
    locx = cx + sx * (rw * scale)
    locy = cy + sy * (rh * scale)
    X = locx * wlf - 0.5
    Y = locy * hlf - 0.5
    x0 = jnp.floor(X)
    fx = X - x0
    y0 = jnp.floor(Y)
    fy = Y - y0

    pid = pl.program_id(0)
    n = pid * _ROWS_BLK + lax.broadcasted_iota(jnp.int32, (_ROWS_BLK, 1), 0)
    boff = (n // _Q) * _SEQ

    wli = wli_ref[...]
    basei = base_ref[...]
    hlane = hlane_ref[...]
    for c, (dx, dy) in enumerate(((0, 0), (1, 0), (0, 1), (1, 1))):
        xf = x0 + dx
        yf = y0 + dy
        valid = ((xf >= 0.0) & (xf <= wlf - 1.0) &
                 (yf >= 0.0) & (yf <= hlf - 1.0))
        ii = jnp.clip(xf, 0.0, wlf - 1.0).astype(jnp.int32)
        jj = jnp.clip(yf, 0.0, hlf - 1.0).astype(jnp.int32)
        g = (boff + jj * wli + ii + basei) * _H + hlane
        wxc = fx if dx else 1.0 - fx
        wyc = fy if dy else 1.0 - fy
        wgt = aw * wxc * wyc * jnp.where(valid, 1.0, 0.0)
        npts = _H * _PTS
        w_ref[:, c * npts:(c + 1) * npts] = wgt
        idx_ref[:, c * npts:(c + 1) * npts] = g


def _prep_call(x, rp, wx, wy, wa, bx, by, ba, nps96):
    npts = _H * _PTS
    row_spec = lambda shape: pl.BlockSpec(shape, lambda i: (i, 0))
    full_spec = lambda shape: pl.BlockSpec(shape, lambda i: (0, 0))
    return pl.pallas_call(
        _prep_body,
        grid=(_GRID,),
        in_specs=[
            row_spec((_ROWS_BLK, _HID)),
            row_spec((_ROWS_BLK, 4)),
            full_spec((_HID, npts)),
            full_spec((_HID, npts)),
            full_spec((_HID, npts)),
            full_spec((1, npts)),
            full_spec((1, npts)),
            full_spec((1, npts)),
            full_spec((1, npts)),
            full_spec((1, npts)),
            full_spec((1, npts)),
            full_spec((1, npts)),
            full_spec((1, npts)),
            full_spec((1, npts)),
        ],
        out_specs=[
            row_spec((_ROWS_BLK, npts)),
            row_spec((_ROWS_BLK, _T)),
            row_spec((_ROWS_BLK, _T)),
        ],
        out_shape=[
            jax.ShapeDtypeStruct((_N, npts), jnp.float32),
            jax.ShapeDtypeStruct((_N, _T), jnp.float32),
            jax.ShapeDtypeStruct((_N, _T), jnp.int32),
        ],
    )(x, rp, wx, wy, wa, bx, by, ba, nps96,
      jnp.asarray(_WLF), jnp.asarray(_HLF), jnp.asarray(_WLI),
      jnp.asarray(_BASEI), jnp.asarray(_HLANE))



_NW = 32
_NPW = _N // _NW
_GRP = 3
_NGRP = _NPW // _GRP
_GT = _GRP * _T
_CHK = _GT // 128


def _sc_body(tbl_hbm, idx_hbm, w_hbm, out_hbm,
             idx_a, idx_b, w_a, w_b, rows_a, rows_b, out_a, out_b,
             isem_a, isem_b, gsem_a, gsem_b, osem_a, osem_b):
    wid = lax.axis_index("s") * 2 + lax.axis_index("c")
    row0 = wid * _NPW

    bufs = ((idx_a, w_a, rows_a, out_a, isem_a, gsem_a, osem_a),
            (idx_b, w_b, rows_b, out_b, isem_b, gsem_b, osem_b))

    def fire_idxw(g, p):
        idx_v, w_v, _, _, isem, _, _ = bufs[p]
        off = (row0 + g * _GRP) * _T
        pltpu.async_copy(idx_hbm.at[pl.ds(off, _GT)], idx_v, isem)
        pltpu.async_copy(w_hbm.at[pl.ds(off, _GT)],
                         w_v.at[pl.ds(0, _GT)], isem)

    def drain_idxw(p):
        idx_v, w_v, _, _, isem, _, _ = bufs[p]
        pltpu.make_async_copy(idx_hbm.at[pl.ds(0, _GT)], idx_v, isem).wait()
        pltpu.make_async_copy(w_hbm.at[pl.ds(0, _GT)],
                              w_v.at[pl.ds(0, _GT)], isem).wait()

    def fire_gathers(p):
        idx_v, _, rows_v, _, _, gsem, _ = bufs[p]
        pltpu.async_copy(tbl_hbm.at[idx_v], rows_v, gsem)

    def drain_gathers(p):
        idx_v, _, rows_v, _, _, gsem, _ = bufs[p]
        pltpu.make_async_copy(tbl_hbm.at[idx_v], rows_v, gsem).wait()

    def compute_and_store(g, p):
        _, w_v, rows_v, out_v, _, _, osem = bufs[p]

        def row(r, carry):
            gi = r // _H
            h = r - gi * _H
            acc0 = jnp.zeros((16,), jnp.float32)
            acc1 = jnp.zeros((16,), jnp.float32)
            for c in range(4):
                jb = gi * _T + c * (_H * _PTS) + h * _PTS
                wv = w_v[pl.ds(jb, 16)]
                for pp in range(_PTS):
                    w = wv[pp]
                    acc0 = acc0 + w * rows_v[jb + pp, 0:16]
                    acc1 = acc1 + w * rows_v[jb + pp, 16:32]
            out_v[r, 0:16] = acc0
            out_v[r, 16:32] = acc1
            return carry

        lax.fori_loop(0, _GRP * _H, row, 0)
        pltpu.async_copy(
            out_v, out_hbm.at[pl.ds((row0 + g * _GRP) * _H, _GRP * _H)], osem)

    def drain_out(p):
        _, _, _, out_v, _, _, osem = bufs[p]
        pltpu.make_async_copy(out_v, out_hbm.at[pl.ds(0, _GRP * _H)],
                              osem).wait()

    def group_step(g, p):
        @pl.when(g + 1 < _NGRP)
        def _():
            drain_idxw(1 - p)
            fire_gathers(1 - p)
        drain_gathers(p)

        @pl.when(g >= 2)
        def _():
            drain_out(p)
        compute_and_store(g, p)

        @pl.when(g + 2 < _NGRP)
        def _():
            fire_idxw(g + 2, p)

    fire_idxw(0, 0)
    drain_idxw(0)
    fire_gathers(0)
    fire_idxw(1, 1)

    def pair(t, carry):
        group_step(2 * t, 0)
        group_step(2 * t + 1, 1)
        return carry

    lax.fori_loop(0, _NGRP // 2, pair, 0)
    drain_out(0)
    drain_out(1)


def _sc_call(tbl, idx1, wflat):
    mesh = plsc.VectorSubcoreMesh(core_axis_name="c", subcore_axis_name="s")
    return pl.kernel(
        _sc_body,
        mesh=mesh,
        compiler_params=pltpu.CompilerParams(use_tc_tiling_on_sc=False),
        out_type=jax.ShapeDtypeStruct((_N * _H, _D), jnp.float32),
        scratch_types=[
            pltpu.VMEM((_GT,), jnp.int32),
            pltpu.VMEM((_GT,), jnp.int32),
            pltpu.VMEM((_GT + 16,), jnp.float32),
            pltpu.VMEM((_GT + 16,), jnp.float32),
            pltpu.VMEM((_GT, _D), jnp.float32),
            pltpu.VMEM((_GT, _D), jnp.float32),
            pltpu.VMEM((_GRP * _H, _D), jnp.float32),
            pltpu.VMEM((_GRP * _H, _D), jnp.float32),
            pltpu.SemaphoreType.DMA,
            pltpu.SemaphoreType.DMA,
            pltpu.SemaphoreType.DMA,
            pltpu.SemaphoreType.DMA,
            pltpu.SemaphoreType.DMA,
            pltpu.SemaphoreType.DMA,
        ],
    )(tbl, idx1, wflat)


def kernel(hidden_states, encoder_hidden_states, reference_points,
           spatial_shapes, W_off, b_off, W_attn, b_attn, num_points_scale):
    del spatial_shapes
    npts = _H * _PTS
    x = hidden_states.reshape(_N, _HID)
    rp = reference_points.reshape(_N, 4)
    wo = W_off.reshape(_HID, npts, 2)
    wx = wo[:, :, 0]
    wy = wo[:, :, 1]
    bo = b_off.reshape(npts, 2)
    bx = bo[:, 0][None]
    by = bo[:, 1][None]
    ba = b_attn[None]
    nps96 = jnp.tile(num_points_scale, _H)[None]

    aw, wts, idx = _prep_call(x, rp, wx, wy, W_attn, bx, by, ba, nps96)

    tbl = encoder_hidden_states.reshape(_B * _SEQ * _H, _D)
    idx1 = idx.reshape(_N * _T)
    wflat = wts.reshape(_N * _T)
    outv = _sc_call(tbl, idx1, wflat)

    out = outv.reshape(_B, _Q, _H * _D)
    aw_out = aw.reshape(_B, _Q, _H, _PTS)
    return out, aw_out

# --- scband reference (transcript-rebuilt; emitter-appended) ---
"""Pipeline reference for scband-dfine-multiscale-deformable-attention-8839042695544 (READ-ONLY COPY).

The authoritative reference and input builder live on the scoring server;
editing this copy changes nothing except your own understanding.
"""

import jax, jax.numpy as jnp
import numpy as np

HIDDEN_DIM = 256
N_HEADS = 8
HEAD_DIM = HIDDEN_DIM // N_HEADS
N_LEVELS = 3
NUM_POINTS_LIST = [4, 4, 4]
PTS = sum(NUM_POINTS_LIST)
TOTAL_POINTS = N_HEADS * PTS
OFFSET_SCALE = 0.5
SPATIAL_SHAPES_LIST = [(80, 80), (40, 40), (20, 20)]
SLICE_SIZES = [h * w for h, w in SPATIAL_SHAPES_LIST]
SEQ_LEN = sum(SLICE_SIZES)
B = 16
Q = 300


def setup_inputs(seed: int = 0):
    key = jax.random.key(seed)
    ks = jax.random.split(key, 8)
    hidden_states = jax.random.normal(ks[0], (B, Q, HIDDEN_DIM), dtype=jnp.float32)
    encoder_hidden_states = jax.random.normal(ks[1], (B, SEQ_LEN, HIDDEN_DIM), dtype=jnp.float32)
    reference_points = jax.random.uniform(ks[2], (B, Q, 1, 4), dtype=jnp.float32)
    spatial_shapes = jnp.array(SPATIAL_SHAPES_LIST, dtype=jnp.int32)
    lim = 1.0 / np.sqrt(HIDDEN_DIM)
    W_off = jax.random.uniform(ks[3], (HIDDEN_DIM, TOTAL_POINTS * 2), minval=-lim, maxval=lim, dtype=jnp.float32)
    b_off = jnp.zeros((TOTAL_POINTS * 2,), dtype=jnp.float32)
    W_attn = jax.random.uniform(ks[4], (HIDDEN_DIM, TOTAL_POINTS), minval=-lim, maxval=lim, dtype=jnp.float32)
    b_attn = jnp.zeros((TOTAL_POINTS,), dtype=jnp.float32)
    num_points_scale = jnp.array([1.0 / n for n in NUM_POINTS_LIST for _ in range(n)], dtype=jnp.float32)
    return {
        'hidden_states': hidden_states,
        'encoder_hidden_states': encoder_hidden_states,
        'reference_points': reference_points,
        'spatial_shapes': spatial_shapes,
        'W_off': W_off,
        'b_off': b_off,
        'W_attn': W_attn,
        'b_attn': b_attn,
        'num_points_scale': num_points_scale,
    }


def _grid_sample_bilinear(value, grid):
    # value: (N, C, H, W); grid: (N, Q, P, 2) in [-1, 1], xy order.
    # Matches torch.nn.functional.grid_sample(mode='bilinear',
    # padding_mode='zeros', align_corners=False).
    N, C, H, W = value.shape
    q, p = grid.shape[1], grid.shape[2]
    x = (grid[..., 0] + 1.0) * (W / 2.0) - 0.5
    y = (grid[..., 1] + 1.0) * (H / 2.0) - 0.5
    x0 = jnp.floor(x)
    y0 = jnp.floor(y)
    wx1 = x - x0
    wy1 = y - y0
    flat = value.reshape(N, C, H * W)

    def gather(ix, iy, w):
        valid = (ix >= 0) & (ix <= W - 1) & (iy >= 0) & (iy <= H - 1)
        ii = jnp.clip(ix, 0, W - 1).astype(jnp.int32)
        jj = jnp.clip(iy, 0, H - 1).astype(jnp.int32)
        idx = (jj * W + ii).reshape(N, 1, q * p)
        idx = jnp.broadcast_to(idx, (N, C, q * p))
        g = jnp.take_along_axis(flat, idx, axis=2).reshape(N, C, q, p)
        ww = (w * valid.astype(value.dtype))[:, None, :, :]
        return g * ww

    out = gather(x0, y0, (1.0 - wx1) * (1.0 - wy1))
    out = out + gather(x0 + 1.0, y0, wx1 * (1.0 - wy1))
    out = out + gather(x0, y0 + 1.0, (1.0 - wx1) * wy1)
    out = out + gather(x0 + 1.0, y0 + 1.0, wx1 * wy1)
    return out


def _deform_attn_core(value, sampling_locations, attention_weights):
    bs = value.shape[0]
    value_t = jnp.transpose(value, (0, 2, 3, 1)).reshape(bs * N_HEADS, HEAD_DIM, SEQ_LEN)
    grids = 2.0 * sampling_locations - 1.0
    grids = jnp.transpose(grids, (0, 2, 1, 3, 4)).reshape(bs * N_HEADS, Q, PTS, 2)
    outs = []
    s0 = 0
    p0 = 0
    for lvl, (h, w) in enumerate(SPATIAL_SHAPES_LIST):
        v_l = value_t[:, :, s0:s0 + h * w].reshape(bs * N_HEADS, HEAD_DIM, h, w)
        g_l = grids[:, :, p0:p0 + NUM_POINTS_LIST[lvl], :]
        outs.append(_grid_sample_bilinear(v_l, g_l))
        s0 += h * w
        p0 += NUM_POINTS_LIST[lvl]
    sampled = jnp.concatenate(outs, axis=-1)  # (bs*H, C, Q, PTS)
    aw = jnp.transpose(attention_weights, (0, 2, 1, 3)).reshape(bs * N_HEADS, 1, Q, PTS)
    out = (sampled * aw).sum(-1).reshape(bs, N_HEADS * HEAD_DIM, Q)
    return jnp.transpose(out, (0, 2, 1))


def _forward(hidden_states, encoder_hidden_states, reference_points, W_off, b_off, W_attn, b_attn, num_points_scale):
    b = hidden_states.shape[0]
    so = (hidden_states @ W_off + b_off).reshape(b, Q, N_HEADS, PTS, 2)
    aw = jax.nn.softmax((hidden_states @ W_attn + b_attn).reshape(b, Q, N_HEADS, PTS), axis=-1)
    nps = num_points_scale[:, None]  # (PTS, 1)
    # reference_points: (B, Q, 1, 4) normalized cx, cy, w, h
    offset = so * nps * jnp.expand_dims(reference_points[..., 2:], -2) * OFFSET_SCALE
    loc = jnp.expand_dims(reference_points[..., :2], -2) + offset  # (B, Q, H, PTS, 2)
    value = encoder_hidden_states.reshape(b, SEQ_LEN, N_HEADS, HEAD_DIM)
    out = _deform_attn_core(value, loc, aw)
    return out, aw


def reference(hidden_states, encoder_hidden_states, reference_points, spatial_shapes, W_off, b_off, W_attn, b_attn, num_points_scale):
    del spatial_shapes  # only used in dim-2 reference-point branch; here dim is 4
    return _forward(hidden_states, encoder_hidden_states, reference_points, W_off, b_off, W_attn, b_attn, num_points_scale)

if __name__ == "__main__":
    import jax
    _d = setup_inputs()
    print(jax.jit(kernel)(*tuple(_d.values())))

</pallas_src>

<mosaic_0001>
#map = affine_map<(d0, d1) -> (0, 0)>
#map1 = affine_map<(d0, d1) -> (0)>
module attributes {stable_mosaic.version = 14 : i64} {
  func.func @_sc_body(%arg0: i32, %arg1: i32, %arg2: memref<1075200x32xf32, #tpu.memory_space<hbm>>, %arg3: memref<1843200xi32, #tpu.memory_space<hbm>>, %arg4: memref<1843200xf32, #tpu.memory_space<hbm>>, %arg5: memref<38400x32xf32, #tpu.memory_space<hbm>>, %arg6: memref<1152xi32, #tpu.memory_space<vmem>>, %arg7: memref<1152xi32, #tpu.memory_space<vmem>>, %arg8: memref<1168xf32, #tpu.memory_space<vmem>>, %arg9: memref<1168xf32, #tpu.memory_space<vmem>>, %arg10: memref<1152x32xf32, #tpu.memory_space<vmem>>, %arg11: memref<1152x32xf32, #tpu.memory_space<vmem>>, %arg12: memref<24x32xf32, #tpu.memory_space<vmem>>, %arg13: memref<24x32xf32, #tpu.memory_space<vmem>>, %arg14: memref<!tpu.dma_semaphore, #tpu.memory_space<semaphore_mem>>, %arg15: memref<!tpu.dma_semaphore, #tpu.memory_space<semaphore_mem>>, %arg16: memref<!tpu.dma_semaphore, #tpu.memory_space<semaphore_mem>>, %arg17: memref<!tpu.dma_semaphore, #tpu.memory_space<semaphore_mem>>, %arg18: memref<!tpu.dma_semaphore, #tpu.memory_space<semaphore_mem>>, %arg19: memref<!tpu.dma_semaphore, #tpu.memory_space<semaphore_mem>>) attributes {dimension_semantics = [#tpu.dimension_semantics<core_parallel>, #tpu.dimension_semantics<subcore_parallel>], iteration_bounds = array<i64: 2, 16>, scalar_prefetch = 0 : i64, scratch_operands = 14 : i64, tpu.core_type = #tpu.core_type<sc_vector_subcore>, window_params = [{transform_indices = #map}, {transform_indices = #map1}, {transform_indices = #map1}, {transform_indices = #map}]} {
    %mul3A = arith.constant 2 : i32
    %mul3A_0 = arith.muli %arg1, %mul3A : i32
    %add3A = arith.addi %mul3A_0, %arg0 : i32
    %mul3A_1 = arith.constant 150 : i32
    %mul3A_2 = arith.muli %add3A, %mul3A_1 : i32
    %add3A_3 = arith.constant 0 : i32
    %add3A_4 = arith.addi %mul3A_2, %add3A_3 : i32
    %mul3A_5 = arith.constant 384 : i32
    %mul3A_6 = arith.muli %add3A_4, %mul3A_5 : i32
    %dma_start3A = tpu.memref_slice %arg3[%mul3A_6] : memref<1843200xi32, #tpu.memory_space<hbm>> -> memref<1152xi32, #tpu.memory_space<hbm>>
    %dma_start3A_7 = tpu.memref_slice %arg3[%mul3A_6] : memref<1843200xi32, #tpu.memory_space<hbm>> -> memref<1152xi32, #tpu.memory_space<hbm>>
    tpu.enqueue_dma source(%dma_start3A_7 : memref<1152xi32, #tpu.memory_space<hbm>>) target(%arg6 : memref<1152xi32, #tpu.memory_space<vmem>>) target_semaphore(%arg14 : memref<!tpu.dma_semaphore, #tpu.memory_space<semaphore_mem>>)
    %dma_start3A_8 = arith.constant 0 : i32
    %dma_start3A_9 = tpu.memref_slice %arg8[%dma_start3A_8] : memref<1168xf32, #tpu.memory_space<vmem>> -> memref<1152xf32, #tpu.memory_space<vmem>>
    %dma_start3A_10 = tpu.memref_slice %arg4[%mul3A_6] : memref<1843200xf32, #tpu.memory_space<hbm>> -> memref<1152xf32, #tpu.memory_space<hbm>>
    %dma_start3A_11 = arith.constant 0 : i32
    %dma_start3A_12 = tpu.memref_slice %arg8[%dma_start3A_11] : memref<1168xf32, #tpu.memory_space<vmem>> -> memref<1152xf32, #tpu.memory_space<vmem>>
    %dma_start3A_13 = tpu.memref_slice %arg4[%mul3A_6] : memref<1843200xf32, #tpu.memory_space<hbm>> -> memref<1152xf32, #tpu.memory_space<hbm>>
    tpu.enqueue_dma source(%dma_start3A_13 : memref<1152xf32, #tpu.memory_space<hbm>>) target(%dma_start3A_12 : memref<1152xf32, #tpu.memory_space<vmem>>) target_semaphore(%arg14 : memref<!tpu.dma_semaphore, #tpu.memory_space<semaphore_mem>>)
    %dma_wait3A = arith.constant 0 : i32
    %dma_wait3A_14 = tpu.memref_slice %arg3[%dma_wait3A] : memref<1843200xi32, #tpu.memory_space<hbm>> -> memref<1152xi32, #tpu.memory_space<hbm>>
    %dma_wait3A_15 = arith.constant 0 : i32
    %dma_wait3A_16 = tpu.memref_slice %arg3[%dma_wait3A_15] : memref<1843200xi32, #tpu.memory_space<hbm>> -> memref<1152xi32, #tpu.memory_space<hbm>>
    tpu.wait_dma2 semaphore(%arg14 : memref<!tpu.dma_semaphore, #tpu.memory_space<semaphore_mem>>) src(%dma_wait3A_16 : memref<1152xi32, #tpu.memory_space<hbm>>) dst(%arg6 : memref<1152xi32, #tpu.memory_space<vmem>>)
    %dma_wait3A_17 = arith.constant 0 : i32
    %dma_wait3A_18 = tpu.memref_slice %arg8[%dma_wait3A_17] : memref<1168xf32, #tpu.memory_space<vmem>> -> memref<1152xf32, #tpu.memory_space<vmem>>
    %dma_wait3A_19 = arith.constant 0 : i32
    %dma_wait3A_20 = tpu.memref_slice %arg4[%dma_wait3A_19] : memref<1843200xf32, #tpu.memory_space<hbm>> -> memref<1152xf32, #tpu.memory_space<hbm>>
    %dma_wait3A_21 = arith.constant 0 : i32
    %dma_wait3A_22 = tpu.memref_slice %arg8[%dma_wait3A_21] : memref<1168xf32, #tpu.memory_space<vmem>> -> memref<1152xf32, #tpu.memory_space<vmem>>
    %dma_wait3A_23 = arith.constant 0 : i32
    %dma_wait3A_24 = tpu.memref_slice %arg4[%dma_wait3A_23] : memref<1843200xf32, #tpu.memory_space<hbm>> -> memref<1152xf32, #tpu.memory_space<hbm>>
    tpu.wait_dma2 semaphore(%arg14 : memref<!tpu.dma_semaphore, #tpu.memory_space<semaphore_mem>>) src(%dma_wait3A_24 : memref<1152xf32, #tpu.memory_space<hbm>>) dst(%dma_wait3A_22 : memref<1152xf32, #tpu.memory_space<vmem>>)
    %dma_start3A_25 = arith.constant 0 : i32
    %dma_start3A_26 = arith.constant 0 : i32
    %dma_start3A_27 = tpu.memref_slice %arg2[%dma_start3A_25, %dma_start3A_26] : memref<1075200x32xf32, #tpu.memory_space<hbm>> -> memref<1075200x32xf32, #tpu.memory_space<hbm>>
    tpu.enqueue_indirect_dma source(%dma_start3A_27 : memref<1075200x32xf32, #tpu.memory_space<hbm>>) target(%arg10 : memref<1152x32xf32, #tpu.memory_space<vmem>>) offsets(%arg6 : memref<1152xi32, #tpu.memory_space<vmem>>) semaphore(%arg16 : memref<!tpu.dma_semaphore, #tpu.memory_space<semaphore_mem>>)
    %add3A_28 = arith.constant 3 : i32
    %add3A_29 = arith.addi %mul3A_2, %add3A_28 : i32
    %mul3A_30 = arith.constant 384 : i32
    %mul3A_31 = arith.muli %add3A_29, %mul3A_30 : i32
    %dma_start3A_32 = tpu.memref_slice %arg3[%mul3A_31] : memref<1843200xi32, #tpu.memory_space<hbm>> -> memref<1152xi32, #tpu.memory_space<hbm>>
    %dma_start3A_33 = tpu.memref_slice %arg3[%mul3A_31] : memref<1843200xi32, #tpu.memory_space<hbm>> -> memref<1152xi32, #tpu.memory_space<hbm>>
    tpu.enqueue_dma source(%dma_start3A_33 : memref<1152xi32, #tpu.memory_space<hbm>>) target(%arg7 : memref<1152xi32, #tpu.memory_space<vmem>>) target_semaphore(%arg15 : memref<!tpu.dma_semaphore, #tpu.memory_space<semaphore_mem>>)
    %dma_start3A_34 = arith.constant 0 : i32
    %dma_start3A_35 = tpu.memref_slice %arg9[%dma_start3A_34] : memref<1168xf32, #tpu.memory_space<vmem>> -> memref<1152xf32, #tpu.memory_space<vmem>>
    %dma_start3A_36 = tpu.memref_slice %arg4[%mul3A_31] : memref<1843200xf32, #tpu.memory_space<hbm>> -> memref<1152xf32, #tpu.memory_space<hbm>>
    %dma_start3A_37 = arith.constant 0 : i32
    %dma_start3A_38 = tpu.memref_slice %arg9[%dma_start3A_37] : memref<1168xf32, #tpu.memory_space<vmem>> -> memref<1152xf32, #tpu.memory_space<vmem>>
    %dma_start3A_39 = tpu.memref_slice %arg4[%mul3A_31] : memref<1843200xf32, #tpu.memory_space<hbm>> -> memref<1152xf32, #tpu.memory_space<hbm>>
    tpu.enqueue_dma source(%dma_start3A_39 : memref<1152xf32, #tpu.memory_space<hbm>>) target(%dma_start3A_38 : memref<1152xf32, #tpu.memory_space<vmem>>) target_semaphore(%arg15 : memref<!tpu.dma_semaphore, #tpu.memory_space<semaphore_mem>>)
    %scan3A = arith.constant 0 : i32
    %scan3A_40 = arith.constant 0 : i32
    %scan3A_41 = arith.constant 25 : i32
    %scan3A_42 = arith.addi %scan3A_40, %scan3A_41 : i32
    %scan3A_43 = arith.constant 1 : i32
    scf.for %scan3A_57 = %scan3A_40 to %scan3A_42 step %scan3A_43  : i32 {
      %mul3A_58 = arith.constant 2 : i32
      %mul3A_59 = arith.muli %mul3A_58, %scan3A_57 : i32
      %add3A_60 = arith.constant 1 : i32
      %add3A_61 = arith.addi %mul3A_59, %add3A_60 : i32
      %lt3A = arith.constant 50 : i32
      %lt3A_62 = arith.cmpi slt, %add3A_61, %lt3A : i32
      %convert_element_type3A = arith.extui %lt3A_62 : i1 to i32
      %cond3A = arith.constant 0 : i32
      %cond3A_63 = arith.cmpi ne, %convert_element_type3A, %cond3A : i32
      scf.if %cond3A_63 {
        %dma_wait3A_134 = arith.constant 0 : i32
        %dma_wait3A_135 = tpu.memref_slice %arg3[%dma_wait3A_134] : memref<1843200xi32, #tpu.memory_space<hbm>> -> memref<1152xi32, #tpu.memory_space<hbm>>
        %dma_wait3A_136 = arith.constant 0 : i32
        %dma_wait3A_137 = tpu.memref_slice %arg3[%dma_wait3A_136] : memref<1843200xi32, #tpu.memory_space<hbm>> -> memref<1152xi32, #tpu.memory_space<hbm>>
        tpu.wait_dma2 semaphore(%arg15 : memref<!tpu.dma_semaphore, #tpu.memory_space<semaphore_mem>>) src(%dma_wait3A_137 : memref<1152xi32, #tpu.memory_space<hbm>>) dst(%arg7 : memref<1152xi32, #tpu.memory_space<vmem>>)
        %dma_wait3A_138 = arith.constant 0 : i32
        %dma_wait3A_139 = tpu.memref_slice %arg9[%dma_wait3A_138] : memref<1168xf32, #tpu.memory_space<vmem>> -> memref<1152xf32, #tpu.memory_space<vmem>>
        %dma_wait3A_140 = arith.constant 0 : i32
        %dma_wait3A_141 = tpu.memref_slice %arg4[%dma_wait3A_140] : memref<1843200xf32, #tpu.memory_space<hbm>> -> memref<1152xf32, #tpu.memory_space<hbm>>
        %dma_wait3A_142 = arith.constant 0 : i32
        %dma_wait3A_143 = tpu.memref_slice %arg9[%dma_wait3A_142] : memref<1168xf32, #tpu.memory_space<vmem>> -> memref<1152xf32, #tpu.memory_space<vmem>>
        %dma_wait3A_144 = arith.constant 0 : i32
        %dma_wait3A_145 = tpu.memref_slice %arg4[%dma_wait3A_144] : memref<1843200xf32, #tpu.memory_space<hbm>> -> memref<1152xf32, #tpu.memory_space<hbm>>
        tpu.wait_dma2 semaphore(%arg15 : memref<!tpu.dma_semaphore, #tpu.memory_space<semaphore_mem>>) src(%dma_wait3A_145 : memref<1152xf32, #tpu.memory_space<hbm>>) dst(%dma_wait3A_143 : memref<1152xf32, #tpu.memory_space<vmem>>)
        %dma_start3A_146 = arith.constant 0 : i32
        %dma_start3A_147 = arith.constant 0 : i32
        %dma_start3A_148 = tpu.memref_slice %arg2[%dma_start3A_146, %dma_start3A_147] : memref<1075200x32xf32, #tpu.memory_space<hbm>> -> memref<1075200x32xf32, #tpu.memory_space<hbm>>
        tpu.enqueue_indirect_dma source(%dma_start3A_148 : memref<1075200x32xf32, #tpu.memory_space<hbm>>) target(%arg11 : memref<1152x32xf32, #tpu.memory_space<vmem>>) offsets(%arg7 : memref<1152xi32, #tpu.memory_space<vmem>>) semaphore(%arg17 : memref<!tpu.dma_semaphore, #tpu.memory_space<semaphore_mem>>)
      } else {
      }
      %dma_wait3A_64 = arith.constant 0 : i32
      %dma_wait3A_65 = arith.constant 0 : i32
      %dma_wait3A_66 = tpu.memref_slice %arg2[%dma_wait3A_64, %dma_wait3A_65] : memref<1075200x32xf32, #tpu.memory_space<hbm>> -> memref<1075200x32xf32, #tpu.memory_space<hbm>>
      tpu.wait_indirect_dma semaphore(%arg16 : memref<!tpu.dma_semaphore, #tpu.memory_space<semaphore_mem>>) src(%dma_wait3A_66 : memref<1075200x32xf32, #tpu.memory_space<hbm>>) dst(%arg10 : memref<1152x32xf32, #tpu.memory_space<vmem>>)
      %ge3A = arith.constant 2 : i32
      %ge3A_67 = arith.cmpi sge, %mul3A_59, %ge3A : i32
      %convert_element_type3A_68 = arith.extui %ge3A_67 : i1 to i32
      %cond3A_69 = arith.constant 0 : i32
      %cond3A_70 = arith.cmpi ne, %convert_element_type3A_68, %cond3A_69 : i32
      scf.if %cond3A_70 {
        %dma_wait3A_134 = arith.constant 0 : i32
        %dma_wait3A_135 = arith.constant 0 : i32
        %dma_wait3A_136 = tpu.memref_slice %arg5[%dma_wait3A_134, %dma_wait3A_135] : memref<38400x32xf32, #tpu.memory_space<hbm>> -> memref<24x32xf32, #tpu.memory_space<hbm>>
        %dma_wait3A_137 = arith.constant 0 : i32
        %dma_wait3A_138 = arith.constant 0 : i32
        %dma_wait3A_139 = tpu.memref_slice %arg5[%dma_wait3A_137, %dma_wait3A_138] : memref<38400x32xf32, #tpu.memory_space<hbm>> -> memref<24x32xf32, #tpu.memory_space<hbm>>
        tpu.wait_dma2 semaphore(%arg18 : memref<!tpu.dma_semaphore, #tpu.memory_space<semaphore_mem>>) src(%arg12 : memref<24x32xf32, #tpu.memory_space<vmem>>) dst(%dma_wait3A_139 : memref<24x32xf32, #tpu.memory_space<hbm>>)
      } else {
      }
      %scan3A_71 = arith.constant 0 : i32
      %scan3A_72 = arith.constant 0 : i32
      %scan3A_73 = arith.constant 24 : i32
      %scan3A_74 = arith.addi %scan3A_72, %scan3A_73 : i32
      %scan3A_75 = arith.constant 1 : i32
      scf.for %scan3A_134 = %scan3A_72 to %scan3A_74 step %scan3A_75  : i32 {
        %jit3A = arith.constant 8 : i32
        %div3A = arith.divsi %scan3A_134, %jit3A : i32
        %sign3A = arith.constant 0 : i32
        %sign3A_135 = arith.cmpi sgt, %scan3A_134, %sign3A : i32
        %sign3A_136 = arith.extui %sign3A_135 : i1 to i32
        %sign3A_137 = arith.constant 0 : i32
        %sign3A_138 = arith.cmpi slt, %scan3A_134, %sign3A_137 : i32
        %sign3A_139 = arith.extui %sign3A_138 : i1 to i32
        %sign3A_140 = arith.subi %sign3A_136, %sign3A_139 : i32
        %sign3A_141 = arith.constant 0 : i32
        %sign3A_142 = arith.cmpi sgt, %jit3A, %sign3A_141 : i32
        %sign3A_143 = arith.extui %sign3A_142 : i1 to i32
        %sign3A_144 = arith.constant 0 : i32
        %sign3A_145 = arith.cmpi slt, %jit3A, %sign3A_144 : i32
        %sign3A_146 = arith.extui %sign3A_145 : i1 to i32
        %sign3A_147 = arith.subi %sign3A_143, %sign3A_146 : i32
        %ne3A = arith.cmpi ne, %sign3A_140, %sign3A_147 : i32
        %rem3A = arith.remsi %scan3A_134, %jit3A : i32
        %ne3A_148 = arith.constant 0 : i32
        %ne3A_149 = arith.cmpi ne, %rem3A, %ne3A_148 : i32
        %and3A = arith.andi %ne3A, %ne3A_149 : i1
        %sub3A = arith.constant 1 : i32
        %sub3A_150 = arith.subi %div3A, %sub3A : i32
        %select_n3A = arith.select %and3A, %sub3A_150, %div3A : i32
        %mul3A_151 = arith.constant 8 : i32
        %mul3A_152 = arith.muli %select_n3A, %mul3A_151 : i32
        %sub3A_153 = arith.subi %scan3A_134, %mul3A_152 : i32
        %broadcast_in_dim3A = arith.constant 0.000000e+00 : f32
        %broadcast_in_dim3A_154 = vector.broadcast %broadcast_in_dim3A : f32 to vector<16xf32>
        %broadcast_in_dim3A_155 = arith.constant 0.000000e+00 : f32
        %broadcast_in_dim3A_156 = vector.broadcast %broadcast_in_dim3A_155 : f32 to vector<16xf32>
        %mul3A_157 = arith.constant 384 : i32
        %mul3A_158 = arith.muli %select_n3A, %mul3A_157 : i32
        %add3A_159 = arith.constant 0 : i32
        %add3A_160 = arith.addi %mul3A_158, %add3A_159 : i32
        %mul3A_161 = arith.constant 12 : i32
        %mul3A_162 = arith.muli %sub3A_153, %mul3A_161 : i32
        %add3A_163 = arith.addi %add3A_160, %mul3A_162 : i32
        %get3A = arith.index_cast %add3A_163 : i32 to index
        %get3A_164 = tpu.vector_load %arg8[%get3A] {strides = array<i32>} : memref<1168xf32, #tpu.memory_space<vmem>>, vector<16xf32>,
        %get3A_165 = vector.shape_cast %get3A_164 : vector<16xf32> to vector<16xf32>
        %slice3A = vector.extract_strided_slice %get3A_165 {offsets = [0], sizes = [1], strides = [1]} : vector<16xf32> to vector<1xf32>
        %squeeze3A = vector.extract %slice3A[0] : f32 from vector<1xf32>
        %add3A_166 = arith.constant 0 : i32
        %add3A_167 = arith.addi %add3A_163, %add3A_166 : i32
        %get3A_168 = arith.index_cast %add3A_167 : i32 to index
        %get3A_169 = arith.constant 0 : index
        %get3A_170 = tpu.vector_load %arg10[%get3A_168, %get3A_169] {strides = array<i32>} : memref<1152x32xf32, #tpu.memory_space<vmem>>, vector<1x16xf32>,
        %get3A_171 = vector.shape_cast %get3A_170 : vector<1x16xf32> to vector<16xf32>
        %mul3A_172 = vector.broadcast %squeeze3A : f32 to vector<16xf32>
        %mul3A_173 = arith.mulf %mul3A_172, %get3A_171 : vector<16xf32>
        %add3A_174 = arith.addf %broadcast_in_dim3A_154, %mul3A_173 : vector<16xf32>
        %add3A_175 = arith.constant 0 : i32
        %add3A_176 = arith.addi %add3A_163, %add3A_175 : i32
        %get3A_177 = arith.index_cast %add3A_176 : i32 to index
        %get3A_178 = arith.constant 16 : index
        %get3A_179 = tpu.vector_load %arg10[%get3A_177, %get3A_178] {strides = array<i32>} : memref<1152x32xf32, #tpu.memory_space<vmem>>, vector<1x16xf32>,
        %get3A_180 = vector.shape_cast %get3A_179 : vector<1x16xf32> to vector<16xf32>
        %mul3A_181 = vector.broadcast %squeeze3A : f32 to vector<16xf32>
        %mul3A_182 = arith.mulf %mul3A_181, %get3A_180 : vector<16xf32>
        %add3A_183 = arith.addf %broadcast_in_dim3A_156, %mul3A_182 : vector<16xf32>
        %slice3A_184 = vector.extract_strided_slice %get3A_165 {offsets = [1], sizes = [1], strides = [1]} : vector<16xf32> to vector<1xf32>
        %squeeze3A_185 = vector.extract %slice3A_184[0] : f32 from vector<1xf32>
        %add3A_186 = arith.constant 1 : i32
        %add3A_187 = arith.addi %add3A_163, %add3A_186 : i32
        %get3A_188 = arith.index_cast %add3A_187 : i32 to index
        %get3A_189 = arith.constant 0 : index
        %get3A_190 = tpu.vector_load %arg10[%get3A_188, %get3A_189] {strides = array<i32>} : memref<1152x32xf32, #tpu.memory_space<vmem>>, vector<1x16xf32>,
        %get3A_191 = vector.shape_cast %get3A_190 : vector<1x16xf32> to vector<16xf32>
        %mul3A_192 = vector.broadcast %squeeze3A_185 : f32 to vector<16xf32>
        %mul3A_193 = arith.mulf %mul3A_192, %get3A_191 : vector<16xf32>
        %add3A_194 = arith.addf %add3A_174, %mul3A_193 : vector<16xf32>
        %add3A_195 = arith.constant 1 : i32
        %add3A_196 = arith.addi %add3A_163, %add3A_195 : i32
        %get3A_197 = arith.index_cast %add3A_196 : i32 to index
        %get3A_198 = arith.constant 16 : index
        %get3A_199 = tpu.vector_load %arg10[%get3A_197, %get3A_198] {strides = array<i32>} : memref<1152x32xf32, #tpu.memory_space<vmem>>, vector<1x16xf32>,
        %get3A_200 = vector.shape_cast %get3A_199 : vector<1x16xf32> to vector<16xf32>
        %mul3A_201 = vector.broadcast %squeeze3A_185 : f32 to vector<16xf32>
        %mul3A_202 = arith.mulf %mul3A_201, %get3A_200 : vector<16xf32>
        %add3A_203 = arith.addf %add3A_183, %mul3A_202 : vector<16xf32>
        %slice3A_204 = vector.extract_strided_slice %get3A_165 {offsets = [2], sizes = [1], strides = [1]} : vector<16xf32> to vector<1xf32>
        %squeeze3A_205 = vector.extract %slice3A_204[0] : f32 from vector<1xf32>
        %add3A_206 = arith.constant 2 : i32
        %add3A_207 = arith.addi %add3A_163, %add3A_206 : i32
        %get3A_208 = arith.index_cast %add3A_207 : i32 to index
        %get3A_209 = arith.constant 0 : index
        %get3A_210 = tpu.vector_load %arg10[%get3A_208, %get3A_209] {strides = array<i32>} : memref<1152x32xf32, #tpu.memory_space<vmem>>, vector<1x16xf32>,
        %get3A_211 = vector.shape_cast %get3A_210 : vector<1x16xf32> to vector<16xf32>
        %mul3A_212 = vector.broadcast %squeeze3A_205 : f32 to vector<16xf32>
        %mul3A_213 = arith.mulf %mul3A_212, %get3A_211 : vector<16xf32>
        %add3A_214 = arith.addf %add3A_194, %mul3A_213 : vector<16xf32>
        %add3A_215 = arith.constant 2 : i32
        %add3A_216 = arith.addi %add3A_163, %add3A_215 : i32
        %get3A_217 = arith.index_cast %add3A_216 : i32 to index
        %get3A_218 = arith.constant 16 : index
        %get3A_219 = tpu.vector_load %arg10[%get3A_217, %get3A_218] {strides = array<i32>} : memref<1152x32xf32, #tpu.memory_space<vmem>>, vector<1x16xf32>,
        %get3A_220 = vector.shape_cast %get3A_219 : vector<1x16xf32> to vector<16xf32>
        %mul3A_221 = vector.broadcast %squeeze3A_205 : f32 to vector<16xf32>
        %mul3A_222 = arith.mulf %mul3A_221, %get3A_220 : vector<16xf32>
        %add3A_223 = arith.addf %add3A_203, %mul3A_222 : vector<16xf32>
        %slice3A_224 = vector.extract_strided_slice %get3A_165 {offsets = [3], sizes = [1], strides = [1]} : vector<16xf32> to vector<1xf32>
        %squeeze3A_225 = vector.extract %slice3A_224[0] : f32 from vector<1xf32>
        %add3A_226 = arith.constant 3 : i32
        %add3A_227 = arith.addi %add3A_163, %add3A_226 : i32
        %get3A_228 = arith.index_cast %add3A_227 : i32 to index
        %get3A_229 = arith.constant 0 : index
        %get3A_230 = tpu.vector_load %arg10[%get3A_228, %get3A_229] {strides = array<i32>} : memref<1152x32xf32, #tpu.memory_space<vmem>>, vector<1x16xf32>,
        %get3A_231 = vector.shape_cast %get3A_230 : vector<1x16xf32> to vector<16xf32>
        %mul3A_232 = vector.broadcast %squeeze3A_225 : f32 to vector<16xf32>
        %mul3A_233 = arith.mulf %mul3A_232, %get3A_231 : vector<16xf32>
        %add3A_234 = arith.addf %add3A_214, %mul3A_233 : vector<16xf32>
        %add3A_235 = arith.constant 3 : i32
        %add3A_236 = arith.addi %add3A_163, %add3A_235 : i32
        %get3A_237 = arith.index_cast %add3A_236 : i32 to index
        %get3A_238 = arith.constant 16 : index
        %get3A_239 = tpu.vector_load %arg10[%get3A_237, %get3A_238] {strides = array<i32>} : memref<1152x32xf32, #tpu.memory_space<vmem>>, vector<1x16xf32>,
        %get3A_240 = vector.shape_cast %get3A_239 : vector<1x16xf32> to vector<16xf32>
        %mul3A_241 = vector.broadcast %squeeze3A_225 : f32 to vector<16xf32>
        %mul3A_242 = arith.mulf %mul3A_241, %get3A_240 : vector<16xf32>
        %add3A_243 = arith.addf %add3A_223, %mul3A_242 : vector<16xf32>
        %slice3A_244 = vector.extract_strided_slice %get3A_165 {offsets = [4], sizes = [1], strides = [1]} : vector<16xf32> to vector<1xf32>
        %squeeze3A_245 = vector.extract %slice3A_244[0] : f32 from vector<1xf32>
        %add3A_246 = arith.constant 4 : i32
        %add3A_247 = arith.addi %add3A_163, %add3A_246 : i32
        %get3A_248 = arith.index_cast %add3A_247 : i32 to index
        %get3A_249 = arith.constant 0 : index
        %get3A_250 = tpu.vector_load %arg10[%get3A_248, %get3A_249] {strides = array<i32>} : memref<1152x32xf32, #tpu.memory_space<vmem>>, vector<1x16xf32>,
        %get3A_251 = vector.shape_cast %get3A_250 : vector<1x16xf32> to vector<16xf32>
        %mul3A_252 = vector.broadcast %squeeze3A_245 : f32 to vector<16xf32>
        %mul3A_253 = arith.mulf %mul3A_252, %get3A_251 : vector<16xf32>
        %add3A_254 = arith.addf %add3A_234, %mul3A_253 : vector<16xf32>
        %add3A_255 = arith.constant 4 : i32
        %add3A_256 = arith.addi %add3A_163, %add3A_255 : i32
        %get3A_257 = arith.index_cast %add3A_256 : i32 to index
        %get3A_258 = arith.constant 16 : index
        %get3A_259 = tpu.vector_load %arg10[%get3A_257, %get3A_258] {strides = array<i32>} : memref<1152x32xf32, #tpu.memory_space<vmem>>, vector<1x16xf32>,
        %get3A_260 = vector.shape_cast %get3A_259 : vector<1x16xf32> to vector<16xf32>
        %mul3A_261 = vector.broadcast %squeeze3A_245 : f32 to vector<16xf32>
        %mul3A_262 = arith.mulf %mul3A_261, %get3A_260 : vector<16xf32>
        %add3A_263 = arith.addf %add3A_243, %mul3A_262 : vector<16xf32>
        %slice3A_264 = vector.extract_strided_slice %get3A_165 {offsets = [5], sizes = [1], strides = [1]} : vector<16xf32> to vector<1xf32>
        %squeeze3A_265 = vector.extract %slice3A_264[0] : f32 from vector<1xf32>
        %add3A_266 = arith.constant 5 : i32
        %add3A_267 = arith.addi %add3A_163, %add3A_266 : i32
        %get3A_268 = arith.index_cast %add3A_267 : i32 to index
        %get3A_269 = arith.constant 0 : index
        %get3A_270 = tpu.vector_load %arg10[%get3A_268, %get3A_269] {strides = array<i32>} : memref<1152x32xf32, #tpu.memory_space<vmem>>, vector<1x16xf32>,
        %get3A_271 = vector.shape_cast %get3A_270 : vector<1x16xf32> to vector<16xf32>
        %mul3A_272 = vector.broadcast %squeeze3A_265 : f32 to vector<16xf32>
        %mul3A_273 = arith.mulf %mul3A_272, %get3A_271 : vector<16xf32>
        %add3A_274 = arith.addf %add3A_254, %mul3A_273 : vector<16xf32>
        %add3A_275 = arith.constant 5 : i32
        %add3A_276 = arith.addi %add3A_163, %add3A_275 : i32
        %get3A_277 = arith.index_cast %add3A_276 : i32 to index
        %get3A_278 = arith.constant 16 : index
        %get3A_279 = tpu.vector_load %arg10[%get3A_277, %get3A_278] {strides = array<i32>} : memref<1152x32xf32, #tpu.memory_space<vmem>>, vector<1x16xf32>,
        %get3A_280 = vector.shape_cast %get3A_279 : vector<1x16xf32> to vector<16xf32>
        %mul3A_281 = vector.broadcast %squeeze3A_265 : f32 to vector<16xf32>
        %mul3A_282 = arith.mulf %mul3A_281, %get3A_280 : vector<16xf32>
        %add3A_283 = arith.addf %add3A_263, %mul3A_282 : vector<16xf32>
        %slice3A_284 = vector.extract_strided_slice %get3A_165 {offsets = [6], sizes = [1], strides = [1]} : vector<16xf32> to vector<1xf32>
        %squeeze3A_285 = vector.extract %slice3A_284[0] : f32 from vector<1xf32>
        %add3A_286 = arith.constant 6 : i32
        %add3A_287 = arith.addi %add3A_163, %add3A_286 : i32
        %get3A_288 = arith.index_cast %add3A_287 : i32 to index
        %get3A_289 = arith.constant 0 : index
        %get3A_290 = tpu.vector_load %arg10[%get3A_288, %get3A_289] {strides = array<i32>} : memref<1152x32xf32, #tpu.memory_space<vmem>>, vector<1x16xf32>,
        %get3A_291 = vector.shape_cast %get3A_290 : vector<1x16xf32> to vector<16xf32>
        %mul3A_292 = vector.broadcast %squeeze3A_285 : f32 to vector<16xf32>
        %mul3A_293 = arith.mulf %mul3A_292, %get3A_291 : vector<16xf32>
        %add3A_294 = arith.addf %add3A_274, %mul3A_293 : vector<16xf32>
        %add3A_295 = arith.constant 6 : i32
        %add3A_296 = arith.addi %add3A_163, %add3A_295 : i32
        %get3A_297 = arith.index_cast %add3A_296 : i32 to index
        %get3A_298 = arith.constant 16 : index
        %get3A_299 = tpu.vector_load %arg10[%get3A_297, %get3A_298] {strides = array<i32>} : memref<1152x32xf32, #tpu.memory_space<vmem>>, vector<1x16xf32>,
        %get3A_300 = vector.shape_cast %get3A_299 : vector<1x16xf32> to vector<16xf32>
        %mul3A_301 = vector.broadcast %squeeze3A_285 : f32 to vector<16xf32>
        %mul3A_302 = arith.mulf %mul3A_301, %get3A_300 : vector<16xf32>
        %add3A_303 = arith.addf %add3A_283, %mul3A_302 : vector<16xf32>
        %slice3A_304 = vector.extract_strided_slice %get3A_165 {offsets = [7], sizes = [1], strides = [1]} : vector<16xf32> to vector<1xf32>
        %squeeze3A_305 = vector.extract %slice3A_304[0] : f32 from vector<1xf32>
        %add3A_306 = arith.constant 7 : i32
        %add3A_307 = arith.addi %add3A_163, %add3A_306 : i32
        %get3A_308 = arith.index_cast %add3A_307 : i32 to index
        %get3A_309 = arith.constant 0 : index
        %get3A_310 = tpu.vector_load %arg10[%get3A_308, %get3A_309] {strides = array<i32>} : memref<1152x32xf32, #tpu.memory_space<vmem>>, vector<1x16xf32>,
        %get3A_311 = vector.shape_cast %get3A_310 : vector<1x16xf32> to vector<16xf32>
        %mul3A_312 = vector.broadcast %squeeze3A_305 : f32 to vector<16xf32>
        %mul3A_313 = arith.mulf %mul3A_312, %get3A_311 : vector<16xf32>
        %add3A_314 = arith.addf %add3A_294, %mul3A_313 : vector<16xf32>
        %add3A_315 = arith.constant 7 : i32
        %add3A_316 = arith.addi %add3A_163, %add3A_315 : i32
        %get3A_317 = arith.index_cast %add3A_316 : i32 to index
        %get3A_318 = arith.constant 16 : index
        %get3A_319 = tpu.vector_load %arg10[%get3A_317, %get3A_318] {strides = array<i32>} : memref<1152x32xf32, #tpu.memory_space<vmem>>, vector<1x16xf32>,
        %get3A_320 = vector.shape_cast %get3A_319 : vector<1x16xf32> to vector<16xf32>
        %mul3A_321 = vector.broadcast %squeeze3A_305 : f32 to vector<16xf32>
        %mul3A_322 = arith.mulf %mul3A_321, %get3A_320 : vector<16xf32>
        %add3A_323 = arith.addf %add3A_303, %mul3A_322 : vector<16xf32>
        %slice3A_324 = vector.extract_strided_slice %get3A_165 {offsets = [8], sizes = [1], strides = [1]} : vector<16xf32> to vector<1xf32>
        %squeeze3A_325 = vector.extract %slice3A_324[0] : f32 from vector<1xf32>
        %add3A_326 = arith.constant 8 : i32
        %add3A_327 = arith.addi %add3A_163, %add3A_326 : i32
        %get3A_328 = arith.index_cast %add3A_327 : i32 to index
        %get3A_329 = arith.constant 0 : index
        %get3A_330 = tpu.vector_load %arg10[%get3A_328, %get3A_329] {strides = array<i32>} : memref<1152x32xf32, #tpu.memory_space<vmem>>, vector<1x16xf32>,
        %get3A_331 = vector.shape_cast %get3A_330 : vector<1x16xf32> to vector<16xf32>
        %mul3A_332 = vector.broadcast %squeeze3A_325 : f32 to vector<16xf32>
        %mul3A_333 = arith.mulf %mul3A_332, %get3A_331 : vector<16xf32>
        %add3A_334 = arith.addf %add3A_314, %mul3A_333 : vector<16xf32>
        %add3A_335 = arith.constant 8 : i32
        %add3A_336 = arith.addi %add3A_163, %add3A_335 : i32
        %get3A_337 = arith.index_cast %add3A_336 : i32 to index
        %get3A_338 = arith.constant 16 : index
        %get3A_339 = tpu.vector_load %arg10[%get3A_337, %get3A_338] {strides = array<i32>} : memref<1152x32xf32, #tpu.memory_space<vmem>>, vector<1x16xf32>,
        %get3A_340 = vector.shape_cast %get3A_339 : vector<1x16xf32> to vector<16xf32>
        %mul3A_341 = vector.broadcast %squeeze3A_325 : f32 to vector<16xf32>
        %mul3A_342 = arith.mulf %mul3A_341, %get3A_340 : vector<16xf32>
        %add3A_343 = arith.addf %add3A_323, %mul3A_342 : vector<16xf32>
        %slice3A_344 = vector.extract_strided_slice %get3A_165 {offsets = [9], sizes = [1], strides = [1]} : vector<16xf32> to vector<1xf32>
        %squeeze3A_345 = vector.extract %slice3A_344[0] : f32 from vector<1xf32>
        %add3A_346 = arith.constant 9 : i32
        %add3A_347 = arith.addi %add3A_163, %add3A_346 : i32
        %get3A_348 = arith.index_cast %add3A_347 : i32 to index
        %get3A_349 = arith.constant 0 : index
        %get3A_350 = tpu.vector_load %arg10[%get3A_348, %get3A_349] {strides = array<i32>} : memref<1152x32xf32, #tpu.memory_space<vmem>>, vector<1x16xf32>,
        %get3A_351 = vector.shape_cast %get3A_350 : vector<1x16xf32> to vector<16xf32>
        %mul3A_352 = vector.broadcast %squeeze3A_345 : f32 to vector<16xf32>
        %mul3A_353 = arith.mulf %mul3A_352, %get3A_351 : vector<16xf32>
        %add3A_354 = arith.addf %add3A_334, %mul3A_353 : vector<16xf32>
        %add3A_355 = arith.constant 9 : i32
        %add3A_356 = arith.addi %add3A_163, %add3A_355 : i32
        %get3A_357 = arith.index_cast %add3A_356 : i32 to index
        %get3A_358 = arith.constant 16 : index
        %get3A_359 = tpu.vector_load %arg10[%get3A_357, %get3A_358] {strides = array<i32>} : memref<1152x32xf32, #tpu.memory_space<vmem>>, vector<1x16xf32>,
        %get3A_360 = vector.shape_cast %get3A_359 : vector<1x16xf32> to vector<16xf32>
        %mul3A_361 = vector.broadcast %squeeze3A_345 : f32 to vector<16xf32>
        %mul3A_362 = arith.mulf %mul3A_361, %get3A_360 : vector<16xf32>
        %add3A_363 = arith.addf %add3A_343, %mul3A_362 : vector<16xf32>
        %slice3A_364 = vector.extract_strided_slice %get3A_165 {offsets = [10], sizes = [1], strides = [1]} : vector<16xf32> to vector<1xf32>
        %squeeze3A_365 = vector.extract %slice3A_364[0] : f32 from vector<1xf32>
        %add3A_366 = arith.constant 10 : i32
        %add3A_367 = arith.addi %add3A_163, %add3A_366 : i32
        %get3A_368 = arith.index_cast %add3A_367 : i32 to index
        %get3A_369 = arith.constant 0 : index
        %get3A_370 = tpu.vector_load %arg10[%get3A_368, %get3A_369] {strides = array<i32>} : memref<1152x32xf32, #tpu.memory_space<vmem>>, vector<1x16xf32>,
        %get3A_371 = vector.shape_cast %get3A_370 : vector<1x16xf32> to vector<16xf32>
        %mul3A_372 = vector.broadcast %squeeze3A_365 : f32 to vector<16xf32>
        %mul3A_373 = arith.mulf %mul3A_372, %get3A_371 : vector<16xf32>
        %add3A_374 = arith.addf %add3A_354, %mul3A_373 : vector<16xf32>
        %add3A_375 = arith.constant 10 : i32
        %add3A_376 = arith.addi %add3A_163, %add3A_375 : i32
        %get3A_377 = arith.index_cast %add3A_376 : i32 to index
        %get3A_378 = arith.constant 16 : index
        %get3A_379 = tpu.vector_load %arg10[%get3A_377, %get3A_378] {strides = array<i32>} : memref<1152x32xf32, #tpu.memory_space<vmem>>, vector<1x16xf32>,
        %get3A_380 = vector.shape_cast %get3A_379 : vector<1x16xf32> to vector<16xf32>
        %mul3A_381 = vector.broadcast %squeeze3A_365 : f32 to vector<16xf32>
        %mul3A_382 = arith.mulf %mul3A_381, %get3A_380 : vector<16xf32>
        %add3A_383 = arith.addf %add3A_363, %mul3A_382 : vector<16xf32>
        %slice3A_384 = vector.extract_strided_slice %get3A_165 {offsets = [11], sizes = [1], strides = [1]} : vector<16xf32> to vector<1xf32>
        %squeeze3A_385 = vector.extract %slice3A_384[0] : f32 from vector<1xf32>
        %add3A_386 = arith.constant 11 : i32
        %add3A_387 = arith.addi %add3A_163, %add3A_386 : i32
        %get3A_388 = arith.index_cast %add3A_387 : i32 to index
        %get3A_389 = arith.constant 0 : index
        %get3A_390 = tpu.vector_load %arg10[%get3A_388, %get3A_389] {strides = array<i32>} : memref<1152x32xf32, #tpu.memory_space<vmem>>, vector<1x16xf32>,
        %get3A_391 = vector.shape_cast %get3A_390 : vector<1x16xf32> to vector<16xf32>
        %mul3A_392 = vector.broadcast %squeeze3A_385 : f32 to vector<16xf32>
        %mul3A_393 = arith.mulf %mul3A_392, %get3A_391 : vector<16xf32>
        %add3A_394 = arith.addf %add3A_374, %mul3A_393 : vector<16xf32>
        %add3A_395 = arith.constant 11 : i32
        %add3A_396 = arith.addi %add3A_163, %add3A_395 : i32
        %get3A_397 = arith.index_cast %add3A_396 : i32 to index
        %get3A_398 = arith.constant 16 : index
        %get3A_399 = tpu.vector_load %arg10[%get3A_397, %get3A_398] {strides = array<i32>} : memref<1152x32xf32, #tpu.memory_space<vmem>>, vector<1x16xf32>,
        %get3A_400 = vector.shape_cast %get3A_399 : vector<1x16xf32> to vector<16xf32>
        %mul3A_401 = vector.broadcast %squeeze3A_385 : f32 to vector<16xf32>
        %mul3A_402 = arith.mulf %mul3A_401, %get3A_400 : vector<16xf32>
        %add3A_403 = arith.addf %add3A_383, %mul3A_402 : vector<16xf32>
        %mul3A_404 = arith.constant 384 : i32
        %mul3A_405 = arith.muli %select_n3A, %mul3A_404 : i32
        %add3A_406 = arith.constant 96 : i32
        %add3A_407 = arith.addi %mul3A_405, %add3A_406 : i32
        %mul3A_408 = arith.constant 12 : i32
        %mul3A_409 = arith.muli %sub3A_153, %mul3A_408 : i32
        %add3A_410 = arith.addi %add3A_407, %mul3A_409 : i32
        %get3A_411 = arith.index_cast %add3A_410 : i32 to index
        %get3A_412 = tpu.vector_load %arg8[%get3A_411] {strides = array<i32>} : memref<1168xf32, #tpu.memory_space<vmem>>, vector<16xf32>,
        %get3A_413 = vector.shape_cast %get3A_412 : vector<16xf32> to vector<16xf32>
        %slice3A_414 = vector.extract_strided_slice %get3A_413 {offsets = [0], sizes = [1], strides = [1]} : vector<16xf32> to vector<1xf32>
        %squeeze3A_415 = vector.extract %slice3A_414[0] : f32 from vector<1xf32>
        %add3A_416 = arith.constant 0 : i32
        %add3A_417 = arith.addi %add3A_410, %add3A_416 : i32
        %get3A_418 = arith.index_cast %add3A_417 : i32 to index
        %get3A_419 = arith.constant 0 : index
        %get3A_420 = tpu.vector_load %arg10[%get3A_418, %get3A_419] {strides = array<i32>} : memref<1152x32xf32, #tpu.memory_space<vmem>>, vector<1x16xf32>,
        %get3A_421 = vector.shape_cast %get3A_420 : vector<1x16xf32> to vector<16xf32>
        %mul3A_422 = vector.broadcast %squeeze3A_415 : f32 to vector<16xf32>
        %mul3A_423 = arith.mulf %mul3A_422, %get3A_421 : vector<16xf32>
        %add3A_424 = arith.addf %add3A_394, %mul3A_423 : vector<16xf32>
        %add3A_425 = arith.constant 0 : i32
        %add3A_426 = arith.addi %add3A_410, %add3A_425 : i32
        %get3A_427 = arith.index_cast %add3A_426 : i32 to index
        %get3A_428 = arith.constant 16 : index
        %get3A_429 = tpu.vector_load %arg10[%get3A_427, %get3A_428] {strides = array<i32>} : memref<1152x32xf32, #tpu.memory_space<vmem>>, vector<1x16xf32>,
        %get3A_430 = vector.shape_cast %get3A_429 : vector<1x16xf32> to vector<16xf32>
        %mul3A_431 = vector.broadcast %squeeze3A_415 : f32 to vector<16xf32>
        %mul3A_432 = arith.mulf %mul3A_431, %get3A_430 : vector<16xf32>
        %add3A_433 = arith.addf %add3A_403, %mul3A_432 : vector<16xf32>
        %slice3A_434 = vector.extract_strided_slice %get3A_413 {offsets = [1], sizes = [1], strides = [1]} : vector<16xf32> to vector<1xf32>
        %squeeze3A_435 = vector.extract %slice3A_434[0] : f32 from vector<1xf32>
        %add3A_436 = arith.constant 1 : i32
        %add3A_437 = arith.addi %add3A_410, %add3A_436 : i32
        %get3A_438 = arith.index_cast %add3A_437 : i32 to index
        %get3A_439 = arith.constant 0 : index
        %get3A_440 = tpu.vector_load %arg10[%get3A_438, %get3A_439] {strides = array<i32>} : memref<1152x32xf32, #tpu.memory_space<vmem>>, vector<1x16xf32>,
        %get3A_441 = vector.shape_cast %get3A_440 : vector<1x16xf32> to vector<16xf32>
        %mul3A_442 = vector.broadcast %squeeze3A_435 : f32 to vector<16xf32>
        %mul3A_443 = arith.mulf %mul3A_442, %get3A_441 : vector<16xf32>
        %add3A_444 = arith.addf %add3A_424, %mul3A_443 : vector<16xf32>
        %add3A_445 = arith.constant 1 : i32
        %add3A_446 = arith.addi %add3A_410, %add3A_445 : i32
        %get3A_447 = arith.index_cast %add3A_446 : i32 to index
        %get3A_448 = arith.constant 16 : index
        %get3A_449 = tpu.vector_load %arg10[%get3A_447, %get3A_448] {strides = array<i32>} : memref<1152x32xf32, #tpu.memory_space<vmem>>, vector<1x16xf32>,
        %get3A_450 = vector.shape_cast %get3A_449 : vector<1x16xf32> to vector<16xf32>
        %mul3A_451 = vector.broadcast %squeeze3A_435 : f32 to vector<16xf32>
        %mul3A_452 = arith.mulf %mul3A_451, %get3A_450 : vector<16xf32>
        %add3A_453 = arith.addf %add3A_433, %mul3A_452 : vector<16xf32>
        %slice3A_454 = vector.extract_strided_slice %get3A_413 {offsets = [2], sizes = [1], strides = [1]} : vector<16xf32> to vector<1xf32>
        %squeeze3A_455 = vector.extract %slice3A_454[0] : f32 from vector<1xf32>
        %add3A_456 = arith.constant 2 : i32
        %add3A_457 = arith.addi %add3A_410, %add3A_456 : i32
        %get3A_458 = arith.index_cast %add3A_457 : i32 to index
        %get3A_459 = arith.constant 0 : index
        %get3A_460 = tpu.vector_load %arg10[%get3A_458, %get3A_459] {strides = array<i32>} : memref<1152x32xf32, #tpu.memory_space<vmem>>, vector<1x16xf32>,
        %get3A_461 = vector.shape_cast %get3A_460 : vector<1x16xf32> to vector<16xf32>
        %mul3A_462 = vector.broadcast %squeeze3A_455 : f32 to vector<16xf32>
        %mul3A_463 = arith.mulf %mul3A_462, %get3A_461 : vector<16xf32>
        %add3A_464 = arith.addf %add3A_444, %mul3A_463 : vector<16xf32>
        %add3A_465 = arith.constant 2 : i32
        %add3A_466 = arith.addi %add3A_410, %add3A_465 : i32
        %get3A_467 = arith.index_cast %add3A_466 : i32 to index
        %get3A_468 = arith.constant 16 : index
        %get3A_469 = tpu.vector_load %arg10[%get3A_467, %get3A_468] {strides = array<i32>} : memref<1152x32xf32, #tpu.memory_space<vmem>>, vector<1x16xf32>,
        %get3A_470 = vector.shape_cast %get3A_469 : vector<1x16xf32> to vector<16xf32>
        %mul3A_471 = vector.broadcast %squeeze3A_455 : f32 to vector<16xf32>
        %mul3A_472 = arith.mulf %mul3A_471, %get3A_470 : vector<16xf32>
        %add3A_473 = arith.addf %add3A_453, %mul3A_472 : vector<16xf32>
        %slice3A_474 = vector.extract_strided_slice %get3A_413 {offsets = [3], sizes = [1], strides = [1]} : vector<16xf32> to vector<1xf32>
        %squeeze3A_475 = vector.extract %slice3A_474[0] : f32 from vector<1xf32>
        %add3A_476 = arith.constant 3 : i32
        %add3A_477 = arith.addi %add3A_410, %add3A_476 : i32
        %get3A_478 = arith.index_cast %add3A_477 : i32 to index
        %get3A_479 = arith.constant 0 : index
        %get3A_480 = tpu.vector_load %arg10[%get3A_478, %get3A_479] {strides = array<i32>} : memref<1152x32xf32, #tpu.memory_space<vmem>>, vector<1x16xf32>,
        %get3A_481 = vector.shape_cast %get3A_480 : vector<1x16xf32> to vector<16xf32>
        %mul3A_482 = vector.broadcast %squeeze3A_475 : f32 to vector<16xf32>
        %mul3A_483 = arith.mulf %mul3A_482, %get3A_481 : vector<16xf32>
        %add3A_484 = arith.addf %add3A_464, %mul3A_483 : vector<16xf32>
        %add3A_485 = arith.constant 3 : i32
        %add3A_486 = arith.addi %add3A_410, %add3A_485 : i32
        %get3A_487 = arith.index_cast %add3A_486 : i32 to index
        %get3A_488 = arith.constant 16 : index
        %get3A_489 = tpu.vector_load %arg10[%get3A_487, %get3A_488] {strides = array<i32>} : memref<1152x32xf32, #tpu.memory_space<vmem>>, vector<1x16xf32>,
        %get3A_490 = vector.shape_cast %get3A_489 : vector<1x16xf32> to vector<16xf32>
        %mul3A_491 = vector.broadcast %squeeze3A_475 : f32 to vector<16xf32>
        %mul3A_492 = arith.mulf %mul3A_491, %get3A_490 : vector<16xf32>
        %add3A_493 = arith.addf %add3A_473, %mul3A_492 : vector<16xf32>
        %slice3A_494 = vector.extract_strided_slice %get3A_413 {offsets = [4], sizes = [1], strides = [1]} : vector<16xf32> to vector<1xf32>
        %squeeze3A_495 = vector.extract %slice3A_494[0] : f32 from vector<1xf32>
        %add3A_496 = arith.constant 4 : i32
        %add3A_497 = arith.addi %add3A_410, %add3A_496 : i32
        %get3A_498 = arith.index_cast %add3A_497 : i32 to index
        %get3A_499 = arith.constant 0 : index
        %get3A_500 = tpu.vector_load %arg10[%get3A_498, %get3A_499] {strides = array<i32>} : memref<1152x32xf32, #tpu.memory_space<vmem>>, vector<1x16xf32>,
        %get3A_501 = vector.shape_cast %get3A_500 : vector<1x16xf32> to vector<16xf32>
        %mul3A_502 = vector.broadcast %squeeze3A_495 : f32 to vector<16xf32>
        %mul3A_503 = arith.mulf %mul3A_502, %get3A_501 : vector<16xf32>
        %add3A_504 = arith.addf %add3A_484, %mul3A_503 : vector<16xf32>
        %add3A_505 = arith.constant 4 : i32
        %add3A_506 = arith.addi %add3A_410, %add3A_505 : i32
        %get3A_507 = arith.index_cast %add3A_506 : i32 to index
        %get3A_508 = arith.constant 16 : index
        %get3A_509 = tpu.vector_load %arg10[%get3A_507, %get3A_508] {strides = array<i32>} : memref<1152x32xf32, #tpu.memory_space<vmem>>, vector<1x16xf32>,
        %get3A_510 = vector.shape_cast %get3A_509 : vector<1x16xf32> to vector<16xf32>
        %mul3A_511 = vector.broadcast %squeeze3A_495 : f32 to vector<16xf32>
        %mul3A_512 = arith.mulf %mul3A_511, %get3A_510 : vector<16xf32>
        %add3A_513 = arith.addf %add3A_493, %mul3A_512 : vector<16xf32>
        %slice3A_514 = vector.extract_strided_slice %get3A_413 {offsets = [5], sizes = [1], strides = [1]} : vector<16xf32> to vector<1xf32>
        %squeeze3A_515 = vector.extract %slice3A_514[0] : f32 from vector<1xf32>
        %add3A_516 = arith.constant 5 : i32
        %add3A_517 = arith.addi %add3A_410, %add3A_516 : i32
        %get3A_518 = arith.index_cast %add3A_517 : i32 to index
        %get3A_519 = arith.constant 0 : index
        %get3A_520 = tpu.vector_load %arg10[%get3A_518, %get3A_519] {strides = array<i32>} : memref<1152x32xf32, #tpu.memory_space<vmem>>, vector<1x16xf32>,
        %get3A_521 = vector.shape_cast %get3A_520 : vector<1x16xf32> to vector<16xf32>
        %mul3A_522 = vector.broadcast %squeeze3A_515 : f32 to vector<16xf32>
        %mul3A_523 = arith.mulf %mul3A_522, %get3A_521 : vector<16xf32>
        %add3A_524 = arith.addf %add3A_504, %mul3A_523 : vector<16xf32>
        %add3A_525 = arith.constant 5 : i32
        %add3A_526 = arith.addi %add3A_410, %add3A_525 : i32
        %get3A_527 = arith.index_cast %add3A_526 : i32 to index
        %get3A_528 = arith.constant 16 : index
        %get3A_529 = tpu.vector_load %arg10[%get3A_527, %get3A_528] {strides = array<i32>} : memref<1152x32xf32, #tpu.memory_space<vmem>>, vector<1x16xf32>,
        %get3A_530 = vector.shape_cast %get3A_529 : vector<1x16xf32> to vector<16xf32>
        %mul3A_531 = vector.broadcast %squeeze3A_515 : f32 to vector<16xf32>
        %mul3A_532 = arith.mulf %mul3A_531, %get3A_530 : vector<16xf32>
        %add3A_533 = arith.addf %add3A_513, %mul3A_532 : vector<16xf32>
        %slice3A_534 = vector.extract_strided_slice %get3A_413 {offsets = [6], sizes = [1], strides = [1]} : vector<16xf32> to vector<1xf32>
        %squeeze3A_535 = vector.extract %slice3A_534[0] : f32 from vector<1xf32>
        %add3A_536 = arith.constant 6 : i32
        %add3A_537 = arith.addi %add3A_410, %add3A_536 : i32
        %get3A_538 = arith.index_cast %add3A_537 : i32 to index
        %get3A_539 = arith.constant 0 : index
        %get3A_540 = tpu.vector_load %arg10[%get3A_538, %get3A_539] {strides = array<i32>} : memref<1152x32xf32, #tpu.memory_space<vmem>>, vector<1x16xf32>,
        %get3A_541 = vector.shape_cast %get3A_540 : vector<1x16xf32> to vector<16xf32>
        %mul3A_542 = vector.broadcast %squeeze3A_535 : f32 to vector<16xf32>
        %mul3A_543 = arith.mulf %mul3A_542, %get3A_541 : vector<16xf32>
        %add3A_544 = arith.addf %add3A_524, %mul3A_543 : vector<16xf32>
        %add3A_545 = arith.constant 6 : i32
        %add3A_546 = arith.addi %add3A_410, %add3A_545 : i32
        %get3A_547 = arith.index_cast %add3A_546 : i32 to index
        %get3A_548 = arith.constant 16 : index
        %get3A_549 = tpu.vector_load %arg10[%get3A_547, %get3A_548] {strides = array<i32>} : memref<1152x32xf32, #tpu.memory_space<vmem>>, vector<1x16xf32>,
        %get3A_550 = vector.shape_cast %get3A_549 : vector<1x16xf32> to vector<16xf32>
        %mul3A_551 = vector.broadcast %squeeze3A_535 : f32 to vector<16xf32>
        %mul3A_552 = arith.mulf %mul3A_551, %get3A_550 : vector<16xf32>
        %add3A_553 = arith.addf %add3A_533, %mul3A_552 : vector<16xf32>
        %slice3A_554 = vector.extract_strided_slice %get3A_413 {offsets = [7], sizes = [1], strides = [1]} : vector<16xf32> to vector<1xf32>
        %squeeze3A_555 = vector.extract %slice3A_554[0] : f32 from vector<1xf32>
        %add3A_556 = arith.constant 7 : i32
        %add3A_557 = arith.addi %add3A_410, %add3A_556 : i32
        %get3A_558 = arith.index_cast %add3A_557 : i32 to index
        %get3A_559 = arith.constant 0 : index
        %get3A_560 = tpu.vector_load %arg10[%get3A_558, %get3A_559] {strides = array<i32>} : memref<1152x32xf32, #tpu.memory_space<vmem>>, vector<1x16xf32>,
        %get3A_561 = vector.shape_cast %get3A_560 : vector<1x16xf32> to vector<16xf32>
        %mul3A_562 = vector.broadcast %squeeze3A_555 : f32 to vector<16xf32>
        %mul3A_563 = arith.mulf %mul3A_562, %get3A_561 : vector<16xf32>
        %add3A_564 = arith.addf %add3A_544, %mul3A_563 : vector<16xf32>
        %add3A_565 = arith.constant 7 : i32
        %add3A_566 = arith.addi %add3A_410, %add3A_565 : i32
        %get3A_567 = arith.index_cast %add3A_566 : i32 to index
        %get3A_568 = arith.constant 16 : index
        %get3A_569 = tpu.vector_load %arg10[%get3A_567, %get3A_568] {strides = array<i32>} : memref<1152x32xf32, #tpu.memory_space<vmem>>, vector<1x16xf32>,
        %get3A_570 = vector.shape_cast %get3A_569 : vector<1x16xf32> to vector<16xf32>
        %mul3A_571 = vector.broadcast %squeeze3A_555 : f32 to vector<16xf32>
        %mul3A_572 = arith.mulf %mul3A_571, %get3A_570 : vector<16xf32>
        %add3A_573 = arith.addf %add3A_553, %mul3A_572 : vector<16xf32>
        %slice3A_574 = vector.extract_strided_slice %get3A_413 {offsets = [8], sizes = [1], strides = [1]} : vector<16xf32> to vector<1xf32>
        %squeeze3A_575 = vector.extract %slice3A_574[0] : f32 from vector<1xf32>
        %add3A_576 = arith.constant 8 : i32
        %add3A_577 = arith.addi %add3A_410, %add3A_576 : i32
        %get3A_578 = arith.index_cast %add3A_577 : i32 to index
        %get3A_579 = arith.constant 0 : index
        %get3A_580 = tpu.vector_load %arg10[%get3A_578, %get3A_579] {strides = array<i32>} : memref<1152x32xf32, #tpu.memory_space<vmem>>, vector<1x16xf32>,
        %get3A_581 = vector.shape_cast %get3A_580 : vector<1x16xf32> to vector<16xf32>
        %mul3A_582 = vector.broadcast %squeeze3A_575 : f32 to vector<16xf32>
        %mul3A_583 = arith.mulf %mul3A_582, %get3A_581 : vector<16xf32>
        %add3A_584 = arith.addf %add3A_564, %mul3A_583 : vector<16xf32>
        %add3A_585 = arith.constant 8 : i32
        %add3A_586 = arith.addi %add3A_410, %add3A_585 : i32
        %get3A_587 = arith.index_cast %add3A_586 : i32 to index
        %get3A_588 = arith.constant 16 : index
        %get3A_589 = tpu.vector_load %arg10[%get3A_587, %get3A_588] {strides = array<i32>} : memref<1152x32xf32, #tpu.memory_space<vmem>>, vector<1x16xf32>,
        %get3A_590 = vector.shape_cast %get3A_589 : vector<1x16xf32> to vector<16xf32>
        %mul3A_591 = vector.broadcast %squeeze3A_575 : f32 to vector<16xf32>
        %mul3A_592 = arith.mulf %mul3A_591, %get3A_590 : vector<16xf32>
        %add3A_593 = arith.addf %add3A_573, %mul3A_592 : vector<16xf32>
        %slice3A_594 = vector.extract_strided_slice %get3A_413 {offsets = [9], sizes = [1], strides = [1]} : vector<16xf32> to vector<1xf32>
        %squeeze3A_595 = vector.extract %slice3A_594[0] : f32 from vector<1xf32>
        %add3A_596 = arith.constant 9 : i32
        %add3A_597 = arith.addi %add3A_410, %add3A_596 : i32
        %get3A_598 = arith.index_cast %add3A_597 : i32 to index
        %get3A_599 = arith.constant 0 : index
        %get3A_600 = tpu.vector_load %arg10[%get3A_598, %get3A_599] {strides = array<i32>} : memref<1152x32xf32, #tpu.memory_space<vmem>>, vector<1x16xf32>,
        %get3A_601 = vector.shape_cast %get3A_600 : vector<1x16xf32> to vector<16xf32>
        %mul3A_602 = vector.broadcast %squeeze3A_595 : f32 to vector<16xf32>
        %mul3A_603 = arith.mulf %mul3A_602, %get3A_601 : vector<16xf32>
        %add3A_604 = arith.addf %add3A_584, %mul3A_603 : vector<16xf32>
        %add3A_605 = arith.constant 9 : i32
        %add3A_606 = arith.addi %add3A_410, %add3A_605 : i32
        %get3A_607 = arith.index_cast %add3A_606 : i32 to index
        %get3A_608 = arith.constant 16 : index
        %get3A_609 = tpu.vector_load %arg10[%get3A_607, %get3A_608] {strides = array<i32>} : memref<1152x32xf32, #tpu.memory_space<vmem>>, vector<1x16xf32>,
        %get3A_610 = vector.shape_cast %get3A_609 : vector<1x16xf32> to vector<16xf32>
        %mul3A_611 = vector.broadcast %squeeze3A_595 : f32 to vector<16xf32>
        %mul3A_612 = arith.mulf %mul3A_611, %get3A_610 : vector<16xf32>
        %add3A_613 = arith.addf %add3A_593, %mul3A_612 : vector<16xf32>
        %slice3A_614 = vector.extract_strided_slice %get3A_413 {offsets = [10], sizes = [1], strides = [1]} : vector<16xf32> to vector<1xf32>
        %squeeze3A_615 = vector.extract %slice3A_614[0] : f32 from vector<1xf32>
        %add3A_616 = arith.constant 10 : i32
        %add3A_617 = arith.addi %add3A_410, %add3A_616 : i32
        %get3A_618 = arith.index_cast %add3A_617 : i32 to index
        %get3A_619 = arith.constant 0 : index
        %get3A_620 = tpu.vector_load %arg10[%get3A_618, %get3A_619] {strides = array<i32>} : memref<1152x32xf32, #tpu.memory_space<vmem>>, vector<1x16xf32>,
        %get3A_621 = vector.shape_cast %get3A_620 : vector<1x16xf32> to vector<16xf32>
        %mul3A_622 = vector.broadcast %squeeze3A_615 : f32 to vector<16xf32>
        %mul3A_623 = arith.mulf %mul3A_622, %get3A_621 : vector<16xf32>
        %add3A_624 = arith.addf %add3A_604, %mul3A_623 : vector<16xf32>
        %add3A_625 = arith.constant 10 : i32
        %add3A_626 = arith.addi %add3A_410, %add3A_625 : i32
        %get3A_627 = arith.index_cast %add3A_626 : i32 to index
        %get3A_628 = arith.constant 16 : index
        %get3A_629 = tpu.vector_load %arg10[%get3A_627, %get3A_628] {strides = array<i32>} : memref<1152x32xf32, #tpu.memory_space<vmem>>, vector<1x16xf32>,
        %get3A_630 = vector.shape_cast %get3A_629 : vector<1x16xf32> to vector<16xf32>
        %mul3A_631 = vector.broadcast %squeeze3A_615 : f32 to vector<16xf32>
        %mul3A_632 = arith.mulf %mul3A_631, %get3A_630 : vector<16xf32>
        %add3A_633 = arith.addf %add3A_613, %mul3A_632 : vector<16xf32>
        %slice3A_634 = vector.extract_strided_slice %get3A_413 {offsets = [11], sizes = [1], strides = [1]} : vector<16xf32> to vector<1xf32>
        %squeeze3A_635 = vector.extract %slice3A_634[0] : f32 from vector<1xf32>
        %add3A_636 = arith.constant 11 : i32
        %add3A_637 = arith.addi %add3A_410, %add3A_636 : i32
        %get3A_638 = arith.index_cast %add3A_637 : i32 to index
        %get3A_639 = arith.constant 0 : index
        %get3A_640 = tpu.vector_load %arg10[%get3A_638, %get3A_639] {strides = array<i32>} : memref<1152x32xf32, #tpu.memory_space<vmem>>, vector<1x16xf32>,
        %get3A_641 = vector.shape_cast %get3A_640 : vector<1x16xf32> to vector<16xf32>
        %mul3A_642 = vector.broadcast %squeeze3A_635 : f32 to vector<16xf32>
        %mul3A_643 = arith.mulf %mul3A_642, %get3A_641 : vector<16xf32>
        %add3A_644 = arith.addf %add3A_624, %mul3A_643 : vector<16xf32>
        %add3A_645 = arith.constant 11 : i32
        %add3A_646 = arith.addi %add3A_410, %add3A_645 : i32
        %get3A_647 = arith.index_cast %add3A_646 : i32 to index
        %get3A_648 = arith.constant 16 : index
        %get3A_649 = tpu.vector_load %arg10[%get3A_647, %get3A_648] {strides = array<i32>} : memref<1152x32xf32, #tpu.memory_space<vmem>>, vector<1x16xf32>,
        %get3A_650 = vector.shape_cast %get3A_649 : vector<1x16xf32> to vector<16xf32>
        %mul3A_651 = vector.broadcast %squeeze3A_635 : f32 to vector<16xf32>
        %mul3A_652 = arith.mulf %mul3A_651, %get3A_650 : vector<16xf32>
        %add3A_653 = arith.addf %add3A_633, %mul3A_652 : vector<16xf32>
        %mul3A_654 = arith.constant 384 : i32
        %mul3A_655 = arith.muli %select_n3A, %mul3A_654 : i32
        %add3A_656 = arith.constant 192 : i32
        %add3A_657 = arith.addi %mul3A_655, %add3A_656 : i32
        %mul3A_658 = arith.constant 12 : i32
        %mul3A_659 = arith.muli %sub3A_153, %mul3A_658 : i32
        %add3A_660 = arith.addi %add3A_657, %mul3A_659 : i32
        %get3A_661 = arith.index_cast %add3A_660 : i32 to index
        %get3A_662 = tpu.vector_load %arg8[%get3A_661] {strides = array<i32>} : memref<1168xf32, #tpu.memory_space<vmem>>, vector<16xf32>,
        %get3A_663 = vector.shape_cast %get3A_662 : vector<16xf32> to vector<16xf32>
        %slice3A_664 = vector.extract_strided_slice %get3A_663 {offsets = [0], sizes = [1], strides = [1]} : vector<16xf32> to vector<1xf32>
        %squeeze3A_665 = vector.extract %slice3A_664[0] : f32 from vector<1xf32>
        %add3A_666 = arith.constant 0 : i32
        %add3A_667 = arith.addi %add3A_660, %add3A_666 : i32
        %get3A_668 = arith.index_cast %add3A_667 : i32 to index
        %get3A_669 = arith.constant 0 : index
        %get3A_670 = tpu.vector_load %arg10[%get3A_668, %get3A_669] {strides = array<i32>} : memref<1152x32xf32, #tpu.memory_space<vmem>>, vector<1x16xf32>,
        %get3A_671 = vector.shape_cast %get3A_670 : vector<1x16xf32> to vector<16xf32>
        %mul3A_672 = vector.broadcast %squeeze3A_665 : f32 to vector<16xf32>
        %mul3A_673 = arith.mulf %mul3A_672, %get3A_671 : vector<16xf32>
        %add3A_674 = arith.addf %add3A_644, %mul3A_673 : vector<16xf32>
        %add3A_675 = arith.constant 0 : i32
        %add3A_676 = arith.addi %add3A_660, %add3A_675 : i32
        %get3A_677 = arith.index_cast %add3A_676 : i32 to index
        %get3A_678 = arith.constant 16 : index
        %get3A_679 = tpu.vector_load %arg10[%get3A_677, %get3A_678] {strides = array<i32>} : memref<1152x32xf32, #tpu.memory_space<vmem>>, vector<1x16xf32>,
        %get3A_680 = vector.shape_cast %get3A_679 : vector<1x16xf32> to vector<16xf32>
        %mul3A_681 = vector.broadcast %squeeze3A_665 : f32 to vector<16xf32>
        %mul3A_682 = arith.mulf %mul3A_681, %get3A_680 : vector<16xf32>
        %add3A_683 = arith.addf %add3A_653, %mul3A_682 : vector<16xf32>
        %slice3A_684 = vector.extract_strided_slice %get3A_663 {offsets = [1], sizes = [1], strides = [1]} : vector<16xf32> to vector<1xf32>
        %squeeze3A_685 = vector.extract %slice3A_684[0] : f32 from vector<1xf32>
        %add3A_686 = arith.constant 1 : i32
        %add3A_687 = arith.addi %add3A_660, %add3A_686 : i32
        %get3A_688 = arith.index_cast %add3A_687 : i32 to index
        %get3A_689 = arith.constant 0 : index
        %get3A_690 = tpu.vector_load %arg10[%get3A_688, %get3A_689] {strides = array<i32>} : memref<1152x32xf32, #tpu.memory_space<vmem>>, vector<1x16xf32>,
        %get3A_691 = vector.shape_cast %get3A_690 : vector<1x16xf32> to vector<16xf32>
        %mul3A_692 = vector.broadcast %squeeze3A_685 : f32 to vector<16xf32>
        %mul3A_693 = arith.mulf %mul3A_692, %get3A_691 : vector<16xf32>
        %add3A_694 = arith.addf %add3A_674, %mul3A_693 : vector<16xf32>
        %add3A_695 = arith.constant 1 : i32
        %add3A_696 = arith.addi %add3A_660, %add3A_695 : i32
        %get3A_697 = arith.index_cast %add3A_696 : i32 to index
        %get3A_698 = arith.constant 16 : index
        %get3A_699 = tpu.vector_load %arg10[%get3A_697, %get3A_698] {strides = array<i32>} : memref<1152x32xf32, #tpu.memory_space<vmem>>, vector<1x16xf32>,
        %get3A_700 = vector.shape_cast %get3A_699 : vector<1x16xf32> to vector<16xf32>
        %mul3A_701 = vector.broadcast %squeeze3A_685 : f32 to vector<16xf32>
        %mul3A_702 = arith.mulf %mul3A_701, %get3A_700 : vector<16xf32>
        %add3A_703 = arith.addf %add3A_683, %mul3A_702 : vector<16xf32>
        %slice3A_704 = vector.extract_strided_slice %get3A_663 {offsets = [2], sizes = [1], strides = [1]} : vector<16xf32> to vector<1xf32>
        %squeeze3A_705 = vector.extract %slice3A_704[0] : f32 from vector<1xf32>
        %add3A_706 = arith.constant 2 : i32
        %add3A_707 = arith.addi %add3A_660, %add3A_706 : i32
        %get3A_708 = arith.index_cast %add3A_707 : i32 to index
        %get3A_709 = arith.constant 0 : index
        %get3A_710 = tpu.vector_load %arg10[%get3A_708, %get3A_709] {strides = array<i32>} : memref<1152x32xf32, #tpu.memory_space<vmem>>, vector<1x16xf32>,
        %get3A_711 = vector.shape_cast %get3A_710 : vector<1x16xf32> to vector<16xf32>
        %mul3A_712 = vector.broadcast %squeeze3A_705 : f32 to vector<16xf32>
        %mul3A_713 = arith.mulf %mul3A_712, %get3A_711 : vector<16xf32>
        %add3A_714 = arith.addf %add3A_694, %mul3A_713 : vector<16xf32>
        %add3A_715 = arith.constant 2 : i32
        %add3A_716 = arith.addi %add3A_660, %add3A_715 : i32
        %get3A_717 = arith.index_cast %add3A_716 : i32 to index
        %get3A_718 = arith.constant 16 : index
        %get3A_719 = tpu.vector_load %arg10[%get3A_717, %get3A_718] {strides = array<i32>} : memref<1152x32xf32, #tpu.memory_space<vmem>>, vector<1x16xf32>,
        %get3A_720 = vector.shape_cast %get3A_719 : vector<1x16xf32> to vector<16xf32>
        %mul3A_721 = vector.broadcast %squeeze3A_705 : f32 to vector<16xf32>
        %mul3A_722 = arith.mulf %mul3A_721, %get3A_720 : vector<16xf32>
        %add3A_723 = arith.addf %add3A_703, %mul3A_722 : vector<16xf32>
        %slice3A_724 = vector.extract_strided_slice %get3A_663 {offsets = [3], sizes = [1], strides = [1]} : vector<16xf32> to vector<1xf32>
        %squeeze3A_725 = vector.extract %slice3A_724[0] : f32 from vector<1xf32>
        %add3A_726 = arith.constant 3 : i32
        %add3A_727 = arith.addi %add3A_660, %add3A_726 : i32
        %get3A_728 = arith.index_cast %add3A_727 : i32 to index
        %get3A_729 = arith.constant 0 : index
        %get3A_730 = tpu.vector_load %arg10[%get3A_728, %get3A_729] {strides = array<i32>} : memref<1152x32xf32, #tpu.memory_space<vmem>>, vector<1x16xf32>,
        %get3A_731 = vector.shape_cast %get3A_730 : vector<1x16xf32> to vector<16xf32>
        %mul3A_732 = vector.broadcast %squeeze3A_725 : f32 to vector<16xf32>
        %mul3A_733 = arith.mulf %mul3A_732, %get3A_731 : vector<16xf32>
        %add3A_734 = arith.addf %add3A_714, %mul3A_733 : vector<16xf32>
        %add3A_735 = arith.constant 3 : i32
        %add3A_736 = arith.addi %add3A_660, %add3A_735 : i32
        %get3A_737 = arith.index_cast %add3A_736 : i32 to index
        %get3A_738 = arith.constant 16 : index
        %get3A_739 = tpu.vector_load %arg10[%get3A_737, %get3A_738] {strides = array<i32>} : memref<1152x32xf32, #tpu.memory_space<vmem>>, vector<1x16xf32>,
        %get3A_740 = vector.shape_cast %get3A_739 : vector<1x16xf32> to vector<16xf32>
        %mul3A_741 = vector.broadcast %squeeze3A_725 : f32 to vector<16xf32>
        %mul3A_742 = arith.mulf %mul3A_741, %get3A_740 : vector<16xf32>
        %add3A_743 = arith.addf %add3A_723, %mul3A_742 : vector<16xf32>
        %slice3A_744 = vector.extract_strided_slice %get3A_663 {offsets = [4], sizes = [1], strides = [1]} : vector<16xf32> to vector<1xf32>
        %squeeze3A_745 = vector.extract %slice3A_744[0] : f32 from vector<1xf32>
        %add3A_746 = arith.constant 4 : i32
        %add3A_747 = arith.addi %add3A_660, %add3A_746 : i32
        %get3A_748 = arith.index_cast %add3A_747 : i32 to index
        %get3A_749 = arith.constant 0 : index
        %get3A_750 = tpu.vector_load %arg10[%get3A_748, %get3A_749] {strides = array<i32>} : memref<1152x32xf32, #tpu.memory_space<vmem>>, vector<1x16xf32>,
        %get3A_751 = vector.shape_cast %get3A_750 : vector<1x16xf32> to vector<16xf32>
        %mul3A_752 = vector.broadcast %squeeze3A_745 : f32 to vector<16xf32>
        %mul3A_753 = arith.mulf %mul3A_752, %get3A_751 : vector<16xf32>
        %add3A_754 = arith.addf %add3A_734, %mul3A_753 : vector<16xf32>
        %add3A_755 = arith.constant 4 : i32
        %add3A_756 = arith.addi %add3A_660, %add3A_755 : i32
        %get3A_757 = arith.index_cast %add3A_756 : i32 to index
        %get3A_758 = arith.constant 16 : index
        %get3A_759 = tpu.vector_load %arg10[%get3A_757, %get3A_758] {strides = array<i32>} : memref<1152x32xf32, #tpu.memory_space<vmem>>, vector<1x16xf32>,
        %get3A_760 = vector.shape_cast %get3A_759 : vector<1x16xf32> to vector<16xf32>
        %mul3A_761 = vector.broadcast %squeeze3A_745 : f32 to vector<16xf32>
        %mul3A_762 = arith.mulf %mul3A_761, %get3A_760 : vector<16xf32>
        %add3A_763 = arith.addf %add3A_743, %mul3A_762 : vector<16xf32>
        %slice3A_764 = vector.extract_strided_slice %get3A_663 {offsets = [5], sizes = [1], strides = [1]} : vector<16xf32> to vector<1xf32>
        %squeeze3A_765 = vector.extract %slice3A_764[0] : f32 from vector<1xf32>
        %add3A_766 = arith.constant 5 : i32
        %add3A_767 = arith.addi %add3A_660, %add3A_766 : i32
        %get3A_768 = arith.index_cast %add3A_767 : i32 to index
        %get3A_769 = arith.constant 0 : index
        %get3A_770 = tpu.vector_load %arg10[%get3A_768, %get3A_769] {strides = array<i32>} : memref<1152x32xf32, #tpu.memory_space<vmem>>, vector<1x16xf32>,
        %get3A_771 = vector.shape_cast %get3A_770 : vector<1x16xf32> to vector<16xf32>
        %mul3A_772 = vector.broadcast %squeeze3A_765 : f32 to vector<16xf32>
        %mul3A_773 = arith.mulf %mul3A_772, %get3A_771 : vector<16xf32>
        %add3A_774 = arith.addf %add3A_754, %mul3A_773 : vector<16xf32>
        %add3A_775 = arith.constant 5 : i32
        %add3A_776 = arith.addi %add3A_660, %add3A_775 : i32
        %get3A_777 = arith.index_cast %add3A_776 : i32 to index
        %get3A_778 = arith.constant 16 : index
        %get3A_779 = tpu.vector_load %arg10[%get3A_777, %get3A_778] {strides = array<i32>} : memref<1152x32xf32, #tpu.memory_space<vmem>>, vector<1x16xf32>,
        %get3A_780 = vector.shape_cast %get3A_779 : vector<1x16xf32> to vector<16xf32>
        %mul3A_781 = vector.broadcast %squeeze3A_765 : f32 to vector<16xf32>
        %mul3A_782 = arith.mulf %mul3A_781, %get3A_780 : vector<16xf32>
        %add3A_783 = arith.addf %add3A_763, %mul3A_782 : vector<16xf32>
        %slice3A_784 = vector.extract_strided_slice %get3A_663 {offsets = [6], sizes = [1], strides = [1]} : vector<16xf32> to vector<1xf32>
        %squeeze3A_785 = vector.extract %slice3A_784[0] : f32 from vector<1xf32>
        %add3A_786 = arith.constant 6 : i32
        %add3A_787 = arith.addi %add3A_660, %add3A_786 : i32
        %get3A_788 = arith.index_cast %add3A_787 : i32 to index
        %get3A_789 = arith.constant 0 : index
        %get3A_790 = tpu.vector_load %arg10[%get3A_788, %get3A_789] {strides = array<i32>} : memref<1152x32xf32, #tpu.memory_space<vmem>>, vector<1x16xf32>,
        %get3A_791 = vector.shape_cast %get3A_790 : vector<1x16xf32> to vector<16xf32>
        %mul3A_792 = vector.broadcast %squeeze3A_785 : f32 to vector<16xf32>
        %mul3A_793 = arith.mulf %mul3A_792, %get3A_791 : vector<16xf32>
        %add3A_794 = arith.addf %add3A_774, %mul3A_793 : vector<16xf32>
        %add3A_795 = arith.constant 6 : i32
        %add3A_796 = arith.addi %add3A_660, %add3A_795 : i32
        %get3A_797 = arith.index_cast %add3A_796 : i32 to index
        %get3A_798 = arith.constant 16 : index
        %get3A_799 = tpu.vector_load %arg10[%get3A_797, %get3A_798] {strides = array<i32>} : memref<1152x32xf32, #tpu.memory_space<vmem>>, vector<1x16xf32>,
        %get3A_800 = vector.shape_cast %get3A_799 : vector<1x16xf32> to vector<16xf32>
        %mul3A_801 = vector.broadcast %squeeze3A_785 : f32 to vector<16xf32>
        %mul3A_802 = arith.mulf %mul3A_801, %get3A_800 : vector<16xf32>
        %add3A_803 = arith.addf %add3A_783, %mul3A_802 : vector<16xf32>
        %slice3A_804 = vector.extract_strided_slice %get3A_663 {offsets = [7], sizes = [1], strides = [1]} : vector<16xf32> to vector<1xf32>
        %squeeze3A_805 = vector.extract %slice3A_804[0] : f32 from vector<1xf32>
        %add3A_806 = arith.constant 7 : i32
        %add3A_807 = arith.addi %add3A_660, %add3A_806 : i32
        %get3A_808 = arith.index_cast %add3A_807 : i32 to index
        %get3A_809 = arith.constant 0 : index
        %get3A_810 = tpu.vector_load %arg10[%get3A_808, %get3A_809] {strides = array<i32>} : memref<1152x32xf32, #tpu.memory_space<vmem>>, vector<1x16xf32>,
        %get3A_811 = vector.shape_cast %get3A_810 : vector<1x16xf32> to vector<16xf32>
        %mul3A_812 = vector.broadcast %squeeze3A_805 : f32 to vector<16xf32>
        %mul3A_813 = arith.mulf %mul3A_812, %get3A_811 : vector<16xf32>
        %add3A_814 = arith.addf %add3A_794, %mul3A_813 : vector<16xf32>
        %add3A_815 = arith.constant 7 : i32
        %add3A_816 = arith.addi %add3A_660, %add3A_815 : i32
        %get3A_817 = arith.index_cast %add3A_816 : i32 to index
        %get3A_818 = arith.constant 16 : index
        %get3A_819 = tpu.vector_load %arg10[%get3A_817, %get3A_818] {strides = array<i32>} : memref<1152x32xf32, #tpu.memory_space<vmem>>, vector<1x16xf32>,
        %get3A_820 = vector.shape_cast %get3A_819 : vector<1x16xf32> to vector<16xf32>
        %mul3A_821 = vector.broadcast %squeeze3A_805 : f32 to vector<16xf32>
        %mul3A_822 = arith.mulf %mul3A_821, %get3A_820 : vector<16xf32>
        %add3A_823 = arith.addf %add3A_803, %mul3A_822 : vector<16xf32>
        %slice3A_824 = vector.extract_strided_slice %get3A_663 {offsets = [8], sizes = [1], strides = [1]} : vector<16xf32> to vector<1xf32>
        %squeeze3A_825 = vector.extract %slice3A_824[0] : f32 from vector<1xf32>
        %add3A_826 = arith.constant 8 : i32
        %add3A_827 = arith.addi %add3A_660, %add3A_826 : i32
        %get3A_828 = arith.index_cast %add3A_827 : i32 to index
        %get3A_829 = arith.constant 0 : index
        %get3A_830 = tpu.vector_load %arg10[%get3A_828, %get3A_829] {strides = array<i32>} : memref<1152x32xf32, #tpu.memory_space<vmem>>, vector<1x16xf32>,
        %get3A_831 = vector.shape_cast %get3A_830 : vector<1x16xf32> to vector<16xf32>
        %mul3A_832 = vector.broadcast %squeeze3A_825 : f32 to vector<16xf32>
        %mul3A_833 = arith.mulf %mul3A_832, %get3A_831 : vector<16xf32>
        %add3A_834 = arith.addf %add3A_814, %mul3A_833 : vector<16xf32>
        %add3A_835 = arith.constant 8 : i32
        %add3A_836 = arith.addi %add3A_660, %add3A_835 : i32
        %get3A_837 = arith.index_cast %add3A_836 : i32 to index
        %get3A_838 = arith.constant 16 : index
        %get3A_839 = tpu.vector_load %arg10[%get3A_837, %get3A_838] {strides = array<i32>} : memref<1152x32xf32, #tpu.memory_space<vmem>>, vector<1x16xf32>,
        %get3A_840 = vector.shape_cast %get3A_839 : vector<1x16xf32> to vector<16xf32>
        %mul3A_841 = vector.broadcast %squeeze3A_825 : f32 to vector<16xf32>
        %mul3A_842 = arith.mulf %mul3A_841, %get3A_840 : vector<16xf32>
        %add3A_843 = arith.addf %add3A_823, %mul3A_842 : vector<16xf32>
        %slice3A_844 = vector.extract_strided_slice %get3A_663 {offsets = [9], sizes = [1], strides = [1]} : vector<16xf32> to vector<1xf32>
        %squeeze3A_845 = vector.extract %slice3A_844[0] : f32 from vector<1xf32>
        %add3A_846 = arith.constant 9 : i32
        %add3A_847 = arith.addi %add3A_660, %add3A_846 : i32
        %get3A_848 = arith.index_cast %add3A_847 : i32 to index
        %get3A_849 = arith.constant 0 : index
        %get3A_850 = tpu.vector_load %arg10[%get3A_848, %get3A_849] {strides = array<i32>} : memref<1152x32xf32, #tpu.memory_space<vmem>>, vector<1x16xf32>,
        %get3A_851 = vector.shape_cast %get3A_850 : vector<1x16xf32> to vector<16xf32>
        %mul3A_852 = vector.broadcast %squeeze3A_845 : f32 to vector<16xf32>
        %mul3A_853 = arith.mulf %mul3A_852, %get3A_851 : vector<16xf32>
        %add3A_854 = arith.addf %add3A_834, %mul3A_853 : vector<16xf32>
        %add3A_855 = arith.constant 9 : i32
        %add3A_856 = arith.addi %add3A_660, %add3A_855 : i32
        %get3A_857 = arith.index_cast %add3A_856 : i32 to index
        %get3A_858 = arith.constant 16 : index
        %get3A_859 = tpu.vector_load %arg10[%get3A_857, %get3A_858] {strides = array<i32>} : memref<1152x32xf32, #tpu.memory_space<vmem>>, vector<1x16xf32>,
        %get3A_860 = vector.shape_cast %get3A_859 : vector<1x16xf32> to vector<16xf32>
        %mul3A_861 = vector.broadcast %squeeze3A_845 : f32 to vector<16xf32>
        %mul3A_862 = arith.mulf %mul3A_861, %get3A_860 : vector<16xf32>
        %add3A_863 = arith.addf %add3A_843, %mul3A_862 : vector<16xf32>
        %slice3A_864 = vector.extract_strided_slice %get3A_663 {offsets = [10], sizes = [1], strides = [1]} : vector<16xf32> to vector<1xf32>
        %squeeze3A_865 = vector.extract %slice3A_864[0] : f32 from vector<1xf32>
        %add3A_866 = arith.constant 10 : i32
        %add3A_867 = arith.addi %add3A_660, %add3A_866 : i32
        %get3A_868 = arith.index_cast %add3A_867 : i32 to index
        %get3A_869 = arith.constant 0 : index
        %get3A_870 = tpu.vector_load %arg10[%get3A_868, %get3A_869] {strides = array<i32>} : memref<1152x32xf32, #tpu.memory_space<vmem>>, vector<1x16xf32>,
        %get3A_871 = vector.shape_cast %get3A_870 : vector<1x16xf32> to vector<16xf32>
        %mul3A_872 = vector.broadcast %squeeze3A_865 : f32 to vector<16xf32>
        %mul3A_873 = arith.mulf %mul3A_872, %get3A_871 : vector<16xf32>
        %add3A_874 = arith.addf %add3A_854, %mul3A_873 : vector<16xf32>
        %add3A_875 = arith.constant 10 : i32
        %add3A_876 = arith.addi %add3A_660, %add3A_875 : i32
        %get3A_877 = arith.index_cast %add3A_876 : i32 to index
        %get3A_878 = arith.constant 16 : index
        %get3A_879 = tpu.vector_load %arg10[%get3A_877, %get3A_878] {strides = array<i32>} : memref<1152x32xf32, #tpu.memory_space<vmem>>, vector<1x16xf32>,
        %get3A_880 = vector.shape_cast %get3A_879 : vector<1x16xf32> to vector<16xf32>
        %mul3A_881 = vector.broadcast %squeeze3A_865 : f32 to vector<16xf32>
        %mul3A_882 = arith.mulf %mul3A_881, %get3A_880 : vector<16xf32>
        %add3A_883 = arith.addf %add3A_863, %mul3A_882 : vector<16xf32>
        %slice3A_884 = vector.extract_strided_slice %get3A_663 {offsets = [11], sizes = [1], strides = [1]} : vector<16xf32> to vector<1xf32>
        %squeeze3A_885 = vector.extract %slice3A_884[0] : f32 from vector<1xf32>
        %add3A_886 = arith.constant 11 : i32
        %add3A_887 = arith.addi %add3A_660, %add3A_886 : i32
        %get3A_888 = arith.index_cast %add3A_887 : i32 to index
        %get3A_889 = arith.constant 0 : index
        %get3A_890 = tpu.vector_load %arg10[%get3A_888, %get3A_889] {strides = array<i32>} : memref<1152x32xf32, #tpu.memory_space<vmem>>, vector<1x16xf32>,
        %get3A_891 = vector.shape_cast %get3A_890 : vector<1x16xf32> to vector<16xf32>
        %mul3A_892 = vector.broadcast %squeeze3A_885 : f32 to vector<16xf32>
        %mul3A_893 = arith.mulf %mul3A_892, %get3A_891 : vector<16xf32>
        %add3A_894 = arith.addf %add3A_874, %mul3A_893 : vector<16xf32>
        %add3A_895 = arith.constant 11 : i32
        %add3A_896 = arith.addi %add3A_660, %add3A_895 : i32
        %get3A_897 = arith.index_cast %add3A_896 : i32 to index
        %get3A_898 = arith.constant 16 : index
        %get3A_899 = tpu.vector_load %arg10[%get3A_897, %get3A_898] {strides = array<i32>} : memref<1152x32xf32, #tpu.memory_space<vmem>>, vector<1x16xf32>,
        %get3A_900 = vector.shape_cast %get3A_899 : vector<1x16xf32> to vector<16xf32>
        %mul3A_901 = vector.broadcast %squeeze3A_885 : f32 to vector<16xf32>
        %mul3A_902 = arith.mulf %mul3A_901, %get3A_900 : vector<16xf32>
        %add3A_903 = arith.addf %add3A_883, %mul3A_902 : vector<16xf32>
        %mul3A_904 = arith.constant 384 : i32
        %mul3A_905 = arith.muli %select_n3A, %mul3A_904 : i32
        %add3A_906 = arith.constant 288 : i32
        %add3A_907 = arith.addi %mul3A_905, %add3A_906 : i32
        %mul3A_908 = arith.constant 12 : i32
        %mul3A_909 = arith.muli %sub3A_153, %mul3A_908 : i32
        %add3A_910 = arith.addi %add3A_907, %mul3A_909 : i32
        %get3A_911 = arith.index_cast %add3A_910 : i32 to index
        %get3A_912 = tpu.vector_load %arg8[%get3A_911] {strides = array<i32>} : memref<1168xf32, #tpu.memory_space<vmem>>, vector<16xf32>,
        %get3A_913 = vector.shape_cast %get3A_912 : vector<16xf32> to vector<16xf32>
        %slice3A_914 = vector.extract_strided_slice %get3A_913 {offsets = [0], sizes = [1], strides = [1]} : vector<16xf32> to vector<1xf32>
        %squeeze3A_915 = vector.extract %slice3A_914[0] : f32 from vector<1xf32>
        %add3A_916 = arith.constant 0 : i32
        %add3A_917 = arith.addi %add3A_910, %add3A_916 : i32
        %get3A_918 = arith.index_cast %add3A_917 : i32 to index
        %get3A_919 = arith.constant 0 : index
        %get3A_920 = tpu.vector_load %arg10[%get3A_918, %get3A_919] {strides = array<i32>} : memref<1152x32xf32, #tpu.memory_space<vmem>>, vector<1x16xf32>,
        %get3A_921 = vector.shape_cast %get3A_920 : vector<1x16xf32> to vector<16xf32>
        %mul3A_922 = vector.broadcast %squeeze3A_915 : f32 to vector<16xf32>
        %mul3A_923 = arith.mulf %mul3A_922, %get3A_921 : vector<16xf32>
        %add3A_924 = arith.addf %add3A_894, %mul3A_923 : vector<16xf32>
        %add3A_925 = arith.constant 0 : i32
        %add3A_926 = arith.addi %add3A_910, %add3A_925 : i32
        %get3A_927 = arith.index_cast %add3A_926 : i32 to index
        %get3A_928 = arith.constant 16 : index
        %get3A_929 = tpu.vector_load %arg10[%get3A_927, %get3A_928] {strides = array<i32>} : memref<1152x32xf32, #tpu.memory_space<vmem>>, vector<1x16xf32>,
        %get3A_930 = vector.shape_cast %get3A_929 : vector<1x16xf32> to vector<16xf32>
        %mul3A_931 = vector.broadcast %squeeze3A_915 : f32 to vector<16xf32>
        %mul3A_932 = arith.mulf %mul3A_931, %get3A_930 : vector<16xf32>
        %add3A_933 = arith.addf %add3A_903, %mul3A_932 : vector<16xf32>
        %slice3A_934 = vector.extract_strided_slice %get3A_913 {offsets = [1], sizes = [1], strides = [1]} : vector<16xf32> to vector<1xf32>
        %squeeze3A_935 = vector.extract %slice3A_934[0] : f32 from vector<1xf32>
        %add3A_936 = arith.constant 1 : i32
        %add3A_937 = arith.addi %add3A_910, %add3A_936 : i32
        %get3A_938 = arith.index_cast %add3A_937 : i32 to index
        %get3A_939 = arith.constant 0 : index
        %get3A_940 = tpu.vector_load %arg10[%get3A_938, %get3A_939] {strides = array<i32>} : memref<1152x32xf32, #tpu.memory_space<vmem>>, vector<1x16xf32>,
        %get3A_941 = vector.shape_cast %get3A_940 : vector<1x16xf32> to vector<16xf32>
        %mul3A_942 = vector.broadcast %squeeze3A_935 : f32 to vector<16xf32>
        %mul3A_943 = arith.mulf %mul3A_942, %get3A_941 : vector<16xf32>
        %add3A_944 = arith.addf %add3A_924, %mul3A_943 : vector<16xf32>
        %add3A_945 = arith.constant 1 : i32
        %add3A_946 = arith.addi %add3A_910, %add3A_945 : i32
        %get3A_947 = arith.index_cast %add3A_946 : i32 to index
        %get3A_948 = arith.constant 16 : index
        %get3A_949 = tpu.vector_load %arg10[%get3A_947, %get3A_948] {strides = array<i32>} : memref<1152x32xf32, #tpu.memory_space<vmem>>, vector<1x16xf32>,
        %get3A_950 = vector.shape_cast %get3A_949 : vector<1x16xf32> to vector<16xf32>
        %mul3A_951 = vector.broadcast %squeeze3A_935 : f32 to vector<16xf32>
        %mul3A_952 = arith.mulf %mul3A_951, %get3A_950 : vector<16xf32>
        %add3A_953 = arith.addf %add3A_933, %mul3A_952 : vector<16xf32>
        %slice3A_954 = vector.extract_strided_slice %get3A_913 {offsets = [2], sizes = [1], strides = [1]} : vector<16xf32> to vector<1xf32>
        %squeeze3A_955 = vector.extract %slice3A_954[0] : f32 from vector<1xf32>
        %add3A_956 = arith.constant 2 : i32
        %add3A_957 = arith.addi %add3A_910, %add3A_956 : i32
        %get3A_958 = arith.index_cast %add3A_957 : i32 to index
        %get3A_959 = arith.constant 0 : index
        %get3A_960 = tpu.vector_load %arg10[%get3A_958, %get3A_959] {strides = array<i32>} : memref<1152x32xf32, #tpu.memory_space<vmem>>, vector<1x16xf32>,
        %get3A_961 = vector.shape_cast %get3A_960 : vector<1x16xf32> to vector<16xf32>
        %mul3A_962 = vector.broadcast %squeeze3A_955 : f32 to vector<16xf32>
        %mul3A_963 = arith.mulf %mul3A_962, %get3A_961 : vector<16xf32>
        %add3A_964 = arith.addf %add3A_944, %mul3A_963 : vector<16xf32>
        %add3A_965 = arith.constant 2 : i32
        %add3A_966 = arith.addi %add3A_910, %add3A_965 : i32
        %get3A_967 = arith.index_cast %add3A_966 : i32 to index
        %get3A_968 = arith.constant 16 : index
        %get3A_969 = tpu.vector_load %arg10[%get3A_967, %get3A_968] {strides = array<i32>} : memref<1152x32xf32, #tpu.memory_space<vmem>>, vector<1x16xf32>,
        %get3A_970 = vector.shape_cast %get3A_969 : vector<1x16xf32> to vector<16xf32>
        %mul3A_971 = vector.broadcast %squeeze3A_955 : f32 to vector<16xf32>
        %mul3A_972 = arith.mulf %mul3A_971, %get3A_970 : vector<16xf32>
        %add3A_973 = arith.addf %add3A_953, %mul3A_972 : vector<16xf32>
        %slice3A_974 = vector.extract_strided_slice %get3A_913 {offsets = [3], sizes = [1], strides = [1]} : vector<16xf32> to vector<1xf32>
        %squeeze3A_975 = vector.extract %slice3A_974[0] : f32 from vector<1xf32>
        %add3A_976 = arith.constant 3 : i32
        %add3A_977 = arith.addi %add3A_910, %add3A_976 : i32
        %get3A_978 = arith.index_cast %add3A_977 : i32 to index
        %get3A_979 = arith.constant 0 : index
        %get3A_980 = tpu.vector_load %arg10[%get3A_978, %get3A_979] {strides = array<i32>} : memref<1152x32xf32, #tpu.memory_space<vmem>>, vector<1x16xf32>,
        %get3A_981 = vector.shape_cast %get3A_980 : vector<1x16xf32> to vector<16xf32>
        %mul3A_982 = vector.broadcast %squeeze3A_975 : f32 to vector<16xf32>
        %mul3A_983 = arith.mulf %mul3A_982, %get3A_981 : vector<16xf32>
        %add3A_984 = arith.addf %add3A_964, %mul3A_983 : vector<16xf32>
        %add3A_985 = arith.constant 3 : i32
        %add3A_986 = arith.addi %add3A_910, %add3A_985 : i32
        %get3A_987 = arith.index_cast %add3A_986 : i32 to index
        %get3A_988 = arith.constant 16 : index
        %get3A_989 = tpu.vector_load %arg10[%get3A_987, %get3A_988] {strides = array<i32>} : memref<1152x32xf32, #tpu.memory_space<vmem>>, vector<1x16xf32>,
        %get3A_990 = vector.shape_cast %get3A_989 : vector<1x16xf32> to vector<16xf32>
        %mul3A_991 = vector.broadcast %squeeze3A_975 : f32 to vector<16xf32>
        %mul3A_992 = arith.mulf %mul3A_991, %get3A_990 : vector<16xf32>
        %add3A_993 = arith.addf %add3A_973, %mul3A_992 : vector<16xf32>
        %slice3A_994 = vector.extract_strided_slice %get3A_913 {offsets = [4], sizes = [1], strides = [1]} : vector<16xf32> to vector<1xf32>
        %squeeze3A_995 = vector.extract %slice3A_994[0] : f32 from vector<1xf32>
        %add3A_996 = arith.constant 4 : i32
        %add3A_997 = arith.addi %add3A_910, %add3A_996 : i32
        %get3A_998 = arith.index_cast %add3A_997 : i32 to index
        %get3A_999 = arith.constant 0 : index
        %get3A_1000 = tpu.vector_load %arg10[%get3A_998, %get3A_999] {strides = array<i32>} : memref<1152x32xf32, #tpu.memory_space<vmem>>, vector<1x16xf32>,
        %get3A_1001 = vector.shape_cast %get3A_1000 : vector<1x16xf32> to vector<16xf32>
        %mul3A_1002 = vector.broadcast %squeeze3A_995 : f32 to vector<16xf32>
        %mul3A_1003 = arith.mulf %mul3A_1002, %get3A_1001 : vector<16xf32>
        %add3A_1004 = arith.addf %add3A_984, %mul3A_1003 : vector<16xf32>
        %add3A_1005 = arith.constant 4 : i32
        %add3A_1006 = arith.addi %add3A_910, %add3A_1005 : i32
        %get3A_1007 = arith.index_cast %add3A_1006 : i32 to index
        %get3A_1008 = arith.constant 16 : index
        %get3A_1009 = tpu.vector_load %arg10[%get3A_1007, %get3A_1008] {strides = array<i32>} : memref<1152x32xf32, #tpu.memory_space<vmem>>, vector<1x16xf32>,
        %get3A_1010 = vector.shape_cast %get3A_1009 : vector<1x16xf32> to vector<16xf32>
        %mul3A_1011 = vector.broadcast %squeeze3A_995 : f32 to vector<16xf32>
        %mul3A_1012 = arith.mulf %mul3A_1011, %get3A_1010 : vector<16xf32>
        %add3A_1013 = arith.addf %add3A_993, %mul3A_1012 : vector<16xf32>
        %slice3A_1014 = vector.extract_strided_slice %get3A_913 {offsets = [5], sizes = [1], strides = [1]} : vector<16xf32> to vector<1xf32>
        %squeeze3A_1015 = vector.extract %slice3A_1014[0] : f32 from vector<1xf32>
        %add3A_1016 = arith.constant 5 : i32
        %add3A_1017 = arith.addi %add3A_910, %add3A_1016 : i32
        %get3A_1018 = arith.index_cast %add3A_1017 : i32 to index
        %get3A_1019 = arith.constant 0 : index
        %get3A_1020 = tpu.vector_load %arg10[%get3A_1018, %get3A_1019] {strides = array<i32>} : memref<1152x32xf32, #tpu.memory_space<vmem>>, vector<1x16xf32>,
        %get3A_1021 = vector.shape_cast %get3A_1020 : vector<1x16xf32> to vector<16xf32>
        %mul3A_1022 = vector.broadcast %squeeze3A_1015 : f32 to vector<16xf32>
        %mul3A_1023 = arith.mulf %mul3A_1022, %get3A_1021 : vector<16xf32>
        %add3A_1024 = arith.addf %add3A_1004, %mul3A_1023 : vector<16xf32>
        %add3A_1025 = arith.constant 5 : i32
        %add3A_1026 = arith.addi %add3A_910, %add3A_1025 : i32
        %get3A_1027 = arith.index_cast %add3A_1026 : i32 to index
        %get3A_1028 = arith.constant 16 : index
        %get3A_1029 = tpu.vector_load %arg10[%get3A_1027, %get3A_1028] {strides = array<i32>} : memref<1152x32xf32, #tpu.memory_space<vmem>>, vector<1x16xf32>,
        %get3A_1030 = vector.shape_cast %get3A_1029 : vector<1x16xf32> to vector<16xf32>
        %mul3A_1031 = vector.broadcast %squeeze3A_1015 : f32 to vector<16xf32>
        %mul3A_1032 = arith.mulf %mul3A_1031, %get3A_1030 : vector<16xf32>
        %add3A_1033 = arith.addf %add3A_1013, %mul3A_1032 : vector<16xf32>
        %slice3A_1034 = vector.extract_strided_slice %get3A_913 {offsets = [6], sizes = [1], strides = [1]} : vector<16xf32> to vector<1xf32>
        %squeeze3A_1035 = vector.extract %slice3A_1034[0] : f32 from vector<1xf32>
        %add3A_1036 = arith.constant 6 : i32
        %add3A_1037 = arith.addi %add3A_910, %add3A_1036 : i32
        %get3A_1038 = arith.index_cast %add3A_1037 : i32 to index
        %get3A_1039 = arith.constant 0 : index
        %get3A_1040 = tpu.vector_load %arg10[%get3A_1038, %get3A_1039] {strides = array<i32>} : memref<1152x32xf32, #tpu.memory_space<vmem>>, vector<1x16xf32>,
        %get3A_1041 = vector.shape_cast %get3A_1040 : vector<1x16xf32> to vector<16xf32>
        %mul3A_1042 = vector.broadcast %squeeze3A_1035 : f32 to vector<16xf32>
        %mul3A_1043 = arith.mulf %mul3A_1042, %get3A_1041 : vector<16xf32>
        %add3A_1044 = arith.addf %add3A_1024, %mul3A_1043 : vector<16xf32>
        %add3A_1045 = arith.constant 6 : i32
        %add3A_1046 = arith.addi %add3A_910, %add3A_1045 : i32
        %get3A_1047 = arith.index_cast %add3A_1046 : i32 to index
        %get3A_1048 = arith.constant 16 : index
        %get3A_1049 = tpu.vector_load %arg10[%get3A_1047, %get3A_1048] {strides = array<i32>} : memref<1152x32xf32, #tpu.memory_space<vmem>>, vector<1x16xf32>,
        %get3A_1050 = vector.shape_cast %get3A_1049 : vector<1x16xf32> to vector<16xf32>
        %mul3A_1051 = vector.broadcast %squeeze3A_1035 : f32 to vector<16xf32>
        %mul3A_1052 = arith.mulf %mul3A_1051, %get3A_1050 : vector<16xf32>
        %add3A_1053 = arith.addf %add3A_1033, %mul3A_1052 : vector<16xf32>
        %slice3A_1054 = vector.extract_strided_slice %get3A_913 {offsets = [7], sizes = [1], strides = [1]} : vector<16xf32> to vector<1xf32>
        %squeeze3A_1055 = vector.extract %slice3A_1054[0] : f32 from vector<1xf32>
        %add3A_1056 = arith.constant 7 : i32
        %add3A_1057 = arith.addi %add3A_910, %add3A_1056 : i32
        %get3A_1058 = arith.index_cast %add3A_1057 : i32 to index
        %get3A_1059 = arith.constant 0 : index
        %get3A_1060 = tpu.vector_load %arg10[%get3A_1058, %get3A_1059] {strides = array<i32>} : memref<1152x32xf32, #tpu.memory_space<vmem>>, vector<1x16xf32>,
        %get3A_1061 = vector.shape_cast %get3A_1060 : vector<1x16xf32> to vector<16xf32>
        %mul3A_1062 = vector.broadcast %squeeze3A_1055 : f32 to vector<16xf32>
        %mul3A_1063 = arith.mulf %mul3A_1062, %get3A_1061 : vector<16xf32>
        %add3A_1064 = arith.addf %add3A_1044, %mul3A_1063 : vector<16xf32>
        %add3A_1065 = arith.constant 7 : i32
        %add3A_1066 = arith.addi %add3A_910, %add3A_1065 : i32
        %get3A_1067 = arith.index_cast %add3A_1066 : i32 to index
        %get3A_1068 = arith.constant 16 : index
        %get3A_1069 = tpu.vector_load %arg10[%get3A_1067, %get3A_1068] {strides = array<i32>} : memref<1152x32xf32, #tpu.memory_space<vmem>>, vector<1x16xf32>,
        %get3A_1070 = vector.shape_cast %get3A_1069 : vector<1x16xf32> to vector<16xf32>
        %mul3A_1071 = vector.broadcast %squeeze3A_1055 : f32 to vector<16xf32>
        %mul3A_1072 = arith.mulf %mul3A_1071, %get3A_1070 : vector<16xf32>
        %add3A_1073 = arith.addf %add3A_1053, %mul3A_1072 : vector<16xf32>
        %slice3A_1074 = vector.extract_strided_slice %get3A_913 {offsets = [8], sizes = [1], strides = [1]} : vector<16xf32> to vector<1xf32>
        %squeeze3A_1075 = vector.extract %slice3A_1074[0] : f32 from vector<1xf32>
        %add3A_1076 = arith.constant 8 : i32
        %add3A_1077 = arith.addi %add3A_910, %add3A_1076 : i32
        %get3A_1078 = arith.index_cast %add3A_1077 : i32 to index
        %get3A_1079 = arith.constant 0 : index
        %get3A_1080 = tpu.vector_load %arg10[%get3A_1078, %get3A_1079] {strides = array<i32>} : memref<1152x32xf32, #tpu.memory_space<vmem>>, vector<1x16xf32>,
        %get3A_1081 = vector.shape_cast %get3A_1080 : vector<1x16xf32> to vector<16xf32>
        %mul3A_1082 = vector.broadcast %squeeze3A_1075 : f32 to vector<16xf32>
        %mul3A_1083 = arith.mulf %mul3A_1082, %get3A_1081 : vector<16xf32>
        %add3A_1084 = arith.addf %add3A_1064, %mul3A_1083 : vector<16xf32>
        %add3A_1085 = arith.constant 8 : i32
        %add3A_1086 = arith.addi %add3A_910, %add3A_1085 : i32
        %get3A_1087 = arith.index_cast %add3A_1086 : i32 to index
        %get3A_1088 = arith.constant 16 : index
        %get3A_1089 = tpu.vector_load %arg10[%get3A_1087, %get3A_1088] {strides = array<i32>} : memref<1152x32xf32, #tpu.memory_space<vmem>>, vector<1x16xf32>,
        %get3A_1090 = vector.shape_cast %get3A_1089 : vector<1x16xf32> to vector<16xf32>
        %mul3A_1091 = vector.broadcast %squeeze3A_1075 : f32 to vector<16xf32>
        %mul3A_1092 = arith.mulf %mul3A_1091, %get3A_1090 : vector<16xf32>
        %add3A_1093 = arith.addf %add3A_1073, %mul3A_1092 : vector<16xf32>
        %slice3A_1094 = vector.extract_strided_slice %get3A_913 {offsets = [9], sizes = [1], strides = [1]} : vector<16xf32> to vector<1xf32>
        %squeeze3A_1095 = vector.extract %slice3A_1094[0] : f32 from vector<1xf32>
        %add3A_1096 = arith.constant 9 : i32
        %add3A_1097 = arith.addi %add3A_910, %add3A_1096 : i32
        %get3A_1098 = arith.index_cast %add3A_1097 : i32 to index
        %get3A_1099 = arith.constant 0 : index
        %get3A_1100 = tpu.vector_load %arg10[%get3A_1098, %get3A_1099] {strides = array<i32>} : memref<1152x32xf32, #tpu.memory_space<vmem>>, vector<1x16xf32>,
        %get3A_1101 = vector.shape_cast %get3A_1100 : vector<1x16xf32> to vector<16xf32>
        %mul3A_1102 = vector.broadcast %squeeze3A_1095 : f32 to vector<16xf32>
        %mul3A_1103 = arith.mulf %mul3A_1102, %get3A_1101 : vector<16xf32>
        %add3A_1104 = arith.addf %add3A_1084, %mul3A_1103 : vector<16xf32>
        %add3A_1105 = arith.constant 9 : i32
        %add3A_1106 = arith.addi %add3A_910, %add3A_1105 : i32
        %get3A_1107 = arith.index_cast %add3A_1106 : i32 to index
        %get3A_1108 = arith.constant 16 : index
        %get3A_1109 = tpu.vector_load %arg10[%get3A_1107, %get3A_1108] {strides = array<i32>} : memref<1152x32xf32, #tpu.memory_space<vmem>>, vector<1x16xf32>,
        %get3A_1110 = vector.shape_cast %get3A_1109 : vector<1x16xf32> to vector<16xf32>
        %mul3A_1111 = vector.broadcast %squeeze3A_1095 : f32 to vector<16xf32>
        %mul3A_1112 = arith.mulf %mul3A_1111, %get3A_1110 : vector<16xf32>
        %add3A_1113 = arith.addf %add3A_1093, %mul3A_1112 : vector<16xf32>
        %slice3A_1114 = vector.extract_strided_slice %get3A_913 {offsets = [10], sizes = [1], strides = [1]} : vector<16xf32> to vector<1xf32>
        %squeeze3A_1115 = vector.extract %slice3A_1114[0] : f32 from vector<1xf32>
        %add3A_1116 = arith.constant 10 : i32
        %add3A_1117 = arith.addi %add3A_910, %add3A_1116 : i32
        %get3A_1118 = arith.index_cast %add3A_1117 : i32 to index
        %get3A_1119 = arith.constant 0 : index
        %get3A_1120 = tpu.vector_load %arg10[%get3A_1118, %get3A_1119] {strides = array<i32>} : memref<1152x32xf32, #tpu.memory_space<vmem>>, vector<1x16xf32>,
        %get3A_1121 = vector.shape_cast %get3A_1120 : vector<1x16xf32> to vector<16xf32>
        %mul3A_1122 = vector.broadcast %squeeze3A_1115 : f32 to vector<16xf32>
        %mul3A_1123 = arith.mulf %mul3A_1122, %get3A_1121 : vector<16xf32>
        %add3A_1124 = arith.addf %add3A_1104, %mul3A_1123 : vector<16xf32>
        %add3A_1125 = arith.constant 10 : i32
        %add3A_1126 = arith.addi %add3A_910, %add3A_1125 : i32
        %get3A_1127 = arith.index_cast %add3A_1126 : i32 to index
        %get3A_1128 = arith.constant 16 : index
        %get3A_1129 = tpu.vector_load %arg10[%get3A_1127, %get3A_1128] {strides = array<i32>} : memref<1152x32xf32, #tpu.memory_space<vmem>>, vector<1x16xf32>,
        %get3A_1130 = vector.shape_cast %get3A_1129 : vector<1x16xf32> to vector<16xf32>
        %mul3A_1131 = vector.broadcast %squeeze3A_1115 : f32 to vector<16xf32>
        %mul3A_1132 = arith.mulf %mul3A_1131, %get3A_1130 : vector<16xf32>
        %add3A_1133 = arith.addf %add3A_1113, %mul3A_1132 : vector<16xf32>
        %slice3A_1134 = vector.extract_strided_slice %get3A_913 {offsets = [11], sizes = [1], strides = [1]} : vector<16xf32> to vector<1xf32>
        %squeeze3A_1135 = vector.extract %slice3A_1134[0] : f32 from vector<1xf32>
        %add3A_1136 = arith.constant 11 : i32
        %add3A_1137 = arith.addi %add3A_910, %add3A_1136 : i32
        %get3A_1138 = arith.index_cast %add3A_1137 : i32 to index
        %get3A_1139 = arith.constant 0 : index
        %get3A_1140 = tpu.vector_load %arg10[%get3A_1138, %get3A_1139] {strides = array<i32>} : memref<1152x32xf32, #tpu.memory_space<vmem>>, vector<1x16xf32>,
        %get3A_1141 = vector.shape_cast %get3A_1140 : vector<1x16xf32> to vector<16xf32>
        %mul3A_1142 = vector.broadcast %squeeze3A_1135 : f32 to vector<16xf32>
        %mul3A_1143 = arith.mulf %mul3A_1142, %get3A_1141 : vector<16xf32>
        %add3A_1144 = arith.addf %add3A_1124, %mul3A_1143 : vector<16xf32>
        %add3A_1145 = arith.constant 11 : i32
        %add3A_1146 = arith.addi %add3A_910, %add3A_1145 : i32
        %get3A_1147 = arith.index_cast %add3A_1146 : i32 to index
        %get3A_1148 = arith.constant 16 : index
        %get3A_1149 = tpu.vector_load %arg10[%get3A_1147, %get3A_1148] {strides = array<i32>} : memref<1152x32xf32, #tpu.memory_space<vmem>>, vector<1x16xf32>,
        %get3A_1150 = vector.shape_cast %get3A_1149 : vector<1x16xf32> to vector<16xf32>
        %mul3A_1151 = vector.broadcast %squeeze3A_1135 : f32 to vector<16xf32>
        %mul3A_1152 = arith.mulf %mul3A_1151, %get3A_1150 : vector<16xf32>
        %add3A_1153 = arith.addf %add3A_1133, %mul3A_1152 : vector<16xf32>
        %swap3A = arith.index_cast %scan3A_134 : i32 to index
        %swap3A_1154 = arith.constant 0 : index
        %swap3A_1155 = tpu.vector_load %arg12[%swap3A, %swap3A_1154] {strides = array<i32>} : memref<24x32xf32, #tpu.memory_space<vmem>>, vector<1x16xf32>,
        %swap3A_1156 = vector.shape_cast %swap3A_1155 : vector<1x16xf32> to vector<16xf32>
        %swap3A_1157 = vector.shape_cast %add3A_1144 : vector<16xf32> to vector<1x16xf32>
        tpu.vector_store %arg12[%swap3A, %swap3A_1154], %swap3A_1157 {strides = array<i32>} : memref<24x32xf32, #tpu.memory_space<vmem>>, vector<1x16xf32>,
        %swap3A_1158 = arith.index_cast %scan3A_134 : i32 to index
        %swap3A_1159 = arith.constant 16 : index
        %swap3A_1160 = tpu.vector_load %arg12[%swap3A_1158, %swap3A_1159] {strides = array<i32>} : memref<24x32xf32, #tpu.memory_space<vmem>>, vector<1x16xf32>,
        %swap3A_1161 = vector.shape_cast %swap3A_1160 : vector<1x16xf32> to vector<16xf32>
        %swap3A_1162 = vector.shape_cast %add3A_1153 : vector<16xf32> to vector<1x16xf32>
        tpu.vector_store %arg12[%swap3A_1158, %swap3A_1159], %swap3A_1162 {strides = array<i32>} : memref<24x32xf32, #tpu.memory_space<vmem>>, vector<1x16xf32>,
      }
      %scan3A_76 = arith.constant 24 : i32
      %mul3A_77 = arith.constant 3 : i32
      %mul3A_78 = arith.muli %mul3A_59, %mul3A_77 : i32
      %add3A_79 = arith.addi %mul3A_2, %mul3A_78 : i32
      %mul3A_80 = arith.constant 8 : i32
      %mul3A_81 = arith.muli %add3A_79, %mul3A_80 : i32
      %dma_start3A_82 = arith.constant 0 : i32
      %dma_start3A_83 = tpu.memref_slice %arg5[%mul3A_81, %dma_start3A_82] : memref<38400x32xf32, #tpu.memory_space<hbm>> -> memref<24x32xf32, #tpu.memory_space<hbm>>
      %dma_start3A_84 = arith.constant 0 : i32
      %dma_start3A_85 = tpu.memref_slice %arg5[%mul3A_81, %dma_start3A_84] : memref<38400x32xf32, #tpu.memory_space<hbm>> -> memref<24x32xf32, #tpu.memory_space<hbm>>
      tpu.enqueue_dma source(%arg12 : memref<24x32xf32, #tpu.memory_space<vmem>>) target(%dma_start3A_85 : memref<24x32xf32, #tpu.memory_space<hbm>>) target_semaphore(%arg18 : memref<!tpu.dma_semaphore, #tpu.memory_space<semaphore_mem>>)
      %add3A_86 = arith.constant 2 : i32
      %add3A_87 = arith.addi %mul3A_59, %add3A_86 : i32
      %lt3A_88 = arith.constant 50 : i32
      %lt3A_89 = arith.cmpi slt, %add3A_87, %lt3A_88 : i32
      %convert_element_type3A_90 = arith.extui %lt3A_89 : i1 to i32
      %cond3A_91 = arith.constant 0 : i32
      %cond3A_92 = arith.cmpi ne, %convert_element_type3A_90, %cond3A_91 : i32
      scf.if %cond3A_92 {
        %add3A_134 = arith.constant 2 : i32
        %add3A_135 = arith.addi %mul3A_59, %add3A_134 : i32
        %mul3A_136 = arith.constant 3 : i32
        %mul3A_137 = arith.muli %add3A_135, %mul3A_136 : i32
        %add3A_138 = arith.addi %mul3A_2, %mul3A_137 : i32
        %mul3A_139 = arith.constant 384 : i32
        %mul3A_140 = arith.muli %add3A_138, %mul3A_139 : i32
        %dma_start3A_141 = tpu.memref_slice %arg3[%mul3A_140] : memref<1843200xi32, #tpu.memory_space<hbm>> -> memref<1152xi32, #tpu.memory_space<hbm>>
        %dma_start3A_142 = tpu.memref_slice %arg3[%mul3A_140] : memref<1843200xi32, #tpu.memory_space<hbm>> -> memref<1152xi32, #tpu.memory_space<hbm>>
        tpu.enqueue_dma source(%dma_start3A_142 : memref<1152xi32, #tpu.memory_space<hbm>>) target(%arg6 : memref<1152xi32, #tpu.memory_space<vmem>>) target_semaphore(%arg14 : memref<!tpu.dma_semaphore, #tpu.memory_space<semaphore_mem>>)
        %dma_start3A_143 = arith.constant 0 : i32
        %dma_start3A_144 = tpu.memref_slice %arg8[%dma_start3A_143] : memref<1168xf32, #tpu.memory_space<vmem>> -> memref<1152xf32, #tpu.memory_space<vmem>>
        %dma_start3A_145 = tpu.memref_slice %arg4[%mul3A_140] : memref<1843200xf32, #tpu.memory_space<hbm>> -> memref<1152xf32, #tpu.memory_space<hbm>>
        %dma_start3A_146 = arith.constant 0 : i32
        %dma_start3A_147 = tpu.memref_slice %arg8[%dma_start3A_146] : memref<1168xf32, #tpu.memory_space<vmem>> -> memref<1152xf32, #tpu.memory_space<vmem>>
        %dma_start3A_148 = tpu.memref_slice %arg4[%mul3A_140] : memref<1843200xf32, #tpu.memory_space<hbm>> -> memref<1152xf32, #tpu.memory_space<hbm>>
        tpu.enqueue_dma source(%dma_start3A_148 : memref<1152xf32, #tpu.memory_space<hbm>>) target(%dma_start3A_147 : memref<1152xf32, #tpu.memory_space<vmem>>) target_semaphore(%arg14 : memref<!tpu.dma_semaphore, #tpu.memory_space<semaphore_mem>>)
      } else {
      }
      %mul3A_93 = arith.constant 2 : i32
      %mul3A_94 = arith.muli %mul3A_93, %scan3A_57 : i32
      %add3A_95 = arith.constant 1 : i32
      %add3A_96 = arith.addi %mul3A_94, %add3A_95 : i32
      %add3A_97 = arith.constant 1 : i32
      %add3A_98 = arith.addi %add3A_96, %add3A_97 : i32
      %lt3A_99 = arith.constant 50 : i32
      %lt3A_100 = arith.cmpi slt, %add3A_98, %lt3A_99 : i32
      %convert_element_type3A_101 = arith.extui %lt3A_100 : i1 to i32
      %cond3A_102 = arith.constant 0 : i32
      %cond3A_103 = arith.cmpi ne, %convert_element_type3A_101, %cond3A_102 : i32
      scf.if %cond3A_103 {
        %dma_wait3A_134 = arith.constant 0 : i32
        %dma_wait3A_135 = tpu.memref_slice %arg3[%dma_wait3A_134] : memref<1843200xi32, #tpu.memory_space<hbm>> -> memref<1152xi32, #tpu.memory_space<hbm>>
        %dma_wait3A_136 = arith.constant 0 : i32
        %dma_wait3A_137 = tpu.memref_slice %arg3[%dma_wait3A_136] : memref<1843200xi32, #tpu.memory_space<hbm>> -> memref<1152xi32, #tpu.memory_space<hbm>>
        tpu.wait_dma2 semaphore(%arg14 : memref<!tpu.dma_semaphore, #tpu.memory_space<semaphore_mem>>) src(%dma_wait3A_137 : memref<1152xi32, #tpu.memory_space<hbm>>) dst(%arg6 : memref<1152xi32, #tpu.memory_space<vmem>>)
        %dma_wait3A_138 = arith.constant 0 : i32
        %dma_wait3A_139 = tpu.memref_slice %arg8[%dma_wait3A_138] : memref<1168xf32, #tpu.memory_space<vmem>> -> memref<1152xf32, #tpu.memory_space<vmem>>
        %dma_wait3A_140 = arith.constant 0 : i32
        %dma_wait3A_141 = tpu.memref_slice %arg4[%dma_wait3A_140] : memref<1843200xf32, #tpu.memory_space<hbm>> -> memref<1152xf32, #tpu.memory_space<hbm>>
        %dma_wait3A_142 = arith.constant 0 : i32
        %dma_wait3A_143 = tpu.memref_slice %arg8[%dma_wait3A_142] : memref<1168xf32, #tpu.memory_space<vmem>> -> memref<1152xf32, #tpu.memory_space<vmem>>
        %dma_wait3A_144 = arith.constant 0 : i32
        %dma_wait3A_145 = tpu.memref_slice %arg4[%dma_wait3A_144] : memref<1843200xf32, #tpu.memory_space<hbm>> -> memref<1152xf32, #tpu.memory_space<hbm>>
        tpu.wait_dma2 semaphore(%arg14 : memref<!tpu.dma_semaphore, #tpu.memory_space<semaphore_mem>>) src(%dma_wait3A_145 : memref<1152xf32, #tpu.memory_space<hbm>>) dst(%dma_wait3A_143 : memref<1152xf32, #tpu.memory_space<vmem>>)
        %dma_start3A_146 = arith.constant 0 : i32
        %dma_start3A_147 = arith.constant 0 : i32
        %dma_start3A_148 = tpu.memref_slice %arg2[%dma_start3A_146, %dma_start3A_147] : memref<1075200x32xf32, #tpu.memory_space<hbm>> -> memref<1075200x32xf32, #tpu.memory_space<hbm>>
        tpu.enqueue_indirect_dma source(%dma_start3A_148 : memref<1075200x32xf32, #tpu.memory_space<hbm>>) target(%arg10 : memref<1152x32xf32, #tpu.memory_space<vmem>>) offsets(%arg6 : memref<1152xi32, #tpu.memory_space<vmem>>) semaphore(%arg16 : memref<!tpu.dma_semaphore, #tpu.memory_space<semaphore_mem>>)
      } else {
      }
      %dma_wait3A_104 = arith.constant 0 : i32
      %dma_wait3A_105 = arith.constant 0 : i32
      %dma_wait3A_106 = tpu.memref_slice %arg2[%dma_wait3A_104, %dma_wait3A_105] : memref<1075200x32xf32, #tpu.memory_space<hbm>> -> memref<1075200x32xf32, #tpu.memory_space<hbm>>
      tpu.wait_indirect_dma semaphore(%arg17 : memref<!tpu.dma_semaphore, #tpu.memory_space<semaphore_mem>>) src(%dma_wait3A_106 : memref<1075200x32xf32, #tpu.memory_space<hbm>>) dst(%arg11 : memref<1152x32xf32, #tpu.memory_space<vmem>>)
      %ge3A_107 = arith.constant 2 : i32
      %ge3A_108 = arith.cmpi sge, %add3A_96, %ge3A_107 : i32
      %convert_element_type3A_109 = arith.extui %ge3A_108 : i1 to i32
      %cond3A_110 = arith.constant 0 : i32
      %cond3A_111 = arith.cmpi ne, %convert_element_type3A_109, %cond3A_110 : i32
      scf.if %cond3A_111 {
        %dma_wait3A_134 = arith.constant 0 : i32
        %dma_wait3A_135 = arith.constant 0 : i32
        %dma_wait3A_136 = tpu.memref_slice %arg5[%dma_wait3A_134, %dma_wait3A_135] : memref<38400x32xf32, #tpu.memory_space<hbm>> -> memref<24x32xf32, #tpu.memory_space<hbm>>
        %dma_wait3A_137 = arith.constant 0 : i32
        %dma_wait3A_138 = arith.constant 0 : i32
        %dma_wait3A_139 = tpu.memref_slice %arg5[%dma_wait3A_137, %dma_wait3A_138] : memref<38400x32xf32, #tpu.memory_space<hbm>> -> memref<24x32xf32, #tpu.memory_space<hbm>>
        tpu.wait_dma2 semaphore(%arg19 : memref<!tpu.dma_semaphore, #tpu.memory_space<semaphore_mem>>) src(%arg13 : memref<24x32xf32, #tpu.memory_space<vmem>>) dst(%dma_wait3A_139 : memref<24x32xf32, #tpu.memory_space<hbm>>)
      } else {
      }
      %scan3A_112 = arith.constant 0 : i32
      %scan3A_113 = arith.constant 0 : i32
      %scan3A_114 = arith.constant 24 : i32
      %scan3A_115 = arith.addi %scan3A_113, %scan3A_114 : i32
      %scan3A_116 = arith.constant 1 : i32
      scf.for %scan3A_134 = %scan3A_113 to %scan3A_115 step %scan3A_116  : i32 {
        %jit3A = arith.constant 8 : i32
        %div3A = arith.divsi %scan3A_134, %jit3A : i32
        %sign3A = arith.constant 0 : i32
        %sign3A_135 = arith.cmpi sgt, %scan3A_134, %sign3A : i32
        %sign3A_136 = arith.extui %sign3A_135 : i1 to i32
        %sign3A_137 = arith.constant 0 : i32
        %sign3A_138 = arith.cmpi slt, %scan3A_134, %sign3A_137 : i32
        %sign3A_139 = arith.extui %sign3A_138 : i1 to i32
        %sign3A_140 = arith.subi %sign3A_136, %sign3A_139 : i32
        %sign3A_141 = arith.constant 0 : i32
        %sign3A_142 = arith.cmpi sgt, %jit3A, %sign3A_141 : i32
        %sign3A_143 = arith.extui %sign3A_142 : i1 to i32
        %sign3A_144 = arith.constant 0 : i32
        %sign3A_145 = arith.cmpi slt, %jit3A, %sign3A_144 : i32
        %sign3A_146 = arith.extui %sign3A_145 : i1 to i32
        %sign3A_147 = arith.subi %sign3A_143, %sign3A_146 : i32
        %ne3A = arith.cmpi ne, %sign3A_140, %sign3A_147 : i32
        %rem3A = arith.remsi %scan3A_134, %jit3A : i32
        %ne3A_148 = arith.constant 0 : i32
        %ne3A_149 = arith.cmpi ne, %rem3A, %ne3A_148 : i32
        %and3A = arith.andi %ne3A, %ne3A_149 : i1
        %sub3A = arith.constant 1 : i32
        %sub3A_150 = arith.subi %div3A, %sub3A : i32
        %select_n3A = arith.select %and3A, %sub3A_150, %div3A : i32
        %mul3A_151 = arith.constant 8 : i32
        %mul3A_152 = arith.muli %select_n3A, %mul3A_151 : i32
        %sub3A_153 = arith.subi %scan3A_134, %mul3A_152 : i32
        %broadcast_in_dim3A = arith.constant 0.000000e+00 : f32
        %broadcast_in_dim3A_154 = vector.broadcast %broadcast_in_dim3A : f32 to vector<16xf32>
        %broadcast_in_dim3A_155 = arith.constant 0.000000e+00 : f32
        %broadcast_in_dim3A_156 = vector.broadcast %broadcast_in_dim3A_155 : f32 to vector<16xf32>
        %mul3A_157 = arith.constant 384 : i32
        %mul3A_158 = arith.muli %select_n3A, %mul3A_157 : i32
        %add3A_159 = arith.constant 0 : i32
        %add3A_160 = arith.addi %mul3A_158, %add3A_159 : i32
        %mul3A_161 = arith.constant 12 : i32
        %mul3A_162 = arith.muli %sub3A_153, %mul3A_161 : i32
        %add3A_163 = arith.addi %add3A_160, %mul3A_162 : i32
        %get3A = arith.index_cast %add3A_163 : i32 to index
        %get3A_164 = tpu.vector_load %arg9[%get3A] {strides = array<i32>} : memref<1168xf32, #tpu.memory_space<vmem>>, vector<16xf32>,
        %get3A_165 = vector.shape_cast %get3A_164 : vector<16xf32> to vector<16xf32>
        %slice3A = vector.extract_strided_slice %get3A_165 {offsets = [0], sizes = [1], strides = [1]} : vector<16xf32> to vector<1xf32>
        %squeeze3A = vector.extract %slice3A[0] : f32 from vector<1xf32>
        %add3A_166 = arith.constant 0 : i32
        %add3A_167 = arith.addi %add3A_163, %add3A_166 : i32
        %get3A_168 = arith.index_cast %add3A_167 : i32 to index
        %get3A_169 = arith.constant 0 : index
        %get3A_170 = tpu.vector_load %arg11[%get3A_168, %get3A_169] {strides = array<i32>} : memref<1152x32xf32, #tpu.memory_space<vmem>>, vector<1x16xf32>,
        %get3A_171 = vector.shape_cast %get3A_170 : vector<1x16xf32> to vector<16xf32>
        %mul3A_172 = vector.broadcast %squeeze3A : f32 to vector<16xf32>
        %mul3A_173 = arith.mulf %mul3A_172, %get3A_171 : vector<16xf32>
        %add3A_174 = arith.addf %broadcast_in_dim3A_154, %mul3A_173 : vector<16xf32>
        %add3A_175 = arith.constant 0 : i32
        %add3A_176 = arith.addi %add3A_163, %add3A_175 : i32
        %get3A_177 = arith.index_cast %add3A_176 : i32 to index
        %get3A_178 = arith.constant 16 : index
        %get3A_179 = tpu.vector_load %arg11[%get3A_177, %get3A_178] {strides = array<i32>} : memref<1152x32xf32, #tpu.memory_space<vmem>>, vector<1x16xf32>,
        %get3A_180 = vector.shape_cast %get3A_179 : vector<1x16xf32> to vector<16xf32>
        %mul3A_181 = vector.broadcast %squeeze3A : f32 to vector<16xf32>
        %mul3A_182 = arith.mulf %mul3A_181, %get3A_180 : vector<16xf32>
        %add3A_183 = arith.addf %broadcast_in_dim3A_156, %mul3A_182 : vector<16xf32>
        %slice3A_184 = vector.extract_strided_slice %get3A_165 {offsets = [1], sizes = [1], strides = [1]} : vector<16xf32> to vector<1xf32>
        %squeeze3A_185 = vector.extract %slice3A_184[0] : f32 from vector<1xf32>
        %add3A_186 = arith.constant 1 : i32
        %add3A_187 = arith.addi %add3A_163, %add3A_186 : i32
        %get3A_188 = arith.index_cast %add3A_187 : i32 to index
        %get3A_189 = arith.constant 0 : index
        %get3A_190 = tpu.vector_load %arg11[%get3A_188, %get3A_189] {strides = array<i32>} : memref<1152x32xf32, #tpu.memory_space<vmem>>, vector<1x16xf32>,
        %get3A_191 = vector.shape_cast %get3A_190 : vector<1x16xf32> to vector<16xf32>
        %mul3A_192 = vector.broadcast %squeeze3A_185 : f32 to vector<16xf32>
        %mul3A_193 = arith.mulf %mul3A_192, %get3A_191 : vector<16xf32>
        %add3A_194 = arith.addf %add3A_174, %mul3A_193 : vector<16xf32>
        %add3A_195 = arith.constant 1 : i32
        %add3A_196 = arith.addi %add3A_163, %add3A_195 : i32
        %get3A_197 = arith.index_cast %add3A_196 : i32 to index
        %get3A_198 = arith.constant 16 : index
        %get3A_199 = tpu.vector_load %arg11[%get3A_197, %get3A_198] {strides = array<i32>} : memref<1152x32xf32, #tpu.memory_space<vmem>>, vector<1x16xf32>,
        %get3A_200 = vector.shape_cast %get3A_199 : vector<1x16xf32> to vector<16xf32>
        %mul3A_201 = vector.broadcast %squeeze3A_185 : f32 to vector<16xf32>
        %mul3A_202 = arith.mulf %mul3A_201, %get3A_200 : vector<16xf32>
        %add3A_203 = arith.addf %add3A_183, %mul3A_202 : vector<16xf32>
        %slice3A_204 = vector.extract_strided_slice %get3A_165 {offsets = [2], sizes = [1], strides = [1]} : vector<16xf32> to vector<1xf32>
        %squeeze3A_205 = vector.extract %slice3A_204[0] : f32 from vector<1xf32>
        %add3A_206 = arith.constant 2 : i32
        %add3A_207 = arith.addi %add3A_163, %add3A_206 : i32
        %get3A_208 = arith.index_cast %add3A_207 : i32 to index
        %get3A_209 = arith.constant 0 : index
        %get3A_210 = tpu.vector_load %arg11[%get3A_208, %get3A_209] {strides = array<i32>} : memref<1152x32xf32, #tpu.memory_space<vmem>>, vector<1x16xf32>,
        %get3A_211 = vector.shape_cast %get3A_210 : vector<1x16xf32> to vector<16xf32>
        %mul3A_212 = vector.broadcast %squeeze3A_205 : f32 to vector<16xf32>
        %mul3A_213 = arith.mulf %mul3A_212, %get3A_211 : vector<16xf32>
        %add3A_214 = arith.addf %add3A_194, %mul3A_213 : vector<16xf32>
        %add3A_215 = arith.constant 2 : i32
        %add3A_216 = arith.addi %add3A_163, %add3A_215 : i32
        %get3A_217 = arith.index_cast %add3A_216 : i32 to index
        %get3A_218 = arith.constant 16 : index
        %get3A_219 = tpu.vector_load %arg11[%get3A_217, %get3A_218] {strides = array<i32>} : memref<1152x32xf32, #tpu.memory_space<vmem>>, vector<1x16xf32>,
        %get3A_220 = vector.shape_cast %get3A_219 : vector<1x16xf32> to vector<16xf32>
        %mul3A_221 = vector.broadcast %squeeze3A_205 : f32 to vector<16xf32>
        %mul3A_222 = arith.mulf %mul3A_221, %get3A_220 : vector<16xf32>
        %add3A_223 = arith.addf %add3A_203, %mul3A_222 : vector<16xf32>
        %slice3A_224 = vector.extract_strided_slice %get3A_165 {offsets = [3], sizes = [1], strides = [1]} : vector<16xf32> to vector<1xf32>
        %squeeze3A_225 = vector.extract %slice3A_224[0] : f32 from vector<1xf32>
        %add3A_226 = arith.constant 3 : i32
        %add3A_227 = arith.addi %add3A_163, %add3A_226 : i32
        %get3A_228 = arith.index_cast %add3A_227 : i32 to index
        %get3A_229 = arith.constant 0 : index
        %get3A_230 = tpu.vector_load %arg11[%get3A_228, %get3A_229] {strides = array<i32>} : memref<1152x32xf32, #tpu.memory_space<vmem>>, vector<1x16xf32>,
        %get3A_231 = vector.shape_cast %get3A_230 : vector<1x16xf32> to vector<16xf32>
        %mul3A_232 = vector.broadcast %squeeze3A_225 : f32 to vector<16xf32>
        %mul3A_233 = arith.mulf %mul3A_232, %get3A_231 : vector<16xf32>
        %add3A_234 = arith.addf %add3A_214, %mul3A_233 : vector<16xf32>
        %add3A_235 = arith.constant 3 : i32
        %add3A_236 = arith.addi %add3A_163, %add3A_235 : i32
        %get3A_237 = arith.index_cast %add3A_236 : i32 to index
        %get3A_238 = arith.constant 16 : index
        %get3A_239 = tpu.vector_load %arg11[%get3A_237, %get3A_238] {strides = array<i32>} : memref<1152x32xf32, #tpu.memory_space<vmem>>, vector<1x16xf32>,
        %get3A_240 = vector.shape_cast %get3A_239 : vector<1x16xf32> to vector<16xf32>
        %mul3A_241 = vector.broadcast %squeeze3A_225 : f32 to vector<16xf32>
        %mul3A_242 = arith.mulf %mul3A_241, %get3A_240 : vector<16xf32>
        %add3A_243 = arith.addf %add3A_223, %mul3A_242 : vector<16xf32>
        %slice3A_244 = vector.extract_strided_slice %get3A_165 {offsets = [4], sizes = [1], strides = [1]} : vector<16xf32> to vector<1xf32>
        %squeeze3A_245 = vector.extract %slice3A_244[0] : f32 from vector<1xf32>
        %add3A_246 = arith.constant 4 : i32
        %add3A_247 = arith.addi %add3A_163, %add3A_246 : i32
        %get3A_248 = arith.index_cast %add3A_247 : i32 to index
        %get3A_249 = arith.constant 0 : index
        %get3A_250 = tpu.vector_load %arg11[%get3A_248, %get3A_249] {strides = array<i32>} : memref<1152x32xf32, #tpu.memory_space<vmem>>, vector<1x16xf32>,
        %get3A_251 = vector.shape_cast %get3A_250 : vector<1x16xf32> to vector<16xf32>
        %mul3A_252 = vector.broadcast %squeeze3A_245 : f32 to vector<16xf32>
        %mul3A_253 = arith.mulf %mul3A_252, %get3A_251 : vector<16xf32>
        %add3A_254 = arith.addf %add3A_234, %mul3A_253 : vector<16xf32>
        %add3A_255 = arith.constant 4 : i32
        %add3A_256 = arith.addi %add3A_163, %add3A_255 : i32
        %get3A_257 = arith.index_cast %add3A_256 : i32 to index
        %get3A_258 = arith.constant 16 : index
        %get3A_259 = tpu.vector_load %arg11[%get3A_257, %get3A_258] {strides = array<i32>} : memref<1152x32xf32, #tpu.memory_space<vmem>>, vector<1x16xf32>,
        %get3A_260 = vector.shape_cast %get3A_259 : vector<1x16xf32> to vector<16xf32>
        %mul3A_261 = vector.broadcast %squeeze3A_245 : f32 to vector<16xf32>
        %mul3A_262 = arith.mulf %mul3A_261, %get3A_260 : vector<16xf32>
        %add3A_263 = arith.addf %add3A_243, %mul3A_262 : vector<16xf32>
        %slice3A_264 = vector.extract_strided_slice %get3A_165 {offsets = [5], sizes = [1], strides = [1]} : vector<16xf32> to vector<1xf32>
        %squeeze3A_265 = vector.extract %slice3A_264[0] : f32 from vector<1xf32>
        %add3A_266 = arith.constant 5 : i32
        %add3A_267 = arith.addi %add3A_163, %add3A_266 : i32
        %get3A_268 = arith.index_cast %add3A_267 : i32 to index
        %get3A_269 = arith.constant 0 : index
        %get3A_270 = tpu.vector_load %arg11[%get3A_268, %get3A_269] {strides = array<i32>} : memref<1152x32xf32, #tpu.memory_space<vmem>>, vector<1x16xf32>,
        %get3A_271 = vector.shape_cast %get3A_270 : vector<1x16xf32> to vector<16xf32>
        %mul3A_272 = vector.broadcast %squeeze3A_265 : f32 to vector<16xf32>
        %mul3A_273 = arith.mulf %mul3A_272, %get3A_271 : vector<16xf32>
        %add3A_274 = arith.addf %add3A_254, %mul3A_273 : vector<16xf32>
        %add3A_275 = arith.constant 5 : i32
        %add3A_276 = arith.addi %add3A_163, %add3A_275 : i32
        %get3A_277 = arith.index_cast %add3A_276 : i32 to index
        %get3A_278 = arith.constant 16 : index
        %get3A_279 = tpu.vector_load %arg11[%get3A_277, %get3A_278] {strides = array<i32>} : memref<1152x32xf32, #tpu.memory_space<vmem>>, vector<1x16xf32>,
        %get3A_280 = vector.shape_cast %get3A_279 : vector<1x16xf32> to vector<16xf32>
        %mul3A_281 = vector.broadcast %squeeze3A_265 : f32 to vector<16xf32>
        %mul3A_282 = arith.mulf %mul3A_281, %get3A_280 : vector<16xf32>
        %add3A_283 = arith.addf %add3A_263, %mul3A_282 : vector<16xf32>
        %slice3A_284 = vector.extract_strided_slice %get3A_165 {offsets = [6], sizes = [1], strides = [1]} : vector<16xf32> to vector<1xf32>
        %squeeze3A_285 = vector.extract %slice3A_284[0] : f32 from vector<1xf32>
        %add3A_286 = arith.constant 6 : i32
        %add3A_287 = arith.addi %add3A_163, %add3A_286 : i32
        %get3A_288 = arith.index_cast %add3A_287 : i32 to index
        %get3A_289 = arith.constant 0 : index
        %get3A_290 = tpu.vector_load %arg11[%get3A_288, %get3A_289] {strides = array<i32>} : memref<1152x32xf32, #tpu.memory_space<vmem>>, vector<1x16xf32>,
        %get3A_291 = vector.shape_cast %get3A_290 : vector<1x16xf32> to vector<16xf32>
        %mul3A_292 = vector.broadcast %squeeze3A_285 : f32 to vector<16xf32>
        %mul3A_293 = arith.mulf %mul3A_292, %get3A_291 : vector<16xf32>
        %add3A_294 = arith.addf %add3A_274, %mul3A_293 : vector<16xf32>
        %add3A_295 = arith.constant 6 : i32
        %add3A_296 = arith.addi %add3A_163, %add3A_295 : i32
        %get3A_297 = arith.index_cast %add3A_296 : i32 to index
        %get3A_298 = arith.constant 16 : index
        %get3A_299 = tpu.vector_load %arg11[%get3A_297, %get3A_298] {strides = array<i32>} : memref<1152x32xf32, #tpu.memory_space<vmem>>, vector<1x16xf32>,
        %get3A_300 = vector.shape_cast %get3A_299 : vector<1x16xf32> to vector<16xf32>
        %mul3A_301 = vector.broadcast %squeeze3A_285 : f32 to vector<16xf32>
        %mul3A_302 = arith.mulf %mul3A_301, %get3A_300 : vector<16xf32>
        %add3A_303 = arith.addf %add3A_283, %mul3A_302 : vector<16xf32>
        %slice3A_304 = vector.extract_strided_slice %get3A_165 {offsets = [7], sizes = [1], strides = [1]} : vector<16xf32> to vector<1xf32>
        %squeeze3A_305 = vector.extract %slice3A_304[0] : f32 from vector<1xf32>
        %add3A_306 = arith.constant 7 : i32
        %add3A_307 = arith.addi %add3A_163, %add3A_306 : i32
        %get3A_308 = arith.index_cast %add3A_307 : i32 to index
        %get3A_309 = arith.constant 0 : index
        %get3A_310 = tpu.vector_load %arg11[%get3A_308, %get3A_309] {strides = array<i32>} : memref<1152x32xf32, #tpu.memory_space<vmem>>, vector<1x16xf32>,
        %get3A_311 = vector.shape_cast %get3A_310 : vector<1x16xf32> to vector<16xf32>
        %mul3A_312 = vector.broadcast %squeeze3A_305 : f32 to vector<16xf32>
        %mul3A_313 = arith.mulf %mul3A_312, %get3A_311 : vector<16xf32>
        %add3A_314 = arith.addf %add3A_294, %mul3A_313 : vector<16xf32>
        %add3A_315 = arith.constant 7 : i32
        %add3A_316 = arith.addi %add3A_163, %add3A_315 : i32
        %get3A_317 = arith.index_cast %add3A_316 : i32 to index
        %get3A_318 = arith.constant 16 : index
        %get3A_319 = tpu.vector_load %arg11[%get3A_317, %get3A_318] {strides = array<i32>} : memref<1152x32xf32, #tpu.memory_space<vmem>>, vector<1x16xf32>,
        %get3A_320 = vector.shape_cast %get3A_319 : vector<1x16xf32> to vector<16xf32>
        %mul3A_321 = vector.broadcast %squeeze3A_305 : f32 to vector<16xf32>
        %mul3A_322 = arith.mulf %mul3A_321, %get3A_320 : vector<16xf32>
        %add3A_323 = arith.addf %add3A_303, %mul3A_322 : vector<16xf32>
        %slice3A_324 = vector.extract_strided_slice %get3A_165 {offsets = [8], sizes = [1], strides = [1]} : vector<16xf32> to vector<1xf32>
        %squeeze3A_325 = vector.extract %slice3A_324[0] : f32 from vector<1xf32>
        %add3A_326 = arith.constant 8 : i32
        %add3A_327 = arith.addi %add3A_163, %add3A_326 : i32
        %get3A_328 = arith.index_cast %add3A_327 : i32 to index
        %get3A_329 = arith.constant 0 : index
        %get3A_330 = tpu.vector_load %arg11[%get3A_328, %get3A_329] {strides = array<i32>} : memref<1152x32xf32, #tpu.memory_space<vmem>>, vector<1x16xf32>,
        %get3A_331 = vector.shape_cast %get3A_330 : vector<1x16xf32> to vector<16xf32>
        %mul3A_332 = vector.broadcast %squeeze3A_325 : f32 to vector<16xf32>
        %mul3A_333 = arith.mulf %mul3A_332, %get3A_331 : vector<16xf32>
        %add3A_334 = arith.addf %add3A_314, %mul3A_333 : vector<16xf32>
        %add3A_335 = arith.constant 8 : i32
        %add3A_336 = arith.addi %add3A_163, %add3A_335 : i32
        %get3A_337 = arith.index_cast %add3A_336 : i32 to index
        %get3A_338 = arith.constant 16 : index
        %get3A_339 = tpu.vector_load %arg11[%get3A_337, %get3A_338] {strides = array<i32>} : memref<1152x32xf32, #tpu.memory_space<vmem>>, vector<1x16xf32>,
        %get3A_340 = vector.shape_cast %get3A_339 : vector<1x16xf32> to vector<16xf32>
        %mul3A_341 = vector.broadcast %squeeze3A_325 : f32 to vector<16xf32>
        %mul3A_342 = arith.mulf %mul3A_341, %get3A_340 : vector<16xf32>
        %add3A_343 = arith.addf %add3A_323, %mul3A_342 : vector<16xf32>
        %slice3A_344 = vector.extract_strided_slice %get3A_165 {offsets = [9], sizes = [1], strides = [1]} : vector<16xf32> to vector<1xf32>
        %squeeze3A_345 = vector.extract %slice3A_344[0] : f32 from vector<1xf32>
        %add3A_346 = arith.constant 9 : i32
        %add3A_347 = arith.addi %add3A_163, %add3A_346 : i32
        %get3A_348 = arith.index_cast %add3A_347 : i32 to index
        %get3A_349 = arith.constant 0 : index
        %get3A_350 = tpu.vector_load %arg11[%get3A_348, %get3A_349] {strides = array<i32>} : memref<1152x32xf32, #tpu.memory_space<vmem>>, vector<1x16xf32>,
        %get3A_351 = vector.shape_cast %get3A_350 : vector<1x16xf32> to vector<16xf32>
        %mul3A_352 = vector.broadcast %squeeze3A_345 : f32 to vector<16xf32>
        %mul3A_353 = arith.mulf %mul3A_352, %get3A_351 : vector<16xf32>
        %add3A_354 = arith.addf %add3A_334, %mul3A_353 : vector<16xf32>
        %add3A_355 = arith.constant 9 : i32
        %add3A_356 = arith.addi %add3A_163, %add3A_355 : i32
        %get3A_357 = arith.index_cast %add3A_356 : i32 to index
        %get3A_358 = arith.constant 16 : index
        %get3A_359 = tpu.vector_load %arg11[%get3A_357, %get3A_358] {strides = array<i32>} : memref<1152x32xf32, #tpu.memory_space<vmem>>, vector<1x16xf32>,
        %get3A_360 = vector.shape_cast %get3A_359 : vector<1x16xf32> to vector<16xf32>
        %mul3A_361 = vector.broadcast %squeeze3A_345 : f32 to vector<16xf32>
        %mul3A_362 = arith.mulf %mul3A_361, %get3A_360 : vector<16xf32>
        %add3A_363 = arith.addf %add3A_343, %mul3A_362 : vector<16xf32>
        %slice3A_364 = vector.extract_strided_slice %get3A_165 {offsets = [10], sizes = [1], strides = [1]} : vector<16xf32> to vector<1xf32>
        %squeeze3A_365 = vector.extract %slice3A_364[0] : f32 from vector<1xf32>
        %add3A_366 = arith.constant 10 : i32
        %add3A_367 = arith.addi %add3A_163, %add3A_366 : i32
        %get3A_368 = arith.index_cast %add3A_367 : i32 to index
        %get3A_369 = arith.constant 0 : index
        %get3A_370 = tpu.vector_load %arg11[%get3A_368, %get3A_369] {strides = array<i32>} : memref<1152x32xf32, #tpu.memory_space<vmem>>, vector<1x16xf32>,
        %get3A_371 = vector.shape_cast %get3A_370 : vector<1x16xf32> to vector<16xf32>
        %mul3A_372 = vector.broadcast %squeeze3A_365 : f32 to vector<16xf32>
        %mul3A_373 = arith.mulf %mul3A_372, %get3A_371 : vector<16xf32>
        %add3A_374 = arith.addf %add3A_354, %mul3A_373 : vector<16xf32>
        %add3A_375 = arith.constant 10 : i32
        %add3A_376 = arith.addi %add3A_163, %add3A_375 : i32
        %get3A_377 = arith.index_cast %add3A_376 : i32 to index
        %get3A_378 = arith.constant 16 : index
        %get3A_379 = tpu.vector_load %arg11[%get3A_377, %get3A_378] {strides = array<i32>} : memref<1152x32xf32, #tpu.memory_space<vmem>>, vector<1x16xf32>,
        %get3A_380 = vector.shape_cast %get3A_379 : vector<1x16xf32> to vector<16xf32>
        %mul3A_381 = vector.broadcast %squeeze3A_365 : f32 to vector<16xf32>
        %mul3A_382 = arith.mulf %mul3A_381, %get3A_380 : vector<16xf32>
        %add3A_383 = arith.addf %add3A_363, %mul3A_382 : vector<16xf32>
        %slice3A_384 = vector.extract_strided_slice %get3A_165 {offsets = [11], sizes = [1], strides = [1]} : vector<16xf32> to vector<1xf32>
        %squeeze3A_385 = vector.extract %slice3A_384[0] : f32 from vector<1xf32>
        %add3A_386 = arith.constant 11 : i32
        %add3A_387 = arith.addi %add3A_163, %add3A_386 : i32
        %get3A_388 = arith.index_cast %add3A_387 : i32 to index
        %get3A_389 = arith.constant 0 : index
        %get3A_390 = tpu.vector_load %arg11[%get3A_388, %get3A_389] {strides = array<i32>} : memref<1152x32xf32, #tpu.memory_space<vmem>>, vector<1x16xf32>,
        %get3A_391 = vector.shape_cast %get3A_390 : vector<1x16xf32> to vector<16xf32>
        %mul3A_392 = vector.broadcast %squeeze3A_385 : f32 to vector<16xf32>
        %mul3A_393 = arith.mulf %mul3A_392, %get3A_391 : vector<16xf32>
        %add3A_394 = arith.addf %add3A_374, %mul3A_393 : vector<16xf32>
        %add3A_395 = arith.constant 11 : i32
        %add3A_396 = arith.addi %add3A_163, %add3A_395 : i32
        %get3A_397 = arith.index_cast %add3A_396 : i32 to index
        %get3A_398 = arith.constant 16 : index
        %get3A_399 = tpu.vector_load %arg11[%get3A_397, %get3A_398] {strides = array<i32>} : memref<1152x32xf32, #tpu.memory_space<vmem>>, vector<1x16xf32>,
        %get3A_400 = vector.shape_cast %get3A_399 : vector<1x16xf32> to vector<16xf32>
        %mul3A_401 = vector.broadcast %squeeze3A_385 : f32 to vector<16xf32>
        %mul3A_402 = arith.mulf %mul3A_401, %get3A_400 : vector<16xf32>
        %add3A_403 = arith.addf %add3A_383, %mul3A_402 : vector<16xf32>
        %mul3A_404 = arith.constant 384 : i32
        %mul3A_405 = arith.muli %select_n3A, %mul3A_404 : i32
        %add3A_406 = arith.constant 96 : i32
        %add3A_407 = arith.addi %mul3A_405, %add3A_406 : i32
        %mul3A_408 = arith.constant 12 : i32
        %mul3A_409 = arith.muli %sub3A_153, %mul3A_408 : i32
        %add3A_410 = arith.addi %add3A_407, %mul3A_409 : i32
        %get3A_411 = arith.index_cast %add3A_410 : i32 to index
        %get3A_412 = tpu.vector_load %arg9[%get3A_411] {strides = array<i32>} : memref<1168xf32, #tpu.memory_space<vmem>>, vector<16xf32>,
        %get3A_413 = vector.shape_cast %get3A_412 : vector<16xf32> to vector<16xf32>
        %slice3A_414 = vector.extract_strided_slice %get3A_413 {offsets = [0], sizes = [1], strides = [1]} : vector<16xf32> to vector<1xf32>
        %squeeze3A_415 = vector.extract %slice3A_414[0] : f32 from vector<1xf32>
        %add3A_416 = arith.constant 0 : i32
        %add3A_417 = arith.addi %add3A_410, %add3A_416 : i32
        %get3A_418 = arith.index_cast %add3A_417 : i32 to index
        %get3A_419 = arith.constant 0 : index
        %get3A_420 = tpu.vector_load %arg11[%get3A_418, %get3A_419] {strides = array<i32>} : memref<1152x32xf32, #tpu.memory_space<vmem>>, vector<1x16xf32>,
        %get3A_421 = vector.shape_cast %get3A_420 : vector<1x16xf32> to vector<16xf32>
        %mul3A_422 = vector.broadcast %squeeze3A_415 : f32 to vector<16xf32>
        %mul3A_423 = arith.mulf %mul3A_422, %get3A_421 : vector<16xf32>
        %add3A_424 = arith.addf %add3A_394, %mul3A_423 : vector<16xf32>
        %add3A_425 = arith.constant 0 : i32
        %add3A_426 = arith.addi %add3A_410, %add3A_425 : i32
        %get3A_427 = arith.index_cast %add3A_426 : i32 to index
        %get3A_428 = arith.constant 16 : index
        %get3A_429 = tpu.vector_load %arg11[%get3A_427, %get3A_428] {strides = array<i32>} : memref<1152x32xf32, #tpu.memory_space<vmem>>, vector<1x16xf32>,
        %get3A_430 = vector.shape_cast %get3A_429 : vector<1x16xf32> to vector<16xf32>
        %mul3A_431 = vector.broadcast %squeeze3A_415 : f32 to vector<16xf32>
        %mul3A_432 = arith.mulf %mul3A_431, %get3A_430 : vector<16xf32>
        %add3A_433 = arith.addf %add3A_403, %mul3A_432 : vector<16xf32>
        %slice3A_434 = vector.extract_strided_slice %get3A_413 {offsets = [1], sizes = [1], strides = [1]} : vector<16xf32> to vector<1xf32>
        %squeeze3A_435 = vector.extract %slice3A_434[0] : f32 from vector<1xf32>
        %add3A_436 = arith.constant 1 : i32
        %add3A_437 = arith.addi %add3A_410, %add3A_436 : i32
        %get3A_438 = arith.index_cast %add3A_437 : i32 to index
        %get3A_439 = arith.constant 0 : index
        %get3A_440 = tpu.vector_load %arg11[%get3A_438, %get3A_439] {strides = array<i32>} : memref<1152x32xf32, #tpu.memory_space<vmem>>, vector<1x16xf32>,
        %get3A_441 = vector.shape_cast %get3A_440 : vector<1x16xf32> to vector<16xf32>
        %mul3A_442 = vector.broadcast %squeeze3A_435 : f32 to vector<16xf32>
        %mul3A_443 = arith.mulf %mul3A_442, %get3A_441 : vector<16xf32>
        %add3A_444 = arith.addf %add3A_424, %mul3A_443 : vector<16xf32>
        %add3A_445 = arith.constant 1 : i32
        %add3A_446 = arith.addi %add3A_410, %add3A_445 : i32
        %get3A_447 = arith.index_cast %add3A_446 : i32 to index
        %get3A_448 = arith.constant 16 : index
        %get3A_449 = tpu.vector_load %arg11[%get3A_447, %get3A_448] {strides = array<i32>} : memref<1152x32xf32, #tpu.memory_space<vmem>>, vector<1x16xf32>,
        %get3A_450 = vector.shape_cast %get3A_449 : vector<1x16xf32> to vector<16xf32>
        %mul3A_451 = vector.broadcast %squeeze3A_435 : f32 to vector<16xf32>
        %mul3A_452 = arith.mulf %mul3A_451, %get3A_450 : vector<16xf32>
        %add3A_453 = arith.addf %add3A_433, %mul3A_452 : vector<16xf32>
        %slice3A_454 = vector.extract_strided_slice %get3A_413 {offsets = [2], sizes = [1], strides = [1]} : vector<16xf32> to vector<1xf32>
        %squeeze3A_455 = vector.extract %slice3A_454[0] : f32 from vector<1xf32>
        %add3A_456 = arith.constant 2 : i32
        %add3A_457 = arith.addi %add3A_410, %add3A_456 : i32
        %get3A_458 = arith.index_cast %add3A_457 : i32 to index
        %get3A_459 = arith.constant 0 : index
        %get3A_460 = tpu.vector_load %arg11[%get3A_458, %get3A_459] {strides = array<i32>} : memref<1152x32xf32, #tpu.memory_space<vmem>>, vector<1x16xf32>,
        %get3A_461 = vector.shape_cast %get3A_460 : vector<1x16xf32> to vector<16xf32>
        %mul3A_462 = vector.broadcast %squeeze3A_455 : f32 to vector<16xf32>
        %mul3A_463 = arith.mulf %mul3A_462, %get3A_461 : vector<16xf32>
        %add3A_464 = arith.addf %add3A_444, %mul3A_463 : vector<16xf32>
        %add3A_465 = arith.constant 2 : i32
        %add3A_466 = arith.addi %add3A_410, %add3A_465 : i32
        %get3A_467 = arith.index_cast %add3A_466 : i32 to index
        %get3A_468 = arith.constant 16 : index
        %get3A_469 = tpu.vector_load %arg11[%get3A_467, %get3A_468] {strides = array<i32>} : memref<1152x32xf32, #tpu.memory_space<vmem>>, vector<1x16xf32>,
        %get3A_470 = vector.shape_cast %get3A_469 : vector<1x16xf32> to vector<16xf32>
        %mul3A_471 = vector.broadcast %squeeze3A_455 : f32 to vector<16xf32>
        %mul3A_472 = arith.mulf %mul3A_471, %get3A_470 : vector<16xf32>
        %add3A_473 = arith.addf %add3A_453, %mul3A_472 : vector<16xf32>
        %slice3A_474 = vector.extract_strided_slice %get3A_413 {offsets = [3], sizes = [1], strides = [1]} : vector<16xf32> to vector<1xf32>
        %squeeze3A_475 = vector.extract %slice3A_474[0] : f32 from vector<1xf32>
        %add3A_476 = arith.constant 3 : i32
        %add3A_477 = arith.addi %add3A_410, %add3A_476 : i32
        %get3A_478 = arith.index_cast %add3A_477 : i32 to index
        %get3A_479 = arith.constant 0 : index
        %get3A_480 = tpu.vector_load %arg11[%get3A_478, %get3A_479] {strides = array<i32>} : memref<1152x32xf32, #tpu.memory_space<vmem>>, vector<1x16xf32>,
        %get3A_481 = vector.shape_cast %get3A_480 : vector<1x16xf32> to vector<16xf32>
        %mul3A_482 = vector.broadcast %squeeze3A_475 : f32 to vector<16xf32>
        %mul3A_483 = arith.mulf %mul3A_482, %get3A_481 : vector<16xf32>
        %add3A_484 = arith.addf %add3A_464, %mul3A_483 : vector<16xf32>
        %add3A_485 = arith.constant 3 : i32
        %add3A_486 = arith.addi %add3A_410, %add3A_485 : i32
        %get3A_487 = arith.index_cast %add3A_486 : i32 to index
        %get3A_488 = arith.constant 16 : index
        %get3A_489 = tpu.vector_load %arg11[%get3A_487, %get3A_488] {strides = array<i32>} : memref<1152x32xf32, #tpu.memory_space<vmem>>, vector<1x16xf32>,
        %get3A_490 = vector.shape_cast %get3A_489 : vector<1x16xf32> to vector<16xf32>
        %mul3A_491 = vector.broadcast %squeeze3A_475 : f32 to vector<16xf32>
        %mul3A_492 = arith.mulf %mul3A_491, %get3A_490 : vector<16xf32>
        %add3A_493 = arith.addf %add3A_473, %mul3A_492 : vector<16xf32>
        %slice3A_494 = vector.extract_strided_slice %get3A_413 {offsets = [4], sizes = [1], strides = [1]} : vector<16xf32> to vector<1xf32>
        %squeeze3A_495 = vector.extract %slice3A_494[0] : f32 from vector<1xf32>
        %add3A_496 = arith.constant 4 : i32
        %add3A_497 = arith.addi %add3A_410, %add3A_496 : i32
        %get3A_498 = arith.index_cast %add3A_497 : i32 to index
        %get3A_499 = arith.constant 0 : index
        %get3A_500 = tpu.vector_load %arg11[%get3A_498, %get3A_499] {strides = array<i32>} : memref<1152x32xf32, #tpu.memory_space<vmem>>, vector<1x16xf32>,
        %get3A_501 = vector.shape_cast %get3A_500 : vector<1x16xf32> to vector<16xf32>
        %mul3A_502 = vector.broadcast %squeeze3A_495 : f32 to vector<16xf32>
        %mul3A_503 = arith.mulf %mul3A_502, %get3A_501 : vector<16xf32>
        %add3A_504 = arith.addf %add3A_484, %mul3A_503 : vector<16xf32>
        %add3A_505 = arith.constant 4 : i32
        %add3A_506 = arith.addi %add3A_410, %add3A_505 : i32
        %get3A_507 = arith.index_cast %add3A_506 : i32 to index
        %get3A_508 = arith.constant 16 : index
        %get3A_509 = tpu.vector_load %arg11[%get3A_507, %get3A_508] {strides = array<i32>} : memref<1152x32xf32, #tpu.memory_space<vmem>>, vector<1x16xf32>,
        %get3A_510 = vector.shape_cast %get3A_509 : vector<1x16xf32> to vector<16xf32>
        %mul3A_511 = vector.broadcast %squeeze3A_495 : f32 to vector<16xf32>
        %mul3A_512 = arith.mulf %mul3A_511, %get3A_510 : vector<16xf32>
        %add3A_513 = arith.addf %add3A_493, %mul3A_512 : vector<16xf32>
        %slice3A_514 = vector.extract_strided_slice %get3A_413 {offsets = [5], sizes = [1], strides = [1]} : vector<16xf32> to vector<1xf32>
        %squeeze3A_515 = vector.extract %slice3A_514[0] : f32 from vector<1xf32>
        %add3A_516 = arith.constant 5 : i32
        %add3A_517 = arith.addi %add3A_410, %add3A_516 : i32
        %get3A_518 = arith.index_cast %add3A_517 : i32 to index
        %get3A_519 = arith.constant 0 : index
        %get3A_520 = tpu.vector_load %arg11[%get3A_518, %get3A_519] {strides = array<i32>} : memref<1152x32xf32, #tpu.memory_space<vmem>>, vector<1x16xf32>,
        %get3A_521 = vector.shape_cast %get3A_520 : vector<1x16xf32> to vector<16xf32>
        %mul3A_522 = vector.broadcast %squeeze3A_515 : f32 to vector<16xf32>
        %mul3A_523 = arith.mulf %mul3A_522, %get3A_521 : vector<16xf32>
        %add3A_524 = arith.addf %add3A_504, %mul3A_523 : vector<16xf32>
        %add3A_525 = arith.constant 5 : i32
        %add3A_526 = arith.addi %add3A_410, %add3A_525 : i32
        %get3A_527 = arith.index_cast %add3A_526 : i32 to index
        %get3A_528 = arith.constant 16 : index
        %get3A_529 = tpu.vector_load %arg11[%get3A_527, %get3A_528] {strides = array<i32>} : memref<1152x32xf32, #tpu.memory_space<vmem>>, vector<1x16xf32>,
        %get3A_530 = vector.shape_cast %get3A_529 : vector<1x16xf32> to vector<16xf32>
        %mul3A_531 = vector.broadcast %squeeze3A_515 : f32 to vector<16xf32>
        %mul3A_532 = arith.mulf %mul3A_531, %get3A_530 : vector<16xf32>
        %add3A_533 = arith.addf %add3A_513, %mul3A_532 : vector<16xf32>
        %slice3A_534 = vector.extract_strided_slice %get3A_413 {offsets = [6], sizes = [1], strides = [1]} : vector<16xf32> to vector<1xf32>
        %squeeze3A_535 = vector.extract %slice3A_534[0] : f32 from vector<1xf32>
        %add3A_536 = arith.constant 6 : i32
        %add3A_537 = arith.addi %add3A_410, %add3A_536 : i32
        %get3A_538 = arith.index_cast %add3A_537 : i32 to index
        %get3A_539 = arith.constant 0 : index
        %get3A_540 = tpu.vector_load %arg11[%get3A_538, %get3A_539] {strides = array<i32>} : memref<1152x32xf32, #tpu.memory_space<vmem>>, vector<1x16xf32>,
        %get3A_541 = vector.shape_cast %get3A_540 : vector<1x16xf32> to vector<16xf32>
        %mul3A_542 = vector.broadcast %squeeze3A_535 : f32 to vector<16xf32>
        %mul3A_543 = arith.mulf %mul3A_542, %get3A_541 : vector<16xf32>
        %add3A_544 = arith.addf %add3A_524, %mul3A_543 : vector<16xf32>
        %add3A_545 = arith.constant 6 : i32
        %add3A_546 = arith.addi %add3A_410, %add3A_545 : i32
        %get3A_547 = arith.index_cast %add3A_546 : i32 to index
        %get3A_548 = arith.constant 16 : index
        %get3A_549 = tpu.vector_load %arg11[%get3A_547, %get3A_548] {strides = array<i32>} : memref<1152x32xf32, #tpu.memory_space<vmem>>, vector<1x16xf32>,
        %get3A_550 = vector.shape_cast %get3A_549 : vector<1x16xf32> to vector<16xf32>
        %mul3A_551 = vector.broadcast %squeeze3A_535 : f32 to vector<16xf32>
        %mul3A_552 = arith.mulf %mul3A_551, %get3A_550 : vector<16xf32>
        %add3A_553 = arith.addf %add3A_533, %mul3A_552 : vector<16xf32>
        %slice3A_554 = vector.extract_strided_slice %get3A_413 {offsets = [7], sizes = [1], strides = [1]} : vector<16xf32> to vector<1xf32>
        %squeeze3A_555 = vector.extract %slice3A_554[0] : f32 from vector<1xf32>
        %add3A_556 = arith.constant 7 : i32
        %add3A_557 = arith.addi %add3A_410, %add3A_556 : i32
        %get3A_558 = arith.index_cast %add3A_557 : i32 to index
        %get3A_559 = arith.constant 0 : index
        %get3A_560 = tpu.vector_load %arg11[%get3A_558, %get3A_559] {strides = array<i32>} : memref<1152x32xf32, #tpu.memory_space<vmem>>, vector<1x16xf32>,
        %get3A_561 = vector.shape_cast %get3A_560 : vector<1x16xf32> to vector<16xf32>
        %mul3A_562 = vector.broadcast %squeeze3A_555 : f32 to vector<16xf32>
        %mul3A_563 = arith.mulf %mul3A_562, %get3A_561 : vector<16xf32>
        %add3A_564 = arith.addf %add3A_544, %mul3A_563 : vector<16xf32>
        %add3A_565 = arith.constant 7 : i32
        %add3A_566 = arith.addi %add3A_410, %add3A_565 : i32
        %get3A_567 = arith.index_cast %add3A_566 : i32 to index
        %get3A_568 = arith.constant 16 : index
        %get3A_569 = tpu.vector_load %arg11[%get3A_567, %get3A_568] {strides = array<i32>} : memref<1152x32xf32, #tpu.memory_space<vmem>>, vector<1x16xf32>,
        %get3A_570 = vector.shape_cast %get3A_569 : vector<1x16xf32> to vector<16xf32>
        %mul3A_571 = vector.broadcast %squeeze3A_555 : f32 to vector<16xf32>
        %mul3A_572 = arith.mulf %mul3A_571, %get3A_570 : vector<16xf32>
        %add3A_573 = arith.addf %add3A_553, %mul3A_572 : vector<16xf32>
        %slice3A_574 = vector.extract_strided_slice %get3A_413 {offsets = [8], sizes = [1], strides = [1]} : vector<16xf32> to vector<1xf32>
        %squeeze3A_575 = vector.extract %slice3A_574[0] : f32 from vector<1xf32>
        %add3A_576 = arith.constant 8 : i32
        %add3A_577 = arith.addi %add3A_410, %add3A_576 : i32
        %get3A_578 = arith.index_cast %add3A_577 : i32 to index
        %get3A_579 = arith.constant 0 : index
        %get3A_580 = tpu.vector_load %arg11[%get3A_578, %get3A_579] {strides = array<i32>} : memref<1152x32xf32, #tpu.memory_space<vmem>>, vector<1x16xf32>,
        %get3A_581 = vector.shape_cast %get3A_580 : vector<1x16xf32> to vector<16xf32>
        %mul3A_582 = vector.broadcast %squeeze3A_575 : f32 to vector<16xf32>
        %mul3A_583 = arith.mulf %mul3A_582, %get3A_581 : vector<16xf32>
        %add3A_584 = arith.addf %add3A_564, %mul3A_583 : vector<16xf32>
        %add3A_585 = arith.constant 8 : i32
        %add3A_586 = arith.addi %add3A_410, %add3A_585 : i32
        %get3A_587 = arith.index_cast %add3A_586 : i32 to index
        %get3A_588 = arith.constant 16 : index
        %get3A_589 = tpu.vector_load %arg11[%get3A_587, %get3A_588] {strides = array<i32>} : memref<1152x32xf32, #tpu.memory_space<vmem>>, vector<1x16xf32>,
        %get3A_590 = vector.shape_cast %get3A_589 : vector<1x16xf32> to vector<16xf32>
        %mul3A_591 = vector.broadcast %squeeze3A_575 : f32 to vector<16xf32>
        %mul3A_592 = arith.mulf %mul3A_591, %get3A_590 : vector<16xf32>
        %add3A_593 = arith.addf %add3A_573, %mul3A_592 : vector<16xf32>
        %slice3A_594 = vector.extract_strided_slice %get3A_413 {offsets = [9], sizes = [1], strides = [1]} : vector<16xf32> to vector<1xf32>
        %squeeze3A_595 = vector.extract %slice3A_594[0] : f32 from vector<1xf32>
        %add3A_596 = arith.constant 9 : i32
        %add3A_597 = arith.addi %add3A_410, %add3A_596 : i32
        %get3A_598 = arith.index_cast %add3A_597 : i32 to index
        %get3A_599 = arith.constant 0 : index
        %get3A_600 = tpu.vector_load %arg11[%get3A_598, %get3A_599] {strides = array<i32>} : memref<1152x32xf32, #tpu.memory_space<vmem>>, vector<1x16xf32>,
        %get3A_601 = vector.shape_cast %get3A_600 : vector<1x16xf32> to vector<16xf32>
        %mul3A_602 = vector.broadcast %squeeze3A_595 : f32 to vector<16xf32>
        %mul3A_603 = arith.mulf %mul3A_602, %get3A_601 : vector<16xf32>
        %add3A_604 = arith.addf %add3A_584, %mul3A_603 : vector<16xf32>
        %add3A_605 = arith.constant 9 : i32
        %add3A_606 = arith.addi %add3A_410, %add3A_605 : i32
        %get3A_607 = arith.index_cast %add3A_606 : i32 to index
        %get3A_608 = arith.constant 16 : index
        %get3A_609 = tpu.vector_load %arg11[%get3A_607, %get3A_608] {strides = array<i32>} : memref<1152x32xf32, #tpu.memory_space<vmem>>, vector<1x16xf32>,
        %get3A_610 = vector.shape_cast %get3A_609 : vector<1x16xf32> to vector<16xf32>
        %mul3A_611 = vector.broadcast %squeeze3A_595 : f32 to vector<16xf32>
        %mul3A_612 = arith.mulf %mul3A_611, %get3A_610 : vector<16xf32>
        %add3A_613 = arith.addf %add3A_593, %mul3A_612 : vector<16xf32>
        %slice3A_614 = vector.extract_strided_slice %get3A_413 {offsets = [10], sizes = [1], strides = [1]} : vector<16xf32> to vector<1xf32>
        %squeeze3A_615 = vector.extract %slice3A_614[0] : f32 from vector<1xf32>
        %add3A_616 = arith.constant 10 : i32
        %add3A_617 = arith.addi %add3A_410, %add3A_616 : i32
        %get3A_618 = arith.index_cast %add3A_617 : i32 to index
        %get3A_619 = arith.constant 0 : index
        %get3A_620 = tpu.vector_load %arg11[%get3A_618, %get3A_619] {strides = array<i32>} : memref<1152x32xf32, #tpu.memory_space<vmem>>, vector<1x16xf32>,
        %get3A_621 = vector.shape_cast %get3A_620 : vector<1x16xf32> to vector<16xf32>
        %mul3A_622 = vector.broadcast %squeeze3A_615 : f32 to vector<16xf32>
        %mul3A_623 = arith.mulf %mul3A_622, %get3A_621 : vector<16xf32>
        %add3A_624 = arith.addf %add3A_604, %mul3A_623 : vector<16xf32>
        %add3A_625 = arith.constant 10 : i32
        %add3A_626 = arith.addi %add3A_410, %add3A_625 : i32
        %get3A_627 = arith.index_cast %add3A_626 : i32 to index
        %get3A_628 = arith.constant 16 : index
        %get3A_629 = tpu.vector_load %arg11[%get3A_627, %get3A_628] {strides = array<i32>} : memref<1152x32xf32, #tpu.memory_space<vmem>>, vector<1x16xf32>,
        %get3A_630 = vector.shape_cast %get3A_629 : vector<1x16xf32> to vector<16xf32>
        %mul3A_631 = vector.broadcast %squeeze3A_615 : f32 to vector<16xf32>
        %mul3A_632 = arith.mulf %mul3A_631, %get3A_630 : vector<16xf32>
        %add3A_633 = arith.addf %add3A_613, %mul3A_632 : vector<16xf32>
        %slice3A_634 = vector.extract_strided_slice %get3A_413 {offsets = [11], sizes = [1], strides = [1]} : vector<16xf32> to vector<1xf32>
        %squeeze3A_635 = vector.extract %slice3A_634[0] : f32 from vector<1xf32>
        %add3A_636 = arith.constant 11 : i32
        %add3A_637 = arith.addi %add3A_410, %add3A_636 : i32
        %get3A_638 = arith.index_cast %add3A_637 : i32 to index
        %get3A_639 = arith.constant 0 : index
        %get3A_640 = tpu.vector_load %arg11[%get3A_638, %get3A_639] {strides = array<i32>} : memref<1152x32xf32, #tpu.memory_space<vmem>>, vector<1x16xf32>,
        %get3A_641 = vector.shape_cast %get3A_640 : vector<1x16xf32> to vector<16xf32>
        %mul3A_642 = vector.broadcast %squeeze3A_635 : f32 to vector<16xf32>
        %mul3A_643 = arith.mulf %mul3A_642, %get3A_641 : vector<16xf32>
        %add3A_644 = arith.addf %add3A_624, %mul3A_643 : vector<16xf32>
        %add3A_645 = arith.constant 11 : i32
        %add3A_646 = arith.addi %add3A_410, %add3A_645 : i32
        %get3A_647 = arith.index_cast %add3A_646 : i32 to index
        %get3A_648 = arith.constant 16 : index
        %get3A_649 = tpu.vector_load %arg11[%get3A_647, %get3A_648] {strides = array<i32>} : memref<1152x32xf32, #tpu.memory_space<vmem>>, vector<1x16xf32>,
        %get3A_650 = vector.shape_cast %get3A_649 : vector<1x16xf32> to vector<16xf32>
        %mul3A_651 = vector.broadcast %squeeze3A_635 : f32 to vector<16xf32>
        %mul3A_652 = arith.mulf %mul3A_651, %get3A_650 : vector<16xf32>
        %add3A_653 = arith.addf %add3A_633, %mul3A_652 : vector<16xf32>
        %mul3A_654 = arith.constant 384 : i32
        %mul3A_655 = arith.muli %select_n3A, %mul3A_654 : i32
        %add3A_656 = arith.constant 192 : i32
        %add3A_657 = arith.addi %mul3A_655, %add3A_656 : i32
        %mul3A_658 = arith.constant 12 : i32
        %mul3A_659 = arith.muli %sub3A_153, %mul3A_658 : i32
        %add3A_660 = arith.addi %add3A_657, %mul3A_659 : i32
        %get3A_661 = arith.index_cast %add3A_660 : i32 to index
        %get3A_662 = tpu.vector_load %arg9[%get3A_661] {strides = array<i32>} : memref<1168xf32, #tpu.memory_space<vmem>>, vector<16xf32>,
        %get3A_663 = vector.shape_cast %get3A_662 : vector<16xf32> to vector<16xf32>
        %slice3A_664 = vector.extract_strided_slice %get3A_663 {offsets = [0], sizes = [1], strides = [1]} : vector<16xf32> to vector<1xf32>
        %squeeze3A_665 = vector.extract %slice3A_664[0] : f32 from vector<1xf32>
        %add3A_666 = arith.constant 0 : i32
        %add3A_667 = arith.addi %add3A_660, %add3A_666 : i32
        %get3A_668 = arith.index_cast %add3A_667 : i32 to index
        %get3A_669 = arith.constant 0 : index
        %get3A_670 = tpu.vector_load %arg11[%get3A_668, %get3A_669] {strides = array<i32>} : memref<1152x32xf32, #tpu.memory_space<vmem>>, vector<1x16xf32>,
        %get3A_671 = vector.shape_cast %get3A_670 : vector<1x16xf32> to vector<16xf32>
        %mul3A_672 = vector.broadcast %squeeze3A_665 : f32 to vector<16xf32>
        %mul3A_673 = arith.mulf %mul3A_672, %get3A_671 : vector<16xf32>
        %add3A_674 = arith.addf %add3A_644, %mul3A_673 : vector<16xf32>
        %add3A_675 = arith.constant 0 : i32
        %add3A_676 = arith.addi %add3A_660, %add3A_675 : i32
        %get3A_677 = arith.index_cast %add3A_676 : i32 to index
        %get3A_678 = arith.constant 16 : index
        %get3A_679 = tpu.vector_load %arg11[%get3A_677, %get3A_678] {strides = array<i32>} : memref<1152x32xf32, #tpu.memory_space<vmem>>, vector<1x16xf32>,
        %get3A_680 = vector.shape_cast %get3A_679 : vector<1x16xf32> to vector<16xf32>
        %mul3A_681 = vector.broadcast %squeeze3A_665 : f32 to vector<16xf32>
        %mul3A_682 = arith.mulf %mul3A_681, %get3A_680 : vector<16xf32>
        %add3A_683 = arith.addf %add3A_653, %mul3A_682 : vector<16xf32>
        %slice3A_684 = vector.extract_strided_slice %get3A_663 {offsets = [1], sizes = [1], strides = [1]} : vector<16xf32> to vector<1xf32>
        %squeeze3A_685 = vector.extract %slice3A_684[0] : f32 from vector<1xf32>
        %add3A_686 = arith.constant 1 : i32
        %add3A_687 = arith.addi %add3A_660, %add3A_686 : i32
        %get3A_688 = arith.index_cast %add3A_687 : i32 to index
        %get3A_689 = arith.constant 0 : index
        %get3A_690 = tpu.vector_load %arg11[%get3A_688, %get3A_689] {strides = array<i32>} : memref<1152x32xf32, #tpu.memory_space<vmem>>, vector<1x16xf32>,
        %get3A_691 = vector.shape_cast %get3A_690 : vector<1x16xf32> to vector<16xf32>
        %mul3A_692 = vector.broadcast %squeeze3A_685 : f32 to vector<16xf32>
        %mul3A_693 = arith.mulf %mul3A_692, %get3A_691 : vector<16xf32>
        %add3A_694 = arith.addf %add3A_674, %mul3A_693 : vector<16xf32>
        %add3A_695 = arith.constant 1 : i32
        %add3A_696 = arith.addi %add3A_660, %add3A_695 : i32
        %get3A_697 = arith.index_cast %add3A_696 : i32 to index
        %get3A_698 = arith.constant 16 : index
        %get3A_699 = tpu.vector_load %arg11[%get3A_697, %get3A_698] {strides = array<i32>} : memref<1152x32xf32, #tpu.memory_space<vmem>>, vector<1x16xf32>,
        %get3A_700 = vector.shape_cast %get3A_699 : vector<1x16xf32> to vector<16xf32>
        %mul3A_701 = vector.broadcast %squeeze3A_685 : f32 to vector<16xf32>
        %mul3A_702 = arith.mulf %mul3A_701, %get3A_700 : vector<16xf32>
        %add3A_703 = arith.addf %add3A_683, %mul3A_702 : vector<16xf32>
        %slice3A_704 = vector.extract_strided_slice %get3A_663 {offsets = [2], sizes = [1], strides = [1]} : vector<16xf32> to vector<1xf32>
        %squeeze3A_705 = vector.extract %slice3A_704[0] : f32 from vector<1xf32>
        %add3A_706 = arith.constant 2 : i32
        %add3A_707 = arith.addi %add3A_660, %add3A_706 : i32
        %get3A_708 = arith.index_cast %add3A_707 : i32 to index
        %get3A_709 = arith.constant 0 : index
        %get3A_710 = tpu.vector_load %arg11[%get3A_708, %get3A_709] {strides = array<i32>} : memref<1152x32xf32, #tpu.memory_space<vmem>>, vector<1x16xf32>,
        %get3A_711 = vector.shape_cast %get3A_710 : vector<1x16xf32> to vector<16xf32>
        %mul3A_712 = vector.broadcast %squeeze3A_705 : f32 to vector<16xf32>
        %mul3A_713 = arith.mulf %mul3A_712, %get3A_711 : vector<16xf32>
        %add3A_714 = arith.addf %add3A_694, %mul3A_713 : vector<16xf32>
        %add3A_715 = arith.constant 2 : i32
        %add3A_716 = arith.addi %add3A_660, %add3A_715 : i32
        %get3A_717 = arith.index_cast %add3A_716 : i32 to index
        %get3A_718 = arith.constant 16 : index
        %get3A_719 = tpu.vector_load %arg11[%get3A_717, %get3A_718] {strides = array<i32>} : memref<1152x32xf32, #tpu.memory_space<vmem>>, vector<1x16xf32>,
        %get3A_720 = vector.shape_cast %get3A_719 : vector<1x16xf32> to vector<16xf32>
        %mul3A_721 = vector.broadcast %squeeze3A_705 : f32 to vector<16xf32>
        %mul3A_722 = arith.mulf %mul3A_721, %get3A_720 : vector<16xf32>
        %add3A_723 = arith.addf %add3A_703, %mul3A_722 : vector<16xf32>
        %slice3A_724 = vector.extract_strided_slice %get3A_663 {offsets = [3], sizes = [1], strides = [1]} : vector<16xf32> to vector<1xf32>
        %squeeze3A_725 = vector.extract %slice3A_724[0] : f32 from vector<1xf32>
        %add3A_726 = arith.constant 3 : i32
        %add3A_727 = arith.addi %add3A_660, %add3A_726 : i32
        %get3A_728 = arith.index_cast %add3A_727 : i32 to index
        %get3A_729 = arith.constant 0 : index
        %get3A_730 = tpu.vector_load %arg11[%get3A_728, %get3A_729] {strides = array<i32>} : memref<1152x32xf32, #tpu.memory_space<vmem>>, vector<1x16xf32>,
        %get3A_731 = vector.shape_cast %get3A_730 : vector<1x16xf32> to vector<16xf32>
        %mul3A_732 = vector.broadcast %squeeze3A_725 : f32 to vector<16xf32>
        %mul3A_733 = arith.mulf %mul3A_732, %get3A_731 : vector<16xf32>
        %add3A_734 = arith.addf %add3A_714, %mul3A_733 : vector<16xf32>
        %add3A_735 = arith.constant 3 : i32
        %add3A_736 = arith.addi %add3A_660, %add3A_735 : i32
        %get3A_737 = arith.index_cast %add3A_736 : i32 to index
        %get3A_738 = arith.constant 16 : index
        %get3A_739 = tpu.vector_load %arg11[%get3A_737, %get3A_738] {strides = array<i32>} : memref<1152x32xf32, #tpu.memory_space<vmem>>, vector<1x16xf32>,
        %get3A_740 = vector.shape_cast %get3A_739 : vector<1x16xf32> to vector<16xf32>
        %mul3A_741 = vector.broadcast %squeeze3A_725 : f32 to vector<16xf32>
        %mul3A_742 = arith.mulf %mul3A_741, %get3A_740 : vector<16xf32>
        %add3A_743 = arith.addf %add3A_723, %mul3A_742 : vector<16xf32>
        %slice3A_744 = vector.extract_strided_slice %get3A_663 {offsets = [4], sizes = [1], strides = [1]} : vector<16xf32> to vector<1xf32>
        %squeeze3A_745 = vector.extract %slice3A_744[0] : f32 from vector<1xf32>
        %add3A_746 = arith.constant 4 : i32
        %add3A_747 = arith.addi %add3A_660, %add3A_746 : i32
        %get3A_748 = arith.index_cast %add3A_747 : i32 to index
        %get3A_749 = arith.constant 0 : index
        %get3A_750 = tpu.vector_load %arg11[%get3A_748, %get3A_749] {strides = array<i32>} : memref<1152x32xf32, #tpu.memory_space<vmem>>, vector<1x16xf32>,
        %get3A_751 = vector.shape_cast %get3A_750 : vector<1x16xf32> to vector<16xf32>
        %mul3A_752 = vector.broadcast %squeeze3A_745 : f32 to vector<16xf32>
        %mul3A_753 = arith.mulf %mul3A_752, %get3A_751 : vector<16xf32>
        %add3A_754 = arith.addf %add3A_734, %mul3A_753 : vector<16xf32>
        %add3A_755 = arith.constant 4 : i32
        %add3A_756 = arith.addi %add3A_660, %add3A_755 : i32
        %get3A_757 = arith.index_cast %add3A_756 : i32 to index
        %get3A_758 = arith.constant 16 : index
        %get3A_759 = tpu.vector_load %arg11[%get3A_757, %get3A_758] {strides = array<i32>} : memref<1152x32xf32, #tpu.memory_space<vmem>>, vector<1x16xf32>,
        %get3A_760 = vector.shape_cast %get3A_759 : vector<1x16xf32> to vector<16xf32>
        %mul3A_761 = vector.broadcast %squeeze3A_745 : f32 to vector<16xf32>
        %mul3A_762 = arith.mulf %mul3A_761, %get3A_760 : vector<16xf32>
        %add3A_763 = arith.addf %add3A_743, %mul3A_762 : vector<16xf32>
        %slice3A_764 = vector.extract_strided_slice %get3A_663 {offsets = [5], sizes = [1], strides = [1]} : vector<16xf32> to vector<1xf32>
        %squeeze3A_765 = vector.extract %slice3A_764[0] : f32 from vector<1xf32>
        %add3A_766 = arith.constant 5 : i32
        %add3A_767 = arith.addi %add3A_660, %add3A_766 : i32
        %get3A_768 = arith.index_cast %add3A_767 : i32 to index
        %get3A_769 = arith.constant 0 : index
        %get3A_770 = tpu.vector_load %arg11[%get3A_768, %get3A_769] {strides = array<i32>} : memref<1152x32xf32, #tpu.memory_space<vmem>>, vector<1x16xf32>,
        %get3A_771 = vector.shape_cast %get3A_770 : vector<1x16xf32> to vector<16xf32>
        %mul3A_772 = vector.broadcast %squeeze3A_765 : f32 to vector<16xf32>
        %mul3A_773 = arith.mulf %mul3A_772, %get3A_771 : vector<16xf32>
        %add3A_774 = arith.addf %add3A_754, %mul3A_773 : vector<16xf32>
        %add3A_775 = arith.constant 5 : i32
        %add3A_776 = arith.addi %add3A_660, %add3A_775 : i32
        %get3A_777 = arith.index_cast %add3A_776 : i32 to index
        %get3A_778 = arith.constant 16 : index
        %get3A_779 = tpu.vector_load %arg11[%get3A_777, %get3A_778] {strides = array<i32>} : memref<1152x32xf32, #tpu.memory_space<vmem>>, vector<1x16xf32>,
        %get3A_780 = vector.shape_cast %get3A_779 : vector<1x16xf32> to vector<16xf32>
        %mul3A_781 = vector.broadcast %squeeze3A_765 : f32 to vector<16xf32>
        %mul3A_782 = arith.mulf %mul3A_781, %get3A_780 : vector<16xf32>
        %add3A_783 = arith.addf %add3A_763, %mul3A_782 : vector<16xf32>
        %slice3A_784 = vector.extract_strided_slice %get3A_663 {offsets = [6], sizes = [1], strides = [1]} : vector<16xf32> to vector<1xf32>
        %squeeze3A_785 = vector.extract %slice3A_784[0] : f32 from vector<1xf32>
        %add3A_786 = arith.constant 6 : i32
        %add3A_787 = arith.addi %add3A_660, %add3A_786 : i32
        %get3A_788 = arith.index_cast %add3A_787 : i32 to index
        %get3A_789 = arith.constant 0 : index
        %get3A_790 = tpu.vector_load %arg11[%get3A_788, %get3A_789] {strides = array<i32>} : memref<1152x32xf32, #tpu.memory_space<vmem>>, vector<1x16xf32>,
        %get3A_791 = vector.shape_cast %get3A_790 : vector<1x16xf32> to vector<16xf32>
        %mul3A_792 = vector.broadcast %squeeze3A_785 : f32 to vector<16xf32>
        %mul3A_793 = arith.mulf %mul3A_792, %get3A_791 : vector<16xf32>
        %add3A_794 = arith.addf %add3A_774, %mul3A_793 : vector<16xf32>
        %add3A_795 = arith.constant 6 : i32
        %add3A_796 = arith.addi %add3A_660, %add3A_795 : i32
        %get3A_797 = arith.index_cast %add3A_796 : i32 to index
        %get3A_798 = arith.constant 16 : index
        %get3A_799 = tpu.vector_load %arg11[%get3A_797, %get3A_798] {strides = array<i32>} : memref<1152x32xf32, #tpu.memory_space<vmem>>, vector<1x16xf32>,
        %get3A_800 = vector.shape_cast %get3A_799 : vector<1x16xf32> to vector<16xf32>
        %mul3A_801 = vector.broadcast %squeeze3A_785 : f32 to vector<16xf32>
        %mul3A_802 = arith.mulf %mul3A_801, %get3A_800 : vector<16xf32>
        %add3A_803 = arith.addf %add3A_783, %mul3A_802 : vector<16xf32>
        %slice3A_804 = vector.extract_strided_slice %get3A_663 {offsets = [7], sizes = [1], strides = [1]} : vector<16xf32> to vector<1xf32>
        %squeeze3A_805 = vector.extract %slice3A_804[0] : f32 from vector<1xf32>
        %add3A_806 = arith.constant 7 : i32
        %add3A_807 = arith.addi %add3A_660, %add3A_806 : i32
        %get3A_808 = arith.index_cast %add3A_807 : i32 to index
        %get3A_809 = arith.constant 0 : index
        %get3A_810 = tpu.vector_load %arg11[%get3A_808, %get3A_809] {strides = array<i32>} : memref<1152x32xf32, #tpu.memory_space<vmem>>, vector<1x16xf32>,
        %get3A_811 = vector.shape_cast %get3A_810 : vector<1x16xf32> to vector<16xf32>
        %mul3A_812 = vector.broadcast %squeeze3A_805 : f32 to vector<16xf32>
        %mul3A_813 = arith.mulf %mul3A_812, %get3A_811 : vector<16xf32>
        %add3A_814 = arith.addf %add3A_794, %mul3A_813 : vector<16xf32>
        %add3A_815 = arith.constant 7 : i32
        %add3A_816 = arith.addi %add3A_660, %add3A_815 : i32
        %get3A_817 = arith.index_cast %add3A_816 : i32 to index
        %get3A_818 = arith.constant 16 : index
        %get3A_819 = tpu.vector_load %arg11[%get3A_817, %get3A_818] {strides = array<i32>} : memref<1152x32xf32, #tpu.memory_space<vmem>>, vector<1x16xf32>,
        %get3A_820 = vector.shape_cast %get3A_819 : vector<1x16xf32> to vector<16xf32>
        %mul3A_821 = vector.broadcast %squeeze3A_805 : f32 to vector<16xf32>
        %mul3A_822 = arith.mulf %mul3A_821, %get3A_820 : vector<16xf32>
        %add3A_823 = arith.addf %add3A_803, %mul3A_822 : vector<16xf32>
        %slice3A_824 = vector.extract_strided_slice %get3A_663 {offsets = [8], sizes = [1], strides = [1]} : vector<16xf32> to vector<1xf32>
        %squeeze3A_825 = vector.extract %slice3A_824[0] : f32 from vector<1xf32>
        %add3A_826 = arith.constant 8 : i32
        %add3A_827 = arith.addi %add3A_660, %add3A_826 : i32
        %get3A_828 = arith.index_cast %add3A_827 : i32 to index
        %get3A_829 = arith.constant 0 : index
        %get3A_830 = tpu.vector_load %arg11[%get3A_828, %get3A_829] {strides = array<i32>} : memref<1152x32xf32, #tpu.memory_space<vmem>>, vector<1x16xf32>,
        %get3A_831 = vector.shape_cast %get3A_830 : vector<1x16xf32> to vector<16xf32>
        %mul3A_832 = vector.broadcast %squeeze3A_825 : f32 to vector<16xf32>
        %mul3A_833 = arith.mulf %mul3A_832, %get3A_831 : vector<16xf32>
        %add3A_834 = arith.addf %add3A_814, %mul3A_833 : vector<16xf32>
        %add3A_835 = arith.constant 8 : i32
        %add3A_836 = arith.addi %add3A_660, %add3A_835 : i32
        %get3A_837 = arith.index_cast %add3A_836 : i32 to index
        %get3A_838 = arith.constant 16 : index
        %get3A_839 = tpu.vector_load %arg11[%get3A_837, %get3A_838] {strides = array<i32>} : memref<1152x32xf32, #tpu.memory_space<vmem>>, vector<1x16xf32>,
        %get3A_840 = vector.shape_cast %get3A_839 : vector<1x16xf32> to vector<16xf32>
        %mul3A_841 = vector.broadcast %squeeze3A_825 : f32 to vector<16xf32>
        %mul3A_842 = arith.mulf %mul3A_841, %get3A_840 : vector<16xf32>
        %add3A_843 = arith.addf %add3A_823, %mul3A_842 : vector<16xf32>
        %slice3A_844 = vector.extract_strided_slice %get3A_663 {offsets = [9], sizes = [1], strides = [1]} : vector<16xf32> to vector<1xf32>
        %squeeze3A_845 = vector.extract %slice3A_844[0] : f32 from vector<1xf32>
        %add3A_846 = arith.constant 9 : i32
        %add3A_847 = arith.addi %add3A_660, %add3A_846 : i32
        %get3A_848 = arith.index_cast %add3A_847 : i32 to index
        %get3A_849 = arith.constant 0 : index
        %get3A_850 = tpu.vector_load %arg11[%get3A_848, %get3A_849] {strides = array<i32>} : memref<1152x32xf32, #tpu.memory_space<vmem>>, vector<1x16xf32>,
        %get3A_851 = vector.shape_cast %get3A_850 : vector<1x16xf32> to vector<16xf32>
        %mul3A_852 = vector.broadcast %squeeze3A_845 : f32 to vector<16xf32>
        %mul3A_853 = arith.mulf %mul3A_852, %get3A_851 : vector<16xf32>
        %add3A_854 = arith.addf %add3A_834, %mul3A_853 : vector<16xf32>
        %add3A_855 = arith.constant 9 : i32
        %add3A_856 = arith.addi %add3A_660, %add3A_855 : i32
        %get3A_857 = arith.index_cast %add3A_856 : i32 to index
        %get3A_858 = arith.constant 16 : index
        %get3A_859 = tpu.vector_load %arg11[%get3A_857, %get3A_858] {strides = array<i32>} : memref<1152x32xf32, #tpu.memory_space<vmem>>, vector<1x16xf32>,
        %get3A_860 = vector.shape_cast %get3A_859 : vector<1x16xf32> to vector<16xf32>
        %mul3A_861 = vector.broadcast %squeeze3A_845 : f32 to vector<16xf32>
        %mul3A_862 = arith.mulf %mul3A_861, %get3A_860 : vector<16xf32>
        %add3A_863 = arith.addf %add3A_843, %mul3A_862 : vector<16xf32>
        %slice3A_864 = vector.extract_strided_slice %get3A_663 {offsets = [10], sizes = [1], strides = [1]} : vector<16xf32> to vector<1xf32>
        %squeeze3A_865 = vector.extract %slice3A_864[0] : f32 from vector<1xf32>
        %add3A_866 = arith.constant 10 : i32
        %add3A_867 = arith.addi %add3A_660, %add3A_866 : i32
        %get3A_868 = arith.index_cast %add3A_867 : i32 to index
        %get3A_869 = arith.constant 0 : index
        %get3A_870 = tpu.vector_load %arg11[%get3A_868, %get3A_869] {strides = array<i32>} : memref<1152x32xf32, #tpu.memory_space<vmem>>, vector<1x16xf32>,
        %get3A_871 = vector.shape_cast %get3A_870 : vector<1x16xf32> to vector<16xf32>
        %mul3A_872 = vector.broadcast %squeeze3A_865 : f32 to vector<16xf32>
        %mul3A_873 = arith.mulf %mul3A_872, %get3A_871 : vector<16xf32>
        %add3A_874 = arith.addf %add3A_854, %mul3A_873 : vector<16xf32>
        %add3A_875 = arith.constant 10 : i32
        %add3A_876 = arith.addi %add3A_660, %add3A_875 : i32
        %get3A_877 = arith.index_cast %add3A_876 : i32 to index
        %get3A_878 = arith.constant 16 : index
        %get3A_879 = tpu.vector_load %arg11[%get3A_877, %get3A_878] {strides = array<i32>} : memref<1152x32xf32, #tpu.memory_space<vmem>>, vector<1x16xf32>,
        %get3A_880 = vector.shape_cast %get3A_879 : vector<1x16xf32> to vector<16xf32>
        %mul3A_881 = vector.broadcast %squeeze3A_865 : f32 to vector<16xf32>
        %mul3A_882 = arith.mulf %mul3A_881, %get3A_880 : vector<16xf32>
        %add3A_883 = arith.addf %add3A_863, %mul3A_882 : vector<16xf32>
        %slice3A_884 = vector.extract_strided_slice %get3A_663 {offsets = [11], sizes = [1], strides = [1]} : vector<16xf32> to vector<1xf32>
        %squeeze3A_885 = vector.extract %slice3A_884[0] : f32 from vector<1xf32>
        %add3A_886 = arith.constant 11 : i32
        %add3A_887 = arith.addi %add3A_660, %add3A_886 : i32
        %get3A_888 = arith.index_cast %add3A_887 : i32 to index
        %get3A_889 = arith.constant 0 : index
        %get3A_890 = tpu.vector_load %arg11[%get3A_888, %get3A_889] {strides = array<i32>} : memref<1152x32xf32, #tpu.memory_space<vmem>>, vector<1x16xf32>,
        %get3A_891 = vector.shape_cast %get3A_890 : vector<1x16xf32> to vector<16xf32>
        %mul3A_892 = vector.broadcast %squeeze3A_885 : f32 to vector<16xf32>
        %mul3A_893 = arith.mulf %mul3A_892, %get3A_891 : vector<16xf32>
        %add3A_894 = arith.addf %add3A_874, %mul3A_893 : vector<16xf32>
        %add3A_895 = arith.constant 11 : i32
        %add3A_896 = arith.addi %add3A_660, %add3A_895 : i32
        %get3A_897 = arith.index_cast %add3A_896 : i32 to index
        %get3A_898 = arith.constant 16 : index
        %get3A_899 = tpu.vector_load %arg11[%get3A_897, %get3A_898] {strides = array<i32>} : memref<1152x32xf32, #tpu.memory_space<vmem>>, vector<1x16xf32>,
        %get3A_900 = vector.shape_cast %get3A_899 : vector<1x16xf32> to vector<16xf32>
        %mul3A_901 = vector.broadcast %squeeze3A_885 : f32 to vector<16xf32>
        %mul3A_902 = arith.mulf %mul3A_901, %get3A_900 : vector<16xf32>
        %add3A_903 = arith.addf %add3A_883, %mul3A_902 : vector<16xf32>
        %mul3A_904 = arith.constant 384 : i32
        %mul3A_905 = arith.muli %select_n3A, %mul3A_904 : i32
        %add3A_906 = arith.constant 288 : i32
        %add3A_907 = arith.addi %mul3A_905, %add3A_906 : i32
        %mul3A_908 = arith.constant 12 : i32
        %mul3A_909 = arith.muli %sub3A_153, %mul3A_908 : i32
        %add3A_910 = arith.addi %add3A_907, %mul3A_909 : i32
        %get3A_911 = arith.index_cast %add3A_910 : i32 to index
        %get3A_912 = tpu.vector_load %arg9[%get3A_911] {strides = array<i32>} : memref<1168xf32, #tpu.memory_space<vmem>>, vector<16xf32>,
        %get3A_913 = vector.shape_cast %get3A_912 : vector<16xf32> to vector<16xf32>
        %slice3A_914 = vector.extract_strided_slice %get3A_913 {offsets = [0], sizes = [1], strides = [1]} : vector<16xf32> to vector<1xf32>
        %squeeze3A_915 = vector.extract %slice3A_914[0] : f32 from vector<1xf32>
        %add3A_916 = arith.constant 0 : i32
        %add3A_917 = arith.addi %add3A_910, %add3A_916 : i32
        %get3A_918 = arith.index_cast %add3A_917 : i32 to index
        %get3A_919 = arith.constant 0 : index
        %get3A_920 = tpu.vector_load %arg11[%get3A_918, %get3A_919] {strides = array<i32>} : memref<1152x32xf32, #tpu.memory_space<vmem>>, vector<1x16xf32>,
        %get3A_921 = vector.shape_cast %get3A_920 : vector<1x16xf32> to vector<16xf32>
        %mul3A_922 = vector.broadcast %squeeze3A_915 : f32 to vector<16xf32>
        %mul3A_923 = arith.mulf %mul3A_922, %get3A_921 : vector<16xf32>
        %add3A_924 = arith.addf %add3A_894, %mul3A_923 : vector<16xf32>
        %add3A_925 = arith.constant 0 : i32
        %add3A_926 = arith.addi %add3A_910, %add3A_925 : i32
        %get3A_927 = arith.index_cast %add3A_926 : i32 to index
        %get3A_928 = arith.constant 16 : index
        %get3A_929 = tpu.vector_load %arg11[%get3A_927, %get3A_928] {strides = array<i32>} : memref<1152x32xf32, #tpu.memory_space<vmem>>, vector<1x16xf32>,
        %get3A_930 = vector.shape_cast %get3A_929 : vector<1x16xf32> to vector<16xf32>
        %mul3A_931 = vector.broadcast %squeeze3A_915 : f32 to vector<16xf32>
        %mul3A_932 = arith.mulf %mul3A_931, %get3A_930 : vector<16xf32>
        %add3A_933 = arith.addf %add3A_903, %mul3A_932 : vector<16xf32>
        %slice3A_934 = vector.extract_strided_slice %get3A_913 {offsets = [1], sizes = [1], strides = [1]} : vector<16xf32> to vector<1xf32>
        %squeeze3A_935 = vector.extract %slice3A_934[0] : f32 from vector<1xf32>
        %add3A_936 = arith.constant 1 : i32
        %add3A_937 = arith.addi %add3A_910, %add3A_936 : i32
        %get3A_938 = arith.index_cast %add3A_937 : i32 to index
        %get3A_939 = arith.constant 0 : index
        %get3A_940 = tpu.vector_load %arg11[%get3A_938, %get3A_939] {strides = array<i32>} : memref<1152x32xf32, #tpu.memory_space<vmem>>, vector<1x16xf32>,
        %get3A_941 = vector.shape_cast %get3A_940 : vector<1x16xf32> to vector<16xf32>
        %mul3A_942 = vector.broadcast %squeeze3A_935 : f32 to vector<16xf32>
        %mul3A_943 = arith.mulf %mul3A_942, %get3A_941 : vector<16xf32>
        %add3A_944 = arith.addf %add3A_924, %mul3A_943 : vector<16xf32>
        %add3A_945 = arith.constant 1 : i32
        %add3A_946 = arith.addi %add3A_910, %add3A_945 : i32
        %get3A_947 = arith.index_cast %add3A_946 : i32 to index
        %get3A_948 = arith.constant 16 : index
        %get3A_949 = tpu.vector_load %arg11[%get3A_947, %get3A_948] {strides = array<i32>} : memref<1152x32xf32, #tpu.memory_space<vmem>>, vector<1x16xf32>,
        %get3A_950 = vector.shape_cast %get3A_949 : vector<1x16xf32> to vector<16xf32>
        %mul3A_951 = vector.broadcast %squeeze3A_935 : f32 to vector<16xf32>
        %mul3A_952 = arith.mulf %mul3A_951, %get3A_950 : vector<16xf32>
        %add3A_953 = arith.addf %add3A_933, %mul3A_952 : vector<16xf32>
        %slice3A_954 = vector.extract_strided_slice %get3A_913 {offsets = [2], sizes = [1], strides = [1]} : vector<16xf32> to vector<1xf32>
        %squeeze3A_955 = vector.extract %slice3A_954[0] : f32 from vector<1xf32>
        %add3A_956 = arith.constant 2 : i32
        %add3A_957 = arith.addi %add3A_910, %add3A_956 : i32
        %get3A_958 = arith.index_cast %add3A_957 : i32 to index
        %get3A_959 = arith.constant 0 : index
        %get3A_960 = tpu.vector_load %arg11[%get3A_958, %get3A_959] {strides = array<i32>} : memref<1152x32xf32, #tpu.memory_space<vmem>>, vector<1x16xf32>,
        %get3A_961 = vector.shape_cast %get3A_960 : vector<1x16xf32> to vector<16xf32>
        %mul3A_962 = vector.broadcast %squeeze3A_955 : f32 to vector<16xf32>
        %mul3A_963 = arith.mulf %mul3A_962, %get3A_961 : vector<16xf32>
        %add3A_964 = arith.addf %add3A_944, %mul3A_963 : vector<16xf32>
        %add3A_965 = arith.constant 2 : i32
        %add3A_966 = arith.addi %add3A_910, %add3A_965 : i32
        %get3A_967 = arith.index_cast %add3A_966 : i32 to index
        %get3A_968 = arith.constant 16 : index
        %get3A_969 = tpu.vector_load %arg11[%get3A_967, %get3A_968] {strides = array<i32>} : memref<1152x32xf32, #tpu.memory_space<vmem>>, vector<1x16xf32>,
        %get3A_970 = vector.shape_cast %get3A_969 : vector<1x16xf32> to vector<16xf32>
        %mul3A_971 = vector.broadcast %squeeze3A_955 : f32 to vector<16xf32>
        %mul3A_972 = arith.mulf %mul3A_971, %get3A_970 : vector<16xf32>
        %add3A_973 = arith.addf %add3A_953, %mul3A_972 : vector<16xf32>
        %slice3A_974 = vector.extract_strided_slice %get3A_913 {offsets = [3], sizes = [1], strides = [1]} : vector<16xf32> to vector<1xf32>
        %squeeze3A_975 = vector.extract %slice3A_974[0] : f32 from vector<1xf32>
        %add3A_976 = arith.constant 3 : i32
        %add3A_977 = arith.addi %add3A_910, %add3A_976 : i32
        %get3A_978 = arith.index_cast %add3A_977 : i32 to index
        %get3A_979 = arith.constant 0 : index
        %get3A_980 = tpu.vector_load %arg11[%get3A_978, %get3A_979] {strides = array<i32>} : memref<1152x32xf32, #tpu.memory_space<vmem>>, vector<1x16xf32>,
        %get3A_981 = vector.shape_cast %get3A_980 : vector<1x16xf32> to vector<16xf32>
        %mul3A_982 = vector.broadcast %squeeze3A_975 : f32 to vector<16xf32>
        %mul3A_983 = arith.mulf %mul3A_982, %get3A_981 : vector<16xf32>
        %add3A_984 = arith.addf %add3A_964, %mul3A_983 : vector<16xf32>
        %add3A_985 = arith.constant 3 : i32
        %add3A_986 = arith.addi %add3A_910, %add3A_985 : i32
        %get3A_987 = arith.index_cast %add3A_986 : i32 to index
        %get3A_988 = arith.constant 16 : index
        %get3A_989 = tpu.vector_load %arg11[%get3A_987, %get3A_988] {strides = array<i32>} : memref<1152x32xf32, #tpu.memory_space<vmem>>, vector<1x16xf32>,
        %get3A_990 = vector.shape_cast %get3A_989 : vector<1x16xf32> to vector<16xf32>
        %mul3A_991 = vector.broadcast %squeeze3A_975 : f32 to vector<16xf32>
        %mul3A_992 = arith.mulf %mul3A_991, %get3A_990 : vector<16xf32>
        %add3A_993 = arith.addf %add3A_973, %mul3A_992 : vector<16xf32>
        %slice3A_994 = vector.extract_strided_slice %get3A_913 {offsets = [4], sizes = [1], strides = [1]} : vector<16xf32> to vector<1xf32>
        %squeeze3A_995 = vector.extract %slice3A_994[0] : f32 from vector<1xf32>
        %add3A_996 = arith.constant 4 : i32
        %add3A_997 = arith.addi %add3A_910, %add3A_996 : i32
        %get3A_998 = arith.index_cast %add3A_997 : i32 to index
        %get3A_999 = arith.constant 0 : index
        %get3A_1000 = tpu.vector_load %arg11[%get3A_998, %get3A_999] {strides = array<i32>} : memref<1152x32xf32, #tpu.memory_space<vmem>>, vector<1x16xf32>,
        %get3A_1001 = vector.shape_cast %get3A_1000 : vector<1x16xf32> to vector<16xf32>
        %mul3A_1002 = vector.broadcast %squeeze3A_995 : f32 to vector<16xf32>
        %mul3A_1003 = arith.mulf %mul3A_1002, %get3A_1001 : vector<16xf32>
        %add3A_1004 = arith.addf %add3A_984, %mul3A_1003 : vector<16xf32>
        %add3A_1005 = arith.constant 4 : i32
        %add3A_1006 = arith.addi %add3A_910, %add3A_1005 : i32
        %get3A_1007 = arith.index_cast %add3A_1006 : i32 to index
        %get3A_1008 = arith.constant 16 : index
        %get3A_1009 = tpu.vector_load %arg11[%get3A_1007, %get3A_1008] {strides = array<i32>} : memref<1152x32xf32, #tpu.memory_space<vmem>>, vector<1x16xf32>,
        %get3A_1010 = vector.shape_cast %get3A_1009 : vector<1x16xf32> to vector<16xf32>
        %mul3A_1011 = vector.broadcast %squeeze3A_995 : f32 to vector<16xf32>
        %mul3A_1012 = arith.mulf %mul3A_1011, %get3A_1010 : vector<16xf32>
        %add3A_1013 = arith.addf %add3A_993, %mul3A_1012 : vector<16xf32>
        %slice3A_1014 = vector.extract_strided_slice %get3A_913 {offsets = [5], sizes = [1], strides = [1]} : vector<16xf32> to vector<1xf32>
        %squeeze3A_1015 = vector.extract %slice3A_1014[0] : f32 from vector<1xf32>
        %add3A_1016 = arith.constant 5 : i32
        %add3A_1017 = arith.addi %add3A_910, %add3A_1016 : i32
        %get3A_1018 = arith.index_cast %add3A_1017 : i32 to index
        %get3A_1019 = arith.constant 0 : index
        %get3A_1020 = tpu.vector_load %arg11[%get3A_1018, %get3A_1019] {strides = array<i32>} : memref<1152x32xf32, #tpu.memory_space<vmem>>, vector<1x16xf32>,
        %get3A_1021 = vector.shape_cast %get3A_1020 : vector<1x16xf32> to vector<16xf32>
        %mul3A_1022 = vector.broadcast %squeeze3A_1015 : f32 to vector<16xf32>
        %mul3A_1023 = arith.mulf %mul3A_1022, %get3A_1021 : vector<16xf32>
        %add3A_1024 = arith.addf %add3A_1004, %mul3A_1023 : vector<16xf32>
        %add3A_1025 = arith.constant 5 : i32
        %add3A_1026 = arith.addi %add3A_910, %add3A_1025 : i32
        %get3A_1027 = arith.index_cast %add3A_1026 : i32 to index
        %get3A_1028 = arith.constant 16 : index
        %get3A_1029 = tpu.vector_load %arg11[%get3A_1027, %get3A_1028] {strides = array<i32>} : memref<1152x32xf32, #tpu.memory_space<vmem>>, vector<1x16xf32>,
        %get3A_1030 = vector.shape_cast %get3A_1029 : vector<1x16xf32> to vector<16xf32>
        %mul3A_1031 = vector.broadcast %squeeze3A_1015 : f32 to vector<16xf32>
        %mul3A_1032 = arith.mulf %mul3A_1031, %get3A_1030 : vector<16xf32>
        %add3A_1033 = arith.addf %add3A_1013, %mul3A_1032 : vector<16xf32>
        %slice3A_1034 = vector.extract_strided_slice %get3A_913 {offsets = [6], sizes = [1], strides = [1]} : vector<16xf32> to vector<1xf32>
        %squeeze3A_1035 = vector.extract %slice3A_1034[0] : f32 from vector<1xf32>
        %add3A_1036 = arith.constant 6 : i32
        %add3A_1037 = arith.addi %add3A_910, %add3A_1036 : i32
        %get3A_1038 = arith.index_cast %add3A_1037 : i32 to index
        %get3A_1039 = arith.constant 0 : index
        %get3A_1040 = tpu.vector_load %arg11[%get3A_1038, %get3A_1039] {strides = array<i32>} : memref<1152x32xf32, #tpu.memory_space<vmem>>, vector<1x16xf32>,
        %get3A_1041 = vector.shape_cast %get3A_1040 : vector<1x16xf32> to vector<16xf32>
        %mul3A_1042 = vector.broadcast %squeeze3A_1035 : f32 to vector<16xf32>
        %mul3A_1043 = arith.mulf %mul3A_1042, %get3A_1041 : vector<16xf32>
        %add3A_1044 = arith.addf %add3A_1024, %mul3A_1043 : vector<16xf32>
        %add3A_1045 = arith.constant 6 : i32
        %add3A_1046 = arith.addi %add3A_910, %add3A_1045 : i32
        %get3A_1047 = arith.index_cast %add3A_1046 : i32 to index
        %get3A_1048 = arith.constant 16 : index
        %get3A_1049 = tpu.vector_load %arg11[%get3A_1047, %get3A_1048] {strides = array<i32>} : memref<1152x32xf32, #tpu.memory_space<vmem>>, vector<1x16xf32>,
        %get3A_1050 = vector.shape_cast %get3A_1049 : vector<1x16xf32> to vector<16xf32>
        %mul3A_1051 = vector.broadcast %squeeze3A_1035 : f32 to vector<16xf32>
        %mul3A_1052 = arith.mulf %mul3A_1051, %get3A_1050 : vector<16xf32>
        %add3A_1053 = arith.addf %add3A_1033, %mul3A_1052 : vector<16xf32>
        %slice3A_1054 = vector.extract_strided_slice %get3A_913 {offsets = [7], sizes = [1], strides = [1]} : vector<16xf32> to vector<1xf32>
        %squeeze3A_1055 = vector.extract %slice3A_1054[0] : f32 from vector<1xf32>
        %add3A_1056 = arith.constant 7 : i32
        %add3A_1057 = arith.addi %add3A_910, %add3A_1056 : i32
        %get3A_1058 = arith.index_cast %add3A_1057 : i32 to index
        %get3A_1059 = arith.constant 0 : index
        %get3A_1060 = tpu.vector_load %arg11[%get3A_1058, %get3A_1059] {strides = array<i32>} : memref<1152x32xf32, #tpu.memory_space<vmem>>, vector<1x16xf32>,
        %get3A_1061 = vector.shape_cast %get3A_1060 : vector<1x16xf32> to vector<16xf32>
        %mul3A_1062 = vector.broadcast %squeeze3A_1055 : f32 to vector<16xf32>
        %mul3A_1063 = arith.mulf %mul3A_1062, %get3A_1061 : vector<16xf32>
        %add3A_1064 = arith.addf %add3A_1044, %mul3A_1063 : vector<16xf32>
        %add3A_1065 = arith.constant 7 : i32
        %add3A_1066 = arith.addi %add3A_910, %add3A_1065 : i32
        %get3A_1067 = arith.index_cast %add3A_1066 : i32 to index
        %get3A_1068 = arith.constant 16 : index
        %get3A_1069 = tpu.vector_load %arg11[%get3A_1067, %get3A_1068] {strides = array<i32>} : memref<1152x32xf32, #tpu.memory_space<vmem>>, vector<1x16xf32>,
        %get3A_1070 = vector.shape_cast %get3A_1069 : vector<1x16xf32> to vector<16xf32>
        %mul3A_1071 = vector.broadcast %squeeze3A_1055 : f32 to vector<16xf32>
        %mul3A_1072 = arith.mulf %mul3A_1071, %get3A_1070 : vector<16xf32>
        %add3A_1073 = arith.addf %add3A_1053, %mul3A_1072 : vector<16xf32>
        %slice3A_1074 = vector.extract_strided_slice %get3A_913 {offsets = [8], sizes = [1], strides = [1]} : vector<16xf32> to vector<1xf32>
        %squeeze3A_1075 = vector.extract %slice3A_1074[0] : f32 from vector<1xf32>
        %add3A_1076 = arith.constant 8 : i32
        %add3A_1077 = arith.addi %add3A_910, %add3A_1076 : i32
        %get3A_1078 = arith.index_cast %add3A_1077 : i32 to index
        %get3A_1079 = arith.constant 0 : index
        %get3A_1080 = tpu.vector_load %arg11[%get3A_1078, %get3A_1079] {strides = array<i32>} : memref<1152x32xf32, #tpu.memory_space<vmem>>, vector<1x16xf32>,
        %get3A_1081 = vector.shape_cast %get3A_1080 : vector<1x16xf32> to vector<16xf32>
        %mul3A_1082 = vector.broadcast %squeeze3A_1075 : f32 to vector<16xf32>
        %mul3A_1083 = arith.mulf %mul3A_1082, %get3A_1081 : vector<16xf32>
        %add3A_1084 = arith.addf %add3A_1064, %mul3A_1083 : vector<16xf32>
        %add3A_1085 = arith.constant 8 : i32
        %add3A_1086 = arith.addi %add3A_910, %add3A_1085 : i32
        %get3A_1087 = arith.index_cast %add3A_1086 : i32 to index
        %get3A_1088 = arith.constant 16 : index
        %get3A_1089 = tpu.vector_load %arg11[%get3A_1087, %get3A_1088] {strides = array<i32>} : memref<1152x32xf32, #tpu.memory_space<vmem>>, vector<1x16xf32>,
        %get3A_1090 = vector.shape_cast %get3A_1089 : vector<1x16xf32> to vector<16xf32>
        %mul3A_1091 = vector.broadcast %squeeze3A_1075 : f32 to vector<16xf32>
        %mul3A_1092 = arith.mulf %mul3A_1091, %get3A_1090 : vector<16xf32>
        %add3A_1093 = arith.addf %add3A_1073, %mul3A_1092 : vector<16xf32>
        %slice3A_1094 = vector.extract_strided_slice %get3A_913 {offsets = [9], sizes = [1], strides = [1]} : vector<16xf32> to vector<1xf32>
        %squeeze3A_1095 = vector.extract %slice3A_1094[0] : f32 from vector<1xf32>
        %add3A_1096 = arith.constant 9 : i32
        %add3A_1097 = arith.addi %add3A_910, %add3A_1096 : i32
        %get3A_1098 = arith.index_cast %add3A_1097 : i32 to index
        %get3A_1099 = arith.constant 0 : index
        %get3A_1100 = tpu.vector_load %arg11[%get3A_1098, %get3A_1099] {strides = array<i32>} : memref<1152x32xf32, #tpu.memory_space<vmem>>, vector<1x16xf32>,
        %get3A_1101 = vector.shape_cast %get3A_1100 : vector<1x16xf32> to vector<16xf32>
        %mul3A_1102 = vector.broadcast %squeeze3A_1095 : f32 to vector<16xf32>
        %mul3A_1103 = arith.mulf %mul3A_1102, %get3A_1101 : vector<16xf32>
        %add3A_1104 = arith.addf %add3A_1084, %mul3A_1103 : vector<16xf32>
        %add3A_1105 = arith.constant 9 : i32
        %add3A_1106 = arith.addi %add3A_910, %add3A_1105 : i32
        %get3A_1107 = arith.index_cast %add3A_1106 : i32 to index
        %get3A_1108 = arith.constant 16 : index
        %get3A_1109 = tpu.vector_load %arg11[%get3A_1107, %get3A_1108] {strides = array<i32>} : memref<1152x32xf32, #tpu.memory_space<vmem>>, vector<1x16xf32>,
        %get3A_1110 = vector.shape_cast %get3A_1109 : vector<1x16xf32> to vector<16xf32>
        %mul3A_1111 = vector.broadcast %squeeze3A_1095 : f32 to vector<16xf32>
        %mul3A_1112 = arith.mulf %mul3A_1111, %get3A_1110 : vector<16xf32>
        %add3A_1113 = arith.addf %add3A_1093, %mul3A_1112 : vector<16xf32>
        %slice3A_1114 = vector.extract_strided_slice %get3A_913 {offsets = [10], sizes = [1], strides = [1]} : vector<16xf32> to vector<1xf32>
        %squeeze3A_1115 = vector.extract %slice3A_1114[0] : f32 from vector<1xf32>
        %add3A_1116 = arith.constant 10 : i32
        %add3A_1117 = arith.addi %add3A_910, %add3A_1116 : i32
        %get3A_1118 = arith.index_cast %add3A_1117 : i32 to index
        %get3A_1119 = arith.constant 0 : index
        %get3A_1120 = tpu.vector_load %arg11[%get3A_1118, %get3A_1119] {strides = array<i32>} : memref<1152x32xf32, #tpu.memory_space<vmem>>, vector<1x16xf32>,
        %get3A_1121 = vector.shape_cast %get3A_1120 : vector<1x16xf32> to vector<16xf32>
        %mul3A_1122 = vector.broadcast %squeeze3A_1115 : f32 to vector<16xf32>
        %mul3A_1123 = arith.mulf %mul3A_1122, %get3A_1121 : vector<16xf32>
        %add3A_1124 = arith.addf %add3A_1104, %mul3A_1123 : vector<16xf32>
        %add3A_1125 = arith.constant 10 : i32
        %add3A_1126 = arith.addi %add3A_910, %add3A_1125 : i32
        %get3A_1127 = arith.index_cast %add3A_1126 : i32 to index
        %get3A_1128 = arith.constant 16 : index
        %get3A_1129 = tpu.vector_load %arg11[%get3A_1127, %get3A_1128] {strides = array<i32>} : memref<1152x32xf32, #tpu.memory_space<vmem>>, vector<1x16xf32>,
        %get3A_1130 = vector.shape_cast %get3A_1129 : vector<1x16xf32> to vector<16xf32>
        %mul3A_1131 = vector.broadcast %squeeze3A_1115 : f32 to vector<16xf32>
        %mul3A_1132 = arith.mulf %mul3A_1131, %get3A_1130 : vector<16xf32>
        %add3A_1133 = arith.addf %add3A_1113, %mul3A_1132 : vector<16xf32>
        %slice3A_1134 = vector.extract_strided_slice %get3A_913 {offsets = [11], sizes = [1], strides = [1]} : vector<16xf32> to vector<1xf32>
        %squeeze3A_1135 = vector.extract %slice3A_1134[0] : f32 from vector<1xf32>
        %add3A_1136 = arith.constant 11 : i32
        %add3A_1137 = arith.addi %add3A_910, %add3A_1136 : i32
        %get3A_1138 = arith.index_cast %add3A_1137 : i32 to index
        %get3A_1139 = arith.constant 0 : index
        %get3A_1140 = tpu.vector_load %arg11[%get3A_1138, %get3A_1139] {strides = array<i32>} : memref<1152x32xf32, #tpu.memory_space<vmem>>, vector<1x16xf32>,
        %get3A_1141 = vector.shape_cast %get3A_1140 : vector<1x16xf32> to vector<16xf32>
        %mul3A_1142 = vector.broadcast %squeeze3A_1135 : f32 to vector<16xf32>
        %mul3A_1143 = arith.mulf %mul3A_1142, %get3A_1141 : vector<16xf32>
        %add3A_1144 = arith.addf %add3A_1124, %mul3A_1143 : vector<16xf32>
        %add3A_1145 = arith.constant 11 : i32
        %add3A_1146 = arith.addi %add3A_910, %add3A_1145 : i32
        %get3A_1147 = arith.index_cast %add3A_1146 : i32 to index
        %get3A_1148 = arith.constant 16 : index
        %get3A_1149 = tpu.vector_load %arg11[%get3A_1147, %get3A_1148] {strides = array<i32>} : memref<1152x32xf32, #tpu.memory_space<vmem>>, vector<1x16xf32>,
        %get3A_1150 = vector.shape_cast %get3A_1149 : vector<1x16xf32> to vector<16xf32>
        %mul3A_1151 = vector.broadcast %squeeze3A_1135 : f32 to vector<16xf32>
        %mul3A_1152 = arith.mulf %mul3A_1151, %get3A_1150 : vector<16xf32>
        %add3A_1153 = arith.addf %add3A_1133, %mul3A_1152 : vector<16xf32>
        %swap3A = arith.index_cast %scan3A_134 : i32 to index
        %swap3A_1154 = arith.constant 0 : index
        %swap3A_1155 = tpu.vector_load %arg13[%swap3A, %swap3A_1154] {strides = array<i32>} : memref<24x32xf32, #tpu.memory_space<vmem>>, vector<1x16xf32>,
        %swap3A_1156 = vector.shape_cast %swap3A_1155 : vector<1x16xf32> to vector<16xf32>
        %swap3A_1157 = vector.shape_cast %add3A_1144 : vector<16xf32> to vector<1x16xf32>
        tpu.vector_store %arg13[%swap3A, %swap3A_1154], %swap3A_1157 {strides = array<i32>} : memref<24x32xf32, #tpu.memory_space<vmem>>, vector<1x16xf32>,
        %swap3A_1158 = arith.index_cast %scan3A_134 : i32 to index
        %swap3A_1159 = arith.constant 16 : index
        %swap3A_1160 = tpu.vector_load %arg13[%swap3A_1158, %swap3A_1159] {strides = array<i32>} : memref<24x32xf32, #tpu.memory_space<vmem>>, vector<1x16xf32>,
        %swap3A_1161 = vector.shape_cast %swap3A_1160 : vector<1x16xf32> to vector<16xf32>
        %swap3A_1162 = vector.shape_cast %add3A_1153 : vector<16xf32> to vector<1x16xf32>
        tpu.vector_store %arg13[%swap3A_1158, %swap3A_1159], %swap3A_1162 {strides = array<i32>} : memref<24x32xf32, #tpu.memory_space<vmem>>, vector<1x16xf32>,
      }
      %scan3A_117 = arith.constant 24 : i32
      %mul3A_118 = arith.constant 3 : i32
      %mul3A_119 = arith.muli %add3A_96, %mul3A_118 : i32
      %add3A_120 = arith.addi %mul3A_2, %mul3A_119 : i32
      %mul3A_121 = arith.constant 8 : i32
      %mul3A_122 = arith.muli %add3A_120, %mul3A_121 : i32
      %dma_start3A_123 = arith.constant 0 : i32
      %dma_start3A_124 = tpu.memref_slice %arg5[%mul3A_122, %dma_start3A_123] : memref<38400x32xf32, #tpu.memory_space<hbm>> -> memref<24x32xf32, #tpu.memory_space<hbm>>
      %dma_start3A_125 = arith.constant 0 : i32
      %dma_start3A_126 = tpu.memref_slice %arg5[%mul3A_122, %dma_start3A_125] : memref<38400x32xf32, #tpu.memory_space<hbm>> -> memref<24x32xf32, #tpu.memory_space<hbm>>
      tpu.enqueue_dma source(%arg13 : memref<24x32xf32, #tpu.memory_space<vmem>>) target(%dma_start3A_126 : memref<24x32xf32, #tpu.memory_space<hbm>>) target_semaphore(%arg19 : memref<!tpu.dma_semaphore, #tpu.memory_space<semaphore_mem>>)
      %add3A_127 = arith.constant 2 : i32
      %add3A_128 = arith.addi %add3A_96, %add3A_127 : i32
      %lt3A_129 = arith.constant 50 : i32
      %lt3A_130 = arith.cmpi slt, %add3A_128, %lt3A_129 : i32
      %convert_element_type3A_131 = arith.extui %lt3A_130 : i1 to i32
      %cond3A_132 = arith.constant 0 : i32
      %cond3A_133 = arith.cmpi ne, %convert_element_type3A_131, %cond3A_132 : i32
      scf.if %cond3A_133 {
        %add3A_134 = arith.constant 2 : i32
        %add3A_135 = arith.addi %add3A_96, %add3A_134 : i32
        %mul3A_136 = arith.constant 3 : i32
        %mul3A_137 = arith.muli %add3A_135, %mul3A_136 : i32
        %add3A_138 = arith.addi %mul3A_2, %mul3A_137 : i32
        %mul3A_139 = arith.constant 384 : i32
        %mul3A_140 = arith.muli %add3A_138, %mul3A_139 : i32
        %dma_start3A_141 = tpu.memref_slice %arg3[%mul3A_140] : memref<1843200xi32, #tpu.memory_space<hbm>> -> memref<1152xi32, #tpu.memory_space<hbm>>
        %dma_start3A_142 = tpu.memref_slice %arg3[%mul3A_140] : memref<1843200xi32, #tpu.memory_space<hbm>> -> memref<1152xi32, #tpu.memory_space<hbm>>
        tpu.enqueue_dma source(%dma_start3A_142 : memref<1152xi32, #tpu.memory_space<hbm>>) target(%arg7 : memref<1152xi32, #tpu.memory_space<vmem>>) target_semaphore(%arg15 : memref<!tpu.dma_semaphore, #tpu.memory_space<semaphore_mem>>)
        %dma_start3A_143 = arith.constant 0 : i32
        %dma_start3A_144 = tpu.memref_slice %arg9[%dma_start3A_143] : memref<1168xf32, #tpu.memory_space<vmem>> -> memref<1152xf32, #tpu.memory_space<vmem>>
        %dma_start3A_145 = tpu.memref_slice %arg4[%mul3A_140] : memref<1843200xf32, #tpu.memory_space<hbm>> -> memref<1152xf32, #tpu.memory_space<hbm>>
        %dma_start3A_146 = arith.constant 0 : i32
        %dma_start3A_147 = tpu.memref_slice %arg9[%dma_start3A_146] : memref<1168xf32, #tpu.memory_space<vmem>> -> memref<1152xf32, #tpu.memory_space<vmem>>
        %dma_start3A_148 = tpu.memref_slice %arg4[%mul3A_140] : memref<1843200xf32, #tpu.memory_space<hbm>> -> memref<1152xf32, #tpu.memory_space<hbm>>
        tpu.enqueue_dma source(%dma_start3A_148 : memref<1152xf32, #tpu.memory_space<hbm>>) target(%dma_start3A_147 : memref<1152xf32, #tpu.memory_space<vmem>>) target_semaphore(%arg15 : memref<!tpu.dma_semaphore, #tpu.memory_space<semaphore_mem>>)
      } else {
      }
    }
    %scan3A_44 = arith.constant 25 : i32
    %dma_wait3A_45 = arith.constant 0 : i32
    %dma_wait3A_46 = arith.constant 0 : i32
    %dma_wait3A_47 = tpu.memref_slice %arg5[%dma_wait3A_45, %dma_wait3A_46] : memref<38400x32xf32, #tpu.memory_space<hbm>> -> memref<24x32xf32, #tpu.memory_space<hbm>>
    %dma_wait3A_48 = arith.constant 0 : i32
    %dma_wait3A_49 = arith.constant 0 : i32
    %dma_wait3A_50 = tpu.memref_slice %arg5[%dma_wait3A_48, %dma_wait3A_49] : memref<38400x32xf32, #tpu.memory_space<hbm>> -> memref<24x32xf32, #tpu.memory_space<hbm>>
    tpu.wait_dma2 semaphore(%arg18 : memref<!tpu.dma_semaphore, #tpu.memory_space<semaphore_mem>>) src(%arg12 : memref<24x32xf32, #tpu.memory_space<vmem>>) dst(%dma_wait3A_50 : memref<24x32xf32, #tpu.memory_space<hbm>>)
    %dma_wait3A_51 = arith.constant 0 : i32
    %dma_wait3A_52 = arith.constant 0 : i32
    %dma_wait3A_53 = tpu.memref_slice %arg5[%dma_wait3A_51, %dma_wait3A_52] : memref<38400x32xf32, #tpu.memory_space<hbm>> -> memref<24x32xf32, #tpu.memory_space<hbm>>
    %dma_wait3A_54 = arith.constant 0 : i32
    %dma_wait3A_55 = arith.constant 0 : i32
    %dma_wait3A_56 = tpu.memref_slice %arg5[%dma_wait3A_54, %dma_wait3A_55] : memref<38400x32xf32, #tpu.memory_space<hbm>> -> memref<24x32xf32, #tpu.memory_space<hbm>>
    tpu.wait_dma2 semaphore(%arg19 : memref<!tpu.dma_semaphore, #tpu.memory_space<semaphore_mem>>) src(%arg13 : memref<24x32xf32, #tpu.memory_space<vmem>>) dst(%dma_wait3A_56 : memref<24x32xf32, #tpu.memory_space<hbm>>)
    return
  }
}

module attributes {stable_mosaic.version = 14 : i64} {
  func.func @_prep_body(%arg0: i32, %arg1: memref<600x256xf32, #tpu.memory_space<vmem>>, %arg2: memref<600x4xf32, #tpu.memory_space<vmem>>, %arg3: memref<256x96xf32, #tpu.memory_space<vmem>>, %arg4: memref<256x96xf32, #tpu.memory_space<vmem>>, %arg5: memref<256x96xf32, #tpu.memory_space<vmem>>, %arg6: memref<1x96xf32, #tpu.memory_space<vmem>>, %arg7: memref<1x96xf32, #tpu.memory_space<vmem>>, %arg8: memref<1x96xf32, #tpu.memory_space<vmem>>, %arg9: memref<1x96xf32, #tpu.memory_space<vmem>>, %arg10: memref<1x96xf32, #tpu.memory_space<vmem>>, %arg11: memref<1x96xf32, #tpu.memory_space<vmem>>, %arg12: memref<1x96xi32, #tpu.memory_space<vmem>>, %arg13: memref<1x96xi32, #tpu.memory_space<vmem>>, %arg14: memref<1x96xi32, #tpu.memory_space<vmem>>, %arg15: memref<600x96xf32, #tpu.memory_space<vmem>>, %arg16: memref<600x384xf32, #tpu.memory_space<vmem>>, %arg17: memref<600x384xi32, #tpu.memory_space<vmem>>) attributes {dimension_semantics = [#tpu.dimension_semantics<arbitrary>], iteration_bounds = array<i64: 8>, scalar_prefetch = 0 : i64, scratch_operands = 0 : i64, tpu.core_type = #tpu.core_type<tc>, window_params = [{transform_indices = @transform_0, window_bounds = array<i64: 600, 256>}, {transform_indices = @transform_1, window_bounds = array<i64: 600, 4>}, {pipeline_mode = #tpu.pipeline_mode<synchronous>, transform_indices = @transform_2, window_bounds = array<i64: 256, 96>}, {pipeline_mode = #tpu.pipeline_mode<synchronous>, transform_indices = @transform_3, window_bounds = array<i64: 256, 96>}, {pipeline_mode = #tpu.pipeline_mode<synchronous>, transform_indices = @transform_4, window_bounds = array<i64: 256, 96>}, {pipeline_mode = #tpu.pipeline_mode<synchronous>, transform_indices = @transform_5, window_bounds = array<i64: 1, 96>}, {pipeline_mode = #tpu.pipeline_mode<synchronous>, transform_indices = @transform_6, window_bounds = array<i64: 1, 96>}, {pipeline_mode = #tpu.pipeline_mode<synchronous>, transform_indices = @transform_7, window_bounds = array<i64: 1, 96>}, {pipeline_mode = #tpu.pipeline_mode<synchronous>, transform_indices = @transform_8, window_bounds = array<i64: 1, 96>}, {pipeline_mode = #tpu.pipeline_mode<synchronous>, transform_indices = @transform_9, window_bounds = array<i64: 1, 96>}, {pipeline_mode = #tpu.pipeline_mode<synchronous>, transform_indices = @transform_10, window_bounds = array<i64: 1, 96>}, {pipeline_mode = #tpu.pipeline_mode<synchronous>, transform_indices = @transform_11, window_bounds = array<i64: 1, 96>}, {pipeline_mode = #tpu.pipeline_mode<synchronous>, transform_indices = @transform_12, window_bounds = array<i64: 1, 96>}, {pipeline_mode = #tpu.pipeline_mode<synchronous>, transform_indices = @transform_13, window_bounds = array<i64: 1, 96>}, {transform_indices = @transform_14, window_bounds = array<i64: 600, 96>}, {transform_indices = @transform_15, window_bounds = array<i64: 600, 384>}, {transform_indices = @transform_16, window_bounds = array<i64: 600, 384>}]} {
    %get3A = arith.constant 0 : index
    %get3A_0 = arith.constant 0 : index
    %get3A_1 = vector.load %arg1[%get3A, %get3A_0] : memref<600x256xf32, #tpu.memory_space<vmem>>, vector<600x256xf32>
    %get3A_2 = arith.constant 0 : index
    %get3A_3 = arith.constant 0 : index
    %get3A_4 = vector.load %arg3[%get3A_2, %get3A_3] : memref<256x96xf32, #tpu.memory_space<vmem>>, vector<256x96xf32>
    %dot_general3A = arith.constant dense<0.000000e+00> : vector<600x96xf32>
    %dot_general3A_5 = tpu.matmul %get3A_1, %get3A_4, %dot_general3A {dimension_numbers = #tpu.dot_dimension_numbers<[1], [0], [0], [1], [0, 0, 1, 1], [], []>, transpose_lhs_hint = false} : vector<600x256xf32>, vector<256x96xf32>, vector<600x96xf32> -> vector<600x96xf32>
    %get3A_6 = arith.constant 0 : index
    %get3A_7 = arith.constant 0 : index
    %get3A_8 = vector.load %arg6[%get3A_6, %get3A_7] : memref<1x96xf32, #tpu.memory_space<vmem>>, vector<1x96xf32>
    %add3A = vector.broadcast %get3A_8 : vector<1x96xf32> to vector<600x96xf32>
    %add3A_9 = arith.addf %dot_general3A_5, %add3A : vector<600x96xf32>
    %get3A_10 = arith.constant 0 : index
    %get3A_11 = arith.constant 0 : index
    %get3A_12 = vector.load %arg4[%get3A_10, %get3A_11] : memref<256x96xf32, #tpu.memory_space<vmem>>, vector<256x96xf32>
    %dot_general3A_13 = arith.constant dense<0.000000e+00> : vector<600x96xf32>
    %dot_general3A_14 = tpu.matmul %get3A_1, %get3A_12, %dot_general3A_13 {dimension_numbers = #tpu.dot_dimension_numbers<[1], [0], [0], [1], [0, 0, 1, 1], [], []>, transpose_lhs_hint = false} : vector<600x256xf32>, vector<256x96xf32>, vector<600x96xf32> -> vector<600x96xf32>
    %get3A_15 = arith.constant 0 : index
    %get3A_16 = arith.constant 0 : index
    %get3A_17 = vector.load %arg7[%get3A_15, %get3A_16] : memref<1x96xf32, #tpu.memory_space<vmem>>, vector<1x96xf32>
    %add3A_18 = vector.broadcast %get3A_17 : vector<1x96xf32> to vector<600x96xf32>
    %add3A_19 = arith.addf %dot_general3A_14, %add3A_18 : vector<600x96xf32>
    %get3A_20 = arith.constant 0 : index
    %get3A_21 = arith.constant 0 : index
    %get3A_22 = vector.load %arg5[%get3A_20, %get3A_21] : memref<256x96xf32, #tpu.memory_space<vmem>>, vector<256x96xf32>
    %dot_general3A_23 = arith.constant dense<0.000000e+00> : vector<600x96xf32>
    %dot_general3A_24 = tpu.matmul %get3A_1, %get3A_22, %dot_general3A_23 {dimension_numbers = #tpu.dot_dimension_numbers<[1], [0], [0], [1], [0, 0, 1, 1], [], []>, transpose_lhs_hint = false} : vector<600x256xf32>, vector<256x96xf32>, vector<600x96xf32> -> vector<600x96xf32>
    %get3A_25 = arith.constant 0 : index
    %get3A_26 = arith.constant 0 : index
    %get3A_27 = vector.load %arg8[%get3A_25, %get3A_26] : memref<1x96xf32, #tpu.memory_space<vmem>>, vector<1x96xf32>
    %add3A_28 = vector.broadcast %get3A_27 : vector<1x96xf32> to vector<600x96xf32>
    %add3A_29 = arith.addf %dot_general3A_24, %add3A_28 : vector<600x96xf32>
    %slice3A = vector.extract_strided_slice %add3A_29 {offsets = [0, 0], sizes = [600, 12], strides = [1, 1]} : vector<600x96xf32> to vector<600x12xf32>
    %reduce_max3A = arith.constant dense<0xFF800000> : vector<600xf32>
    %reduce_max3A_30 = vector.multi_reduction <maximumf>, %slice3A, %reduce_max3A [1] : vector<600x12xf32> to vector<600xf32>
    %broadcast_in_dim3A = vector.shape_cast %reduce_max3A_30 : vector<600xf32> to vector<600x1xf32>
    %sub3A = vector.broadcast %broadcast_in_dim3A : vector<600x1xf32> to vector<600x12xf32>
    %sub3A_31 = arith.subf %slice3A, %sub3A : vector<600x12xf32>
    %exp3A = math.exp %sub3A_31 : vector<600x12xf32>
    %reduce_sum3A = arith.constant dense<0.000000e+00> : vector<600xf32>
    %reduce_sum3A_32 = vector.multi_reduction <add>, %exp3A, %reduce_sum3A [1] : vector<600x12xf32> to vector<600xf32>
    %broadcast_in_dim3A_33 = vector.shape_cast %reduce_sum3A_32 : vector<600xf32> to vector<600x1xf32>
    %div3A = vector.broadcast %broadcast_in_dim3A_33 : vector<600x1xf32> to vector<600x12xf32>
    %div3A_34 = arith.divf %exp3A, %div3A : vector<600x12xf32>
    %slice3A_35 = vector.extract_strided_slice %add3A_29 {offsets = [0, 12], sizes = [600, 12], strides = [1, 1]} : vector<600x96xf32> to vector<600x12xf32>
    %reduce_max3A_36 = arith.constant dense<0xFF800000> : vector<600xf32>
    %reduce_max3A_37 = vector.multi_reduction <maximumf>, %slice3A_35, %reduce_max3A_36 [1] : vector<600x12xf32> to vector<600xf32>
    %broadcast_in_dim3A_38 = vector.shape_cast %reduce_max3A_37 : vector<600xf32> to vector<600x1xf32>
    %sub3A_39 = vector.broadcast %broadcast_in_dim3A_38 : vector<600x1xf32> to vector<600x12xf32>
    %sub3A_40 = arith.subf %slice3A_35, %sub3A_39 : vector<600x12xf32>
    %exp3A_41 = math.exp %sub3A_40 : vector<600x12xf32>
    %reduce_sum3A_42 = arith.constant dense<0.000000e+00> : vector<600xf32>
    %reduce_sum3A_43 = vector.multi_reduction <add>, %exp3A_41, %reduce_sum3A_42 [1] : vector<600x12xf32> to vector<600xf32>
    %broadcast_in_dim3A_44 = vector.shape_cast %reduce_sum3A_43 : vector<600xf32> to vector<600x1xf32>
    %div3A_45 = vector.broadcast %broadcast_in_dim3A_44 : vector<600x1xf32> to vector<600x12xf32>
    %div3A_46 = arith.divf %exp3A_41, %div3A_45 : vector<600x12xf32>
    %slice3A_47 = vector.extract_strided_slice %add3A_29 {offsets = [0, 24], sizes = [600, 12], strides = [1, 1]} : vector<600x96xf32> to vector<600x12xf32>
    %reduce_max3A_48 = arith.constant dense<0xFF800000> : vector<600xf32>
    %reduce_max3A_49 = vector.multi_reduction <maximumf>, %slice3A_47, %reduce_max3A_48 [1] : vector<600x12xf32> to vector<600xf32>
    %broadcast_in_dim3A_50 = vector.shape_cast %reduce_max3A_49 : vector<600xf32> to vector<600x1xf32>
    %sub3A_51 = vector.broadcast %broadcast_in_dim3A_50 : vector<600x1xf32> to vector<600x12xf32>
    %sub3A_52 = arith.subf %slice3A_47, %sub3A_51 : vector<600x12xf32>
    %exp3A_53 = math.exp %sub3A_52 : vector<600x12xf32>
    %reduce_sum3A_54 = arith.constant dense<0.000000e+00> : vector<600xf32>
    %reduce_sum3A_55 = vector.multi_reduction <add>, %exp3A_53, %reduce_sum3A_54 [1] : vector<600x12xf32> to vector<600xf32>
    %broadcast_in_dim3A_56 = vector.shape_cast %reduce_sum3A_55 : vector<600xf32> to vector<600x1xf32>
    %div3A_57 = vector.broadcast %broadcast_in_dim3A_56 : vector<600x1xf32> to vector<600x12xf32>
    %div3A_58 = arith.divf %exp3A_53, %div3A_57 : vector<600x12xf32>
    %slice3A_59 = vector.extract_strided_slice %add3A_29 {offsets = [0, 36], sizes = [600, 12], strides = [1, 1]} : vector<600x96xf32> to vector<600x12xf32>
    %reduce_max3A_60 = arith.constant dense<0xFF800000> : vector<600xf32>
    %reduce_max3A_61 = vector.multi_reduction <maximumf>, %slice3A_59, %reduce_max3A_60 [1] : vector<600x12xf32> to vector<600xf32>
    %broadcast_in_dim3A_62 = vector.shape_cast %reduce_max3A_61 : vector<600xf32> to vector<600x1xf32>
    %sub3A_63 = vector.broadcast %broadcast_in_dim3A_62 : vector<600x1xf32> to vector<600x12xf32>
    %sub3A_64 = arith.subf %slice3A_59, %sub3A_63 : vector<600x12xf32>
    %exp3A_65 = math.exp %sub3A_64 : vector<600x12xf32>
    %reduce_sum3A_66 = arith.constant dense<0.000000e+00> : vector<600xf32>
    %reduce_sum3A_67 = vector.multi_reduction <add>, %exp3A_65, %reduce_sum3A_66 [1] : vector<600x12xf32> to vector<600xf32>
    %broadcast_in_dim3A_68 = vector.shape_cast %reduce_sum3A_67 : vector<600xf32> to vector<600x1xf32>
    %div3A_69 = vector.broadcast %broadcast_in_dim3A_68 : vector<600x1xf32> to vector<600x12xf32>
    %div3A_70 = arith.divf %exp3A_65, %div3A_69 : vector<600x12xf32>
    %slice3A_71 = vector.extract_strided_slice %add3A_29 {offsets = [0, 48], sizes = [600, 12], strides = [1, 1]} : vector<600x96xf32> to vector<600x12xf32>
    %reduce_max3A_72 = arith.constant dense<0xFF800000> : vector<600xf32>
    %reduce_max3A_73 = vector.multi_reduction <maximumf>, %slice3A_71, %reduce_max3A_72 [1] : vector<600x12xf32> to vector<600xf32>
    %broadcast_in_dim3A_74 = vector.shape_cast %reduce_max3A_73 : vector<600xf32> to vector<600x1xf32>
    %sub3A_75 = vector.broadcast %broadcast_in_dim3A_74 : vector<600x1xf32> to vector<600x12xf32>
    %sub3A_76 = arith.subf %slice3A_71, %sub3A_75 : vector<600x12xf32>
    %exp3A_77 = math.exp %sub3A_76 : vector<600x12xf32>
    %reduce_sum3A_78 = arith.constant dense<0.000000e+00> : vector<600xf32>
    %reduce_sum3A_79 = vector.multi_reduction <add>, %exp3A_77, %reduce_sum3A_78 [1] : vector<600x12xf32> to vector<600xf32>
    %broadcast_in_dim3A_80 = vector.shape_cast %reduce_sum3A_79 : vector<600xf32> to vector<600x1xf32>
    %div3A_81 = vector.broadcast %broadcast_in_dim3A_80 : vector<600x1xf32> to vector<600x12xf32>
    %div3A_82 = arith.divf %exp3A_77, %div3A_81 : vector<600x12xf32>
    %slice3A_83 = vector.extract_strided_slice %add3A_29 {offsets = [0, 60], sizes = [600, 12], strides = [1, 1]} : vector<600x96xf32> to vector<600x12xf32>
    %reduce_max3A_84 = arith.constant dense<0xFF800000> : vector<600xf32>
    %reduce_max3A_85 = vector.multi_reduction <maximumf>, %slice3A_83, %reduce_max3A_84 [1] : vector<600x12xf32> to vector<600xf32>
    %broadcast_in_dim3A_86 = vector.shape_cast %reduce_max3A_85 : vector<600xf32> to vector<600x1xf32>
    %sub3A_87 = vector.broadcast %broadcast_in_dim3A_86 : vector<600x1xf32> to vector<600x12xf32>
    %sub3A_88 = arith.subf %slice3A_83, %sub3A_87 : vector<600x12xf32>
    %exp3A_89 = math.exp %sub3A_88 : vector<600x12xf32>
    %reduce_sum3A_90 = arith.constant dense<0.000000e+00> : vector<600xf32>
    %reduce_sum3A_91 = vector.multi_reduction <add>, %exp3A_89, %reduce_sum3A_90 [1] : vector<600x12xf32> to vector<600xf32>
    %broadcast_in_dim3A_92 = vector.shape_cast %reduce_sum3A_91 : vector<600xf32> to vector<600x1xf32>
    %div3A_93 = vector.broadcast %broadcast_in_dim3A_92 : vector<600x1xf32> to vector<600x12xf32>
    %div3A_94 = arith.divf %exp3A_89, %div3A_93 : vector<600x12xf32>
    %slice3A_95 = vector.extract_strided_slice %add3A_29 {offsets = [0, 72], sizes = [600, 12], strides = [1, 1]} : vector<600x96xf32> to vector<600x12xf32>
    %reduce_max3A_96 = arith.constant dense<0xFF800000> : vector<600xf32>
    %reduce_max3A_97 = vector.multi_reduction <maximumf>, %slice3A_95, %reduce_max3A_96 [1] : vector<600x12xf32> to vector<600xf32>
    %broadcast_in_dim3A_98 = vector.shape_cast %reduce_max3A_97 : vector<600xf32> to vector<600x1xf32>
    %sub3A_99 = vector.broadcast %broadcast_in_dim3A_98 : vector<600x1xf32> to vector<600x12xf32>
    %sub3A_100 = arith.subf %slice3A_95, %sub3A_99 : vector<600x12xf32>
    %exp3A_101 = math.exp %sub3A_100 : vector<600x12xf32>
    %reduce_sum3A_102 = arith.constant dense<0.000000e+00> : vector<600xf32>
    %reduce_sum3A_103 = vector.multi_reduction <add>, %exp3A_101, %reduce_sum3A_102 [1] : vector<600x12xf32> to vector<600xf32>
    %broadcast_in_dim3A_104 = vector.shape_cast %reduce_sum3A_103 : vector<600xf32> to vector<600x1xf32>
    %div3A_105 = vector.broadcast %broadcast_in_dim3A_104 : vector<600x1xf32> to vector<600x12xf32>
    %div3A_106 = arith.divf %exp3A_101, %div3A_105 : vector<600x12xf32>
    %slice3A_107 = vector.extract_strided_slice %add3A_29 {offsets = [0, 84], sizes = [600, 12], strides = [1, 1]} : vector<600x96xf32> to vector<600x12xf32>
    %reduce_max3A_108 = arith.constant dense<0xFF800000> : vector<600xf32>
    %reduce_max3A_109 = vector.multi_reduction <maximumf>, %slice3A_107, %reduce_max3A_108 [1] : vector<600x12xf32> to vector<600xf32>
    %broadcast_in_dim3A_110 = vector.shape_cast %reduce_max3A_109 : vector<600xf32> to vector<600x1xf32>
    %sub3A_111 = vector.broadcast %broadcast_in_dim3A_110 : vector<600x1xf32> to vector<600x12xf32>
    %sub3A_112 = arith.subf %slice3A_107, %sub3A_111 : vector<600x12xf32>
    %exp3A_113 = math.exp %sub3A_112 : vector<600x12xf32>
    %reduce_sum3A_114 = arith.constant dense<0.000000e+00> : vector<600xf32>
    %reduce_sum3A_115 = vector.multi_reduction <add>, %exp3A_113, %reduce_sum3A_114 [1] : vector<600x12xf32> to vector<600xf32>
    %broadcast_in_dim3A_116 = vector.shape_cast %reduce_sum3A_115 : vector<600xf32> to vector<600x1xf32>
    %div3A_117 = vector.broadcast %broadcast_in_dim3A_116 : vector<600x1xf32> to vector<600x12xf32>
    %div3A_118 = arith.divf %exp3A_113, %div3A_117 : vector<600x12xf32>
    %concatenate3A = tpu.concatenate %div3A_34, %div3A_46, %div3A_58, %div3A_70, %div3A_82, %div3A_94, %div3A_106, %div3A_118 in 1 : vector<600x12xf32>, vector<600x12xf32>, vector<600x12xf32>, vector<600x12xf32>, vector<600x12xf32>, vector<600x12xf32>, vector<600x12xf32>, vector<600x12xf32> -> vector<600x96xf32>
    %swap3A = arith.constant 0 : index
    %swap3A_119 = arith.constant 0 : index
    %swap3A_120 = vector.load %arg15[%swap3A, %swap3A_119] : memref<600x96xf32, #tpu.memory_space<vmem>>, vector<600x96xf32>
    tpu.vector_store %arg15[%swap3A, %swap3A_119], %concatenate3A {strides = array<i32>} : memref<600x96xf32, #tpu.memory_space<vmem>>, vector<600x96xf32>,
    %get3A_121 = arith.constant 0 : index
    %get3A_122 = arith.constant 0 : index
    %get3A_123 = vector.load %arg2[%get3A_121, %get3A_122] : memref<600x4xf32, #tpu.memory_space<vmem>>, vector<600x4xf32>
    %slice3A_124 = vector.extract_strided_slice %get3A_123 {offsets = [0, 0], sizes = [600, 1], strides = [1, 1]} : vector<600x4xf32> to vector<600x1xf32>
    %slice3A_125 = vector.extract_strided_slice %get3A_123 {offsets = [0, 1], sizes = [600, 1], strides = [1, 1]} : vector<600x4xf32> to vector<600x1xf32>
    %slice3A_126 = vector.extract_strided_slice %get3A_123 {offsets = [0, 2], sizes = [600, 1], strides = [1, 1]} : vector<600x4xf32> to vector<600x1xf32>
    %slice3A_127 = vector.extract_strided_slice %get3A_123 {offsets = [0, 3], sizes = [600, 1], strides = [1, 1]} : vector<600x4xf32> to vector<600x1xf32>
    %get3A_128 = arith.constant 0 : index
    %get3A_129 = arith.constant 0 : index
    %get3A_130 = vector.load %arg9[%get3A_128, %get3A_129] : memref<1x96xf32, #tpu.memory_space<vmem>>, vector<1x96xf32>
    %mul3A = arith.constant 5.000000e-01 : f32
    %mul3A_131 = vector.broadcast %mul3A : f32 to vector<1x96xf32>
    %mul3A_132 = arith.mulf %get3A_130, %mul3A_131 : vector<1x96xf32>
    %get3A_133 = arith.constant 0 : index
    %get3A_134 = arith.constant 0 : index
    %get3A_135 = vector.load %arg10[%get3A_133, %get3A_134] : memref<1x96xf32, #tpu.memory_space<vmem>>, vector<1x96xf32>
    %get3A_136 = arith.constant 0 : index
    %get3A_137 = arith.constant 0 : index
    %get3A_138 = vector.load %arg11[%get3A_136, %get3A_137] : memref<1x96xf32, #tpu.memory_space<vmem>>, vector<1x96xf32>
    %mul3A_139 = vector.broadcast %slice3A_126 : vector<600x1xf32> to vector<600x96xf32>
    %mul3A_140 = vector.broadcast %mul3A_132 : vector<1x96xf32> to vector<600x96xf32>
    %mul3A_141 = arith.mulf %mul3A_139, %mul3A_140 : vector<600x96xf32>
    %mul3A_142 = arith.mulf %add3A_9, %mul3A_141 : vector<600x96xf32>
    %add3A_143 = vector.broadcast %slice3A_124 : vector<600x1xf32> to vector<600x96xf32>
    %add3A_144 = arith.addf %add3A_143, %mul3A_142 : vector<600x96xf32>
    %mul3A_145 = vector.broadcast %slice3A_127 : vector<600x1xf32> to vector<600x96xf32>
    %mul3A_146 = vector.broadcast %mul3A_132 : vector<1x96xf32> to vector<600x96xf32>
    %mul3A_147 = arith.mulf %mul3A_145, %mul3A_146 : vector<600x96xf32>
    %mul3A_148 = arith.mulf %add3A_19, %mul3A_147 : vector<600x96xf32>
    %add3A_149 = vector.broadcast %slice3A_125 : vector<600x1xf32> to vector<600x96xf32>
    %add3A_150 = arith.addf %add3A_149, %mul3A_148 : vector<600x96xf32>
    %mul3A_151 = vector.broadcast %get3A_135 : vector<1x96xf32> to vector<600x96xf32>
    %mul3A_152 = arith.mulf %add3A_144, %mul3A_151 : vector<600x96xf32>
    %sub3A_153 = arith.constant 5.000000e-01 : f32
    %sub3A_154 = vector.broadcast %sub3A_153 : f32 to vector<600x96xf32>
    %sub3A_155 = arith.subf %mul3A_152, %sub3A_154 : vector<600x96xf32>
    %mul3A_156 = vector.broadcast %get3A_138 : vector<1x96xf32> to vector<600x96xf32>
    %mul3A_157 = arith.mulf %add3A_150, %mul3A_156 : vector<600x96xf32>
    %sub3A_158 = arith.constant 5.000000e-01 : f32
    %sub3A_159 = vector.broadcast %sub3A_158 : f32 to vector<600x96xf32>
    %sub3A_160 = arith.subf %mul3A_157, %sub3A_159 : vector<600x96xf32>
    %floor3A = math.floor %sub3A_155 : vector<600x96xf32>
    %sub3A_161 = arith.subf %sub3A_155, %floor3A : vector<600x96xf32>
    %floor3A_162 = math.floor %sub3A_160 : vector<600x96xf32>
    %sub3A_163 = arith.subf %sub3A_160, %floor3A_162 : vector<600x96xf32>
    %mul3A_164 = arith.constant 600 : i32
    %mul3A_165 = arith.muli %arg0, %mul3A_164 : i32
    %iota3A = tpu.iota {dimensions = array<i32: 0>} : vector<600x1xi32>
    %add3A_166 = vector.broadcast %mul3A_165 : i32 to vector<600x1xi32>
    %add3A_167 = arith.addi %add3A_166, %iota3A : vector<600x1xi32>
    %jit3A = arith.constant 300 : i32
    %div3A_168 = vector.broadcast %jit3A : i32 to vector<600x1xi32>
    %div3A_169 = arith.divsi %add3A_167, %div3A_168 : vector<600x1xi32>
    %sign3A = arith.constant 0 : i32
    %sign3A_170 = vector.broadcast %sign3A : i32 to vector<600x1xi32>
    %sign3A_171 = arith.cmpi sgt, %add3A_167, %sign3A_170 : vector<600x1xi32>
    %sign3A_172 = arith.extui %sign3A_171 : vector<600x1xi1> to vector<600x1xi32>
    %sign3A_173 = arith.constant 0 : i32
    %sign3A_174 = vector.broadcast %sign3A_173 : i32 to vector<600x1xi32>
    %sign3A_175 = arith.cmpi slt, %add3A_167, %sign3A_174 : vector<600x1xi32>
    %sign3A_176 = arith.extui %sign3A_175 : vector<600x1xi1> to vector<600x1xi32>
    %sign3A_177 = arith.subi %sign3A_172, %sign3A_176 : vector<600x1xi32>
    %sign3A_178 = arith.constant 0 : i32
    %sign3A_179 = arith.cmpi sgt, %jit3A, %sign3A_178 : i32
    %sign3A_180 = arith.extui %sign3A_179 : i1 to i32
    %sign3A_181 = arith.constant 0 : i32
    %sign3A_182 = arith.cmpi slt, %jit3A, %sign3A_181 : i32
    %sign3A_183 = arith.extui %sign3A_182 : i1 to i32
    %sign3A_184 = arith.subi %sign3A_180, %sign3A_183 : i32
    %ne3A = vector.broadcast %sign3A_184 : i32 to vector<600x1xi32>
    %ne3A_185 = arith.cmpi ne, %sign3A_177, %ne3A : vector<600x1xi32>
    %rem3A = vector.broadcast %jit3A : i32 to vector<600x1xi32>
    %rem3A_186 = arith.remsi %add3A_167, %rem3A : vector<600x1xi32>
    %ne3A_187 = arith.constant 0 : i32
    %ne3A_188 = vector.broadcast %ne3A_187 : i32 to vector<600x1xi32>
    %ne3A_189 = arith.cmpi ne, %rem3A_186, %ne3A_188 : vector<600x1xi32>
    %and3A = arith.andi %ne3A_185, %ne3A_189 : vector<600x1xi1>
    %sub3A_190 = arith.constant 1 : i32
    %sub3A_191 = vector.broadcast %sub3A_190 : i32 to vector<600x1xi32>
    %sub3A_192 = arith.subi %div3A_169, %sub3A_191 : vector<600x1xi32>
    %select_n3A = arith.select %and3A, %sub3A_192, %div3A_169 : vector<600x1xi1>, vector<600x1xi32>
    %mul3A_193 = arith.constant 8400 : i32
    %mul3A_194 = vector.broadcast %mul3A_193 : i32 to vector<600x1xi32>
    %mul3A_195 = arith.muli %select_n3A, %mul3A_194 : vector<600x1xi32>
    %get3A_196 = arith.constant 0 : index
    %get3A_197 = arith.constant 0 : index
    %get3A_198 = vector.load %arg12[%get3A_196, %get3A_197] : memref<1x96xi32, #tpu.memory_space<vmem>>, vector<1x96xi32>
    %get3A_199 = arith.constant 0 : index
    %get3A_200 = arith.constant 0 : index
    %get3A_201 = vector.load %arg13[%get3A_199, %get3A_200] : memref<1x96xi32, #tpu.memory_space<vmem>>, vector<1x96xi32>
    %get3A_202 = arith.constant 0 : index
    %get3A_203 = arith.constant 0 : index
    %get3A_204 = vector.load %arg14[%get3A_202, %get3A_203] : memref<1x96xi32, #tpu.memory_space<vmem>>, vector<1x96xi32>
    %add3A_205 = arith.constant 0.000000e+00 : f32
    %add3A_206 = vector.broadcast %add3A_205 : f32 to vector<600x96xf32>
    %add3A_207 = arith.addf %floor3A, %add3A_206 : vector<600x96xf32>
    %add3A_208 = arith.constant 0.000000e+00 : f32
    %add3A_209 = vector.broadcast %add3A_208 : f32 to vector<600x96xf32>
    %add3A_210 = arith.addf %floor3A_162, %add3A_209 : vector<600x96xf32>
    %ge3A = arith.constant 0.000000e+00 : f32
    %ge3A_211 = vector.broadcast %ge3A : f32 to vector<600x96xf32>
    %ge3A_212 = arith.cmpf oge, %add3A_207, %ge3A_211 : vector<600x96xf32>
    %sub3A_213 = arith.constant 1.000000e+00 : f32
    %sub3A_214 = vector.broadcast %sub3A_213 : f32 to vector<1x96xf32>
    %sub3A_215 = arith.subf %get3A_135, %sub3A_214 : vector<1x96xf32>
    %le3A = vector.broadcast %sub3A_215 : vector<1x96xf32> to vector<600x96xf32>
    %le3A_216 = arith.cmpf ole, %add3A_207, %le3A : vector<600x96xf32>
    %and3A_217 = arith.andi %ge3A_212, %le3A_216 : vector<600x96xi1>
    %ge3A_218 = arith.constant 0.000000e+00 : f32
    %ge3A_219 = vector.broadcast %ge3A_218 : f32 to vector<600x96xf32>
    %ge3A_220 = arith.cmpf oge, %add3A_210, %ge3A_219 : vector<600x96xf32>
    %and3A_221 = arith.andi %and3A_217, %ge3A_220 : vector<600x96xi1>
    %sub3A_222 = arith.constant 1.000000e+00 : f32
    %sub3A_223 = vector.broadcast %sub3A_222 : f32 to vector<1x96xf32>
    %sub3A_224 = arith.subf %get3A_138, %sub3A_223 : vector<1x96xf32>
    %le3A_225 = vector.broadcast %sub3A_224 : vector<1x96xf32> to vector<600x96xf32>
    %le3A_226 = arith.cmpf ole, %add3A_210, %le3A_225 : vector<600x96xf32>
    %and3A_227 = arith.andi %and3A_221, %le3A_226 : vector<600x96xi1>
    %sub3A_228 = arith.constant 1.000000e+00 : f32
    %sub3A_229 = vector.broadcast %sub3A_228 : f32 to vector<1x96xf32>
    %sub3A_230 = arith.subf %get3A_135, %sub3A_229 : vector<1x96xf32>
    %jit3A_231 = arith.constant 0.000000e+00 : f32
    %max3A = vector.broadcast %jit3A_231 : f32 to vector<600x96xf32>
    %max3A_232 = arith.maximumf %max3A, %add3A_207 : vector<600x96xf32>
    %min3A = vector.broadcast %sub3A_230 : vector<1x96xf32> to vector<600x96xf32>
    %min3A_233 = arith.minimumf %min3A, %max3A_232 : vector<600x96xf32>
    %convert_element_type3A = arith.fptosi %min3A_233 : vector<600x96xf32> to vector<600x96xi32>
    %sub3A_234 = arith.constant 1.000000e+00 : f32
    %sub3A_235 = vector.broadcast %sub3A_234 : f32 to vector<1x96xf32>
    %sub3A_236 = arith.subf %get3A_138, %sub3A_235 : vector<1x96xf32>
    %jit3A_237 = arith.constant 0.000000e+00 : f32
    %max3A_238 = vector.broadcast %jit3A_237 : f32 to vector<600x96xf32>
    %max3A_239 = arith.maximumf %max3A_238, %add3A_210 : vector<600x96xf32>
    %min3A_240 = vector.broadcast %sub3A_236 : vector<1x96xf32> to vector<600x96xf32>
    %min3A_241 = arith.minimumf %min3A_240, %max3A_239 : vector<600x96xf32>
    %convert_element_type3A_242 = arith.fptosi %min3A_241 : vector<600x96xf32> to vector<600x96xi32>
    %mul3A_243 = vector.broadcast %get3A_198 : vector<1x96xi32> to vector<600x96xi32>
    %mul3A_244 = arith.muli %convert_element_type3A_242, %mul3A_243 : vector<600x96xi32>
    %add3A_245 = vector.broadcast %mul3A_195 : vector<600x1xi32> to vector<600x96xi32>
    %add3A_246 = arith.addi %add3A_245, %mul3A_244 : vector<600x96xi32>
    %add3A_247 = arith.addi %add3A_246, %convert_element_type3A : vector<600x96xi32>
    %add3A_248 = vector.broadcast %get3A_201 : vector<1x96xi32> to vector<600x96xi32>
    %add3A_249 = arith.addi %add3A_247, %add3A_248 : vector<600x96xi32>
    %mul3A_250 = arith.constant 8 : i32
    %mul3A_251 = vector.broadcast %mul3A_250 : i32 to vector<600x96xi32>
    %mul3A_252 = arith.muli %add3A_249, %mul3A_251 : vector<600x96xi32>
    %add3A_253 = vector.broadcast %get3A_204 : vector<1x96xi32> to vector<600x96xi32>
    %add3A_254 = arith.addi %mul3A_252, %add3A_253 : vector<600x96xi32>
    %sub3A_255 = arith.constant 1.000000e+00 : f32
    %sub3A_256 = vector.broadcast %sub3A_255 : f32 to vector<600x96xf32>
    %sub3A_257 = arith.subf %sub3A_256, %sub3A_161 : vector<600x96xf32>
    %sub3A_258 = arith.constant 1.000000e+00 : f32
    %sub3A_259 = vector.broadcast %sub3A_258 : f32 to vector<600x96xf32>
    %sub3A_260 = arith.subf %sub3A_259, %sub3A_163 : vector<600x96xf32>
    %mul3A_261 = arith.mulf %concatenate3A, %sub3A_257 : vector<600x96xf32>
    %mul3A_262 = arith.mulf %mul3A_261, %sub3A_260 : vector<600x96xf32>
    %jit3A_263 = arith.constant 1.000000e+00 : f32
    %jit3A_264 = arith.constant 0.000000e+00 : f32
    %broadcast_in_dim3A_265 = vector.broadcast %jit3A_263 : f32 to vector<600x96xf32>
    %broadcast_in_dim3A_266 = vector.broadcast %jit3A_264 : f32 to vector<600x96xf32>
    %select_n3A_267 = arith.select %and3A_227, %broadcast_in_dim3A_265, %broadcast_in_dim3A_266 : vector<600x96xi1>, vector<600x96xf32>
    %mul3A_268 = arith.mulf %mul3A_262, %select_n3A_267 : vector<600x96xf32>
    %swap3A_269 = arith.constant 0 : index
    %swap3A_270 = arith.constant 0 : index
    %swap3A_271 = vector.load %arg16[%swap3A_269, %swap3A_270] : memref<600x384xf32, #tpu.memory_space<vmem>>, vector<600x96xf32>
    tpu.vector_store %arg16[%swap3A_269, %swap3A_270], %mul3A_268 {strides = array<i32>} : memref<600x384xf32, #tpu.memory_space<vmem>>, vector<600x96xf32>,
    %swap3A_272 = arith.constant 0 : index
    %swap3A_273 = arith.constant 0 : index
    %swap3A_274 = vector.load %arg17[%swap3A_272, %swap3A_273] : memref<600x384xi32, #tpu.memory_space<vmem>>, vector<600x96xi32>
    tpu.vector_store %arg17[%swap3A_272, %swap3A_273], %add3A_254 {strides = array<i32>} : memref<600x384xi32, #tpu.memory_space<vmem>>, vector<600x96xi32>,
    %add3A_275 = arith.constant 1.000000e+00 : f32
    %add3A_276 = vector.broadcast %add3A_275 : f32 to vector<600x96xf32>
    %add3A_277 = arith.addf %floor3A, %add3A_276 : vector<600x96xf32>
    %add3A_278 = arith.constant 0.000000e+00 : f32
    %add3A_279 = vector.broadcast %add3A_278 : f32 to vector<600x96xf32>
    %add3A_280 = arith.addf %floor3A_162, %add3A_279 : vector<600x96xf32>
    %ge3A_281 = arith.constant 0.000000e+00 : f32
    %ge3A_282 = vector.broadcast %ge3A_281 : f32 to vector<600x96xf32>
    %ge3A_283 = arith.cmpf oge, %add3A_277, %ge3A_282 : vector<600x96xf32>
    %sub3A_284 = arith.constant 1.000000e+00 : f32
    %sub3A_285 = vector.broadcast %sub3A_284 : f32 to vector<1x96xf32>
    %sub3A_286 = arith.subf %get3A_135, %sub3A_285 : vector<1x96xf32>
    %le3A_287 = vector.broadcast %sub3A_286 : vector<1x96xf32> to vector<600x96xf32>
    %le3A_288 = arith.cmpf ole, %add3A_277, %le3A_287 : vector<600x96xf32>
    %and3A_289 = arith.andi %ge3A_283, %le3A_288 : vector<600x96xi1>
    %ge3A_290 = arith.constant 0.000000e+00 : f32
    %ge3A_291 = vector.broadcast %ge3A_290 : f32 to vector<600x96xf32>
    %ge3A_292 = arith.cmpf oge, %add3A_280, %ge3A_291 : vector<600x96xf32>
    %and3A_293 = arith.andi %and3A_289, %ge3A_292 : vector<600x96xi1>
    %sub3A_294 = arith.constant 1.000000e+00 : f32
    %sub3A_295 = vector.broadcast %sub3A_294 : f32 to vector<1x96xf32>
    %sub3A_296 = arith.subf %get3A_138, %sub3A_295 : vector<1x96xf32>
    %le3A_297 = vector.broadcast %sub3A_296 : vector<1x96xf32> to vector<600x96xf32>
    %le3A_298 = arith.cmpf ole, %add3A_280, %le3A_297 : vector<600x96xf32>
    %and3A_299 = arith.andi %and3A_293, %le3A_298 : vector<600x96xi1>
    %sub3A_300 = arith.constant 1.000000e+00 : f32
    %sub3A_301 = vector.broadcast %sub3A_300 : f32 to vector<1x96xf32>
    %sub3A_302 = arith.subf %get3A_135, %sub3A_301 : vector<1x96xf32>
    %jit3A_303 = arith.constant 0.000000e+00 : f32
    %max3A_304 = vector.broadcast %jit3A_303 : f32 to vector<600x96xf32>
    %max3A_305 = arith.maximumf %max3A_304, %add3A_277 : vector<600x96xf32>
    %min3A_306 = vector.broadcast %sub3A_302 : vector<1x96xf32> to vector<600x96xf32>
    %min3A_307 = arith.minimumf %min3A_306, %max3A_305 : vector<600x96xf32>
    %convert_element_type3A_308 = arith.fptosi %min3A_307 : vector<600x96xf32> to vector<600x96xi32>
    %sub3A_309 = arith.constant 1.000000e+00 : f32
    %sub3A_310 = vector.broadcast %sub3A_309 : f32 to vector<1x96xf32>
    %sub3A_311 = arith.subf %get3A_138, %sub3A_310 : vector<1x96xf32>
    %jit3A_312 = arith.constant 0.000000e+00 : f32
    %max3A_313 = vector.broadcast %jit3A_312 : f32 to vector<600x96xf32>
    %max3A_314 = arith.maximumf %max3A_313, %add3A_280 : vector<600x96xf32>
    %min3A_315 = vector.broadcast %sub3A_311 : vector<1x96xf32> to vector<600x96xf32>
    %min3A_316 = arith.minimumf %min3A_315, %max3A_314 : vector<600x96xf32>
    %convert_element_type3A_317 = arith.fptosi %min3A_316 : vector<600x96xf32> to vector<600x96xi32>
    %mul3A_318 = vector.broadcast %get3A_198 : vector<1x96xi32> to vector<600x96xi32>
    %mul3A_319 = arith.muli %convert_element_type3A_317, %mul3A_318 : vector<600x96xi32>
    %add3A_320 = vector.broadcast %mul3A_195 : vector<600x1xi32> to vector<600x96xi32>
    %add3A_321 = arith.addi %add3A_320, %mul3A_319 : vector<600x96xi32>
    %add3A_322 = arith.addi %add3A_321, %convert_element_type3A_308 : vector<600x96xi32>
    %add3A_323 = vector.broadcast %get3A_201 : vector<1x96xi32> to vector<600x96xi32>
    %add3A_324 = arith.addi %add3A_322, %add3A_323 : vector<600x96xi32>
    %mul3A_325 = arith.constant 8 : i32
    %mul3A_326 = vector.broadcast %mul3A_325 : i32 to vector<600x96xi32>
    %mul3A_327 = arith.muli %add3A_324, %mul3A_326 : vector<600x96xi32>
    %add3A_328 = vector.broadcast %get3A_204 : vector<1x96xi32> to vector<600x96xi32>
    %add3A_329 = arith.addi %mul3A_327, %add3A_328 : vector<600x96xi32>
    %sub3A_330 = arith.constant 1.000000e+00 : f32
    %sub3A_331 = vector.broadcast %sub3A_330 : f32 to vector<600x96xf32>
    %sub3A_332 = arith.subf %sub3A_331, %sub3A_163 : vector<600x96xf32>
    %mul3A_333 = arith.mulf %concatenate3A, %sub3A_161 : vector<600x96xf32>
    %mul3A_334 = arith.mulf %mul3A_333, %sub3A_332 : vector<600x96xf32>
    %jit3A_335 = arith.constant 1.000000e+00 : f32
    %jit3A_336 = arith.constant 0.000000e+00 : f32
    %broadcast_in_dim3A_337 = vector.broadcast %jit3A_335 : f32 to vector<600x96xf32>
    %broadcast_in_dim3A_338 = vector.broadcast %jit3A_336 : f32 to vector<600x96xf32>
    %select_n3A_339 = arith.select %and3A_299, %broadcast_in_dim3A_337, %broadcast_in_dim3A_338 : vector<600x96xi1>, vector<600x96xf32>
    %mul3A_340 = arith.mulf %mul3A_334, %select_n3A_339 : vector<600x96xf32>
    %swap3A_341 = arith.constant 0 : index
    %swap3A_342 = arith.constant 96 : index
    %swap3A_343 = vector.load %arg16[%swap3A_341, %swap3A_342] : memref<600x384xf32, #tpu.memory_space<vmem>>, vector<600x96xf32>
    tpu.vector_store %arg16[%swap3A_341, %swap3A_342], %mul3A_340 {strides = array<i32>} : memref<600x384xf32, #tpu.memory_space<vmem>>, vector<600x96xf32>,
    %swap3A_344 = arith.constant 0 : index
    %swap3A_345 = arith.constant 96 : index
    %swap3A_346 = vector.load %arg17[%swap3A_344, %swap3A_345] : memref<600x384xi32, #tpu.memory_space<vmem>>, vector<600x96xi32>
    tpu.vector_store %arg17[%swap3A_344, %swap3A_345], %add3A_329 {strides = array<i32>} : memref<600x384xi32, #tpu.memory_space<vmem>>, vector<600x96xi32>,
    %add3A_347 = arith.constant 0.000000e+00 : f32
    %add3A_348 = vector.broadcast %add3A_347 : f32 to vector<600x96xf32>
    %add3A_349 = arith.addf %floor3A, %add3A_348 : vector<600x96xf32>
    %add3A_350 = arith.constant 1.000000e+00 : f32
    %add3A_351 = vector.broadcast %add3A_350 : f32 to vector<600x96xf32>
    %add3A_352 = arith.addf %floor3A_162, %add3A_351 : vector<600x96xf32>
    %ge3A_353 = arith.constant 0.000000e+00 : f32
    %ge3A_354 = vector.broadcast %ge3A_353 : f32 to vector<600x96xf32>
    %ge3A_355 = arith.cmpf oge, %add3A_349, %ge3A_354 : vector<600x96xf32>
    %sub3A_356 = arith.constant 1.000000e+00 : f32
    %sub3A_357 = vector.broadcast %sub3A_356 : f32 to vector<1x96xf32>
    %sub3A_358 = arith.subf %get3A_135, %sub3A_357 : vector<1x96xf32>
    %le3A_359 = vector.broadcast %sub3A_358 : vector<1x96xf32> to vector<600x96xf32>
    %le3A_360 = arith.cmpf ole, %add3A_349, %le3A_359 : vector<600x96xf32>
    %and3A_361 = arith.andi %ge3A_355, %le3A_360 : vector<600x96xi1>
    %ge3A_362 = arith.constant 0.000000e+00 : f32
    %ge3A_363 = vector.broadcast %ge3A_362 : f32 to vector<600x96xf32>
    %ge3A_364 = arith.cmpf oge, %add3A_352, %ge3A_363 : vector<600x96xf32>
    %and3A_365 = arith.andi %and3A_361, %ge3A_364 : vector<600x96xi1>
    %sub3A_366 = arith.constant 1.000000e+00 : f32
    %sub3A_367 = vector.broadcast %sub3A_366 : f32 to vector<1x96xf32>
    %sub3A_368 = arith.subf %get3A_138, %sub3A_367 : vector<1x96xf32>
    %le3A_369 = vector.broadcast %sub3A_368 : vector<1x96xf32> to vector<600x96xf32>
    %le3A_370 = arith.cmpf ole, %add3A_352, %le3A_369 : vector<600x96xf32>
    %and3A_371 = arith.andi %and3A_365, %le3A_370 : vector<600x96xi1>
    %sub3A_372 = arith.constant 1.000000e+00 : f32
    %sub3A_373 = vector.broadcast %sub3A_372 : f32 to vector<1x96xf32>
    %sub3A_374 = arith.subf %get3A_135, %sub3A_373 : vector<1x96xf32>
    %jit3A_375 = arith.constant 0.000000e+00 : f32
    %max3A_376 = vector.broadcast %jit3A_375 : f32 to vector<600x96xf32>
    %max3A_377 = arith.maximumf %max3A_376, %add3A_349 : vector<600x96xf32>
    %min3A_378 = vector.broadcast %sub3A_374 : vector<1x96xf32> to vector<600x96xf32>
    %min3A_379 = arith.minimumf %min3A_378, %max3A_377 : vector<600x96xf32>
    %convert_element_type3A_380 = arith.fptosi %min3A_379 : vector<600x96xf32> to vector<600x96xi32>
    %sub3A_381 = arith.constant 1.000000e+00 : f32
    %sub3A_382 = vector.broadcast %sub3A_381 : f32 to vector<1x96xf32>
    %sub3A_383 = arith.subf %get3A_138, %sub3A_382 : vector<1x96xf32>
    %jit3A_384 = arith.constant 0.000000e+00 : f32
    %max3A_385 = vector.broadcast %jit3A_384 : f32 to vector<600x96xf32>
    %max3A_386 = arith.maximumf %max3A_385, %add3A_352 : vector<600x96xf32>
    %min3A_387 = vector.broadcast %sub3A_383 : vector<1x96xf32> to vector<600x96xf32>
    %min3A_388 = arith.minimumf %min3A_387, %max3A_386 : vector<600x96xf32>
    %convert_element_type3A_389 = arith.fptosi %min3A_388 : vector<600x96xf32> to vector<600x96xi32>
    %mul3A_390 = vector.broadcast %get3A_198 : vector<1x96xi32> to vector<600x96xi32>
    %mul3A_391 = arith.muli %convert_element_type3A_389, %mul3A_390 : vector<600x96xi32>
    %add3A_392 = vector.broadcast %mul3A_195 : vector<600x1xi32> to vector<600x96xi32>
    %add3A_393 = arith.addi %add3A_392, %mul3A_391 : vector<600x96xi32>
    %add3A_394 = arith.addi %add3A_393, %convert_element_type3A_380 : vector<600x96xi32>
    %add3A_395 = vector.broadcast %get3A_201 : vector<1x96xi32> to vector<600x96xi32>
    %add3A_396 = arith.addi %add3A_394, %add3A_395 : vector<600x96xi32>
    %mul3A_397 = arith.constant 8 : i32
    %mul3A_398 = vector.broadcast %mul3A_397 : i32 to vector<600x96xi32>
    %mul3A_399 = arith.muli %add3A_396, %mul3A_398 : vector<600x96xi32>
    %add3A_400 = vector.broadcast %get3A_204 : vector<1x96xi32> to vector<600x96xi32>
    %add3A_401 = arith.addi %mul3A_399, %add3A_400 : vector<600x96xi32>
    %sub3A_402 = arith.constant 1.000000e+00 : f32
    %sub3A_403 = vector.broadcast %sub3A_402 : f32 to vector<600x96xf32>
    %sub3A_404 = arith.subf %sub3A_403, %sub3A_161 : vector<600x96xf32>
    %mul3A_405 = arith.mulf %concatenate3A, %sub3A_404 : vector<600x96xf32>
    %mul3A_406 = arith.mulf %mul3A_405, %sub3A_163 : vector<600x96xf32>
    %jit3A_407 = arith.constant 1.000000e+00 : f32
    %jit3A_408 = arith.constant 0.000000e+00 : f32
    %broadcast_in_dim3A_409 = vector.broadcast %jit3A_407 : f32 to vector<600x96xf32>
    %broadcast_in_dim3A_410 = vector.broadcast %jit3A_408 : f32 to vector<600x96xf32>
    %select_n3A_411 = arith.select %and3A_371, %broadcast_in_dim3A_409, %broadcast_in_dim3A_410 : vector<600x96xi1>, vector<600x96xf32>
    %mul3A_412 = arith.mulf %mul3A_406, %select_n3A_411 : vector<600x96xf32>
    %swap3A_413 = arith.constant 0 : index
    %swap3A_414 = arith.constant 192 : index
    %swap3A_415 = vector.load %arg16[%swap3A_413, %swap3A_414] : memref<600x384xf32, #tpu.memory_space<vmem>>, vector<600x96xf32>
    tpu.vector_store %arg16[%swap3A_413, %swap3A_414], %mul3A_412 {strides = array<i32>} : memref<600x384xf32, #tpu.memory_space<vmem>>, vector<600x96xf32>,
    %swap3A_416 = arith.constant 0 : index
    %swap3A_417 = arith.constant 192 : index
    %swap3A_418 = vector.load %arg17[%swap3A_416, %swap3A_417] : memref<600x384xi32, #tpu.memory_space<vmem>>, vector<600x96xi32>
    tpu.vector_store %arg17[%swap3A_416, %swap3A_417], %add3A_401 {strides = array<i32>} : memref<600x384xi32, #tpu.memory_space<vmem>>, vector<600x96xi32>,
    %add3A_419 = arith.constant 1.000000e+00 : f32
    %add3A_420 = vector.broadcast %add3A_419 : f32 to vector<600x96xf32>
    %add3A_421 = arith.addf %floor3A, %add3A_420 : vector<600x96xf32>
    %add3A_422 = arith.constant 1.000000e+00 : f32
    %add3A_423 = vector.broadcast %add3A_422 : f32 to vector<600x96xf32>
    %add3A_424 = arith.addf %floor3A_162, %add3A_423 : vector<600x96xf32>
    %ge3A_425 = arith.constant 0.000000e+00 : f32
    %ge3A_426 = vector.broadcast %ge3A_425 : f32 to vector<600x96xf32>
    %ge3A_427 = arith.cmpf oge, %add3A_421, %ge3A_426 : vector<600x96xf32>
    %sub3A_428 = arith.constant 1.000000e+00 : f32
    %sub3A_429 = vector.broadcast %sub3A_428 : f32 to vector<1x96xf32>
    %sub3A_430 = arith.subf %get3A_135, %sub3A_429 : vector<1x96xf32>
    %le3A_431 = vector.broadcast %sub3A_430 : vector<1x96xf32> to vector<600x96xf32>
    %le3A_432 = arith.cmpf ole, %add3A_421, %le3A_431 : vector<600x96xf32>
    %and3A_433 = arith.andi %ge3A_427, %le3A_432 : vector<600x96xi1>
    %ge3A_434 = arith.constant 0.000000e+00 : f32
    %ge3A_435 = vector.broadcast %ge3A_434 : f32 to vector<600x96xf32>
    %ge3A_436 = arith.cmpf oge, %add3A_424, %ge3A_435 : vector<600x96xf32>
    %and3A_437 = arith.andi %and3A_433, %ge3A_436 : vector<600x96xi1>
    %sub3A_438 = arith.constant 1.000000e+00 : f32
    %sub3A_439 = vector.broadcast %sub3A_438 : f32 to vector<1x96xf32>
    %sub3A_440 = arith.subf %get3A_138, %sub3A_439 : vector<1x96xf32>
    %le3A_441 = vector.broadcast %sub3A_440 : vector<1x96xf32> to vector<600x96xf32>
    %le3A_442 = arith.cmpf ole, %add3A_424, %le3A_441 : vector<600x96xf32>
    %and3A_443 = arith.andi %and3A_437, %le3A_442 : vector<600x96xi1>
    %sub3A_444 = arith.constant 1.000000e+00 : f32
    %sub3A_445 = vector.broadcast %sub3A_444 : f32 to vector<1x96xf32>
    %sub3A_446 = arith.subf %get3A_135, %sub3A_445 : vector<1x96xf32>
    %jit3A_447 = arith.constant 0.000000e+00 : f32
    %max3A_448 = vector.broadcast %jit3A_447 : f32 to vector<600x96xf32>
    %max3A_449 = arith.maximumf %max3A_448, %add3A_421 : vector<600x96xf32>
    %min3A_450 = vector.broadcast %sub3A_446 : vector<1x96xf32> to vector<600x96xf32>
    %min3A_451 = arith.minimumf %min3A_450, %max3A_449 : vector<600x96xf32>
    %convert_element_type3A_452 = arith.fptosi %min3A_451 : vector<600x96xf32> to vector<600x96xi32>
    %sub3A_453 = arith.constant 1.000000e+00 : f32
    %sub3A_454 = vector.broadcast %sub3A_453 : f32 to vector<1x96xf32>
    %sub3A_455 = arith.subf %get3A_138, %sub3A_454 : vector<1x96xf32>
    %jit3A_456 = arith.constant 0.000000e+00 : f32
    %max3A_457 = vector.broadcast %jit3A_456 : f32 to vector<600x96xf32>
    %max3A_458 = arith.maximumf %max3A_457, %add3A_424 : vector<600x96xf32>
    %min3A_459 = vector.broadcast %sub3A_455 : vector<1x96xf32> to vector<600x96xf32>
    %min3A_460 = arith.minimumf %min3A_459, %max3A_458 : vector<600x96xf32>
    %convert_element_type3A_461 = arith.fptosi %min3A_460 : vector<600x96xf32> to vector<600x96xi32>
    %mul3A_462 = vector.broadcast %get3A_198 : vector<1x96xi32> to vector<600x96xi32>
    %mul3A_463 = arith.muli %convert_element_type3A_461, %mul3A_462 : vector<600x96xi32>
    %add3A_464 = vector.broadcast %mul3A_195 : vector<600x1xi32> to vector<600x96xi32>
    %add3A_465 = arith.addi %add3A_464, %mul3A_463 : vector<600x96xi32>
    %add3A_466 = arith.addi %add3A_465, %convert_element_type3A_452 : vector<600x96xi32>
    %add3A_467 = vector.broadcast %get3A_201 : vector<1x96xi32> to vector<600x96xi32>
    %add3A_468 = arith.addi %add3A_466, %add3A_467 : vector<600x96xi32>
    %mul3A_469 = arith.constant 8 : i32
    %mul3A_470 = vector.broadcast %mul3A_469 : i32 to vector<600x96xi32>
    %mul3A_471 = arith.muli %add3A_468, %mul3A_470 : vector<600x96xi32>
    %add3A_472 = vector.broadcast %get3A_204 : vector<1x96xi32> to vector<600x96xi32>
    %add3A_473 = arith.addi %mul3A_471, %add3A_472 : vector<600x96xi32>
    %mul3A_474 = arith.mulf %concatenate3A, %sub3A_161 : vector<600x96xf32>
    %mul3A_475 = arith.mulf %mul3A_474, %sub3A_163 : vector<600x96xf32>
    %jit3A_476 = arith.constant 1.000000e+00 : f32
    %jit3A_477 = arith.constant 0.000000e+00 : f32
    %broadcast_in_dim3A_478 = vector.broadcast %jit3A_476 : f32 to vector<600x96xf32>
    %broadcast_in_dim3A_479 = vector.broadcast %jit3A_477 : f32 to vector<600x96xf32>
    %select_n3A_480 = arith.select %and3A_443, %broadcast_in_dim3A_478, %broadcast_in_dim3A_479 : vector<600x96xi1>, vector<600x96xf32>
    %mul3A_481 = arith.mulf %mul3A_475, %select_n3A_480 : vector<600x96xf32>
    %swap3A_482 = arith.constant 0 : index
    %swap3A_483 = arith.constant 288 : index
    %swap3A_484 = vector.load %arg16[%swap3A_482, %swap3A_483] : memref<600x384xf32, #tpu.memory_space<vmem>>, vector<600x96xf32>
    tpu.vector_store %arg16[%swap3A_482, %swap3A_483], %mul3A_481 {strides = array<i32>} : memref<600x384xf32, #tpu.memory_space<vmem>>, vector<600x96xf32>,
    %swap3A_485 = arith.constant 0 : index
    %swap3A_486 = arith.constant 288 : index
    %swap3A_487 = vector.load %arg17[%swap3A_485, %swap3A_486] : memref<600x384xi32, #tpu.memory_space<vmem>>, vector<600x96xi32>
    tpu.vector_store %arg17[%swap3A_485, %swap3A_486], %add3A_473 {strides = array<i32>} : memref<600x384xi32, #tpu.memory_space<vmem>>, vector<600x96xi32>,
    return
  }
  func.func @transform_0(%arg0: i32) -> (i32, i32) {
    %c0_i32 = arith.constant 0 : i32
    %c0_i32_0 = arith.constant 0 : i32
    return %arg0, %c0_i32 : i32, i32
  }
  func.func @transform_1(%arg0: i32) -> (i32, i32) {
    %c0_i32 = arith.constant 0 : i32
    %c0_i32_0 = arith.constant 0 : i32
    return %arg0, %c0_i32 : i32, i32
  }
  func.func @transform_2(%arg0: i32) -> (i32, i32) {
    %c0_i32 = arith.constant 0 : i32
    %c0_i32_0 = arith.constant 0 : i32
    %c0_i32_1 = arith.constant 0 : i32
    return %c0_i32, %c0_i32_0 : i32, i32
  }
  func.func @transform_3(%arg0: i32) -> (i32, i32) {
    %c0_i32 = arith.constant 0 : i32
    %c0_i32_0 = arith.constant 0 : i32
    %c0_i32_1 = arith.constant 0 : i32
    return %c0_i32, %c0_i32_0 : i32, i32
  }
  func.func @transform_4(%arg0: i32) -> (i32, i32) {
    %c0_i32 = arith.constant 0 : i32
    %c0_i32_0 = arith.constant 0 : i32
    %c0_i32_1 = arith.constant 0 : i32
    return %c0_i32, %c0_i32_0 : i32, i32
  }
  func.func @transform_5(%arg0: i32) -> (i32, i32) {
    %c0_i32 = arith.constant 0 : i32
    %c0_i32_0 = arith.constant 0 : i32
    %c0_i32_1 = arith.constant 0 : i32
    return %c0_i32, %c0_i32_0 : i32, i32
  }
  func.func @transform_6(%arg0: i32) -> (i32, i32) {
    %c0_i32 = arith.constant 0 : i32
    %c0_i32_0 = arith.constant 0 : i32
    %c0_i32_1 = arith.constant 0 : i32
    return %c0_i32, %c0_i32_0 : i32, i32
  }
  func.func @transform_7(%arg0: i32) -> (i32, i32) {
    %c0_i32 = arith.constant 0 : i32
    %c0_i32_0 = arith.constant 0 : i32
    %c0_i32_1 = arith.constant 0 : i32
    return %c0_i32, %c0_i32_0 : i32, i32
  }
  func.func @transform_8(%arg0: i32) -> (i32, i32) {
    %c0_i32 = arith.constant 0 : i32
    %c0_i32_0 = arith.constant 0 : i32
    %c0_i32_1 = arith.constant 0 : i32
    return %c0_i32, %c0_i32_0 : i32, i32
  }
  func.func @transform_9(%arg0: i32) -> (i32, i32) {
    %c0_i32 = arith.constant 0 : i32
    %c0_i32_0 = arith.constant 0 : i32
    %c0_i32_1 = arith.constant 0 : i32
    return %c0_i32, %c0_i32_0 : i32, i32
  }
  func.func @transform_10(%arg0: i32) -> (i32, i32) {
    %c0_i32 = arith.constant 0 : i32
    %c0_i32_0 = arith.constant 0 : i32
    %c0_i32_1 = arith.constant 0 : i32
    return %c0_i32, %c0_i32_0 : i32, i32
  }
  func.func @transform_11(%arg0: i32) -> (i32, i32) {
    %c0_i32 = arith.constant 0 : i32
    %c0_i32_0 = arith.constant 0 : i32
    %c0_i32_1 = arith.constant 0 : i32
    return %c0_i32, %c0_i32_0 : i32, i32
  }
  func.func @transform_12(%arg0: i32) -> (i32, i32) {
    %c0_i32 = arith.constant 0 : i32
    %c0_i32_0 = arith.constant 0 : i32
    %c0_i32_1 = arith.constant 0 : i32
    return %c0_i32, %c0_i32_0 : i32, i32
  }
  func.func @transform_13(%arg0: i32) -> (i32, i32) {
    %c0_i32 = arith.constant 0 : i32
    %c0_i32_0 = arith.constant 0 : i32
    %c0_i32_1 = arith.constant 0 : i32
    return %c0_i32, %c0_i32_0 : i32, i32
  }
  func.func @transform_14(%arg0: i32) -> (i32, i32) {
    %c0_i32 = arith.constant 0 : i32
    %c0_i32_0 = arith.constant 0 : i32
    return %arg0, %c0_i32 : i32, i32
  }
  func.func @transform_15(%arg0: i32) -> (i32, i32) {
    %c0_i32 = arith.constant 0 : i32
    %c0_i32_0 = arith.constant 0 : i32
    return %arg0, %c0_i32 : i32, i32
  }
  func.func @transform_16(%arg0: i32) -> (i32, i32) {
    %c0_i32 = arith.constant 0 : i32
    %c0_i32_0 = arith.constant 0 : i32
    return %arg0, %c0_i32 : i32, i32
  }
}

</mosaic_0001>

<sc_bundles>
// kernel: kernel.4.cloned.1.call-start
scs
__scs_entry_jumppad:
0x0: {  	(pc) =	sbr.rel $0x88, $3  }
0x1: {  	(tag) =	ssettag $0x0;
	lr =	simm.s32 $0x1  }
0x2: {  	[smem:$0x3F99] =	sst lr;
	_ =	strace $0xD0000000  }
0x3: {  	_ = 	snop  }
0x4: {  	_ = 	snop  }
0x5: {  	_ = 	snop  }
0x6: {  	_ = 	snop  }
0x7: {  	_ = 	snop  }
__scs_overlays_trampoline_lowered:
0x8: {  	[smem:$0x3FA8] =	sst s0  }
0x9: {  	[smem:$0x3FA9] =	sst s1  }
0xa: {  	[smem:$0x3FAA] =	sst s2  }
0xb: {  	[smem:$0x3FAB] =	sst s3  }
0xc: {  	[smem:$0x3FAC] =	sst s4  }
0xd: {  	[smem:$0x3FAD] =	sst s5  }
0xe: {  	[smem:$0x3FAE] =	sst s6  }
0xf: {  	[smem:$0x3FAF] =	sst s7  }
0x10: {  	[smem:$0x3FB0] =	sst s8  }
0x11: {  	[smem:$0x3FB1] =	sst s9;
	s0 =	simm.s32 @!p0 $0x0  }
0x12: {  	s1 =	sld [smem:$0x3F97];
	s0 =	simm.s32 @p0 $0x1  }
0x13: {  	[smem:$0x3FB2] =	sst s0;
	s0 =	simm.s32 @!p1 $0x0  }
0x14: {  	s2 =	sld [smem:$0x3F96];
	s0 =	simm.s32 @p1 $0x1  }
0x15: {  	[smem:$0x3FB3] =	sst s0;
	s0 =	simm.s32 @!p2 $0x0  }
0x16: {  	s3 =	sld [smem:$0x3FDB];
	s0 =	simm.s32 @p2 $0x1  }
0x17: {  	s4 =	simm.s32 $0x1BF5;
	[smem:$0x3FB5] =	sst s0  }
0x18: {  	s0 =	sld [smem:$0x3F98];
	_ =	swait.ge [sflag:s4], $0x0  }
0x19: {  	s7 =	sld [smem:$0x3F99]  }
0x1a: {  	s8 =	sadd.s32 $0xFFFFE003, lr  }
0x1b: {  	s9 =	sadd.s32 $0xFFFFFEF7, lr;
	s5 =	simm.s32 $0xFFFFFFFF;
	p2 =	slt.u32 s8, $0xFFFFF086  }
0x1c: {  	p1 =	slt.u32 s9, $0xF7A;
	s5 =	simm.s32 @!p2 $0x0  }
0x1d: {  	s5 =	simm.s32 @p1 $0x1;
	p0 =	seq.s32 s7, s2  }
0x1e: {  	s7 =	smul.u32 @!p0 $0xF7A, s2;
	p2 =	seq.s32 @!p0 s5, $0x0  }
0x1f: {  	s9 =	smul.u32 $0xF7A, s1;
	s8 =	simm.s32 @!p0 $0x1BF5;
	p2 =	por !p2, p0  }
0x20: {  	[sflag:s8] =	ssyncset.s32 @!p0 $0xFFFFF086;
	s6 =	sadd.s32 @!p0 s3, s7;
	s7 =	simm.s32 @!p0 $0x108  }
0x21: {  	s3 =	sadd.s32 s3, s9;
	s6 =	sadd.s32 @!p0 $0x88, s6;
	s7 =	simm.s32 @p2 $0x1082  }
0x22: {  	[simem:s7], [sflag:s8] =	dma.local @!p0 [hbm:s6], $0xF7A  }
0x23: {  	s9 =	sor.u32 $0xD0000000, s2;
	s6 =	simm.s32 $0x108;
	_ =	swait.ge @!p0 [sflag:s8], $0x0  }
0x24: {  	s3 =	sadd.s32 $0x88, s3;
	s6 =	simm.s32 @!p1 $0x1082;
	[sflag:s4] =	ssyncset.s32 $0xFFFFF086  }
0x25: {  	[simem:s6], [sflag:s4] =	dma.local [hbm:s3], $0xF7A  }
0x26: {  	[smem:$0x3F99] =	sst s1;
	(tag) =	ssettag s2;
	_ =	strace s9  }
0x27: {  	s1 =	sld [smem:$0x3FA9]  }
0x28: {  	s2 =	sld [smem:$0x3FAA]  }
0x29: {  	s4 =	sld [smem:$0x3FAC]  }
0x2a: {  	p0 =	seq.s32 s5, $0x0;
	s5 =	sld [smem:$0x3FAD]  }
0x2b: {  	s6 =	sld [smem:$0x3FAE]  }
0x2c: {  	s7 =	sld [smem:$0x3FAF]  }
0x2d: {  	s3 =	simm.s32 $0x108;
	s8 =	sld [smem:$0x3FB0]  }
0x2e: {  	s3 =	simm.s32 @!p0 $0x1082;
	s9 =	sld [smem:$0x3FB1]  }
0x2f: {  	lr =	sadd.s32 s0, s3;
	s0 =	sld [smem:$0x3FA8]  }
0x30: {  	s3 =	sld [smem:$0x3FAB]  }
0x31: {  	[smem:$0x3FB4] =	sst s10  }
0x32: {  	s10 =	sld [smem:$0x3FB2];
	_ =	sdelay $0x3  }
0x33: {  	p0 =	seq.s32 s10, $0x1;
	s10 =	sld [smem:$0x3FB4];
	_ =	sdelay $0x3  }
0x34: {  	[smem:$0x3FB4] =	sst s10  }
0x35: {  	s10 =	sld [smem:$0x3FB3];
	_ =	sdelay $0x3  }
0x36: {  	p1 =	seq.s32 s10, $0x1;
	s10 =	sld [smem:$0x3FB4];
	_ =	sdelay $0x3  }
0x37: {  	[smem:$0x3FB4] =	sst s10  }
0x38: {  	s10 =	sld [smem:$0x3FB5]  }
0x39: {  	_ = 	snop;
	(pc) =	sbr.ind lr, $3  }
0x3a: {  	_ = 	snop  }
0x3b: {  	_ = 	snop  }
0x3c: {  	p2 =	seq.s32 s10, $0x1;
	s10 =	sld [smem:$0x3FB4]  }
0x3d: {  	_ =	shalt  }
0x3e: {  	_ =	shalt  }
0x3f: {  	_ =	shalt  }
0x40: {  	_ =	shalt  }
0x41: {  	_ =	shalt  }
0x42: {  	_ =	shalt  }
0x43: {  	_ =	shalt  }
0x44: {  	_ =	shalt  }
0x45: {  	_ =	shalt  }
0x46: {  	_ =	shalt  }
0x47: {  	_ =	shalt  }
0x48: {  	_ =	shalt  }
0x49: {  	_ =	shalt  }
0x4a: {  	_ =	shalt  }
0x4b: {  	_ =	shalt  }
0x4c: {  	_ =	shalt  }
0x4d: {  	_ =	shalt  }
0x4e: {  	_ =	shalt  }
0x4f: {  	_ =	shalt  }
0x50: {  	_ =	shalt  }
0x51: {  	_ =	shalt  }
0x52: {  	_ =	shalt  }
0x53: {  	_ =	shalt  }
0x54: {  	_ =	shalt  }
0x55: {  	_ =	shalt  }
0x56: {  	_ =	shalt  }
0x57: {  	_ =	shalt  }
0x58: {  	_ =	shalt  }
0x59: {  	_ =	shalt  }
0x5a: {  	_ =	shalt  }
0x5b: {  	_ =	shalt  }
0x5c: {  	_ =	shalt  }
0x5d: {  	_ =	shalt  }
0x5e: {  	_ =	shalt  }
0x5f: {  	_ =	shalt  }
0x60: {  	_ =	shalt  }
0x61: {  	_ =	shalt  }
0x62: {  	_ =	shalt  }
0x63: {  	_ =	shalt  }
0x64: {  	_ =	shalt  }
0x65: {  	_ =	shalt  }
0x66: {  	_ =	shalt  }
0x67: {  	_ =	shalt  }
0x68: {  	_ =	shalt  }
0x69: {  	_ =	shalt  }
0x6a: {  	_ =	shalt  }
0x6b: {  	_ =	shalt  }
0x6c: {  	_ =	shalt  }
0x6d: {  	_ =	shalt  }
0x6e: {  	_ =	shalt  }
0x6f: {  	_ =	shalt  }
0x70: {  	_ =	shalt  }
0x71: {  	_ =	shalt  }
0x72: {  	_ =	shalt  }
0x73: {  	_ =	shalt  }
0x74: {  	_ =	shalt  }
0x75: {  	_ =	shalt  }
0x76: {  	_ =	shalt  }
0x77: {  	_ =	shalt  }
0x78: {  	_ =	shalt  }
0x79: {  	_ =	shalt  }
0x7a: {  	_ =	shalt  }
0x7b: {  	_ =	shalt  }
0x7c: {  	_ =	shalt  }
0x7d: {  	_ =	shalt  }
0x7e: {  	_ =	shalt  }
0x7f: {  	_ =	shalt  }
0x80: {  	_ =	shalt  }
0x81: {  	_ =	shalt  }
0x82: {  	_ =	shalt  }
0x83: {  	_ =	shalt  }
0x84: {  	_ =	shalt  }
0x85: {  	_ =	shalt  }
0x86: {  	_ =	shalt  }
0x87: {  	_ =	shalt  }
.Lfunc_end0:
.L_simem_size_0:
called_computation.1_lowered:
.L_overlay_start_0:
0x88: {  	s2 =	sld [smem:$0x3FD9]  }
0x89: {  	s3 =	sld [smem:$0x3FFE];
	_ =	sdelay $0x1  }
0x8a: {  	s1 =	srdreg.scid  }
0x8b: {  	s0 =	sand.u32 $0x1, s1  }
0x8c: {  	s14 =	sshll.u32 s0, $0xA;
	s2 =	sadd.s32 s3, s2  }
0x8d: {  	s2 =	sadd.s32 s2, s14  }
0x8e: {  	[smem:$0x3FC0] =	sst s2  }
0x8f: {  	_ = 	snop  }
0x90: {  	s2 =	sld [smem:$0x3FD0];
	_ =	sdelay $0x2  }
0x91: {  	s15 =	simm.s32 $0xA;
	s4 =	simm.s32 $0x10  }
0x92: {  	[smem:s4], [sflag:s15] =	dma.local [hbm:s2], $0x1  }
0x93: {  	_ =	swait.eq [sflag:s15], $0x1  }
0x94: {  	[sflag:s15] =	ssyncset.done $0x0  }
0x95: {  	[sflag:s15] =	ssyncadd.s32 $0xFFFFFFFF  }
0x96: {  	s16 =	sld [smem:$0x10];
	(tm) =	ssettm $0x1  }
0x97: {  	s17 =	sld [smem:$0x3FFB];
	_ =	sdelay $0x3  }
0x98: {  	_ =	strace s17  }
0x99: {  	s3 =	sld [smem:$0x3FFC];
	_ =	sdelay $0x3  }
0x9a: {  	_ =	strace s3  }
0x9b: {  	s3 =	sld [smem:$0x3FFD];
	_ =	sdelay $0x3  }
0x9c: {  	_ =	strace s3  }
0x9d: {  	_ =	strace $0x8FFFFFFF  }
0x9e: {  	s18 =	sld [smem:$0x3FDB];
	_ =	sdelay $0x1  }
0x9f: {  	s19 =	simm.s32 $_scs_section_size  }
0xa0: {  	s5 =	simm.s32 $_size__tile_overlayer_lowered;
	s6 =	simm.s32 $_tile_overlayer_lowered  }
0xa1: {  	s22 =	simm.s32 $0x1BFF;
	s21 =	sshll.u32 s6, $0x1;
	s3 =	sadd.s32 s19, s18  }
0xa2: {  	s7 =	simm.s32 $0x0;
	s20 =	sshll.u32 s5, $0x1;
	s5 =	sadd.s32 s21, s3  }
0xa3: {  	[timem:s7], [sflag:s22] =	dma.local [hbm:s5], s20  }
0xa4: {  	_ =	swait.ge [sflag:s22], s20  }
0xa5: {  	s4 =	ssub.s32 $0x0, s20;
	[sflag:s22] =	ssyncset.done $0x0  }
0xa6: {  	[sflag:s22] =	ssyncadd.s32 s4;
	_ =	sdelay $0x1  }
0xa7: {  	s23 =	simm.s32 $0x1B8B  }
0xa8: {  	_ =	swait.ge [sflag:s23], $0x1  }
0xa9: {  	[sflag:s23] =	ssyncset.done $0x0  }
0xaa: {  	s25 =	simm.s32 $0x1B8E;
	s24 =	sld [smem:$0x3FFE];
	[sflag:s23] =	ssyncadd.s32 $0xFFFFFFFF  }
0xab: {  	s26 =	simm.s32 $execute0_lowered;
	[smem:$0x3FD2] =	sst s25  }
0xac: {  	s5 =	sshll.u32 s26, $0x1;
	_ =	strace $0x80000049;
	[dreg:$0x1] =	wrdreg $0xFFFFFFFF  }
0xad: {  	s28 =	simm.s32 $_size_execute0_lowered;
	s3 =	sadd.s32 s3, s5;
	[dreg:$0x0] =	wrdreg $0x0  }
0xae: {  	s5 =	sshll.u32 s28, $0x1;
	[dreg:$0x2] =	wrdreg s3  }
0xaf: {  	[dreg:$0x3] =	wrdreg s5  }
0xb0: {  	[dreg:$0x4] =	wrdreg $0xC0  }
0xb1: {  	_ =	task [dreg:s7], $0x5FFFF  }
0xb2: {  	[dreg:$0x1] =	wrdreg $0xFFFFFFFF  }
0xb3: {  	[dreg:$0x0] =	wrdreg $0x60  }
0xb4: {  	[dreg:$0x2] =	wrdreg s24  }
0xb5: {  	[dreg:$0x3] =	wrdreg s16  }
0xb6: {  	[dreg:$0x4] =	wrdreg $0x9  }
0xb7: {  	_ =	task.clear_ibuf [dreg:s7], $0x5FFFF;
	_ =	strace $0x90000049  }
0xb8: {  	s29 =	simm.s32 $0x9;
	_ =	strace $0x8000004B  }
0xb9: {  	_ =	swait.ge [sflag:s29], $0x1  }
0xba: {  	[sflag:s29] =	ssyncadd.s32 $0xFFFFFFFF  }
0xbb: {  	_ =	strace $0x9000004B  }
0xbc: {  	_ =	sfence  }
0xbd: {  	s30 =	sld [smem:$0x0];
	_ =	sdelay $0x2  }
0xbe: {  	s31 =	sshll.u32 s1, $0xD;
	s1 =	sshrl.u32 s1, $0x2  }
0xbf: {  	s3 =	sand.u32 $0x4000, s31;
	s1 =	sadd.s32 s1, s30  }
0xc0: {  	s0 =	sor.u32 s3, s0;
	s1 =	sshll.u32 s1, $0x11  }
0xc1: {  	s0 =	sor.u32 s1, s0  }
0xc2: {  	s0 =	sadd.s32 $0x8F2B, s0  }
0xc3: {  	[sflag:s0] =	ssyncadd.remote.s32 $0x1  }
0xc4: {  	_ =	sfence.sel $0xFFFF  }
0xc5: {  	[dreg:$0x0] =	wrdreg $0xFFFFFFFF;
	(pc) =	sbr.abs _section_cstart, $3  }
0xc6: {  	[dreg:$0x1] =	wrdreg $0xFFFFFFFF  }
0xc7: {  	_ =	task.clear_ibuf [dreg:s7], $0x2FFFF;
	_ =	strace $0x9FFFFFFF  }
0xc8: {  	(tm) =	ssettm $0x7FFFFFFF  }
0xc9: {  	_ =	shalt  }
tec
execute0_lowered:
.L_overlay_start_1:
0x0: {  	(tag) =	ssettag $0x1  }
0x1: {  	s0 =	rddreg [dreg:$0x0]  }
0x2: {  	s2 =	rddreg [dreg:$0x1]  }
0x3: {  	s3 =	simm.s32 $0x0;
	s1 =	srdreg.scid;
	s4 =	stileid.u32  }
0x4: {  	s17 =	simm.s32 $0x1;
	s18 =	simm.s32 $0x480;
	s21 =	simm.s32 $0x2  }
0x5: {  	s23 =	simm.s32 $0x3;
	s1 =	sand.u32 $0x1, s1;
	s4 =	sshll.u32 s4, $0x1  }
0x6: {  	s28 =	simm.s32 $0x13520;
	s5 =	sadd.s32 $0x453C00, s0;
	s7 =	sor.u32 s1, s4  }
0x7: {  	[smem:$0x7FF] =	sst s3;
	s6 =	sadd.s32 $0x41B800, s0;
	s8 =	smul.u32 $0xE100, s7  }
0x8: {  	_ =	strace $0x8000004A;
	s1 =	ssub.s32 $0x2, s1;
	s10 =	smul.u32 $0x1C20, s7  }
0x9: {  	s4 =	sadd.s32 $0x1800, s0;
	s9 =	sshrl.u32 s1, $0x1;
	s7 =	smul.u32 $0x96, s7  }
0xa: {  	s24 =	ssub.s32 s1, s9;
	s25 =	sshrl.u32 s8, $0x3;
	s26 =	sadd.s32 s5, s10  }
0xb: {  	s29 =	sadd.s32 s6, s10;
	s31 =	sadd.s32 $0x6, s7;
	[dreg:$0x3] =	wrdreg s26  }
.Ltmp0:
0xc: {  	s13 =	sadd.s32 $0x3, s7;
	[dreg:$0x4] =	wrdreg s29;
	(pc) =	sbr.rel .LBB2_1-.Ltmp0, $4  }
0xd: {  	s0 =	smax.u32 s24, $0x1;
	s1 =	sadd.s32 $0x90, s25;
	[dreg:$0x7] =	wrdreg s31  }
0xe: {  	s14 =	sadd.s32 $0x9, s7;
	[dreg:$0x8] =	wrdreg s0;
	s30 =	sadd.s32 s5, s1  }
0xf: {  	s25 =	simm.s32 $0x4;
	s1 =	sadd.s32 s6, s1;
	[dreg:$0x5] =	wrdreg s30  }
0x10: {  	s26 =	simm.s32 $0x6;
	[dreg:$0x6] =	wrdreg s1;
	s1 =	simm.s32 $0x0  }
.LBB2_12:
0x11: {  	s0 =	simm.s32 $0x5  }
0x12: {  	_ =	swait.ge [sflag:s0], $0x300  }
0x13: {  	[sflag:s0] =	ssyncset.done $0x0  }
0x14: {  	[sflag:s0] =	ssyncadd.s32 $0xFFFFFD00  }
0x15: {  	_ =	swait.ge [sflag:s26], $0x300  }
0x16: {  	s1 =	rddreg [dreg:$0x9]  }
0x17: {  	s31 =	rddreg [dreg:$0x8];
	s1 =	sadd.s32 $0x1, s1  }
0x18: {  	p0 =	sne.s32 s1, s31  }
.Ltmp1:
0x19: {  	_ = 	snop;
	(pc) =	sbr.rel @!p0 .LBB2_13-.Ltmp1, $3  }
0x1a: {  	_ =	sdelay $0x1  }
0x1b: {  	[sflag:s26] =	ssyncset.done $0x0  }
0x1c: {  	[sflag:s26] =	ssyncadd.s32 $0xFFFFFD00  }
.LBB2_1:
0x1d: {  	[dreg:$0x9] =	wrdreg s1  }
0x1e: {  	s0 =	rddreg [dreg:$0x3]  }
0x1f: {  	[tilespmem:s3], [sflag:$0x1] =	stream.linear.gather [hbm4b:s0+s3], $0x480, $0x38;
	[tilespmem:$0x13820] =	vst v63  }
0x20: {  	s19 =	rddreg [dreg:$0x4];
	s20 =	simm.s32 $0x900  }
0x21: {  	[tilespmem:s20], [sflag:$0x1] =	stream.linear.gather [hbm4b:s19+s3], $0x480, $0x38;
	[tilespmem:$0x13820] =	vst v63  }
0x22: {  	_ =	swait.ge [sflag:s17], $0x480  }
0x23: {  	[sflag:s17] =	ssyncset.done $0x0  }
0x24: {  	[sflag:s17] =	ssyncadd.s32 $0xFFFFFB80  }
0x25: {  	_ =	swait.ge [sflag:s17], $0x480  }
0x26: {  	[sflag:s17] =	ssyncset.done $0x0  }
0x27: {  	s22 =	simm.s32 $0x1220;
	[sflag:s17] =	ssyncadd.s32 $0xFFFFFB80  }
0x28: {  	[tilespmem:s22], [sflag:$0x3] =	stream.indirect.gather [hbm4b:s4+s18], $0x20, s3, s18, $0xb8;
	[tilespmem:$0x13820] =	vst v63  }
0x29: {  	s24 =	rddreg [dreg:$0x5]  }
0x2a: {  	[tilespmem:s18], [sflag:$0x2] =	stream.linear.gather [hbm4b:s24+s3], $0x480, $0x38;
	[tilespmem:$0x13820] =	vst v63  }
0x2b: {  	s30 =	simm.s32 $0xD90;
	s31 =	simm.s32 $0x0;
	s29 =	rddreg [dreg:$0x6]  }
0x2c: {  	[tilespmem:s30], [sflag:$0x2] =	stream.linear.gather [hbm4b:s29+s3], $0x480, $0x38;
	[tilespmem:$0x13820] =	vst v63  }
.LBB2_2:
0x2d: {  	_ =	swait.ge [sflag:s21], $0x480  }
0x2e: {  	[sflag:s21] =	ssyncset.done $0x0  }
0x2f: {  	[sflag:s21] =	ssyncadd.s32 $0xFFFFFB80  }
0x30: {  	_ =	swait.ge [sflag:s21], $0x480  }
0x31: {  	s0 =	simm.s32 $0xA220;
	[sflag:s21] =	ssyncset.done $0x0  }
0x32: {  	s20 =	simm.s32 $0x0;
	s1 =	simm.s32 $0x0;
	[sflag:s21] =	ssyncadd.s32 $0xFFFFFB80  }
0x33: {  	[tilespmem:s0], [sflag:$0x4] =	stream.indirect.gather [hbm4b:s4+s18], $0x20, s18, s18, $0xb8;
	[tilespmem:$0x13820] =	vst v63  }
0x34: {  	s1 =	smul.u32 $0x180, s1;
	s0 =	sand.u32 $0x7, s20;
	_ =	swait.ge [sflag:s23], $0x9000  }
0x35: {  	p0 =	seq.s32 s31, $0x0;
	s8 =	smul.u32 $0xC, s0;
	[sflag:s23] =	ssyncset.done $0x0  }
0x36: {  	s9 =	simm.s32 @!p0 $0x5;
	[sflag:s23] =	ssyncadd.s32 $0xFFFF7000  }
0x37: {  	s0 =	sor.u32 s8, s1;
	_ =	swait.ge @!p0 [sflag:s9], $0x300  }
0x38: {  	s1 =	sshll.u32 s0, $0x5;
	[sflag:s9] =	ssyncset.done @!p0 $0x0  }
0x39: {  	s10 =	sand.u32 $0x3FFFFF80, s1;
	[sflag:s9] =	ssyncadd.s32 @!p0 $0xFFFFFD00  }
0x3a: {  	s8 =	sand.u32 $0x4, s8;
	s22 =	sand.u32 $0x7F8, s0;
	v3 =	vld [tilespmem:s10+$0x1240]  }
0x3b: {  	s1 =	sor.u32 s8, s22;
	v1 =	vld [tilespmem:s10+$0x1220]  }
0x3c: {  	v4 =	vld [tilespmem:s1+$0x900]  }
0x3d: {  	s29 =	sadd.s32 $0xC0, s0;
	v5 =	vld [tilespmem:s10+$0x1230]  }
0x3e: {  	s12 =	sand.u32 $0x1FF8, s29;
	v6 =	vld [tilespmem:s10+$0x1250]  }
0x3f: {  	s12 =	sor.u32 s8, s12;
	v7 =	vld [tilespmem:s10+$0x1270]  }
0x40: {  	v0 =	vld [tilespmem:s12+$0x900]  }
0x41: {  	s11 =	sadd.s32 $0x60, s0;
	v9 =	vld [tilespmem:s10+$0x1260];
	v8 =	vbroadcast v4, $0x0  }
0x42: {  	s24 =	sshll.u32 s11, $0x5;
	v12 =	vld [tilespmem:s10+$0x1280]  }
0x43: {  	s11 =	sand.u32 $0xFF8, s11;
	s1 =	sand.u32 $0x3FFFFF80, s24;
	v13 =	vld [tilespmem:s10+$0x1290];
	v10 =	vbroadcast v4, $0x1;
	v11 =	vmul.f32 v1, v8  }
0x44: {  	s11 =	sor.u32 s8, s11;
	v2 =	vld [tilespmem:s1+$0x1320];
	v5 =	vmul.f32 v5, v8  }
0x45: {  	v1 =	vld [tilespmem:s11+$0x900];
	v3 =	vmul.f32 v3, v10;
	v8 =	vadd.f32 $0.0e+00, v11;
	v11 =	vbroadcast v4, $0x2  }
0x46: {  	v6 =	vmul.f32 v6, v10;
	v10 =	vld [tilespmem:s10+$0x12A0];
	v5 =	vadd.f32 $0.0e+00, v5  }
0x47: {  	v14 =	vbroadcast v4, $0x3;
	v3 =	vadd.f32 v3, v8;
	v8 =	vmul.f32 v9, v11;
	v9 =	vld [tilespmem:s10+$0x12B0]  }
0x48: {  	v5 =	vadd.f32 v6, v5;
	v6 =	vmul.f32 v7, v11;
	v7 =	vld [tilespmem:s10+$0x12C0]  }
0x49: {  	v11 =	vbroadcast v4, $0x4;
	v3 =	vadd.f32 v8, v3;
	v8 =	vmul.f32 v12, v14;
	v12 =	vld [tilespmem:s10+$0x12D0]  }
0x4a: {  	v5 =	vadd.f32 v6, v5;
	v6 =	vmul.f32 v13, v14;
	v13 =	vld [tilespmem:s10+$0x12E0]  }
0x4b: {  	v14 =	vld [tilespmem:s10+$0x12F0];
	v3 =	vadd.f32 v8, v3;
	v8 =	vmul.f32 v10, v11;
	v10 =	vbroadcast v4, $0x5  }
0x4c: {  	v5 =	vadd.f32 v6, v5;
	v6 =	vmul.f32 v9, v11;
	v9 =	vld [tilespmem:s10+$0x1300]  }
0x4d: {  	v11 =	vld [tilespmem:s10+$0x1310];
	v3 =	vadd.f32 v8, v3;
	v7 =	vmul.f32 v7, v10;
	v8 =	vbroadcast v4, $0x6  }
0x4e: {  	v5 =	vadd.f32 v6, v5;
	v6 =	vmul.f32 v12, v10;
	v10 =	vld [tilespmem:s10+$0x1320]  }
0x4f: {  	v12 =	vbroadcast v4, $0x7;
	v3 =	vadd.f32 v7, v3;
	v7 =	vmul.f32 v13, v8;
	v13 =	vld [tilespmem:s10+$0x1330]  }
0x50: {  	v5 =	vadd.f32 v6, v5;
	v6 =	vmul.f32 v14, v8;
	v8 =	vld [tilespmem:s10+$0x1340]  }
0x51: {  	v14 =	vld [tilespmem:s10+$0x1350];
	v3 =	vadd.f32 v7, v3;
	v7 =	vmul.f32 v9, v12;
	v9 =	vbroadcast v4, $0x8  }
0x52: {  	v5 =	vadd.f32 v6, v5;
	v6 =	vmul.f32 v11, v12;
	v11 =	vld [tilespmem:s10+$0x1360]  }
0x53: {  	v12 =	vld [tilespmem:s10+$0x1370];
	v3 =	vadd.f32 v7, v3;
	v7 =	vmul.f32 v10, v9;
	v10 =	vbroadcast v4, $0x9  }
0x54: {  	v5 =	vadd.f32 v6, v5;
	v6 =	vmul.f32 v13, v9;
	v9 =	vld [tilespmem:s10+$0x1380]  }
0x55: {  	v13 =	vld [tilespmem:s10+$0x1390];
	v3 =	vadd.f32 v7, v3;
	v7 =	vmul.f32 v8, v10;
	v8 =	vbroadcast v4, $0xA  }
0x56: {  	v5 =	vadd.f32 v6, v5;
	v6 =	vmul.f32 v14, v10;
	v10 =	vld [tilespmem:s1+$0x1220]  }
0x57: {  	v4 =	vbroadcast v4, $0xB;
	v3 =	vadd.f32 v7, v3;
	v7 =	vmul.f32 v11, v8;
	v11 =	vld [tilespmem:s1+$0x1230]  }
0x58: {  	v5 =	vadd.f32 v6, v5;
	v6 =	vmul.f32 v12, v8;
	v8 =	vld [tilespmem:s1+$0x1240]  }
0x59: {  	v12 =	vbroadcast v1, $0x0;
	v3 =	vadd.f32 v7, v3;
	v7 =	vmul.f32 v9, v4;
	v9 =	vld [tilespmem:s1+$0x1250]  }
0x5a: {  	v4 =	vmul.f32 v13, v4;
	v5 =	vadd.f32 v6, v5;
	v6 =	vld [tilespmem:s1+$0x1260]  }
0x5b: {  	v13 =	vld [tilespmem:s1+$0x1270];
	v3 =	vadd.f32 v7, v3;
	v7 =	vmul.f32 v10, v12;
	v10 =	vbroadcast v1, $0x1  }
0x5c: {  	v4 =	vadd.f32 v4, v5;
	v5 =	vmul.f32 v11, v12;
	v11 =	vld [tilespmem:s1+$0x1280]  }
0x5d: {  	v12 =	vld [tilespmem:s1+$0x1290];
	v3 =	vadd.f32 v7, v3;
	v7 =	vmul.f32 v8, v10;
	v8 =	vbroadcast v1, $0x2  }
0x5e: {  	v4 =	vadd.f32 v5, v4;
	v5 =	vmul.f32 v9, v10;
	v9 =	vld [tilespmem:s1+$0x12A0]  }
0x5f: {  	v10 =	vbroadcast v1, $0x3;
	v3 =	vadd.f32 v7, v3;
	v6 =	vmul.f32 v6, v8;
	v7 =	vld [tilespmem:s1+$0x12B0]  }
0x60: {  	v4 =	vadd.f32 v5, v4;
	v5 =	vmul.f32 v13, v8;
	v8 =	vld [tilespmem:s1+$0x12C0]  }
0x61: {  	v13 =	vbroadcast v1, $0x4;
	v3 =	vadd.f32 v6, v3;
	v6 =	vmul.f32 v11, v10;
	v11 =	vld [tilespmem:s1+$0x12D0]  }
0x62: {  	v4 =	vadd.f32 v5, v4;
	v5 =	vmul.f32 v12, v10;
	v10 =	vld [tilespmem:s1+$0x12E0]  }
0x63: {  	v12 =	vbroadcast v1, $0x5;
	v3 =	vadd.f32 v6, v3;
	v6 =	vmul.f32 v9, v13;
	v9 =	vld [tilespmem:s1+$0x12F0]  }
0x64: {  	v4 =	vadd.f32 v5, v4;
	v5 =	vmul.f32 v7, v13;
	v7 =	vld [tilespmem:s1+$0x1300]  }
0x65: {  	v13 =	vld [tilespmem:s1+$0x1310];
	v3 =	vadd.f32 v6, v3;
	v6 =	vmul.f32 v8, v12;
	v8 =	vbroadcast v1, $0x6  }
0x66: {  	v14 =	vld [tilespmem:s1+$0x1390];
	v4 =	vadd.f32 v5, v4;
	v5 =	vmul.f32 v11, v12  }
0x67: {  	v11 =	vld [tilespmem:s1+$0x1330];
	v3 =	vadd.f32 v6, v3;
	v6 =	vmul.f32 v10, v8;
	v10 =	vbroadcast v1, $0x7  }
0x68: {  	v4 =	vadd.f32 v5, v4;
	v5 =	vmul.f32 v9, v8;
	v8 =	vld [tilespmem:s1+$0x1340]  }
0x69: {  	v9 =	vld [tilespmem:s1+$0x1350];
	v3 =	vadd.f32 v6, v3;
	v6 =	vmul.f32 v7, v10;
	v7 =	vbroadcast v1, $0x8  }
0x6a: {  	v4 =	vadd.f32 v5, v4;
	v5 =	vmul.f32 v13, v10;
	v10 =	vld [tilespmem:s1+$0x1360]  }
0x6b: {  	s9 =	sshll.u32 s29, $0x5;
	v12 =	vld [tilespmem:s1+$0x1370];
	v3 =	vadd.f32 v6, v3;
	v2 =	vmul.f32 v2, v7;
	v6 =	vbroadcast v1, $0x9  }
0x6c: {  	s9 =	sand.u32 $0x3FFFFF80, s9;
	v7 =	vmul.f32 v11, v7;
	v11 =	vld [tilespmem:s1+$0x1380];
	v5 =	vadd.f32 v5, v4  }
0x6d: {  	v13 =	vld [tilespmem:s9+$0x1220];
	v2 =	vadd.f32 v2, v3;
	v3 =	vmul.f32 v8, v6;
	v8 =	vbroadcast v1, $0xA  }
0x6e: {  	v4 =	vld [tilespmem:s9+$0x12C0];
	v6 =	vmul.f32 v9, v6;
	v5 =	vadd.f32 v7, v5  }
0x6f: {  	v1 =	vbroadcast v1, $0xB;
	v7 =	vld [tilespmem:s9+$0x1230];
	v2 =	vadd.f32 v3, v2;
	v3 =	vmul.f32 v10, v8  }
0x70: {  	v5 =	vadd.f32 v6, v5;
	v6 =	vmul.f32 v12, v8;
	v8 =	vld [tilespmem:s9+$0x1240]  }
0x71: {  	v9 =	vbroadcast v0, $0x0;
	v2 =	vadd.f32 v3, v2;
	v3 =	vmul.f32 v11, v1;
	v11 =	vld [tilespmem:s9+$0x1250]  }
0x72: {  	v10 =	vmul.f32 v14, v1;
	v5 =	vadd.f32 v6, v5;
	v6 =	vld [tilespmem:s9+$0x1260]  }
0x73: {  	v12 =	vmul.f32 v13, v9;
	v13 =	vbroadcast v0, $0x1;
	v1 =	vld [tilespmem:s9+$0x1270];
	v3 =	vadd.f32 v3, v2  }
0x74: {  	v9 =	vmul.f32 v7, v9;
	v2 =	vld [tilespmem:s9+$0x1280];
	v5 =	vadd.f32 v10, v5  }
0x75: {  	s0 =	sadd.s32 $0x120, s0;
	v7 =	vbroadcast v0, $0x2;
	v14 =	vadd.f32 v12, v3;
	v8 =	vmul.f32 v8, v13;
	v3 =	vld [tilespmem:s9+$0x1290]  }
0x76: {  	s30 =	sand.u32 $0x1FF8, s0;
	s0 =	sshll.u32 s0, $0x5;
	v10 =	vadd.f32 v9, v5;
	v12 =	vmul.f32 v11, v13;
	v5 =	vld [tilespmem:s9+$0x12A0]  }
0x77: {  	s11 =	simm.s32 $0x1;
	s10 =	sor.u32 s8, s30;
	s1 =	simm.s32 $0x13230;
	v9 =	vadd.f32 v8, v14;
	v11 =	vmul.f32 v6, v7;
	v8 =	vbroadcast v0, $0x3;
	v6 =	vld [tilespmem:s9+$0x12B0]  }
.LBB2_3:
0x78: {  	s8 =	smov.u32 s11  }
0x79: {  	s12 =	sshrl.u32 s11, $0x3;
	s15 =	sand.u32 $0x7, s11;
	v10 =	vadd.f32 v12, v10;
	v7 =	vmul.f32 v1, v7;
	v1 =	vld [tilespmem:s10+$0x900];
	s8 =	sadd.s32 $0x1, s11  }
0x7a: {  	p1 =	sne.s32 s11, $0x17;
	s10 =	smul.u32 $0x180, s12;
	v9 =	vadd.f32 v11, v9;
	v2 =	vmul.f32 v2, v8;
	v11 =	vbroadcast v0, $0x4;
	v12 =	vld [tilespmem:s9+$0x12D0]  }
0x7b: {  	s11 =	smul.u32 $0xC, s15;
	v7 =	vadd.f32 v7, v10;
	v3 =	vmul.f32 v3, v8;
	v10 =	vbroadcast v0, $0x7;
	v8 =	vld [tilespmem:s9+$0x12E0]  }
0x7c: {  	v2 =	vadd.f32 v2, v9;
	v5 =	vmul.f32 v5, v11;
	v9 =	vbroadcast v0, $0x5;
	v13 =	vld [tilespmem:s9+$0x12F0]  }
0x7d: {  	s10 =	sor.u32 s11, s10;
	s12 =	sand.u32 $0x4, s11;
	v3 =	vadd.f32 v3, v7;
	v6 =	vmul.f32 v6, v11;
	v7 =	vbroadcast v0, $0x6;
	v11 =	vld [tilespmem:s9+$0x1300]  }
0x7e: {  	s11 =	sand.u32 $0x7F8, s10;
	s15 =	sshll.u32 s10, $0x5;
	s16 =	sadd.s32 $0x60, s10;
	v2 =	vadd.f32 v5, v2;
	v4 =	vmul.f32 v4, v9;
	v14 =	vbroadcast v1, $0x4;
	v5 =	vld [tilespmem:s9+$0x1310]  }
0x7f: {  	s15 =	sand.u32 $0x3FFFFF80, s15;
	s19 =	sand.u32 $0xFF8, s16;
	s30 =	sshll.u32 s16, $0x5;
	v3 =	vadd.f32 v6, v3;
	v6 =	vmul.f32 v12, v9;
	v9 =	vld [tilespmem:s9+$0x1320];
	v12 =	vbroadcast v1, $0x3  }
0x80: {  	s16 =	sor.u32 s12, s11;
	v16 =	vbroadcast v1, $0x6;
	s29 =	sor.u32 s12, s19;
	s11 =	sand.u32 $0x3FFFFF80, s30;
	v4 =	vadd.f32 v4, v2;
	v8 =	vmul.f32 v8, v7;
	v15 =	vld [tilespmem:s9+$0x1330]  }
0x81: {  	s30 =	sadd.s32 $0xC0, s10;
	s10 =	sadd.s32 $0x120, s10;
	v2 =	vbroadcast v1, $0xA;
	v3 =	vadd.f32 v6, v3;
	v6 =	vmul.f32 v13, v7;
	v7 =	vld [tilespmem:s9+$0x1340]  }
0x82: {  	s19 =	sand.u32 $0x1FF8, s30;
	s20 =	sand.u32 $0x1FF8, s10;
	s22 =	sshll.u32 s10, $0x5;
	v4 =	vadd.f32 v8, v4;
	v8 =	vmul.f32 v11, v10;
	v11 =	vbroadcast v0, $0x8;
	v13 =	vld [tilespmem:s9+$0x1350]  }
0x83: {  	s19 =	sor.u32 s12, s19;
	s10 =	sor.u32 s12, s20;
	v3 =	vadd.f32 v6, v3;
	v5 =	vmul.f32 v5, v10;
	v6 =	vld [tilespmem:s9+$0x1360]  }
0x84: {  	v4 =	vadd.f32 v8, v4;
	v8 =	vmul.f32 v9, v11;
	v9 =	vbroadcast v0, $0x9;
	v10 =	vld [tilespmem:s9+$0x1370]  }
0x85: {  	v3 =	vadd.f32 v5, v3;
	v5 =	vmul.f32 v15, v11;
	v11 =	vld [tilespmem:s9+$0x1380]  }
0x86: {  	v4 =	vadd.f32 v8, v4;
	v7 =	vmul.f32 v7, v9;
	v8 =	vbroadcast v0, $0xA;
	v15 =	vld [tilespmem:s9+$0x1390];
	s9 =	sand.u32 $0x3FFFFF80, s0;
	s0 =	smov.u32 s22  }
0x87: {  	v3 =	vadd.f32 v5, v3;
	v5 =	vmul.f32 v13, v9;
	v9 =	vld [tilespmem:s9+$0x1220]  }
0x88: {  	v0 =	vbroadcast v0, $0xB;
	v4 =	vadd.f32 v7, v4;
	v6 =	vmul.f32 v6, v8;
	v7 =	vld [tilespmem:s9+$0x1230]  }
0x89: {  	v3 =	vadd.f32 v5, v3;
	v5 =	vmul.f32 v10, v8;
	v8 =	vld [tilespmem:s9+$0x1240]  }
0x8a: {  	v10 =	vbroadcast v1, $0x0;
	v4 =	vadd.f32 v6, v4;
	v6 =	vmul.f32 v11, v0;
	v11 =	vld [tilespmem:s9+$0x1250]  }
0x8b: {  	v3 =	vadd.f32 v5, v3;
	v0 =	vmul.f32 v15, v0;
	v5 =	vld [tilespmem:s9+$0x1260]  }
0x8c: {  	v4 =	vadd.f32 v6, v4;
	v6 =	vmul.f32 v9, v10;
	v9 =	vbroadcast v1, $0x1;
	v13 =	vld [tilespmem:s9+$0x1270]  }
0x8d: {  	v0 =	vadd.f32 v0, v3;
	v3 =	vmul.f32 v7, v10;
	v7 =	vld [tilespmem:s9+$0x1280]  }
0x8e: {  	v4 =	vadd.f32 v6, v4;
	v6 =	vmul.f32 v8, v9;
	v8 =	vbroadcast v1, $0x2;
	v10 =	vld [tilespmem:s9+$0x1290]  }
0x8f: {  	v0 =	vadd.f32 v3, v0;
	v3 =	vmul.f32 v11, v9;
	v9 =	vld [tilespmem:s9+$0x12A0]  }
0x90: {  	v4 =	vadd.f32 v6, v4;
	v5 =	vmul.f32 v5, v8;
	v6 =	vld [tilespmem:s9+$0x12B0]  }
0x91: {  	v0 =	vadd.f32 v3, v0;
	v3 =	vmul.f32 v13, v8;
	v8 =	vld [tilespmem:s9+$0x12C0]  }
0x92: {  	v4 =	vadd.f32 v5, v4;
	v5 =	vmul.f32 v7, v12;
	v7 =	vld [tilespmem:s9+$0x12D0]  }
0x93: {  	v0 =	vadd.f32 v3, v0;
	v3 =	vmul.f32 v10, v12;
	v10 =	vld [tilespmem:s9+$0x12E0]  }
0x94: {  	v4 =	vadd.f32 v5, v4;
	v5 =	vmul.f32 v9, v14;
	v9 =	vbroadcast v1, $0x5;
	v11 =	vld [tilespmem:s9+$0x12F0]  }
0x95: {  	v0 =	vadd.f32 v3, v0;
	v3 =	vmul.f32 v6, v14;
	v6 =	vld [tilespmem:s9+$0x1300]  }
0x96: {  	v4 =	vadd.f32 v5, v4;
	v5 =	vmul.f32 v8, v9;
	v8 =	vld [tilespmem:s9+$0x1310]  }
0x97: {  	v0 =	vadd.f32 v3, v0;
	v3 =	vmul.f32 v7, v9;
	v7 =	vld [tilespmem:s9+$0x1320]  }
0x98: {  	v9 =	vbroadcast v1, $0x7;
	v4 =	vadd.f32 v5, v4;
	v5 =	vmul.f32 v10, v16;
	v10 =	vld [tilespmem:s9+$0x1330]  }
0x99: {  	v0 =	vadd.f32 v3, v0;
	v3 =	vmul.f32 v11, v16;
	v11 =	vld [tilespmem:s9+$0x1340]  }
0x9a: {  	v4 =	vadd.f32 v5, v4;
	v5 =	vmul.f32 v6, v9;
	v6 =	vbroadcast v1, $0x8;
	v12 =	vld [tilespmem:s9+$0x1350]  }
0x9b: {  	v0 =	vadd.f32 v3, v0;
	v3 =	vmul.f32 v8, v9;
	v8 =	vld [tilespmem:s9+$0x1360]  }
0x9c: {  	v4 =	vadd.f32 v5, v4;
	v5 =	vmul.f32 v7, v6;
	v7 =	vbroadcast v1, $0x9;
	v9 =	vld [tilespmem:s9+$0x1370]  }
0x9d: {  	v0 =	vadd.f32 v3, v0;
	v3 =	vmul.f32 v10, v6;
	v6 =	vld [tilespmem:s9+$0x1380]  }
0x9e: {  	v4 =	vadd.f32 v5, v4;
	v5 =	vmul.f32 v11, v7;
	v10 =	vld [tilespmem:s9+$0x1390]  }
0x9f: {  	v0 =	vadd.f32 v3, v0;
	v3 =	vmul.f32 v12, v7  }
0xa0: {  	v1 =	vbroadcast v1, $0xB;
	v4 =	vadd.f32 v5, v4;
	v5 =	vmul.f32 v8, v2  }
0xa1: {  	v0 =	vadd.f32 v3, v0;
	v2 =	vmul.f32 v9, v2  }
0xa2: {  	v3 =	vadd.f32 v5, v4;
	v4 =	vmul.f32 v6, v1  }
0xa3: {  	v0 =	vadd.f32 v2, v0;
	v1 =	vmul.f32 v10, v1  }
0xa4: {  	v2 =	vadd.f32 v4, v3  }
0xa5: {  	v0 =	vadd.f32 v1, v0  }
0xa6: {  	[tilespmem:s1+$0xFFFFFFF0] =	vst v2  }
0xa7: {  	[tilespmem:s1+$0x0] =	vst v0  }
0xa8: {  	v3 =	vld [tilespmem:s15+$0x1240]  }
0xa9: {  	v4 =	vld [tilespmem:s15+$0x1220]  }
0xaa: {  	v5 =	vld [tilespmem:s15+$0x1230]  }
0xab: {  	v6 =	vld [tilespmem:s15+$0x1250]  }
0xac: {  	v7 =	vld [tilespmem:s16+$0x900]  }
0xad: {  	v2 =	vld [tilespmem:s11+$0x1320]  }
0xae: {  	v8 =	vld [tilespmem:s15+$0x1270]  }
0xaf: {  	v0 =	vld [tilespmem:s19+$0x900]  }
0xb0: {  	s9 =	sshll.u32 s30, $0x5;
	v9 =	vld [tilespmem:s11+$0x1390]  }
0xb1: {  	s9 =	sand.u32 $0x3FFFFF80, s9;
	v10 =	vbroadcast v7, $0x0;
	v11 =	vbroadcast v7, $0x1;
	v12 =	vld [tilespmem:s15+$0x1260]  }
0xb2: {  	v13 =	vbroadcast v7, $0x4;
	v1 =	vld [tilespmem:s9+$0x1220]  }
0xb3: {  	v4 =	vmul.f32 v4, v10;
	v5 =	vmul.f32 v5, v10;
	v10 =	vld [tilespmem:s15+$0x1280]  }
0xb4: {  	v14 =	vmul.f32 v3, v11;
	v6 =	vmul.f32 v6, v11;
	v3 =	vld [tilespmem:s29+$0x900]  }
0xb5: {  	v11 =	vbroadcast v7, $0x2;
	v4 =	vadd.f32 $0.0e+00, v4;
	v5 =	vadd.f32 $0.0e+00, v5;
	v15 =	vld [tilespmem:s15+$0x1290]  }
0xb6: {  	v16 =	vbroadcast v7, $0x3;
	v17 =	vld [tilespmem:s15+$0x12A0]  }
0xb7: {  	v4 =	vadd.f32 v14, v4;
	v5 =	vadd.f32 v6, v5;
	v6 =	vmul.f32 v12, v11;
	v12 =	vld [tilespmem:s15+$0x12B0]  }
0xb8: {  	v8 =	vmul.f32 v8, v11;
	v11 =	vld [tilespmem:s15+$0x12C0]  }
0xb9: {  	v4 =	vadd.f32 v6, v4;
	v6 =	vmul.f32 v10, v16;
	v10 =	vld [tilespmem:s15+$0x12D0];
	v14 =	vbroadcast v3, $0x0  }
0xba: {  	v5 =	vadd.f32 v8, v5;
	v8 =	vmul.f32 v15, v16;
	v15 =	vld [tilespmem:s15+$0x12E0];
	v16 =	vbroadcast v3, $0x3  }
0xbb: {  	v4 =	vadd.f32 v6, v4;
	v6 =	vmul.f32 v17, v13;
	v17 =	vbroadcast v7, $0x5;
	v18 =	vld [tilespmem:s15+$0x12F0]  }
0xbc: {  	v5 =	vadd.f32 v8, v5;
	v8 =	vmul.f32 v12, v13;
	v12 =	vld [tilespmem:s15+$0x1300];
	v13 =	vbroadcast v3, $0x4  }
0xbd: {  	v4 =	vadd.f32 v6, v4;
	v6 =	vmul.f32 v11, v17;
	v11 =	vbroadcast v7, $0x6;
	v19 =	vld [tilespmem:s15+$0x1310]  }
0xbe: {  	v5 =	vadd.f32 v8, v5;
	v8 =	vmul.f32 v10, v17;
	v10 =	vld [tilespmem:s15+$0x1320];
	v17 =	vbroadcast v3, $0x5  }
0xbf: {  	v20 =	vbroadcast v7, $0x7;
	v4 =	vadd.f32 v6, v4;
	v15 =	vmul.f32 v15, v11;
	v21 =	vld [tilespmem:s15+$0x1330]  }
0xc0: {  	v6 =	vbroadcast v3, $0xB;
	v5 =	vadd.f32 v8, v5;
	v8 =	vmul.f32 v18, v11;
	v11 =	vld [tilespmem:s15+$0x1340]  }
0xc1: {  	v4 =	vadd.f32 v15, v4;
	v12 =	vmul.f32 v12, v20;
	v15 =	vbroadcast v7, $0x8;
	v18 =	vld [tilespmem:s15+$0x1350]  }
0xc2: {  	v8 =	vadd.f32 v8, v5;
	v19 =	vmul.f32 v19, v20;
	v20 =	vld [tilespmem:s15+$0x1360];
	v5 =	vmul.f32 v9, v6  }
0xc3: {  	v4 =	vadd.f32 v12, v4;
	v9 =	vmul.f32 v10, v15;
	v10 =	vbroadcast v7, $0x9;
	v12 =	vld [tilespmem:s15+$0x1370]  }
0xc4: {  	v8 =	vadd.f32 v19, v8;
	v15 =	vmul.f32 v21, v15;
	v19 =	vld [tilespmem:s15+$0x1380]  }
0xc5: {  	v4 =	vadd.f32 v9, v4;
	v9 =	vmul.f32 v11, v10;
	v11 =	vbroadcast v7, $0xA;
	v21 =	vld [tilespmem:s15+$0x1390]  }
0xc6: {  	v8 =	vadd.f32 v15, v8;
	v10 =	vmul.f32 v18, v10;
	v15 =	vld [tilespmem:s11+$0x1220]  }
0xc7: {  	v7 =	vbroadcast v7, $0xB;
	v4 =	vadd.f32 v9, v4;
	v9 =	vmul.f32 v20, v11;
	v18 =	vld [tilespmem:s11+$0x1230]  }
0xc8: {  	v8 =	vadd.f32 v10, v8;
	v10 =	vmul.f32 v12, v11;
	v11 =	vld [tilespmem:s11+$0x1240]  }
0xc9: {  	v4 =	vadd.f32 v9, v4;
	v9 =	vmul.f32 v19, v7;
	v12 =	vld [tilespmem:s11+$0x1250]  }
0xca: {  	v8 =	vadd.f32 v10, v8;
	v7 =	vmul.f32 v21, v7;
	v10 =	vld [tilespmem:s11+$0x1260]  }
0xcb: {  	v4 =	vadd.f32 v9, v4;
	v9 =	vmul.f32 v15, v14;
	v15 =	vbroadcast v3, $0x1;
	v19 =	vld [tilespmem:s11+$0x1270]  }
0xcc: {  	v7 =	vadd.f32 v7, v8;
	v8 =	vmul.f32 v18, v14;
	v14 =	vld [tilespmem:s11+$0x1280]  }
0xcd: {  	v4 =	vadd.f32 v9, v4;
	v9 =	vmul.f32 v11, v15;
	v11 =	vbroadcast v3, $0x2;
	v18 =	vld [tilespmem:s11+$0x1290]  }
0xce: {  	v7 =	vadd.f32 v8, v7;
	v8 =	vmul.f32 v12, v15;
	v12 =	vld [tilespmem:s11+$0x12A0]  }
0xcf: {  	v4 =	vadd.f32 v9, v4;
	v9 =	vmul.f32 v10, v11;
	v10 =	vld [tilespmem:s11+$0x12B0]  }
0xd0: {  	v7 =	vadd.f32 v8, v7;
	v8 =	vmul.f32 v19, v11;
	v11 =	vld [tilespmem:s11+$0x12C0]  }
0xd1: {  	v4 =	vadd.f32 v9, v4;
	v9 =	vmul.f32 v14, v16;
	v14 =	vld [tilespmem:s11+$0x12D0]  }
0xd2: {  	v7 =	vadd.f32 v8, v7;
	v8 =	vmul.f32 v18, v16;
	v15 =	vld [tilespmem:s11+$0x12E0]  }
0xd3: {  	v4 =	vadd.f32 v9, v4;
	v9 =	vmul.f32 v12, v13;
	v12 =	vld [tilespmem:s11+$0x12F0]  }
0xd4: {  	v7 =	vadd.f32 v8, v7;
	v8 =	vmul.f32 v10, v13;
	v10 =	vld [tilespmem:s11+$0x1300]  }
0xd5: {  	v13 =	vbroadcast v3, $0x6;
	v9 =	vadd.f32 v9, v4;
	v11 =	vmul.f32 v11, v17;
	v16 =	vld [tilespmem:s11+$0x1310]  }
0xd6: {  	v7 =	vadd.f32 v8, v7;
	v8 =	vmul.f32 v14, v17;
	v4 =	vld [tilespmem:s9+$0x12C0]  }
0xd7: {  	v14 =	vbroadcast v3, $0x7;
	v9 =	vadd.f32 v11, v9;
	v11 =	vmul.f32 v15, v13;
	v15 =	vld [tilespmem:s11+$0x1330]  }
0xd8: {  	v7 =	vadd.f32 v8, v7;
	v8 =	vmul.f32 v12, v13;
	v12 =	vld [tilespmem:s11+$0x1340]  }
0xd9: {  	v9 =	vadd.f32 v11, v9;
	v10 =	vmul.f32 v10, v14;
	v11 =	vbroadcast v3, $0x8;
	v13 =	vld [tilespmem:s11+$0x1350]  }
0xda: {  	v7 =	vadd.f32 v8, v7;
	v8 =	vmul.f32 v16, v14;
	v14 =	vld [tilespmem:s11+$0x1360]  }
0xdb: {  	v9 =	vadd.f32 v10, v9;
	v2 =	vmul.f32 v2, v11;
	v10 =	vbroadcast v3, $0x9;
	v16 =	vld [tilespmem:s11+$0x1370]  }
0xdc: {  	v7 =	vadd.f32 v8, v7;
	v8 =	vmul.f32 v15, v11;
	v11 =	vld [tilespmem:s11+$0x1380]  }
0xdd: {  	v3 =	vbroadcast v3, $0xA;
	v2 =	vadd.f32 v2, v9;
	v9 =	vmul.f32 v12, v10  }
0xde: {  	v7 =	vadd.f32 v8, v7;
	v8 =	vmul.f32 v13, v10  }
0xdf: {  	v2 =	vadd.f32 v9, v2;
	v9 =	vmul.f32 v14, v3;
	v10 =	vld [tilespmem:s9+$0x1230]  }
0xe0: {  	v7 =	vadd.f32 v8, v7;
	v3 =	vmul.f32 v16, v3;
	v8 =	vld [tilespmem:s9+$0x1240]  }
0xe1: {  	v2 =	vadd.f32 v9, v2;
	v6 =	vmul.f32 v11, v6;
	v9 =	vbroadcast v0, $0x0;
	v11 =	vld [tilespmem:s9+$0x1250]  }
0xe2: {  	v3 =	vadd.f32 v3, v7;
	v13 =	vld [tilespmem:s9+$0x1260]  }
.Ltmp2:
0xe3: {  	v12 =	vbroadcast v0, $0x1;
	v6 =	vadd.f32 v6, v2;
	v7 =	vmul.f32 v1, v9;
	v1 =	vld [tilespmem:s9+$0x1270];
	(pc) =	sbr.rel @p1 .LBB2_3-.Ltmp2, $4  }
0xe4: {  	v5 =	vadd.f32 v5, v3;
	v9 =	vmul.f32 v10, v9;
	v2 =	vld [tilespmem:s9+$0x1280]  }
0xe5: {  	v6 =	vadd.f32 v7, v6;
	v8 =	vmul.f32 v8, v12;
	v7 =	vbroadcast v0, $0x2;
	v3 =	vld [tilespmem:s9+$0x1290]  }
0xe6: {  	v10 =	vadd.f32 v9, v5;
	v12 =	vmul.f32 v11, v12;
	v5 =	vld [tilespmem:s9+$0x12A0]  }
0xe7: {  	s1 =	sadd.s32 $0x20, s1;
	s11 =	smov.u32 s8;
	v9 =	vadd.f32 v8, v6;
	v11 =	vmul.f32 v13, v7;
	v8 =	vbroadcast v0, $0x3;
	v6 =	vld [tilespmem:s9+$0x12B0]  }
0xe8: {  	v10 =	vadd.f32 v12, v10;
	v7 =	vmul.f32 v1, v7;
	v1 =	vld [tilespmem:s10+$0x900]  }
0xe9: {  	v26 =	vbroadcast v0, $0x4;
	v27 =	vld [tilespmem:s9+$0x12D0];
	v9 =	vadd.f32 v11, v9;
	v2 =	vmul.f32 v2, v8  }
0xea: {  	v28 =	vld [tilespmem:s9+$0x12E0];
	v7 =	vadd.f32 v7, v10;
	v3 =	vmul.f32 v3, v8  }
0xeb: {  	v29 =	vbroadcast v0, $0x5;
	v30 =	vld [tilespmem:s9+$0x12F0];
	v2 =	vadd.f32 v2, v9;
	v5 =	vmul.f32 v5, v26  }
0xec: {  	v31 =	vld [tilespmem:s9+$0x1300];
	v3 =	vadd.f32 v3, v7;
	v6 =	vmul.f32 v6, v26  }
0xed: {  	v32 =	vbroadcast v0, $0x6;
	v33 =	vld [tilespmem:s9+$0x1310];
	v4 =	vmul.f32 v4, v29;
	v2 =	vadd.f32 v5, v2  }
0xee: {  	v35 =	vld [tilespmem:s9+$0x1320];
	v34 =	vmul.f32 v27, v29;
	v3 =	vadd.f32 v6, v3  }
0xef: {  	v36 =	vbroadcast v0, $0x7;
	v38 =	vld [tilespmem:s9+$0x1330];
	v37 =	vmul.f32 v28, v32;
	v2 =	vadd.f32 v4, v2  }
0xf0: {  	v40 =	vld [tilespmem:s9+$0x1340];
	v39 =	vmul.f32 v30, v32;
	v3 =	vadd.f32 v34, v3  }
0xf1: {  	v42 =	vbroadcast v0, $0x8;
	v43 =	vld [tilespmem:s9+$0x1350];
	v41 =	vmul.f32 v31, v36;
	v2 =	vadd.f32 v37, v2  }
0xf2: {  	v44 =	vld [tilespmem:s9+$0x1360];
	v5 =	vmul.f32 v33, v36;
	v3 =	vadd.f32 v39, v3  }
0xf3: {  	v46 =	vbroadcast v0, $0x9;
	v47 =	vld [tilespmem:s9+$0x1370];
	v45 =	vmul.f32 v35, v42;
	v2 =	vadd.f32 v41, v2  }
0xf4: {  	v49 =	vld [tilespmem:s9+$0x1380];
	v48 =	vmul.f32 v38, v42;
	v3 =	vadd.f32 v5, v3  }
0xf5: {  	v51 =	vbroadcast v0, $0xA;
	v52 =	vld [tilespmem:s9+$0x1390];
	s0 =	sand.u32 $0x3FFFFF80, s0;
	v50 =	vmul.f32 v40, v46;
	v2 =	vadd.f32 v45, v2  }
0xf6: {  	v54 =	vld [tilespmem:s0+$0x1220];
	v53 =	vmul.f32 v43, v46;
	v3 =	vadd.f32 v48, v3  }
0xf7: {  	v56 =	vbroadcast v0, $0xB;
	v57 =	vld [tilespmem:s0+$0x1230];
	v55 =	vmul.f32 v44, v51;
	v2 =	vadd.f32 v50, v2  }
0xf8: {  	v59 =	vld [tilespmem:s0+$0x1240];
	v58 =	vmul.f32 v47, v51;
	v3 =	vadd.f32 v53, v3  }
0xf9: {  	v62 =	vld [tilespmem:s0+$0x1250];
	v60 =	vmul.f32 v49, v56;
	v61 =	vbroadcast v1, $0x0;
	v2 =	vadd.f32 v55, v2  }
0xfa: {  	v63 =	vld [tilespmem:s0+$0x1260];
	v0 =	vmul.f32 v52, v56;
	v3 =	vadd.f32 v58, v3  }
0xfb: {  	v14 =	vld [tilespmem:s0+$0x1270];
	v13 =	vbroadcast v1, $0x1;
	v12 =	vmul.f32 v54, v61;
	v2 =	vadd.f32 v60, v2  }
0xfc: {  	v16 =	vld [tilespmem:s0+$0x1280];
	v15 =	vmul.f32 v57, v61;
	v0 =	vadd.f32 v0, v3  }
0xfd: {  	v19 =	vld [tilespmem:s0+$0x1290];
	v18 =	vbroadcast v1, $0x2;
	v17 =	vmul.f32 v59, v13;
	v2 =	vadd.f32 v12, v2  }
0xfe: {  	v21 =	vld [tilespmem:s0+$0x12A0];
	v20 =	vmul.f32 v62, v13;
	v0 =	vadd.f32 v15, v0  }
0xff: {  	v24 =	vld [tilespmem:s0+$0x12B0];
	v22 =	vbroadcast v1, $0x3;
	v23 =	vmul.f32 v63, v18;
	v2 =	vadd.f32 v17, v2  }
0x100: {  	v26 =	vld [tilespmem:s0+$0x12C0];
	v25 =	vmul.f32 v14, v18;
	v0 =	vadd.f32 v20, v0  }
0x101: {  	v27 =	vbroadcast v1, $0x4;
	v29 =	vld [tilespmem:s0+$0x12D0];
	v28 =	vmul.f32 v16, v22;
	v2 =	vadd.f32 v23, v2  }
0x102: {  	v31 =	vld [tilespmem:s0+$0x12E0];
	v30 =	vmul.f32 v19, v22;
	v0 =	vadd.f32 v25, v0  }
0x103: {  	v33 =	vbroadcast v1, $0x5;
	v32 =	vmul.f32 v21, v27;
	v34 =	vld [tilespmem:s0+$0x12F0];
	v2 =	vadd.f32 v28, v2  }
0x104: {  	v36 =	vld [tilespmem:s0+$0x1300];
	v35 =	vmul.f32 v24, v27;
	v0 =	vadd.f32 v30, v0  }
0x105: {  	v37 =	vbroadcast v1, $0x6;
	v38 =	vmul.f32 v26, v33;
	v39 =	vld [tilespmem:s0+$0x1310];
	v2 =	vadd.f32 v32, v2  }
0x106: {  	v40 =	vmul.f32 v29, v33;
	v41 =	vld [tilespmem:s0+$0x1320];
	v0 =	vadd.f32 v35, v0  }
0x107: {  	v43 =	vbroadcast v1, $0x7;
	v44 =	vld [tilespmem:s0+$0x1330];
	v42 =	vmul.f32 v31, v37;
	v2 =	vadd.f32 v38, v2  }
0x108: {  	v46 =	vld [tilespmem:s0+$0x1340];
	v45 =	vmul.f32 v34, v37;
	v0 =	vadd.f32 v40, v0  }
0x109: {  	v49 =	vld [tilespmem:s0+$0x1350];
	v47 =	vmul.f32 v36, v43;
	v48 =	vbroadcast v1, $0x8;
	v2 =	vadd.f32 v42, v2  }
0x10a: {  	v51 =	vld [tilespmem:s0+$0x1360];
	v50 =	vmul.f32 v39, v43;
	v0 =	vadd.f32 v45, v0  }
0x10b: {  	v54 =	vld [tilespmem:s0+$0x1370];
	v52 =	vmul.f32 v41, v48;
	v53 =	vbroadcast v1, $0x9;
	v2 =	vadd.f32 v47, v2  }
0x10c: {  	v56 =	vld [tilespmem:s0+$0x1380];
	v55 =	vmul.f32 v44, v48;
	v0 =	vadd.f32 v50, v0  }
0x10d: {  	v57 =	vbroadcast v1, $0xA;
	v59 =	vld [tilespmem:s0+$0x1390];
	v58 =	vmul.f32 v46, v53;
	v2 =	vadd.f32 v52, v2  }
0x10e: {  	v60 =	vmul.f32 v49, v53;
	v0 =	vadd.f32 v55, v0  }
0x10f: {  	v61 =	vmul.f32 v51, v57;
	v1 =	vbroadcast v1, $0xB;
	v2 =	vadd.f32 v58, v2  }
0x110: {  	v62 =	vmul.f32 v54, v57;
	v0 =	vadd.f32 v60, v0  }
0x111: {  	v63 =	vmul.f32 v56, v1;
	v2 =	vadd.f32 v61, v2  }
0x112: {  	p1 =	sne.s32 s31, $0x18;
	s0 =	smul.u32 $0x6, s31;
	v1 =	vmul.f32 v59, v1;
	v0 =	vadd.f32 v62, v0  }
.Ltmp3:
0x113: {  	v2 =	vadd.f32 v63, v2;
	(pc) =	sbr.rel @p1 .LBB2_6-.Ltmp3, $4  }
0x114: {  	s8 =	sadd.s32 s7, s0;
	v0 =	vadd.f32 v1, v0  }
0x115: {  	s8 =	sshll.u32 s8, $0x5;
	[tilespmem:s1+$0xFFFFFFF0] =	vst v2  }
0x116: {  	s30 =	simm.s32 $0x13220;
	s29 =	sadd.s32 s2, s8;
	[tilespmem:s1+$0x0] =	vst v0  }
0x117: {  	[hbm4b:s29+s3] =	stream.linear.scatter [tilespmem:s30], [sflag:$0x5], $0x300, $0x38;
	[tilespmem:$0x13820] =	vst v63  }
.Ltmp4:
0x118: {  	(pc) =	sbr.rel .LBB2_7-.Ltmp4, $4  }
0x119: {  	_ = 	snop  }
0x11a: {  	_ =	swait.ge [sflag:s25], $0x9000  }
0x11b: {  	[sflag:s25] =	ssyncset.done $0x0  }
0x11c: {  	[sflag:s25] =	ssyncadd.s32 $0xFFFF7000  }
.LBB2_6:
0x11d: {  	s1 =	rddreg [dreg:$0x7]  }
0x11e: {  	s1 =	sadd.s32 s0, s1  }
0x11f: {  	s1 =	smul.u32 $0x30, s1;
	_ =	sdelay $0x1  }
0x120: {  	s8 =	sadd.s32 s5, s1  }
0x121: {  	[tilespmem:s3], [sflag:$0x1] =	stream.linear.gather [hbm4b:s8+s3], $0x480, $0x38;
	[tilespmem:$0x13820] =	vst v63  }
0x122: {  	s29 =	simm.s32 $0x900;
	s1 =	sadd.s32 s6, s1  }
0x123: {  	[tilespmem:s29], [sflag:$0x1] =	stream.linear.gather [hbm4b:s1+s3], $0x480, $0x38;
	[tilespmem:$0x13820] =	vst v63  }
0x124: {  	_ =	swait.ge [sflag:s17], $0x480  }
0x125: {  	[sflag:s17] =	ssyncset.done $0x0  }
0x126: {  	[sflag:s17] =	ssyncadd.s32 $0xFFFFFB80  }
0x127: {  	_ =	swait.ge [sflag:s17], $0x480  }
0x128: {  	[sflag:s17] =	ssyncset.done $0x0  }
.Ltmp5:
0x129: {  	s30 =	simm.s32 $0x1220;
	[sflag:s17] =	ssyncadd.s32 $0xFFFFFB80;
	(pc) =	sbr.rel @p0 .LBB2_8-.Ltmp5, $4  }
0x12a: {  	[tilespmem:s30], [sflag:$0x3] =	stream.indirect.gather [hbm4b:s4+s18], $0x20, s3, s18, $0xb8;
	[tilespmem:$0x13820] =	vst v63  }
0x12b: {  	_ =	swait.ge [sflag:s25], $0x9000  }
0x12c: {  	[sflag:s25] =	ssyncset.done $0x0  }
0x12d: {  	[sflag:s25] =	ssyncadd.s32 $0xFFFF7000  }
.LBB2_7:
0x12e: {  	_ =	swait.ge [sflag:s26], $0x300  }
0x12f: {  	[sflag:s26] =	ssyncset.done $0x0  }
0x130: {  	[sflag:s26] =	ssyncadd.s32 $0xFFFFFD00  }
.LBB2_8:
0x131: {  	s1 =	simm.s32 $0x0;
	s8 =	simm.s32 $0x0  }
0x132: {  	s1 =	sand.u32 $0x7, s1;
	s8 =	smul.u32 $0x180, s8  }
0x133: {  	s9 =	smul.u32 $0xC, s1;
	_ =	sdelay $0x1  }
0x134: {  	s1 =	sor.u32 s9, s8  }
0x135: {  	s8 =	sshll.u32 s1, $0x5  }
0x136: {  	s11 =	sand.u32 $0x3FFFFF80, s8  }
0x137: {  	s9 =	sand.u32 $0x4, s9;
	s22 =	sand.u32 $0x7F8, s1;
	v3 =	vld [tilespmem:s11+$0xA240]  }
0x138: {  	s8 =	sor.u32 s9, s22;
	v1 =	vld [tilespmem:s11+$0xA220]  }
0x139: {  	v4 =	vld [tilespmem:s8+$0xD90]  }
0x13a: {  	v5 =	vld [tilespmem:s11+$0xA230]  }
0x13b: {  	v6 =	vld [tilespmem:s11+$0xA250]  }
0x13c: {  	v7 =	vld [tilespmem:s11+$0xA270]  }
0x13d: {  	s12 =	sadd.s32 $0x60, s1;
	v9 =	vld [tilespmem:s11+$0xA260]  }
0x13e: {  	s10 =	sadd.s32 $0xC0, s1;
	s24 =	sshll.u32 s12, $0x5;
	v12 =	vld [tilespmem:s11+$0xA280];
	v8 =	vbroadcast v4, $0x0  }
0x13f: {  	s15 =	sand.u32 $0x1FF8, s10;
	s8 =	sand.u32 $0x3FFFFF80, s24;
	v13 =	vld [tilespmem:s11+$0xA290]  }
0x140: {  	s12 =	sand.u32 $0xFF8, s12;
	s15 =	sor.u32 s9, s15;
	v2 =	vld [tilespmem:s8+$0xA320];
	v10 =	vbroadcast v4, $0x1;
	v11 =	vmul.f32 v1, v8  }
0x141: {  	s12 =	sor.u32 s9, s12;
	v0 =	vld [tilespmem:s15+$0xD90];
	v5 =	vmul.f32 v5, v8  }
0x142: {  	v1 =	vld [tilespmem:s12+$0xD90];
	v3 =	vmul.f32 v3, v10;
	v8 =	vadd.f32 $0.0e+00, v11;
	v11 =	vbroadcast v4, $0x2  }
0x143: {  	v6 =	vmul.f32 v6, v10;
	v10 =	vld [tilespmem:s11+$0xA2A0];
	v5 =	vadd.f32 $0.0e+00, v5  }
0x144: {  	v14 =	vbroadcast v4, $0x3;
	v3 =	vadd.f32 v3, v8;
	v8 =	vmul.f32 v9, v11;
	v9 =	vld [tilespmem:s11+$0xA2B0]  }
0x145: {  	v5 =	vadd.f32 v6, v5;
	v6 =	vmul.f32 v7, v11;
	v7 =	vld [tilespmem:s11+$0xA2C0]  }
0x146: {  	v11 =	vbroadcast v4, $0x4;
	v3 =	vadd.f32 v8, v3;
	v8 =	vmul.f32 v12, v14;
	v12 =	vld [tilespmem:s11+$0xA2D0]  }
0x147: {  	v5 =	vadd.f32 v6, v5;
	v6 =	vmul.f32 v13, v14;
	v13 =	vld [tilespmem:s11+$0xA2E0]  }
0x148: {  	v14 =	vld [tilespmem:s11+$0xA2F0];
	v3 =	vadd.f32 v8, v3;
	v8 =	vmul.f32 v10, v11;
	v10 =	vbroadcast v4, $0x5  }
0x149: {  	v5 =	vadd.f32 v6, v5;
	v6 =	vmul.f32 v9, v11;
	v9 =	vld [tilespmem:s11+$0xA300]  }
0x14a: {  	v11 =	vld [tilespmem:s11+$0xA310];
	v3 =	vadd.f32 v8, v3;
	v7 =	vmul.f32 v7, v10;
	v8 =	vbroadcast v4, $0x6  }
0x14b: {  	v5 =	vadd.f32 v6, v5;
	v6 =	vmul.f32 v12, v10;
	v10 =	vld [tilespmem:s11+$0xA320]  }
0x14c: {  	v12 =	vbroadcast v4, $0x7;
	v3 =	vadd.f32 v7, v3;
	v7 =	vmul.f32 v13, v8;
	v13 =	vld [tilespmem:s11+$0xA330]  }
0x14d: {  	v5 =	vadd.f32 v6, v5;
	v6 =	vmul.f32 v14, v8;
	v8 =	vld [tilespmem:s11+$0xA340]  }
0x14e: {  	v14 =	vld [tilespmem:s11+$0xA350];
	v3 =	vadd.f32 v7, v3;
	v7 =	vmul.f32 v9, v12;
	v9 =	vbroadcast v4, $0x8  }
0x14f: {  	v5 =	vadd.f32 v6, v5;
	v6 =	vmul.f32 v11, v12;
	v11 =	vld [tilespmem:s11+$0xA360]  }
0x150: {  	v12 =	vld [tilespmem:s11+$0xA370];
	v3 =	vadd.f32 v7, v3;
	v7 =	vmul.f32 v10, v9;
	v10 =	vbroadcast v4, $0x9  }
0x151: {  	v5 =	vadd.f32 v6, v5;
	v6 =	vmul.f32 v13, v9;
	v9 =	vld [tilespmem:s11+$0xA380]  }
0x152: {  	v13 =	vld [tilespmem:s11+$0xA390];
	v3 =	vadd.f32 v7, v3;
	v7 =	vmul.f32 v8, v10;
	v8 =	vbroadcast v4, $0xA  }
0x153: {  	v5 =	vadd.f32 v6, v5;
	v6 =	vmul.f32 v14, v10;
	v10 =	vld [tilespmem:s8+$0xA220]  }
0x154: {  	v4 =	vbroadcast v4, $0xB;
	v3 =	vadd.f32 v7, v3;
	v7 =	vmul.f32 v11, v8;
	v11 =	vld [tilespmem:s8+$0xA230]  }
0x155: {  	v5 =	vadd.f32 v6, v5;
	v6 =	vmul.f32 v12, v8;
	v8 =	vld [tilespmem:s8+$0xA240]  }
0x156: {  	v12 =	vbroadcast v1, $0x0;
	v3 =	vadd.f32 v7, v3;
	v7 =	vmul.f32 v9, v4;
	v9 =	vld [tilespmem:s8+$0xA250]  }
0x157: {  	v4 =	vmul.f32 v13, v4;
	v5 =	vadd.f32 v6, v5;
	v6 =	vld [tilespmem:s8+$0xA260]  }
0x158: {  	v13 =	vld [tilespmem:s8+$0xA270];
	v3 =	vadd.f32 v7, v3;
	v7 =	vmul.f32 v10, v12;
	v10 =	vbroadcast v1, $0x1  }
0x159: {  	v4 =	vadd.f32 v4, v5;
	v5 =	vmul.f32 v11, v12;
	v11 =	vld [tilespmem:s8+$0xA280]  }
0x15a: {  	v12 =	vld [tilespmem:s8+$0xA290];
	v3 =	vadd.f32 v7, v3;
	v7 =	vmul.f32 v8, v10;
	v8 =	vbroadcast v1, $0x2  }
0x15b: {  	v4 =	vadd.f32 v5, v4;
	v5 =	vmul.f32 v9, v10;
	v9 =	vld [tilespmem:s8+$0xA2A0]  }
0x15c: {  	v10 =	vbroadcast v1, $0x3;
	v3 =	vadd.f32 v7, v3;
	v6 =	vmul.f32 v6, v8;
	v7 =	vld [tilespmem:s8+$0xA2B0]  }
0x15d: {  	v4 =	vadd.f32 v5, v4;
	v5 =	vmul.f32 v13, v8;
	v8 =	vld [tilespmem:s8+$0xA2C0]  }
0x15e: {  	v13 =	vbroadcast v1, $0x4;
	v3 =	vadd.f32 v6, v3;
	v6 =	vmul.f32 v11, v10;
	v11 =	vld [tilespmem:s8+$0xA2D0]  }
0x15f: {  	v4 =	vadd.f32 v5, v4;
	v5 =	vmul.f32 v12, v10;
	v10 =	vld [tilespmem:s8+$0xA2E0]  }
0x160: {  	v12 =	vbroadcast v1, $0x5;
	v3 =	vadd.f32 v6, v3;
	v6 =	vmul.f32 v9, v13;
	v9 =	vld [tilespmem:s8+$0xA2F0]  }
0x161: {  	v4 =	vadd.f32 v5, v4;
	v5 =	vmul.f32 v7, v13;
	v7 =	vld [tilespmem:s8+$0xA300]  }
0x162: {  	v13 =	vld [tilespmem:s8+$0xA310];
	v3 =	vadd.f32 v6, v3;
	v6 =	vmul.f32 v8, v12;
	v8 =	vbroadcast v1, $0x6  }
0x163: {  	v14 =	vld [tilespmem:s8+$0xA390];
	v4 =	vadd.f32 v5, v4;
	v5 =	vmul.f32 v11, v12  }
0x164: {  	v11 =	vld [tilespmem:s8+$0xA330];
	v3 =	vadd.f32 v6, v3;
	v6 =	vmul.f32 v10, v8;
	v10 =	vbroadcast v1, $0x7  }
0x165: {  	v4 =	vadd.f32 v5, v4;
	v5 =	vmul.f32 v9, v8;
	v8 =	vld [tilespmem:s8+$0xA340]  }
0x166: {  	v9 =	vld [tilespmem:s8+$0xA350];
	v3 =	vadd.f32 v6, v3;
	v6 =	vmul.f32 v7, v10;
	v7 =	vbroadcast v1, $0x8  }
0x167: {  	v4 =	vadd.f32 v5, v4;
	v5 =	vmul.f32 v13, v10;
	v10 =	vld [tilespmem:s8+$0xA360]  }
0x168: {  	s10 =	sshll.u32 s10, $0x5;
	v12 =	vld [tilespmem:s8+$0xA370];
	v3 =	vadd.f32 v6, v3;
	v2 =	vmul.f32 v2, v7;
	v6 =	vbroadcast v1, $0x9  }
0x169: {  	s10 =	sand.u32 $0x3FFFFF80, s10;
	v7 =	vmul.f32 v11, v7;
	v11 =	vld [tilespmem:s8+$0xA380];
	v5 =	vadd.f32 v5, v4  }
0x16a: {  	v13 =	vld [tilespmem:s10+$0xA220];
	v2 =	vadd.f32 v2, v3;
	v3 =	vmul.f32 v8, v6;
	v8 =	vbroadcast v1, $0xA  }
0x16b: {  	v4 =	vld [tilespmem:s10+$0xA2C0];
	v6 =	vmul.f32 v9, v6;
	v5 =	vadd.f32 v7, v5  }
0x16c: {  	v1 =	vbroadcast v1, $0xB;
	v7 =	vld [tilespmem:s10+$0xA230];
	v2 =	vadd.f32 v3, v2;
	v3 =	vmul.f32 v10, v8  }
0x16d: {  	v5 =	vadd.f32 v6, v5;
	v6 =	vmul.f32 v12, v8;
	v8 =	vld [tilespmem:s10+$0xA240]  }
0x16e: {  	v9 =	vbroadcast v0, $0x0;
	v2 =	vadd.f32 v3, v2;
	v3 =	vmul.f32 v11, v1;
	v11 =	vld [tilespmem:s10+$0xA250]  }
0x16f: {  	v10 =	vmul.f32 v14, v1;
	v5 =	vadd.f32 v6, v5;
	v6 =	vld [tilespmem:s10+$0xA260]  }
0x170: {  	v12 =	vmul.f32 v13, v9;
	v13 =	vbroadcast v0, $0x1;
	v1 =	vld [tilespmem:s10+$0xA270];
	v3 =	vadd.f32 v3, v2  }
0x171: {  	v9 =	vmul.f32 v7, v9;
	v2 =	vld [tilespmem:s10+$0xA280];
	v5 =	vadd.f32 v10, v5  }
0x172: {  	s29 =	sadd.s32 $0x120, s1;
	v7 =	vbroadcast v0, $0x2;
	v14 =	vadd.f32 v12, v3;
	v8 =	vmul.f32 v8, v13;
	v3 =	vld [tilespmem:s10+$0xA290]  }
0x173: {  	s1 =	simm.s32 $0x13530;
	s30 =	sand.u32 $0x1FF8, s29;
	v10 =	vadd.f32 v9, v5;
	v12 =	vmul.f32 v11, v13;
	v5 =	vld [tilespmem:s10+$0xA2A0]  }
0x174: {  	s12 =	simm.s32 $0x1;
	s11 =	sor.u32 s9, s30;
	s8 =	sshll.u32 s29, $0x5;
	v9 =	vadd.f32 v8, v14;
	v11 =	vmul.f32 v6, v7;
	v8 =	vbroadcast v0, $0x3;
	v6 =	vld [tilespmem:s10+$0xA2B0]  }
.LBB2_9:
0x175: {  	s9 =	smov.u32 s12  }
0x176: {  	s15 =	sshrl.u32 s12, $0x3;
	s16 =	sand.u32 $0x7, s12;
	v10 =	vadd.f32 v12, v10;
	v7 =	vmul.f32 v1, v7;
	v1 =	vld [tilespmem:s11+$0xD90];
	s9 =	sadd.s32 $0x1, s12  }
0x177: {  	p0 =	sne.s32 s12, $0x17;
	s11 =	smul.u32 $0x180, s15;
	v9 =	vadd.f32 v11, v9;
	v2 =	vmul.f32 v2, v8;
	v11 =	vbroadcast v0, $0x4;
	v12 =	vld [tilespmem:s10+$0xA2D0]  }
0x178: {  	s12 =	smul.u32 $0xC, s16;
	v7 =	vadd.f32 v7, v10;
	v3 =	vmul.f32 v3, v8;
	v10 =	vbroadcast v0, $0x7;
	v8 =	vld [tilespmem:s10+$0xA2E0]  }
0x179: {  	v2 =	vadd.f32 v2, v9;
	v5 =	vmul.f32 v5, v11;
	v9 =	vbroadcast v0, $0x5;
	v13 =	vld [tilespmem:s10+$0xA2F0]  }
0x17a: {  	s11 =	sor.u32 s12, s11;
	s20 =	sand.u32 $0x4, s12;
	v3 =	vadd.f32 v3, v7;
	v6 =	vmul.f32 v6, v11;
	v7 =	vbroadcast v0, $0x6;
	v11 =	vld [tilespmem:s10+$0xA300]  }
0x17b: {  	s12 =	sand.u32 $0x7F8, s11;
	s15 =	sshll.u32 s11, $0x5;
	s16 =	sadd.s32 $0x60, s11;
	v2 =	vadd.f32 v5, v2;
	v4 =	vmul.f32 v4, v9;
	v14 =	vbroadcast v1, $0x4;
	v5 =	vld [tilespmem:s10+$0xA310]  }
0x17c: {  	s29 =	sand.u32 $0x3FFFFF80, s15;
	s15 =	sand.u32 $0xFF8, s16;
	s16 =	sshll.u32 s16, $0x5;
	v3 =	vadd.f32 v6, v3;
	v6 =	vmul.f32 v12, v9;
	v9 =	vld [tilespmem:s10+$0xA320];
	v12 =	vbroadcast v1, $0x3  }
0x17d: {  	s19 =	sor.u32 s20, s12;
	v16 =	vbroadcast v1, $0x6;
	s30 =	sor.u32 s20, s15;
	s15 =	sand.u32 $0x3FFFFF80, s16;
	v4 =	vadd.f32 v4, v2;
	v8 =	vmul.f32 v8, v7;
	v15 =	vld [tilespmem:s10+$0xA330]  }
0x17e: {  	s16 =	sadd.s32 $0xC0, s11;
	s11 =	sadd.s32 $0x120, s11;
	v2 =	vbroadcast v1, $0xA;
	v3 =	vadd.f32 v6, v3;
	v6 =	vmul.f32 v13, v7;
	v7 =	vld [tilespmem:s10+$0xA340]  }
0x17f: {  	s12 =	sand.u32 $0x1FF8, s16;
	s22 =	sand.u32 $0x1FF8, s11;
	s24 =	sshll.u32 s11, $0x5;
	v4 =	vadd.f32 v8, v4;
	v8 =	vmul.f32 v11, v10;
	v11 =	vbroadcast v0, $0x8;
	v13 =	vld [tilespmem:s10+$0xA350]  }
0x180: {  	s12 =	sor.u32 s20, s12;
	s11 =	sor.u32 s20, s22;
	v3 =	vadd.f32 v6, v3;
	v5 =	vmul.f32 v5, v10;
	v6 =	vld [tilespmem:s10+$0xA360]  }
0x181: {  	v4 =	vadd.f32 v8, v4;
	v8 =	vmul.f32 v9, v11;
	v9 =	vbroadcast v0, $0x9;
	v10 =	vld [tilespmem:s10+$0xA370]  }
0x182: {  	v3 =	vadd.f32 v5, v3;
	v5 =	vmul.f32 v15, v11;
	v11 =	vld [tilespmem:s10+$0xA380]  }
0x183: {  	v4 =	vadd.f32 v8, v4;
	v7 =	vmul.f32 v7, v9;
	v8 =	vbroadcast v0, $0xA;
	v15 =	vld [tilespmem:s10+$0xA390];
	s10 =	sand.u32 $0x3FFFFF80, s8;
	s8 =	smov.u32 s24  }
0x184: {  	v3 =	vadd.f32 v5, v3;
	v5 =	vmul.f32 v13, v9;
	v9 =	vld [tilespmem:s10+$0xA220]  }
0x185: {  	v0 =	vbroadcast v0, $0xB;
	v4 =	vadd.f32 v7, v4;
	v6 =	vmul.f32 v6, v8;
	v7 =	vld [tilespmem:s10+$0xA230]  }
0x186: {  	v3 =	vadd.f32 v5, v3;
	v5 =	vmul.f32 v10, v8;
	v8 =	vld [tilespmem:s10+$0xA240]  }
0x187: {  	v10 =	vbroadcast v1, $0x0;
	v4 =	vadd.f32 v6, v4;
	v6 =	vmul.f32 v11, v0;
	v11 =	vld [tilespmem:s10+$0xA250]  }
0x188: {  	v3 =	vadd.f32 v5, v3;
	v0 =	vmul.f32 v15, v0;
	v5 =	vld [tilespmem:s10+$0xA260]  }
0x189: {  	v4 =	vadd.f32 v6, v4;
	v6 =	vmul.f32 v9, v10;
	v9 =	vbroadcast v1, $0x1;
	v13 =	vld [tilespmem:s10+$0xA270]  }
0x18a: {  	v0 =	vadd.f32 v0, v3;
	v3 =	vmul.f32 v7, v10;
	v7 =	vld [tilespmem:s10+$0xA280]  }
0x18b: {  	v4 =	vadd.f32 v6, v4;
	v6 =	vmul.f32 v8, v9;
	v8 =	vbroadcast v1, $0x2;
	v10 =	vld [tilespmem:s10+$0xA290]  }
0x18c: {  	v0 =	vadd.f32 v3, v0;
	v3 =	vmul.f32 v11, v9;
	v9 =	vld [tilespmem:s10+$0xA2A0]  }
0x18d: {  	v4 =	vadd.f32 v6, v4;
	v5 =	vmul.f32 v5, v8;
	v6 =	vld [tilespmem:s10+$0xA2B0]  }
0x18e: {  	v0 =	vadd.f32 v3, v0;
	v3 =	vmul.f32 v13, v8;
	v8 =	vld [tilespmem:s10+$0xA2C0]  }
0x18f: {  	v4 =	vadd.f32 v5, v4;
	v5 =	vmul.f32 v7, v12;
	v7 =	vld [tilespmem:s10+$0xA2D0]  }
0x190: {  	v0 =	vadd.f32 v3, v0;
	v3 =	vmul.f32 v10, v12;
	v10 =	vld [tilespmem:s10+$0xA2E0]  }
0x191: {  	v4 =	vadd.f32 v5, v4;
	v5 =	vmul.f32 v9, v14;
	v9 =	vbroadcast v1, $0x5;
	v11 =	vld [tilespmem:s10+$0xA2F0]  }
0x192: {  	v0 =	vadd.f32 v3, v0;
	v3 =	vmul.f32 v6, v14;
	v6 =	vld [tilespmem:s10+$0xA300]  }
0x193: {  	v4 =	vadd.f32 v5, v4;
	v5 =	vmul.f32 v8, v9;
	v8 =	vld [tilespmem:s10+$0xA310]  }
0x194: {  	v0 =	vadd.f32 v3, v0;
	v3 =	vmul.f32 v7, v9;
	v7 =	vld [tilespmem:s10+$0xA320]  }
0x195: {  	v9 =	vbroadcast v1, $0x7;
	v4 =	vadd.f32 v5, v4;
	v5 =	vmul.f32 v10, v16;
	v10 =	vld [tilespmem:s10+$0xA330]  }
0x196: {  	v0 =	vadd.f32 v3, v0;
	v3 =	vmul.f32 v11, v16;
	v11 =	vld [tilespmem:s10+$0xA340]  }
0x197: {  	v4 =	vadd.f32 v5, v4;
	v5 =	vmul.f32 v6, v9;
	v6 =	vbroadcast v1, $0x8;
	v12 =	vld [tilespmem:s10+$0xA350]  }
0x198: {  	v0 =	vadd.f32 v3, v0;
	v3 =	vmul.f32 v8, v9;
	v8 =	vld [tilespmem:s10+$0xA360]  }
0x199: {  	v4 =	vadd.f32 v5, v4;
	v5 =	vmul.f32 v7, v6;
	v7 =	vbroadcast v1, $0x9;
	v9 =	vld [tilespmem:s10+$0xA370]  }
0x19a: {  	v0 =	vadd.f32 v3, v0;
	v3 =	vmul.f32 v10, v6;
	v6 =	vld [tilespmem:s10+$0xA380]  }
0x19b: {  	v4 =	vadd.f32 v5, v4;
	v5 =	vmul.f32 v11, v7;
	v10 =	vld [tilespmem:s10+$0xA390]  }
0x19c: {  	v0 =	vadd.f32 v3, v0;
	v3 =	vmul.f32 v12, v7  }
0x19d: {  	v1 =	vbroadcast v1, $0xB;
	v4 =	vadd.f32 v5, v4;
	v5 =	vmul.f32 v8, v2  }
0x19e: {  	v0 =	vadd.f32 v3, v0;
	v2 =	vmul.f32 v9, v2  }
0x19f: {  	v3 =	vadd.f32 v5, v4;
	v4 =	vmul.f32 v6, v1  }
0x1a0: {  	v0 =	vadd.f32 v2, v0;
	v1 =	vmul.f32 v10, v1  }
0x1a1: {  	v2 =	vadd.f32 v4, v3  }
0x1a2: {  	v0 =	vadd.f32 v1, v0  }
0x1a3: {  	[tilespmem:s1+$0xFFFFFFF0] =	vst v2  }
0x1a4: {  	[tilespmem:s1+$0x0] =	vst v0  }
0x1a5: {  	v3 =	vld [tilespmem:s29+$0xA240]  }
0x1a6: {  	v4 =	vld [tilespmem:s29+$0xA220]  }
0x1a7: {  	v5 =	vld [tilespmem:s29+$0xA230]  }
0x1a8: {  	v6 =	vld [tilespmem:s29+$0xA250]  }
0x1a9: {  	v7 =	vld [tilespmem:s19+$0xD90]  }
0x1aa: {  	v2 =	vld [tilespmem:s15+$0xA320]  }
0x1ab: {  	v8 =	vld [tilespmem:s29+$0xA270]  }
0x1ac: {  	v0 =	vld [tilespmem:s12+$0xD90]  }
0x1ad: {  	s10 =	sshll.u32 s16, $0x5;
	v9 =	vld [tilespmem:s15+$0xA390]  }
0x1ae: {  	s10 =	sand.u32 $0x3FFFFF80, s10;
	v10 =	vbroadcast v7, $0x0;
	v11 =	vbroadcast v7, $0x1;
	v12 =	vld [tilespmem:s29+$0xA260]  }
0x1af: {  	v13 =	vbroadcast v7, $0x4;
	v1 =	vld [tilespmem:s10+$0xA220]  }
0x1b0: {  	v4 =	vmul.f32 v4, v10;
	v5 =	vmul.f32 v5, v10;
	v10 =	vld [tilespmem:s29+$0xA280]  }
0x1b1: {  	v14 =	vmul.f32 v3, v11;
	v6 =	vmul.f32 v6, v11;
	v3 =	vld [tilespmem:s30+$0xD90]  }
0x1b2: {  	v11 =	vbroadcast v7, $0x2;
	v4 =	vadd.f32 $0.0e+00, v4;
	v5 =	vadd.f32 $0.0e+00, v5;
	v15 =	vld [tilespmem:s29+$0xA290]  }
0x1b3: {  	v16 =	vbroadcast v7, $0x3;
	v17 =	vld [tilespmem:s29+$0xA2A0]  }
0x1b4: {  	v4 =	vadd.f32 v14, v4;
	v5 =	vadd.f32 v6, v5;
	v6 =	vmul.f32 v12, v11;
	v12 =	vld [tilespmem:s29+$0xA2B0]  }
0x1b5: {  	v8 =	vmul.f32 v8, v11;
	v11 =	vld [tilespmem:s29+$0xA2C0]  }
0x1b6: {  	v4 =	vadd.f32 v6, v4;
	v6 =	vmul.f32 v10, v16;
	v10 =	vld [tilespmem:s29+$0xA2D0];
	v14 =	vbroadcast v3, $0x0  }
0x1b7: {  	v5 =	vadd.f32 v8, v5;
	v8 =	vmul.f32 v15, v16;
	v15 =	vld [tilespmem:s29+$0xA2E0];
	v16 =	vbroadcast v3, $0x3  }
0x1b8: {  	v4 =	vadd.f32 v6, v4;
	v6 =	vmul.f32 v17, v13;
	v17 =	vbroadcast v7, $0x5;
	v18 =	vld [tilespmem:s29+$0xA2F0]  }
0x1b9: {  	v5 =	vadd.f32 v8, v5;
	v8 =	vmul.f32 v12, v13;
	v12 =	vld [tilespmem:s29+$0xA300];
	v13 =	vbroadcast v3, $0x4  }
0x1ba: {  	v4 =	vadd.f32 v6, v4;
	v6 =	vmul.f32 v11, v17;
	v11 =	vbroadcast v7, $0x6;
	v19 =	vld [tilespmem:s29+$0xA310]  }
0x1bb: {  	v5 =	vadd.f32 v8, v5;
	v8 =	vmul.f32 v10, v17;
	v10 =	vld [tilespmem:s29+$0xA320];
	v17 =	vbroadcast v3, $0x5  }
0x1bc: {  	v20 =	vbroadcast v7, $0x7;
	v4 =	vadd.f32 v6, v4;
	v15 =	vmul.f32 v15, v11;
	v21 =	vld [tilespmem:s29+$0xA330]  }
0x1bd: {  	v6 =	vbroadcast v3, $0xB;
	v5 =	vadd.f32 v8, v5;
	v8 =	vmul.f32 v18, v11;
	v11 =	vld [tilespmem:s29+$0xA340]  }
0x1be: {  	v4 =	vadd.f32 v15, v4;
	v12 =	vmul.f32 v12, v20;
	v15 =	vbroadcast v7, $0x8;
	v18 =	vld [tilespmem:s29+$0xA350]  }
0x1bf: {  	v8 =	vadd.f32 v8, v5;
	v19 =	vmul.f32 v19, v20;
	v20 =	vld [tilespmem:s29+$0xA360];
	v5 =	vmul.f32 v9, v6  }
0x1c0: {  	v4 =	vadd.f32 v12, v4;
	v9 =	vmul.f32 v10, v15;
	v10 =	vbroadcast v7, $0x9;
	v12 =	vld [tilespmem:s29+$0xA370]  }
0x1c1: {  	v8 =	vadd.f32 v19, v8;
	v15 =	vmul.f32 v21, v15;
	v19 =	vld [tilespmem:s29+$0xA380]  }
0x1c2: {  	v4 =	vadd.f32 v9, v4;
	v9 =	vmul.f32 v11, v10;
	v11 =	vbroadcast v7, $0xA;
	v21 =	vld [tilespmem:s29+$0xA390]  }
0x1c3: {  	v8 =	vadd.f32 v15, v8;
	v10 =	vmul.f32 v18, v10;
	v15 =	vld [tilespmem:s15+$0xA220]  }
0x1c4: {  	v7 =	vbroadcast v7, $0xB;
	v4 =	vadd.f32 v9, v4;
	v9 =	vmul.f32 v20, v11;
	v18 =	vld [tilespmem:s15+$0xA230]  }
0x1c5: {  	v8 =	vadd.f32 v10, v8;
	v10 =	vmul.f32 v12, v11;
	v11 =	vld [tilespmem:s15+$0xA240]  }
0x1c6: {  	v4 =	vadd.f32 v9, v4;
	v9 =	vmul.f32 v19, v7;
	v12 =	vld [tilespmem:s15+$0xA250]  }
0x1c7: {  	v8 =	vadd.f32 v10, v8;
	v7 =	vmul.f32 v21, v7;
	v10 =	vld [tilespmem:s15+$0xA260]  }
0x1c8: {  	v4 =	vadd.f32 v9, v4;
	v9 =	vmul.f32 v15, v14;
	v15 =	vbroadcast v3, $0x1;
	v19 =	vld [tilespmem:s15+$0xA270]  }
0x1c9: {  	v7 =	vadd.f32 v7, v8;
	v8 =	vmul.f32 v18, v14;
	v14 =	vld [tilespmem:s15+$0xA280]  }
0x1ca: {  	v4 =	vadd.f32 v9, v4;
	v9 =	vmul.f32 v11, v15;
	v11 =	vbroadcast v3, $0x2;
	v18 =	vld [tilespmem:s15+$0xA290]  }
0x1cb: {  	v7 =	vadd.f32 v8, v7;
	v8 =	vmul.f32 v12, v15;
	v12 =	vld [tilespmem:s15+$0xA2A0]  }
0x1cc: {  	v4 =	vadd.f32 v9, v4;
	v9 =	vmul.f32 v10, v11;
	v10 =	vld [tilespmem:s15+$0xA2B0]  }
0x1cd: {  	v7 =	vadd.f32 v8, v7;
	v8 =	vmul.f32 v19, v11;
	v11 =	vld [tilespmem:s15+$0xA2C0]  }
0x1ce: {  	v4 =	vadd.f32 v9, v4;
	v9 =	vmul.f32 v14, v16;
	v14 =	vld [tilespmem:s15+$0xA2D0]  }
0x1cf: {  	v7 =	vadd.f32 v8, v7;
	v8 =	vmul.f32 v18, v16;
	v15 =	vld [tilespmem:s15+$0xA2E0]  }
0x1d0: {  	v4 =	vadd.f32 v9, v4;
	v9 =	vmul.f32 v12, v13;
	v12 =	vld [tilespmem:s15+$0xA2F0]  }
0x1d1: {  	v7 =	vadd.f32 v8, v7;
	v8 =	vmul.f32 v10, v13;
	v10 =	vld [tilespmem:s15+$0xA300]  }
0x1d2: {  	v13 =	vbroadcast v3, $0x6;
	v9 =	vadd.f32 v9, v4;
	v11 =	vmul.f32 v11, v17;
	v16 =	vld [tilespmem:s15+$0xA310]  }
0x1d3: {  	v7 =	vadd.f32 v8, v7;
	v8 =	vmul.f32 v14, v17;
	v4 =	vld [tilespmem:s10+$0xA2C0]  }
0x1d4: {  	v14 =	vbroadcast v3, $0x7;
	v9 =	vadd.f32 v11, v9;
	v11 =	vmul.f32 v15, v13;
	v15 =	vld [tilespmem:s15+$0xA330]  }
0x1d5: {  	v7 =	vadd.f32 v8, v7;
	v8 =	vmul.f32 v12, v13;
	v12 =	vld [tilespmem:s15+$0xA340]  }
0x1d6: {  	v9 =	vadd.f32 v11, v9;
	v10 =	vmul.f32 v10, v14;
	v11 =	vbroadcast v3, $0x8;
	v13 =	vld [tilespmem:s15+$0xA350]  }
0x1d7: {  	v7 =	vadd.f32 v8, v7;
	v8 =	vmul.f32 v16, v14;
	v14 =	vld [tilespmem:s15+$0xA360]  }
0x1d8: {  	v9 =	vadd.f32 v10, v9;
	v2 =	vmul.f32 v2, v11;
	v10 =	vbroadcast v3, $0x9;
	v16 =	vld [tilespmem:s15+$0xA370]  }
0x1d9: {  	v7 =	vadd.f32 v8, v7;
	v8 =	vmul.f32 v15, v11;
	v11 =	vld [tilespmem:s15+$0xA380]  }
0x1da: {  	v3 =	vbroadcast v3, $0xA;
	v2 =	vadd.f32 v2, v9;
	v9 =	vmul.f32 v12, v10  }
0x1db: {  	v7 =	vadd.f32 v8, v7;
	v8 =	vmul.f32 v13, v10  }
0x1dc: {  	v2 =	vadd.f32 v9, v2;
	v9 =	vmul.f32 v14, v3;
	v10 =	vld [tilespmem:s10+$0xA230]  }
0x1dd: {  	v7 =	vadd.f32 v8, v7;
	v3 =	vmul.f32 v16, v3;
	v8 =	vld [tilespmem:s10+$0xA240]  }
0x1de: {  	v2 =	vadd.f32 v9, v2;
	v6 =	vmul.f32 v11, v6;
	v9 =	vbroadcast v0, $0x0;
	v11 =	vld [tilespmem:s10+$0xA250]  }
0x1df: {  	v3 =	vadd.f32 v3, v7;
	v13 =	vld [tilespmem:s10+$0xA260]  }
.Ltmp6:
0x1e0: {  	v12 =	vbroadcast v0, $0x1;
	v6 =	vadd.f32 v6, v2;
	v7 =	vmul.f32 v1, v9;
	v1 =	vld [tilespmem:s10+$0xA270];
	(pc) =	sbr.rel @p0 .LBB2_9-.Ltmp6, $4  }
0x1e1: {  	v5 =	vadd.f32 v5, v3;
	v9 =	vmul.f32 v10, v9;
	v2 =	vld [tilespmem:s10+$0xA280]  }
0x1e2: {  	v6 =	vadd.f32 v7, v6;
	v8 =	vmul.f32 v8, v12;
	v7 =	vbroadcast v0, $0x2;
	v3 =	vld [tilespmem:s10+$0xA290]  }
0x1e3: {  	v10 =	vadd.f32 v9, v5;
	v12 =	vmul.f32 v11, v12;
	v5 =	vld [tilespmem:s10+$0xA2A0]  }
0x1e4: {  	s1 =	sadd.s32 $0x20, s1;
	s12 =	smov.u32 s9;
	v9 =	vadd.f32 v8, v6;
	v11 =	vmul.f32 v13, v7;
	v8 =	vbroadcast v0, $0x3;
	v6 =	vld [tilespmem:s10+$0xA2B0]  }
0x1e5: {  	v10 =	vadd.f32 v12, v10;
	v7 =	vmul.f32 v1, v7;
	v1 =	vld [tilespmem:s11+$0xD90]  }
0x1e6: {  	v26 =	vbroadcast v0, $0x4;
	v27 =	vld [tilespmem:s10+$0xA2D0];
	v9 =	vadd.f32 v11, v9;
	v2 =	vmul.f32 v2, v8  }
0x1e7: {  	v28 =	vld [tilespmem:s10+$0xA2E0];
	v7 =	vadd.f32 v7, v10;
	v3 =	vmul.f32 v3, v8  }
0x1e8: {  	v29 =	vbroadcast v0, $0x5;
	v30 =	vld [tilespmem:s10+$0xA2F0];
	v2 =	vadd.f32 v2, v9;
	v5 =	vmul.f32 v5, v26  }
0x1e9: {  	v31 =	vld [tilespmem:s10+$0xA300];
	v3 =	vadd.f32 v3, v7;
	v6 =	vmul.f32 v6, v26  }
0x1ea: {  	v32 =	vbroadcast v0, $0x6;
	v33 =	vld [tilespmem:s10+$0xA310];
	v4 =	vmul.f32 v4, v29;
	v2 =	vadd.f32 v5, v2  }
0x1eb: {  	v35 =	vld [tilespmem:s10+$0xA320];
	v34 =	vmul.f32 v27, v29;
	v3 =	vadd.f32 v6, v3  }
0x1ec: {  	v36 =	vbroadcast v0, $0x7;
	v38 =	vld [tilespmem:s10+$0xA330];
	v37 =	vmul.f32 v28, v32;
	v2 =	vadd.f32 v4, v2  }
0x1ed: {  	v40 =	vld [tilespmem:s10+$0xA340];
	v39 =	vmul.f32 v30, v32;
	v3 =	vadd.f32 v34, v3  }
0x1ee: {  	v42 =	vbroadcast v0, $0x8;
	v43 =	vld [tilespmem:s10+$0xA350];
	v41 =	vmul.f32 v31, v36;
	v2 =	vadd.f32 v37, v2  }
0x1ef: {  	v44 =	vld [tilespmem:s10+$0xA360];
	v5 =	vmul.f32 v33, v36;
	v3 =	vadd.f32 v39, v3  }
0x1f0: {  	v46 =	vbroadcast v0, $0x9;
	v47 =	vld [tilespmem:s10+$0xA370];
	v45 =	vmul.f32 v35, v42;
	v2 =	vadd.f32 v41, v2  }
0x1f1: {  	v49 =	vld [tilespmem:s10+$0xA380];
	v48 =	vmul.f32 v38, v42;
	v3 =	vadd.f32 v5, v3  }
0x1f2: {  	v51 =	vbroadcast v0, $0xA;
	v52 =	vld [tilespmem:s10+$0xA390];
	s8 =	sand.u32 $0x3FFFFF80, s8;
	v50 =	vmul.f32 v40, v46;
	v2 =	vadd.f32 v45, v2  }
0x1f3: {  	v54 =	vld [tilespmem:s8+$0xA220];
	v53 =	vmul.f32 v43, v46;
	v3 =	vadd.f32 v48, v3  }
0x1f4: {  	v56 =	vbroadcast v0, $0xB;
	v57 =	vld [tilespmem:s8+$0xA230];
	v55 =	vmul.f32 v44, v51;
	v2 =	vadd.f32 v50, v2  }
0x1f5: {  	v59 =	vld [tilespmem:s8+$0xA240];
	v58 =	vmul.f32 v47, v51;
	v3 =	vadd.f32 v53, v3  }
0x1f6: {  	v62 =	vld [tilespmem:s8+$0xA250];
	v60 =	vmul.f32 v49, v56;
	v61 =	vbroadcast v1, $0x0;
	v2 =	vadd.f32 v55, v2  }
0x1f7: {  	v63 =	vld [tilespmem:s8+$0xA260];
	v0 =	vmul.f32 v52, v56;
	v3 =	vadd.f32 v58, v3  }
0x1f8: {  	v14 =	vld [tilespmem:s8+$0xA270];
	v13 =	vbroadcast v1, $0x1;
	v12 =	vmul.f32 v54, v61;
	v2 =	vadd.f32 v60, v2  }
0x1f9: {  	v16 =	vld [tilespmem:s8+$0xA280];
	v15 =	vmul.f32 v57, v61;
	v0 =	vadd.f32 v0, v3  }
0x1fa: {  	v19 =	vld [tilespmem:s8+$0xA290];
	v18 =	vbroadcast v1, $0x2;
	v17 =	vmul.f32 v59, v13;
	v2 =	vadd.f32 v12, v2  }
0x1fb: {  	v21 =	vld [tilespmem:s8+$0xA2A0];
	v20 =	vmul.f32 v62, v13;
	v0 =	vadd.f32 v15, v0  }
0x1fc: {  	v24 =	vld [tilespmem:s8+$0xA2B0];
	v22 =	vbroadcast v1, $0x3;
	v23 =	vmul.f32 v63, v18;
	v2 =	vadd.f32 v17, v2  }
0x1fd: {  	v26 =	vld [tilespmem:s8+$0xA2C0];
	v25 =	vmul.f32 v14, v18;
	v0 =	vadd.f32 v20, v0  }
0x1fe: {  	v27 =	vbroadcast v1, $0x4;
	v29 =	vld [tilespmem:s8+$0xA2D0];
	v28 =	vmul.f32 v16, v22;
	v2 =	vadd.f32 v23, v2  }
0x1ff: {  	v31 =	vld [tilespmem:s8+$0xA2E0];
	v30 =	vmul.f32 v19, v22;
	v0 =	vadd.f32 v25, v0  }
0x200: {  	v33 =	vbroadcast v1, $0x5;
	v32 =	vmul.f32 v21, v27;
	v34 =	vld [tilespmem:s8+$0xA2F0];
	v2 =	vadd.f32 v28, v2  }
0x201: {  	v36 =	vld [tilespmem:s8+$0xA300];
	v35 =	vmul.f32 v24, v27;
	v0 =	vadd.f32 v30, v0  }
0x202: {  	v37 =	vbroadcast v1, $0x6;
	v38 =	vmul.f32 v26, v33;
	v39 =	vld [tilespmem:s8+$0xA310];
	v2 =	vadd.f32 v32, v2  }
0x203: {  	v40 =	vmul.f32 v29, v33;
	v41 =	vld [tilespmem:s8+$0xA320];
	v0 =	vadd.f32 v35, v0  }
0x204: {  	v43 =	vbroadcast v1, $0x7;
	v44 =	vld [tilespmem:s8+$0xA330];
	v42 =	vmul.f32 v31, v37;
	v2 =	vadd.f32 v38, v2  }
0x205: {  	v46 =	vld [tilespmem:s8+$0xA340];
	v45 =	vmul.f32 v34, v37;
	v0 =	vadd.f32 v40, v0  }
0x206: {  	v49 =	vld [tilespmem:s8+$0xA350];
	v47 =	vmul.f32 v36, v43;
	v48 =	vbroadcast v1, $0x8;
	v2 =	vadd.f32 v42, v2  }
0x207: {  	v51 =	vld [tilespmem:s8+$0xA360];
	v50 =	vmul.f32 v39, v43;
	v0 =	vadd.f32 v45, v0  }
0x208: {  	v54 =	vld [tilespmem:s8+$0xA370];
	v52 =	vmul.f32 v41, v48;
	v53 =	vbroadcast v1, $0x9;
	v2 =	vadd.f32 v47, v2  }
0x209: {  	v56 =	vld [tilespmem:s8+$0xA380];
	v55 =	vmul.f32 v44, v48;
	v0 =	vadd.f32 v50, v0  }
0x20a: {  	v57 =	vbroadcast v1, $0xA;
	v59 =	vld [tilespmem:s8+$0xA390];
	v58 =	vmul.f32 v46, v53;
	v2 =	vadd.f32 v52, v2  }
0x20b: {  	v60 =	vmul.f32 v49, v53;
	v0 =	vadd.f32 v55, v0  }
0x20c: {  	v61 =	vmul.f32 v51, v57;
	v1 =	vbroadcast v1, $0xB;
	v2 =	vadd.f32 v58, v2  }
0x20d: {  	v62 =	vmul.f32 v54, v57;
	v0 =	vadd.f32 v60, v0  }
0x20e: {  	v63 =	vmul.f32 v56, v1;
	v2 =	vadd.f32 v61, v2  }
0x20f: {  	p0 =	seq.s32 s31, $0x18;
	v1 =	vmul.f32 v59, v1;
	v0 =	vadd.f32 v62, v0  }
.Ltmp7:
0x210: {  	s29 =	sadd.s32 s0, s13;
	v2 =	vadd.f32 v63, v2;
	(pc) =	sbr.rel @p0 .LBB2_12-.Ltmp7, $4  }
0x211: {  	s8 =	sshll.u32 s29, $0x5;
	v0 =	vadd.f32 v1, v0  }
0x212: {  	s8 =	sand.u32 $0x1FFFFFE0, s8;
	[tilespmem:s1+$0xFFFFFFF0] =	vst v2  }
0x213: {  	s30 =	sadd.s32 s2, s8;
	[tilespmem:s1+$0x0] =	vst v0  }
0x214: {  	[hbm4b:s30+s3] =	stream.linear.scatter [tilespmem:s28], [sflag:$0x6], $0x300, $0x38;
	[tilespmem:$0x13820] =	vst v63  }
0x215: {  	s0 =	sadd.s32 s0, s14  }
0x216: {  	s0 =	smul.u32 $0x30, s0  }
.Ltmp8:
0x217: {  	_ = 	snop;
	(pc) =	sbr.rel .LBB2_2-.Ltmp8, $4  }
0x218: {  	s1 =	sadd.s32 s5, s0  }
0x219: {  	[tilespmem:s18], [sflag:$0x2] =	stream.linear.gather [hbm4b:s1+s3], $0x480, $0x38;
	[tilespmem:$0x13820] =	vst v63  }
0x21a: {  	s30 =	simm.s32 $0xD90;
	s31 =	sadd.s32 $0x1, s31;
	s0 =	sadd.s32 s6, s0  }
0x21b: {  	[tilespmem:s30], [sflag:$0x2] =	stream.linear.gather [hbm4b:s0+s3], $0x480, $0x38;
	[tilespmem:$0x13820] =	vst v63  }
.LBB2_13:
0x21c: {  	_ =	sfence.sel $0x180000  }
0x21d: {  	[bflag:$0x0] =	sbarrier.arrive $0xFFFF  }
0x21e: {  	_ =	strace $0x9000004A  }
0x21f: {  	s0 =	stileid.u32;
	[bflag:$0x2] =	sbarrier.arrive $0xFFFF  }
0x220: {  	p0 =	sne.s32 s0, $0x0;
	s0 =	rddreg [dreg:$0x2]  }
0x221: {  	s0 =	sadd.s32 @!p0 $0x100000, s0  }
0x222: {  	[sflag:s0] =	ssyncadd.tile.s32 @!p0 $0x1;
	_ =	shalt  }
.Lfunc_end2:
_tile_overlayer_lowered:
.L_overlay_start_2:
0x223: {  	(tag) =	ssettag $0x2  }
0x224: {  	s0 =	rddreg [dreg:$0x0];
	s2 =	stileid.u32  }
0x225: {  	s1 =	rddreg [dreg:$0x1];
	p0 =	sne.s32 s2, $0x0  }
0x226: {  	s3 =	rddreg [dreg:$0x2];
	[bflag:$0x3] =	sbarrier.arrive $0xFFFF;
	s2 =	simm.s32 @!p0 $0x1C07  }
0x227: {  	[timem:s3], [sflag:s2] =	dma.local @!p0 [hbm:s0], s1  }
0x228: {  	s0 =	simm.s32 @!p0 $0x7  }
0x229: {  	_ =	swait.ge @!p0 [sflag:s0], s1  }
0x22a: {  	s1 =	ssub.s32 @!p0 $0x0, s1;
	[sflag:s0] =	ssyncset.done @!p0 $0x0  }
0x22b: {  	[sflag:s0] =	ssyncadd.s32 @!p0 s1  }
0x22c: {  	[bflag:$0x3] =	sbarrier.arrive $0xFFFF  }
0x22d: {  	_ =	shalt  }

// kernel: sparse-core-data-format-call.cloned.1.call-start
scs
called_computation_lowered:
.L_overlay_start_0:
0x0: {  	s2 =	sld [smem:$0x3FD9]  }
0x1: {  	s3 =	sld [smem:$0x3FFE];
	_ =	sdelay $0x1  }
0x2: {  	s1 =	srdreg.scid  }
0x3: {  	s0 =	sand.u32 $0x1, s1  }
0x4: {  	s18 =	sshll.u32 s0, $0xA;
	s2 =	sadd.s32 s3, s2  }
0x5: {  	s2 =	sadd.s32 s2, s18  }
0x6: {  	[smem:$0x3FC0] =	sst s2  }
0x7: {  	_ = 	snop  }
0x8: {  	s2 =	sld [smem:$0x3FC8];
	(tm) =	ssettm $0x1  }
0x9: {  	s19 =	sld [smem:$0x3FFB];
	_ =	sdelay $0x3  }
0xa: {  	_ =	strace s19  }
0xb: {  	s3 =	sld [smem:$0x3FFC];
	_ =	sdelay $0x3  }
0xc: {  	_ =	strace s3  }
0xd: {  	s3 =	sld [smem:$0x3FFD];
	_ =	sdelay $0x3  }
0xe: {  	_ =	strace s3  }
0xf: {  	_ =	strace $0x8FFFFFFF  }
0x10: {  	s20 =	sld [smem:$0x3FDB];
	_ =	sdelay $0x1  }
0x11: {  	s4 =	simm.s32 $_scs_section_size  }
0x12: {  	s5 =	simm.s32 $_size__tile_overlayer_lowered;
	s6 =	simm.s32 $_tile_overlayer_lowered  }
0x13: {  	s23 =	simm.s32 $0x1BFF;
	s22 =	sshll.u32 s6, $0x1;
	s3 =	sadd.s32 s4, s20  }
0x14: {  	s7 =	simm.s32 $0x0;
	s21 =	sshll.u32 s5, $0x1;
	s5 =	sadd.s32 s22, s3  }
0x15: {  	[timem:s7], [sflag:s23] =	dma.local [hbm:s5], s21  }
0x16: {  	_ =	swait.ge [sflag:s23], s21  }
0x17: {  	s4 =	ssub.s32 $0x0, s21;
	[sflag:s23] =	ssyncset.done $0x0  }
0x18: {  	[sflag:s23] =	ssyncadd.s32 s4;
	_ =	sdelay $0x1  }
0x19: {  	s24 =	simm.s32 $0x1B8B  }
0x1a: {  	_ =	swait.ge [sflag:s24], $0x1  }
0x1b: {  	[sflag:s24] =	ssyncset.done $0x0  }
0x1c: {  	s26 =	simm.s32 $0x1B8E;
	s25 =	sld [smem:$0x3FFE];
	[sflag:s24] =	ssyncadd.s32 $0xFFFFFFFF  }
0x1d: {  	s27 =	simm.s32 $execute0_lowered;
	[smem:$0x3FD2] =	sst s26  }
0x1e: {  	s5 =	sshll.u32 s27, $0x1;
	_ =	strace $0x80000046;
	[dreg:$0x1] =	wrdreg $0xFFFFFFFF  }
0x1f: {  	s28 =	simm.s32 $_size_execute0_lowered;
	s3 =	sadd.s32 s3, s5;
	[dreg:$0x0] =	wrdreg $0x0  }
0x20: {  	s5 =	sshll.u32 s28, $0x1;
	[dreg:$0x2] =	wrdreg s3  }
0x21: {  	[dreg:$0x3] =	wrdreg s5  }
0x22: {  	[dreg:$0x4] =	wrdreg $0xC0  }
0x23: {  	_ =	task [dreg:s7], $0x5FFFF  }
0x24: {  	[dreg:$0x1] =	wrdreg $0xFFFFFFFF  }
0x25: {  	[dreg:$0x0] =	wrdreg $0x60  }
0x26: {  	[dreg:$0x2] =	wrdreg s2  }
0x27: {  	[dreg:$0x3] =	wrdreg s25  }
0x28: {  	[dreg:$0x4] =	wrdreg $0x9  }
0x29: {  	_ =	task.clear_ibuf [dreg:s7], $0x5FFFF;
	_ =	strace $0x90000046  }
0x2a: {  	s29 =	simm.s32 $0x9;
	_ =	strace $0x80000048  }
0x2b: {  	_ =	swait.ge [sflag:s29], $0x1  }
0x2c: {  	[sflag:s29] =	ssyncadd.s32 $0xFFFFFFFF  }
0x2d: {  	_ =	strace $0x90000048  }
0x2e: {  	_ =	sfence  }
0x2f: {  	s30 =	sld [smem:$0x0];
	_ =	sdelay $0x2  }
0x30: {  	s31 =	sshll.u32 s1, $0xD;
	s1 =	sshrl.u32 s1, $0x2  }
0x31: {  	s3 =	sand.u32 $0x4000, s31;
	s1 =	sadd.s32 s1, s30  }
0x32: {  	s0 =	sor.u32 s3, s0;
	s1 =	sshll.u32 s1, $0x11  }
0x33: {  	s0 =	sor.u32 s1, s0  }
0x34: {  	s0 =	sadd.s32 $0x8F2B, s0  }
0x35: {  	[sflag:s0] =	ssyncadd.remote.s32 $0x1  }
0x36: {  	_ =	sfence.sel $0xFFFF  }
0x37: {  	[dreg:$0x0] =	wrdreg $0xFFFFFFFF;
	(pc) =	sbr.abs _section_cstart, $3  }
0x38: {  	[dreg:$0x1] =	wrdreg $0xFFFFFFFF  }
0x39: {  	_ =	task.clear_ibuf [dreg:s7], $0x2FFFF;
	_ =	strace $0x9FFFFFFF  }
0x3a: {  	(tm) =	ssettm $0x7FFFFFFF  }
0x3b: {  	_ =	shalt  }
tec
execute0_lowered:
.L_overlay_start_1:
0x0: {  	(tag) =	ssettag $0x1  }
0x1: {  	s0 =	srdreg.scid  }
0x2: {  	s1 =	sshll.u32 s0, $0x4  }
0x3: {  	s2 =	rddreg [dreg:$0x0];
	s0 =	stileid.u32;
	s1 =	sand.u32 $0x10, s1  }
0x4: {  	s4 =	rddreg [dreg:$0x1];
	s7 =	simm.s32 $0x1;
	s1 =	sor.u32 s0, s1  }
0x5: {  	s8 =	simm.s32 $0x2;
	s9 =	simm.s32 $0x0;
	s3 =	sshll.u32 s1, $0x3  }
0x6: {  	s12 =	simm.s32 $0x0;
	s11 =	simm.s32 $0x0;
	s6 =	ssub.s32 $0x41A0, s3  }
.Ltmp0:
0x7: {  	s4 =	sadd.s32 $0x1800, s4;
	s5 =	sand.u32 $0xF8, s6;
	(pc) =	sbr.rel .LBB1_1-.Ltmp0, $4  }
0x8: {  	s1 =	rddreg [dreg:$0x2];
	_ =	strace $0x80000047;
	p0 =	sne.s32 s5, $0x0  }
0x9: {  	s6 =	sshrl.u32 s6, $0x8;
	s5 =	simm.s32 $0x1;
	s7 =	simm.s32 @!p0 $0x0  }
0xa: {  	s10 =	smov.u32 s3;
	[sflag:s5] =	ssyncpa.u1 $0x0;
	s6 =	sadd.s32 s7, s6  }
0xb: {  	[sflag:s8] =	ssyncpa.u1 $0x0;
	s8 =	simm.s32 $0x0;
	s7 =	sadd.s32 $0x1, s6  }
.LBB1_9:
0xc: {  	s14 =	sadd.s32 $0x100, s10  }
0xd: {  	p1 =	sgt.s32 s14, $0x419F  }
0xe: {  	s14 =	smov.u32 @p1 s3;
	p1 =	sne.s32 s11, s7  }
.Ltmp1:
0xf: {  	p0 =	slt.u32 s11, $0x2;
	(pc) =	sbr.rel @!p1 .LBB1_10-.Ltmp1, $4  }
0x10: {  	s13 =	simm.s32 @!p0 $0x2  }
0x11: {  	s15 =	sadd.s32 $0x1, s11;
	_ =	swait.ge @!p0 [sflag:s13], $0x4000  }
0x12: {  	s12 =	smov.u32 s10;
	s9 =	sadd.s32 $0x4000, s9;
	[sflag:s13] =	ssyncset.done @!p0 $0x0  }
0x13: {  	s11 =	smov.u32 s15;
	s10 =	smov.u32 s14;
	[sflag:s13] =	ssyncadd.s32 @!p0 $0xFFFFC000  }
.LBB1_1:
0x14: {  	p0 =	sge.u32 s11, s6  }
0x15: {  	s13 =	sxor.u32 @!p0 $0xFFFFFFFF, s11  }
0x16: {  	s31 =	sadd.s32 $0xFFFFFFFF, s11;
	s14 =	sshll.u32 @!p0 s10, $0x8;
	s13 =	sshll.u32 @!p0 s13, $0xE  }
0x17: {  	s15 =	simm.s32 @!p0 $0x0;
	s14 =	sadd.s32 @!p0 s2, s14;
	s13 =	sand.u32 @!p0 $0x4000, s13  }
0x18: {  	[tilespmem:s13], [sflag:$0x1] =	stream.linear.gather @!p0 [hbm4b:s14+s15], $0x4000, $0x38;
	[tilespmem:$0x10000] =	vst v63  }
0x19: {  	p0 =	sge.u32 s31, s6  }
.Ltmp2:
0x1a: {  	_ = 	snop;
	(pc) =	sbr.rel @p0 .LBB1_9-.Ltmp2, $1  }
0x1b: {  	_ =	sdelay $0x3  }
0x1c: {  	s13 =	sshll.u32 s9, $0x2;
	_ =	swait.ge [sflag:s5], $0x4000;
	s14 =	sshll.u32 s11, $0xE  }
0x1d: {  	s16 =	simm.s32 $0x0;
	s17 =	simm.s32 $0x0;
	s15 =	sand.u32 $0x10000, s13  }
0x1e: {  	[sflag:s5] =	ssyncset.done $0x0;
	s31 =	sand.u32 $0x4000, s14;
	s14 =	sshrl.u32 s15, $0x2  }
0x1f: {  	[sflag:s5] =	ssyncadd.s32 $0xFFFFC000;
	s13 =	sor.u32 $0x8000, s31;
	s15 =	sor.u32 $0x8000, s14  }
.LBB1_3:
0x20: {  	s18 =	sshra.s32 s16, $0x2  }
0x21: {  	v0 =	vmov s18;
	_ =	sdelay $0x3  }
0x22: {  	p1 =	por $0x1, $0x1;
	s18 =	simm.s32 $0x0  }
.LBB1_4:
0x23: {  	_ = 	snop  }
0x24: {  	s19 =	sshll.u32 s18, $0xA  }
0x25: {  	s19 =	sand.u32 $0x3FFFFC00, s19  }
0x26: {  	s19 =	sadd.s32 s19, s14  }
0x27: {  	v5 =	vld.idx.msk [tilespmem:v0+s19+$0x70 ss:$0x1], $0xffff  }
0x28: {  	v6 =	vld.idx.msk [tilespmem:v0+s19+$0x10 ss:$0x1], $0xffff  }
0x29: {  	v7 =	vld.idx.msk [tilespmem:v0+s19+$0x20 ss:$0x1], $0xffff  }
0x2a: {  	s31 =	sshll.u32 s18, $0x7;
	v1 =	vld.idx.msk [tilespmem:v0+s19+$0x30 ss:$0x1], $0xffff  }
0x2b: {  	s18 =	sand.u32 $0x3FFFFF80, s31;
	v2 =	vld.idx.msk [tilespmem:v0+s19+$0x40 ss:$0x1], $0xffff  }
0x2c: {  	s18 =	sadd.s32 s18, s15;
	v3 =	vld.idx.msk [tilespmem:v0+s19+$0x50 ss:$0x1], $0xffff  }
0x2d: {  	v4 =	vld.idx.msk [tilespmem:v0+s19+$0x60 ss:$0x1], $0xffff;
	[tilespmem:v0+s18+$0x70 ss:$0x1] =	vst.idx.msk $0xffff, v5  }
0x2e: {  	v5 =	vld.idx.msk [tilespmem:v0+s19+$0x0 ss:$0x1], $0xffff;
	[tilespmem:v0+s18+$0x10 ss:$0x1] =	vst.idx.msk $0xffff, v6;
	s19 =	sadd.s32 $0x80, s19  }
0x2f: {  	p0 =	por p1, p1;
	s20 =	simm.s32 $0x6;
	[tilespmem:v0+s18+$0x20 ss:$0x1] =	vst.idx.msk $0xffff, v7;
	v6 =	vld.idx.msk [tilespmem:v0+s19+$0x70 ss:$0x1], $0xffff  }
.LBB1_5:
0x30: {  	p1 =	sne.s32 s20, $0x1;
	v7 =	vld.idx.msk [tilespmem:v0+s19+$0x10 ss:$0x1], $0xffff;
	[tilespmem:v0+s18+$0x30 ss:$0x1] =	vst.idx.msk $0xffff, v1  }
0x31: {  	v8 =	vld.idx.msk [tilespmem:v0+s19+$0x20 ss:$0x1], $0xffff;
	[tilespmem:v0+s18+$0x40 ss:$0x1] =	vst.idx.msk $0xffff, v2  }
0x32: {  	v1 =	vld.idx.msk [tilespmem:v0+s19+$0x30 ss:$0x1], $0xffff;
	[tilespmem:v0+s18+$0x50 ss:$0x1] =	vst.idx.msk $0xffff, v3  }
.Ltmp3:
0x33: {  	v2 =	vld.idx.msk [tilespmem:v0+s19+$0x40 ss:$0x1], $0xffff;
	[tilespmem:v0+s18+$0x60 ss:$0x1] =	vst.idx.msk $0xffff, v4;
	(pc) =	sbr.rel @p1 .LBB1_5-.Ltmp3, $4  }
0x34: {  	v3 =	vld.idx.msk [tilespmem:v0+s19+$0x50 ss:$0x1], $0xffff;
	[tilespmem:v0+s18+$0x0 ss:$0x1] =	vst.idx.msk $0xffff, v5;
	s18 =	sadd.s32 $0x100, s18  }
0x35: {  	v4 =	vld.idx.msk [tilespmem:v0+s19+$0x60 ss:$0x1], $0xffff;
	[tilespmem:v0+s18+$0x70 ss:$0x1] =	vst.idx.msk $0xffff, v6  }
0x36: {  	v5 =	vld.idx.msk [tilespmem:v0+s19+$0x0 ss:$0x1], $0xffff;
	[tilespmem:v0+s18+$0x10 ss:$0x1] =	vst.idx.msk $0xffff, v7;
	s19 =	sadd.s32 $0x80, s19  }
0x37: {  	s20 =	sadd.s32 $0xFFFFFFFF, s20;
	v6 =	vld.idx.msk [tilespmem:v0+s19+$0x70 ss:$0x1], $0xffff;
	[tilespmem:v0+s18+$0x20 ss:$0x1] =	vst.idx.msk $0xffff, v8  }
0x38: {  	_ =	sdelay $0x3  }
0x39: {  	[tilespmem:v0+s18+$0x30 ss:$0x1] =	vst.idx.msk $0xffff, v1  }
0x3a: {  	v1 =	vld.idx.msk [tilespmem:v0+s19+$0x10 ss:$0x1], $0xffff;
	[tilespmem:v0+s18+$0x40 ss:$0x1] =	vst.idx.msk $0xffff, v2  }
0x3b: {  	v2 =	vld.idx.msk [tilespmem:v0+s19+$0x20 ss:$0x1], $0xffff;
	[tilespmem:v0+s18+$0x50 ss:$0x1] =	vst.idx.msk $0xffff, v3  }
0x3c: {  	v61 =	vld.idx.msk [tilespmem:v0+s19+$0x40 ss:$0x1], $0xffff;
	[tilespmem:v0+s18+$0x60 ss:$0x1] =	vst.idx.msk $0xffff, v4  }
0x3d: {  	s31 =	sadd.s32 $0x100, s18;
	v62 =	vld.idx.msk [tilespmem:v0+s19+$0x50 ss:$0x1], $0xffff;
	[tilespmem:v0+s18+$0x0 ss:$0x1] =	vst.idx.msk $0xffff, v5  }
0x3e: {  	v63 =	vld.idx.msk [tilespmem:v0+s19+$0x60 ss:$0x1], $0xffff;
	[tilespmem:v0+s31+$0x70 ss:$0x1] =	vst.idx.msk $0xffff, v6  }
0x3f: {  	v3 =	vld.idx.msk [tilespmem:v0+s19+$0x30 ss:$0x1], $0xffff;
	[tilespmem:v0+s31+$0x10 ss:$0x1] =	vst.idx.msk $0xffff, v1  }
0x40: {  	v1 =	vld.idx.msk [tilespmem:v0+s19+$0x0 ss:$0x1], $0xffff;
	[tilespmem:v0+s31+$0x20 ss:$0x1] =	vst.idx.msk $0xffff, v2  }
.Ltmp4:
0x41: {  	[tilespmem:v0+s31+$0x40 ss:$0x1] =	vst.idx.msk $0xffff, v61;
	(pc) =	sbr.rel @p0 .LBB1_4-.Ltmp4, $4  }
0x42: {  	[tilespmem:v0+s31+$0x50 ss:$0x1] =	vst.idx.msk $0xffff, v62  }
0x43: {  	[tilespmem:v0+s31+$0x60 ss:$0x1] =	vst.idx.msk $0xffff, v63  }
0x44: {  	[tilespmem:v0+s31+$0x30 ss:$0x1] =	vst.idx.msk $0xffff, v3  }
0x45: {  	p1 =	por $0x0, $0x0;
	s18 =	simm.s32 $0x1;
	[tilespmem:v0+s31+$0x0 ss:$0x1] =	vst.idx.msk $0xffff, v1  }
0x46: {  	s17 =	sadd.s32 $0x1, s17  }
0x47: {  	p0 =	sne.s32 s17, $0x8  }
.Ltmp5:
0x48: {  	_ = 	snop;
	(pc) =	sbr.rel @p0 .LBB1_3-.Ltmp5, $2  }
0x49: {  	_ =	sdelay $0x2  }
0x4a: {  	s16 =	sadd.s32 $0x2000, s16  }
.Ltmp6:
0x4b: {  	(pc) =	sbr.rel .LBB1_9-.Ltmp6, $4  }
0x4c: {  	_ = 	snop  }
0x4d: {  	s12 =	sshll.u32 s12, $0x8  }
0x4e: {  	s12 =	sadd.s32 s4, s12  }
0x4f: {  	[hbm4b:s12+s8] =	stream.linear.scatter [tilespmem:s13], [sflag:$0x2], $0x4000, $0x38;
	[tilespmem:$0x10000] =	vst v63  }
.LBB1_10:
0x50: {  	_ =	sfence.sel $0x180000  }
0x51: {  	s2 =	simm.s32 $0x1;
	[bflag:$0x0] =	sbarrier.arrive $0xFFFF  }
0x52: {  	s31 =	simm.s32 $0x2;
	[sflag:s2] =	ssyncpa.u1 $0x1  }
0x53: {  	[sflag:s31] =	ssyncpa.u1 $0x1  }
0x54: {  	p0 =	sne.s32 s0, $0x0;
	_ =	strace $0x90000047  }
0x55: {  	s0 =	sadd.s32 @!p0 $0x100000, s1;
	[bflag:$0x2] =	sbarrier.arrive $0xFFFF  }
0x56: {  	[sflag:s0] =	ssyncadd.tile.s32 @!p0 $0x1;
	_ =	shalt  }
.Lfunc_end1:
_tile_overlayer_lowered:
.L_overlay_start_2:
0x57: {  	(tag) =	ssettag $0x2  }
0x58: {  	s0 =	rddreg [dreg:$0x0];
	s2 =	stileid.u32  }
0x59: {  	s1 =	rddreg [dreg:$0x1];
	p0 =	sne.s32 s2, $0x0  }
0x5a: {  	s3 =	rddreg [dreg:$0x2];
	[bflag:$0x3] =	sbarrier.arrive $0xFFFF;
	s2 =	simm.s32 @!p0 $0x1C01  }
0x5b: {  	[timem:s3], [sflag:s2] =	dma.local @!p0 [hbm:s0], s1  }
0x5c: {  	s0 =	simm.s32 @!p0 $0x1  }
0x5d: {  	_ =	swait.ge @!p0 [sflag:s0], s1  }
0x5e: {  	s1 =	ssub.s32 @!p0 $0x0, s1;
	[sflag:s0] =	ssyncset.done @!p0 $0x0  }
0x5f: {  	[sflag:s0] =	ssyncadd.s32 @!p0 s1  }
0x60: {  	[bflag:$0x3] =	sbarrier.arrive $0xFFFF  }
0x61: {  	_ =	shalt  }

</sc_bundles>
